<compile_context>
chip_gen: v7x
topology: tpu7x:2x2x1
jax: 0.10.2.dev20260603
libtpu: 0.0.44.dev20260713+nightly
codegen_flags: <defaults>
</compile_context>

<pallas_src>
import functools

import jax
import jax.numpy as jnp
import numpy as np
from jax import lax
from jax.experimental import pallas as pl
from jax.experimental.pallas import tpu as pltpu
from jax.experimental.pallas import tpu_sc as plsc

N = 10000
D = 128
E = 160000
NUM_CORES = 2
NUM_TILES = 16
NUM_WORKERS = NUM_CORES * NUM_TILES
CHUNK = 100
NUM_CHUNKS = 25
SUBPHASES = 4
EDGES_PER_TILE = CHUNK * NUM_CHUNKS * SUBPHASES
N_ACC = 10112
ROWS_PER_TILE = N_ACC // NUM_TILES
LAST_ROWS = N - 15 * ROWS_PER_TILE

_ZEROS = np.zeros((N_ACC, D), np.float32)


def _sc_aggregate(node_states, src_all, dst_all, zeros):
    mesh = plsc.VectorSubcoreMesh(core_axis_name="c", subcore_axis_name="s")

    @functools.partial(
        pl.kernel,
        mesh=mesh,
        out_type=jax.ShapeDtypeStruct((2 * N, D), jnp.float32),
        scratch_types=[
            pltpu.VMEM_SHARED((N_ACC, D), jnp.float32),
            pltpu.VMEM((NUM_CHUNKS, CHUNK), jnp.int32),
            pltpu.VMEM((NUM_CHUNKS, CHUNK), jnp.int32),
            pltpu.VMEM((CHUNK, D), jnp.float32),
            pltpu.VMEM((CHUNK, D), jnp.float32),
            pltpu.VMEM((CHUNK, D), jnp.float32),
            pltpu.SemaphoreType.DMA,
            pltpu.SemaphoreType.DMA,
            pltpu.SemaphoreType.DMA,
        ],
    )
    def agg_kernel(x_hbm, src_hbm, dst_hbm, zeros_hbm, out_hbm,
                   acc, src_idx, dst_idx, rows0, rows1, rows2,
                   sem0, sem1, sem2):
        cid = lax.axis_index("c")
        sid = lax.axis_index("s")
        wid = cid * NUM_TILES + sid
        r0 = sid * ROWS_PER_TILE

        pltpu.sync_copy(zeros_hbm.at[pl.ds(r0, ROWS_PER_TILE)],
                        acc.at[pl.ds(r0, ROWS_PER_TILE)])
        plsc.subcore_barrier()

        bufs = (rows0, rows1, rows2)
        sems = (sem0, sem1, sem2)

        def start(j, b):
            pltpu.async_copy(x_hbm.at[src_idx.at[j]], bufs[b], sems[b])

        def finish(j, b):
            pltpu.make_async_copy(x_hbm.at[src_idx.at[j]], bufs[b],
                                  sems[b]).wait()
            pltpu.sync_copy(bufs[b], acc.at[dst_idx.at[j]], add=True)

        for p in range(SUBPHASES):
            pltpu.sync_copy(src_hbm.at[SUBPHASES * wid + p], src_idx)
            pltpu.sync_copy(dst_hbm.at[SUBPHASES * wid + p], dst_idx)

            start(0, 0)
            start(1, 1)
            start(2, 2)

            def body(i, carry):
                j = 3 * i
                finish(j, 0)
                start(j + 3, 0)
                finish(j + 1, 1)
                start(j + 4, 1)
                finish(j + 2, 2)
                start(j + 5, 2)
                return carry

            iters = (NUM_CHUNKS - 3) // 3
            lax.fori_loop(0, iters, body, 0)
            for j in range(3 * iters, NUM_CHUNKS):
                finish(j, j % 3)
                if j + 3 < NUM_CHUNKS:
                    start(j + 3, (j + 3) % 3)

        plsc.subcore_barrier()

        @pl.when(sid < NUM_TILES - 1)
        def _():
            pltpu.sync_copy(acc.at[pl.ds(r0, ROWS_PER_TILE)],
                            out_hbm.at[pl.ds(cid * N + r0, ROWS_PER_TILE)])

        @pl.when(sid == NUM_TILES - 1)
        def _():
            pltpu.sync_copy(acc.at[pl.ds(r0, LAST_ROWS)],
                            out_hbm.at[pl.ds(cid * N + r0, LAST_ROWS)])

    return agg_kernel(node_states, src_all, dst_all, zeros)


BLOCK_M = 1000
S1_BLOCK_OFF = N // BLOCK_M


def _tc_self(x, w_self, b2d):
    def body(x_ref, ws_ref, b_ref, y_ref):
        y_ref[...] = (
            jnp.dot(x_ref[...], ws_ref[...], preferred_element_type=jnp.float32)
            + b_ref[...])

    return pl.pallas_call(
        body,
        grid=(N // BLOCK_M,),
        in_specs=[
            pl.BlockSpec((BLOCK_M, D), lambda i: (i, 0)),
            pl.BlockSpec((D, D), lambda i: (0, 0)),
            pl.BlockSpec((1, D), lambda i: (0, 0)),
        ],
        out_specs=pl.BlockSpec((BLOCK_M, D), lambda i: (i, 0)),
        out_shape=jax.ShapeDtypeStruct((N, D), jnp.float32),
    )(x, w_self, b2d)


def _tc_combine(y, aggs, w0, w1):
    def body(y_ref, s0_ref, s1_ref, w0_ref, w1_ref, o_ref):
        acc = y_ref[...]
        acc = acc + jnp.dot(s0_ref[...], w0_ref[...], preferred_element_type=jnp.float32)
        acc = acc + jnp.dot(s1_ref[...], w1_ref[...], preferred_element_type=jnp.float32)
        o_ref[...] = jnp.maximum(acc, 0.0)

    return pl.pallas_call(
        body,
        grid=(N // BLOCK_M,),
        in_specs=[
            pl.BlockSpec((BLOCK_M, D), lambda i: (i, 0)),
            pl.BlockSpec((BLOCK_M, D), lambda i: (i, 0)),
            pl.BlockSpec((BLOCK_M, D), lambda i: (i + S1_BLOCK_OFF, 0)),
            pl.BlockSpec((D, D), lambda i: (0, 0)),
            pl.BlockSpec((D, D), lambda i: (0, 0)),
        ],
        out_specs=pl.BlockSpec((BLOCK_M, D), lambda i: (i, 0)),
        out_shape=jax.ShapeDtypeStruct((N, D), jnp.float32),
    )(y, aggs, aggs, w0, w1)


def kernel(node_states, adjacency_list_0, adjacency_list_1, node_to_graph_idx,
           W_self, W0, W1, b):
    src_all = jnp.concatenate(
        [adjacency_list_0[:, 0], adjacency_list_1[:, 0]]
    ).reshape(SUBPHASES * NUM_WORKERS, NUM_CHUNKS, CHUNK)
    dst_all = jnp.concatenate(
        [adjacency_list_0[:, 1], adjacency_list_1[:, 1]]
    ).reshape(SUBPHASES * NUM_WORKERS, NUM_CHUNKS, CHUNK)
    y = _tc_self(node_states, W_self, b.reshape(1, D))
    aggs = _sc_aggregate(node_states, src_all, dst_all, _ZEROS)
    return _tc_combine(y, aggs, W0, W1)

# --- scband reference (transcript-rebuilt; emitter-appended) ---
"""Pipeline reference for scband-abstract-message-passing-layer-41575283426051 (READ-ONLY COPY).

The authoritative reference and input builder live on the scoring server;
editing this copy changes nothing except your own understanding.
"""

import jax, jax.numpy as jnp
import numpy as np

N = 10000
D = 128
E = 160000
NUM_GRAPHS = 16


def setup_inputs(seed: int = 0) -> dict:
    key = jax.random.key(seed)
    k1, k2, k3, k4, k5, k6, k7, k8 = jax.random.split(key, 8)
    node_states = jax.random.normal(k1, (N, D), dtype=jnp.float32)
    adjacency_list_0 = jax.random.randint(k2, (E, 2), 0, N, dtype=jnp.int32)
    adjacency_list_1 = jax.random.randint(k3, (E, 2), 0, N, dtype=jnp.int32)
    node_to_graph_idx = jnp.sort(jax.random.randint(k4, (N,), 0, NUM_GRAPHS, dtype=jnp.int32))
    scale = 1.0 / np.sqrt(D)
    W_self = jax.random.normal(k5, (D, D), dtype=jnp.float32) * scale
    W0 = jax.random.normal(k6, (D, D), dtype=jnp.float32) * scale
    W1 = jax.random.normal(k7, (D, D), dtype=jnp.float32) * scale
    b = jax.random.normal(k8, (D,), dtype=jnp.float32) * 0.01
    return {
        "node_states": node_states,
        "adjacency_list_0": adjacency_list_0,
        "adjacency_list_1": adjacency_list_1,
        "node_to_graph_idx": node_to_graph_idx,
        "W_self": W_self,
        "W0": W0,
        "W1": W1,
        "b": b,
    }


def reference(node_states, adjacency_list_0, adjacency_list_1, node_to_graph_idx, W_self, W0, W1, b):
    # Relational message passing: one linear transform per edge type,
    # messages gathered from source nodes, scatter-summed to target nodes.
    num_nodes = node_states.shape[0]

    src0 = adjacency_list_0[:, 0]
    dst0 = adjacency_list_0[:, 1]
    msgs0 = jnp.take(node_states, src0, axis=0) @ W0
    agg0 = jnp.zeros((num_nodes, node_states.shape[1]), dtype=node_states.dtype).at[dst0].add(msgs0)

    src1 = adjacency_list_1[:, 0]
    dst1 = adjacency_list_1[:, 1]
    msgs1 = jnp.take(node_states, src1, axis=0) @ W1
    agg1 = jnp.zeros((num_nodes, node_states.shape[1]), dtype=node_states.dtype).at[dst1].add(msgs1)

    out = jax.nn.relu(node_states @ W_self + agg0 + agg1 + b)
    return out

if __name__ == "__main__":
    import jax
    _d = setup_inputs()
    print(jax.jit(kernel)(*tuple(_d.values())))

</pallas_src>

<mosaic_0001>
#map = affine_map<(d0, d1) -> (0, 0)>
#map1 = affine_map<(d0, d1) -> (0, 0, 0)>
module attributes {stable_mosaic.version = 14 : i64} {
  func.func @agg_kernel(%arg0: i32, %arg1: i32, %arg2: memref<10000x128xf32, #tpu.memory_space<hbm>>, %arg3: memref<128x25x100xi32, #tpu.memory_space<hbm>>, %arg4: memref<128x25x100xi32, #tpu.memory_space<hbm>>, %arg5: memref<10112x128xf32, #tpu.memory_space<hbm>>, %arg6: memref<20000x128xf32, #tpu.memory_space<hbm>>, %arg7: memref<10112x128xf32, #tpu.memory_space<vmem_shared>>, %arg8: memref<25x100xi32, #tpu.memory_space<vmem>>, %arg9: memref<25x100xi32, #tpu.memory_space<vmem>>, %arg10: memref<100x128xf32, #tpu.memory_space<vmem>>, %arg11: memref<100x128xf32, #tpu.memory_space<vmem>>, %arg12: memref<100x128xf32, #tpu.memory_space<vmem>>, %arg13: memref<!tpu.dma_semaphore, #tpu.memory_space<semaphore_mem>>, %arg14: memref<!tpu.dma_semaphore, #tpu.memory_space<semaphore_mem>>, %arg15: memref<!tpu.dma_semaphore, #tpu.memory_space<semaphore_mem>>) attributes {dimension_semantics = [#tpu.dimension_semantics<core_parallel>, #tpu.dimension_semantics<subcore_parallel>], iteration_bounds = array<i64: 2, 16>, scalar_prefetch = 0 : i64, scratch_operands = 9 : i64, tpu.core_type = #tpu.core_type<sc_vector_subcore>, window_params = [{transform_indices = #map}, {transform_indices = #map1}, {transform_indices = #map1}, {transform_indices = #map}, {transform_indices = #map}]} {
    %mul3A = arith.constant 16 : i32
    %mul3A_0 = arith.muli %arg0, %mul3A : i32
    %add3A = arith.addi %mul3A_0, %arg1 : i32
    %mul3A_1 = arith.constant 632 : i32
    %mul3A_2 = arith.muli %arg1, %mul3A_1 : i32
    "tpu.region"() ({
      %run_scoped3A_302 = tpu.sem_alloc : memref<!tpu.dma_semaphore, #tpu.memory_space<semaphore_mem>>
      %dma_start3A_303 = arith.constant 0 : i32
      %dma_start3A_304 = tpu.memref_slice %arg7[%mul3A_2, %dma_start3A_303] : memref<10112x128xf32, #tpu.memory_space<vmem_shared>> -> memref<632x128xf32, #tpu.memory_space<vmem_shared>>
      %dma_start3A_305 = arith.constant 0 : i32
      %dma_start3A_306 = tpu.memref_slice %arg5[%mul3A_2, %dma_start3A_305] : memref<10112x128xf32, #tpu.memory_space<hbm>> -> memref<632x128xf32, #tpu.memory_space<hbm>>
      tpu.enqueue_dma source(%dma_start3A_306 : memref<632x128xf32, #tpu.memory_space<hbm>>) target(%dma_start3A_304 : memref<632x128xf32, #tpu.memory_space<vmem_shared>>) target_semaphore(%run_scoped3A_302 : memref<!tpu.dma_semaphore, #tpu.memory_space<semaphore_mem>>)
      %dma_wait3A_307 = arith.constant 0 : i32
      %dma_wait3A_308 = tpu.memref_slice %arg7[%mul3A_2, %dma_wait3A_307] : memref<10112x128xf32, #tpu.memory_space<vmem_shared>> -> memref<632x128xf32, #tpu.memory_space<vmem_shared>>
      %dma_wait3A_309 = arith.constant 0 : i32
      %dma_wait3A_310 = tpu.memref_slice %arg5[%mul3A_2, %dma_wait3A_309] : memref<10112x128xf32, #tpu.memory_space<hbm>> -> memref<632x128xf32, #tpu.memory_space<hbm>>
      tpu.wait_dma2 semaphore(%run_scoped3A_302 : memref<!tpu.dma_semaphore, #tpu.memory_space<semaphore_mem>>) src(%dma_wait3A_310 : memref<632x128xf32, #tpu.memory_space<hbm>>) dst(%dma_wait3A_308 : memref<632x128xf32, #tpu.memory_space<vmem_shared>>)
      tpu.yield
    }) : () -> ()
    %barrier3A = arith.constant 0 : index
    tpu.barrier barrier_id(%barrier3A)
    %mul3A_3 = arith.constant 4 : i32
    %mul3A_4 = arith.muli %mul3A_3, %add3A : i32
    %add3A_5 = arith.constant 0 : i32
    %add3A_6 = arith.addi %mul3A_4, %add3A_5 : i32
    "tpu.region"() ({
      %run_scoped3A_302 = tpu.sem_alloc : memref<!tpu.dma_semaphore, #tpu.memory_space<semaphore_mem>>
      %dma_start3A_303 = arith.constant 0 : i32
      %dma_start3A_304 = arith.constant 0 : i32
      %dma_start3A_305 = tpu.memref_slice %arg3[%add3A_6, %dma_start3A_303, %dma_start3A_304] : memref<128x25x100xi32, #tpu.memory_space<hbm>> -> memref<1x25x100xi32, #tpu.memory_space<hbm>>
      %dma_start3A_306 = tpu.memref_squeeze %dma_start3A_305 : memref<1x25x100xi32, #tpu.memory_space<hbm>> -> memref<25x100xi32, #tpu.memory_space<hbm>>
      %dma_start3A_307 = arith.constant 0 : i32
      %dma_start3A_308 = arith.constant 0 : i32
      %dma_start3A_309 = tpu.memref_slice %arg3[%add3A_6, %dma_start3A_307, %dma_start3A_308] : memref<128x25x100xi32, #tpu.memory_space<hbm>> -> memref<1x25x100xi32, #tpu.memory_space<hbm>>
      %dma_start3A_310 = tpu.memref_squeeze %dma_start3A_309 : memref<1x25x100xi32, #tpu.memory_space<hbm>> -> memref<25x100xi32, #tpu.memory_space<hbm>>
      tpu.enqueue_dma source(%dma_start3A_310 : memref<25x100xi32, #tpu.memory_space<hbm>>) target(%arg8 : memref<25x100xi32, #tpu.memory_space<vmem>>) target_semaphore(%run_scoped3A_302 : memref<!tpu.dma_semaphore, #tpu.memory_space<semaphore_mem>>)
      %dma_wait3A_311 = arith.constant 0 : i32
      %dma_wait3A_312 = arith.constant 0 : i32
      %dma_wait3A_313 = tpu.memref_slice %arg3[%add3A_6, %dma_wait3A_311, %dma_wait3A_312] : memref<128x25x100xi32, #tpu.memory_space<hbm>> -> memref<1x25x100xi32, #tpu.memory_space<hbm>>
      %dma_wait3A_314 = tpu.memref_squeeze %dma_wait3A_313 : memref<1x25x100xi32, #tpu.memory_space<hbm>> -> memref<25x100xi32, #tpu.memory_space<hbm>>
      %dma_wait3A_315 = arith.constant 0 : i32
      %dma_wait3A_316 = arith.constant 0 : i32
      %dma_wait3A_317 = tpu.memref_slice %arg3[%add3A_6, %dma_wait3A_315, %dma_wait3A_316] : memref<128x25x100xi32, #tpu.memory_space<hbm>> -> memref<1x25x100xi32, #tpu.memory_space<hbm>>
      %dma_wait3A_318 = tpu.memref_squeeze %dma_wait3A_317 : memref<1x25x100xi32, #tpu.memory_space<hbm>> -> memref<25x100xi32, #tpu.memory_space<hbm>>
      tpu.wait_dma2 semaphore(%run_scoped3A_302 : memref<!tpu.dma_semaphore, #tpu.memory_space<semaphore_mem>>) src(%dma_wait3A_318 : memref<25x100xi32, #tpu.memory_space<hbm>>) dst(%arg8 : memref<25x100xi32, #tpu.memory_space<vmem>>)
      tpu.yield
    }) : () -> ()
    %mul3A_7 = arith.constant 4 : i32
    %mul3A_8 = arith.muli %mul3A_7, %add3A : i32
    %add3A_9 = arith.constant 0 : i32
    %add3A_10 = arith.addi %mul3A_8, %add3A_9 : i32
    "tpu.region"() ({
      %run_scoped3A_302 = tpu.sem_alloc : memref<!tpu.dma_semaphore, #tpu.memory_space<semaphore_mem>>
      %dma_start3A_303 = arith.constant 0 : i32
      %dma_start3A_304 = arith.constant 0 : i32
      %dma_start3A_305 = tpu.memref_slice %arg4[%add3A_10, %dma_start3A_303, %dma_start3A_304] : memref<128x25x100xi32, #tpu.memory_space<hbm>> -> memref<1x25x100xi32, #tpu.memory_space<hbm>>
      %dma_start3A_306 = tpu.memref_squeeze %dma_start3A_305 : memref<1x25x100xi32, #tpu.memory_space<hbm>> -> memref<25x100xi32, #tpu.memory_space<hbm>>
      %dma_start3A_307 = arith.constant 0 : i32
      %dma_start3A_308 = arith.constant 0 : i32
      %dma_start3A_309 = tpu.memref_slice %arg4[%add3A_10, %dma_start3A_307, %dma_start3A_308] : memref<128x25x100xi32, #tpu.memory_space<hbm>> -> memref<1x25x100xi32, #tpu.memory_space<hbm>>
      %dma_start3A_310 = tpu.memref_squeeze %dma_start3A_309 : memref<1x25x100xi32, #tpu.memory_space<hbm>> -> memref<25x100xi32, #tpu.memory_space<hbm>>
      tpu.enqueue_dma source(%dma_start3A_310 : memref<25x100xi32, #tpu.memory_space<hbm>>) target(%arg9 : memref<25x100xi32, #tpu.memory_space<vmem>>) target_semaphore(%run_scoped3A_302 : memref<!tpu.dma_semaphore, #tpu.memory_space<semaphore_mem>>)
      %dma_wait3A_311 = arith.constant 0 : i32
      %dma_wait3A_312 = arith.constant 0 : i32
      %dma_wait3A_313 = tpu.memref_slice %arg4[%add3A_10, %dma_wait3A_311, %dma_wait3A_312] : memref<128x25x100xi32, #tpu.memory_space<hbm>> -> memref<1x25x100xi32, #tpu.memory_space<hbm>>
      %dma_wait3A_314 = tpu.memref_squeeze %dma_wait3A_313 : memref<1x25x100xi32, #tpu.memory_space<hbm>> -> memref<25x100xi32, #tpu.memory_space<hbm>>
      %dma_wait3A_315 = arith.constant 0 : i32
      %dma_wait3A_316 = arith.constant 0 : i32
      %dma_wait3A_317 = tpu.memref_slice %arg4[%add3A_10, %dma_wait3A_315, %dma_wait3A_316] : memref<128x25x100xi32, #tpu.memory_space<hbm>> -> memref<1x25x100xi32, #tpu.memory_space<hbm>>
      %dma_wait3A_318 = tpu.memref_squeeze %dma_wait3A_317 : memref<1x25x100xi32, #tpu.memory_space<hbm>> -> memref<25x100xi32, #tpu.memory_space<hbm>>
      tpu.wait_dma2 semaphore(%run_scoped3A_302 : memref<!tpu.dma_semaphore, #tpu.memory_space<semaphore_mem>>) src(%dma_wait3A_318 : memref<25x100xi32, #tpu.memory_space<hbm>>) dst(%arg9 : memref<25x100xi32, #tpu.memory_space<vmem>>)
      tpu.yield
    }) : () -> ()
    %dma_start3A = arith.constant 0 : i32
    %dma_start3A_11 = arith.constant 0 : i32
    %dma_start3A_12 = tpu.memref_slice %arg8[%dma_start3A, %dma_start3A_11] : memref<25x100xi32, #tpu.memory_space<vmem>> -> memref<1x100xi32, #tpu.memory_space<vmem>>
    %dma_start3A_13 = tpu.memref_squeeze %dma_start3A_12 : memref<1x100xi32, #tpu.memory_space<vmem>> -> memref<100xi32, #tpu.memory_space<vmem>>
    %dma_start3A_14 = arith.constant 0 : i32
    %dma_start3A_15 = arith.constant 0 : i32
    %dma_start3A_16 = tpu.memref_slice %arg2[%dma_start3A_14, %dma_start3A_15] : memref<10000x128xf32, #tpu.memory_space<hbm>> -> memref<10000x128xf32, #tpu.memory_space<hbm>>
    tpu.enqueue_indirect_dma source(%dma_start3A_16 : memref<10000x128xf32, #tpu.memory_space<hbm>>) target(%arg10 : memref<100x128xf32, #tpu.memory_space<vmem>>) offsets(%dma_start3A_13 : memref<100xi32, #tpu.memory_space<vmem>>) semaphore(%arg13 : memref<!tpu.dma_semaphore, #tpu.memory_space<semaphore_mem>>)
    %dma_start3A_17 = arith.constant 1 : i32
    %dma_start3A_18 = arith.constant 0 : i32
    %dma_start3A_19 = tpu.memref_slice %arg8[%dma_start3A_17, %dma_start3A_18] : memref<25x100xi32, #tpu.memory_space<vmem>> -> memref<1x100xi32, #tpu.memory_space<vmem>>
    %dma_start3A_20 = tpu.memref_squeeze %dma_start3A_19 : memref<1x100xi32, #tpu.memory_space<vmem>> -> memref<100xi32, #tpu.memory_space<vmem>>
    %dma_start3A_21 = arith.constant 0 : i32
    %dma_start3A_22 = arith.constant 0 : i32
    %dma_start3A_23 = tpu.memref_slice %arg2[%dma_start3A_21, %dma_start3A_22] : memref<10000x128xf32, #tpu.memory_space<hbm>> -> memref<10000x128xf32, #tpu.memory_space<hbm>>
    tpu.enqueue_indirect_dma source(%dma_start3A_23 : memref<10000x128xf32, #tpu.memory_space<hbm>>) target(%arg11 : memref<100x128xf32, #tpu.memory_space<vmem>>) offsets(%dma_start3A_20 : memref<100xi32, #tpu.memory_space<vmem>>) semaphore(%arg14 : memref<!tpu.dma_semaphore, #tpu.memory_space<semaphore_mem>>)
    %dma_start3A_24 = arith.constant 2 : i32
    %dma_start3A_25 = arith.constant 0 : i32
    %dma_start3A_26 = tpu.memref_slice %arg8[%dma_start3A_24, %dma_start3A_25] : memref<25x100xi32, #tpu.memory_space<vmem>> -> memref<1x100xi32, #tpu.memory_space<vmem>>
    %dma_start3A_27 = tpu.memref_squeeze %dma_start3A_26 : memref<1x100xi32, #tpu.memory_space<vmem>> -> memref<100xi32, #tpu.memory_space<vmem>>
    %dma_start3A_28 = arith.constant 0 : i32
    %dma_start3A_29 = arith.constant 0 : i32
    %dma_start3A_30 = tpu.memref_slice %arg2[%dma_start3A_28, %dma_start3A_29] : memref<10000x128xf32, #tpu.memory_space<hbm>> -> memref<10000x128xf32, #tpu.memory_space<hbm>>
    tpu.enqueue_indirect_dma source(%dma_start3A_30 : memref<10000x128xf32, #tpu.memory_space<hbm>>) target(%arg12 : memref<100x128xf32, #tpu.memory_space<vmem>>) offsets(%dma_start3A_27 : memref<100xi32, #tpu.memory_space<vmem>>) semaphore(%arg15 : memref<!tpu.dma_semaphore, #tpu.memory_space<semaphore_mem>>)
    %scan3A = arith.constant 0 : i32
    %scan3A_31 = arith.constant 0 : i32
    %scan3A_32 = arith.constant 7 : i32
    %scan3A_33 = arith.addi %scan3A_31, %scan3A_32 : i32
    %scan3A_34 = arith.constant 1 : i32
    scf.for %scan3A_302 = %scan3A_31 to %scan3A_33 step %scan3A_34  : i32 {
      %mul3A_303 = arith.constant 3 : i32
      %mul3A_304 = arith.muli %mul3A_303, %scan3A_302 : i32
      %dma_wait3A_305 = arith.constant 0 : i32
      %dma_wait3A_306 = tpu.memref_slice %arg8[%mul3A_304, %dma_wait3A_305] : memref<25x100xi32, #tpu.memory_space<vmem>> -> memref<1x100xi32, #tpu.memory_space<vmem>>
      %dma_wait3A_307 = tpu.memref_squeeze %dma_wait3A_306 : memref<1x100xi32, #tpu.memory_space<vmem>> -> memref<100xi32, #tpu.memory_space<vmem>>
      %dma_wait3A_308 = arith.constant 0 : i32
      %dma_wait3A_309 = arith.constant 0 : i32
      %dma_wait3A_310 = tpu.memref_slice %arg2[%dma_wait3A_308, %dma_wait3A_309] : memref<10000x128xf32, #tpu.memory_space<hbm>> -> memref<10000x128xf32, #tpu.memory_space<hbm>>
      tpu.wait_indirect_dma semaphore(%arg13 : memref<!tpu.dma_semaphore, #tpu.memory_space<semaphore_mem>>) src(%dma_wait3A_310 : memref<10000x128xf32, #tpu.memory_space<hbm>>) dst(%arg10 : memref<100x128xf32, #tpu.memory_space<vmem>>)
      "tpu.region"() ({
        %run_scoped3A_351 = tpu.sem_alloc : memref<!tpu.dma_semaphore, #tpu.memory_space<semaphore_mem>>
        %dma_start3A_352 = arith.constant 0 : i32
        %dma_start3A_353 = tpu.memref_slice %arg9[%mul3A_304, %dma_start3A_352] : memref<25x100xi32, #tpu.memory_space<vmem>> -> memref<1x100xi32, #tpu.memory_space<vmem>>
        %dma_start3A_354 = tpu.memref_squeeze %dma_start3A_353 : memref<1x100xi32, #tpu.memory_space<vmem>> -> memref<100xi32, #tpu.memory_space<vmem>>
        %dma_start3A_355 = arith.constant 0 : i32
        %dma_start3A_356 = arith.constant 0 : i32
        %dma_start3A_357 = tpu.memref_slice %arg7[%dma_start3A_355, %dma_start3A_356] : memref<10112x128xf32, #tpu.memory_space<vmem_shared>> -> memref<10112x128xf32, #tpu.memory_space<vmem_shared>>
        tpu.enqueue_indirect_dma source(%arg10 : memref<100x128xf32, #tpu.memory_space<vmem>>) target(%dma_start3A_357 : memref<10112x128xf32, #tpu.memory_space<vmem_shared>>) offsets(%dma_start3A_354 : memref<100xi32, #tpu.memory_space<vmem>>) semaphore(%run_scoped3A_351 : memref<!tpu.dma_semaphore, #tpu.memory_space<semaphore_mem>>) {add = true}
        %dma_wait3A_358 = arith.constant 0 : i32
        %dma_wait3A_359 = tpu.memref_slice %arg9[%mul3A_304, %dma_wait3A_358] : memref<25x100xi32, #tpu.memory_space<vmem>> -> memref<1x100xi32, #tpu.memory_space<vmem>>
        %dma_wait3A_360 = tpu.memref_squeeze %dma_wait3A_359 : memref<1x100xi32, #tpu.memory_space<vmem>> -> memref<100xi32, #tpu.memory_space<vmem>>
        %dma_wait3A_361 = arith.constant 0 : i32
        %dma_wait3A_362 = arith.constant 0 : i32
        %dma_wait3A_363 = tpu.memref_slice %arg7[%dma_wait3A_361, %dma_wait3A_362] : memref<10112x128xf32, #tpu.memory_space<vmem_shared>> -> memref<10112x128xf32, #tpu.memory_space<vmem_shared>>
        tpu.wait_indirect_dma semaphore(%run_scoped3A_351 : memref<!tpu.dma_semaphore, #tpu.memory_space<semaphore_mem>>) src(%arg10 : memref<100x128xf32, #tpu.memory_space<vmem>>) dst(%dma_wait3A_363 : memref<10112x128xf32, #tpu.memory_space<vmem_shared>>)
        tpu.yield
      }) : () -> ()
      %add3A_311 = arith.constant 3 : i32
      %add3A_312 = arith.addi %mul3A_304, %add3A_311 : i32
      %dma_start3A_313 = arith.constant 0 : i32
      %dma_start3A_314 = tpu.memref_slice %arg8[%add3A_312, %dma_start3A_313] : memref<25x100xi32, #tpu.memory_space<vmem>> -> memref<1x100xi32, #tpu.memory_space<vmem>>
      %dma_start3A_315 = tpu.memref_squeeze %dma_start3A_314 : memref<1x100xi32, #tpu.memory_space<vmem>> -> memref<100xi32, #tpu.memory_space<vmem>>
      %dma_start3A_316 = arith.constant 0 : i32
      %dma_start3A_317 = arith.constant 0 : i32
      %dma_start3A_318 = tpu.memref_slice %arg2[%dma_start3A_316, %dma_start3A_317] : memref<10000x128xf32, #tpu.memory_space<hbm>> -> memref<10000x128xf32, #tpu.memory_space<hbm>>
      tpu.enqueue_indirect_dma source(%dma_start3A_318 : memref<10000x128xf32, #tpu.memory_space<hbm>>) target(%arg10 : memref<100x128xf32, #tpu.memory_space<vmem>>) offsets(%dma_start3A_315 : memref<100xi32, #tpu.memory_space<vmem>>) semaphore(%arg13 : memref<!tpu.dma_semaphore, #tpu.memory_space<semaphore_mem>>)
      %add3A_319 = arith.constant 1 : i32
      %add3A_320 = arith.addi %mul3A_304, %add3A_319 : i32
      %dma_wait3A_321 = arith.constant 0 : i32
      %dma_wait3A_322 = tpu.memref_slice %arg8[%add3A_320, %dma_wait3A_321] : memref<25x100xi32, #tpu.memory_space<vmem>> -> memref<1x100xi32, #tpu.memory_space<vmem>>
      %dma_wait3A_323 = tpu.memref_squeeze %dma_wait3A_322 : memref<1x100xi32, #tpu.memory_space<vmem>> -> memref<100xi32, #tpu.memory_space<vmem>>
      %dma_wait3A_324 = arith.constant 0 : i32
      %dma_wait3A_325 = arith.constant 0 : i32
      %dma_wait3A_326 = tpu.memref_slice %arg2[%dma_wait3A_324, %dma_wait3A_325] : memref<10000x128xf32, #tpu.memory_space<hbm>> -> memref<10000x128xf32, #tpu.memory_space<hbm>>
      tpu.wait_indirect_dma semaphore(%arg14 : memref<!tpu.dma_semaphore, #tpu.memory_space<semaphore_mem>>) src(%dma_wait3A_326 : memref<10000x128xf32, #tpu.memory_space<hbm>>) dst(%arg11 : memref<100x128xf32, #tpu.memory_space<vmem>>)
      "tpu.region"() ({
        %run_scoped3A_351 = tpu.sem_alloc : memref<!tpu.dma_semaphore, #tpu.memory_space<semaphore_mem>>
        %dma_start3A_352 = arith.constant 0 : i32
        %dma_start3A_353 = tpu.memref_slice %arg9[%add3A_320, %dma_start3A_352] : memref<25x100xi32, #tpu.memory_space<vmem>> -> memref<1x100xi32, #tpu.memory_space<vmem>>
        %dma_start3A_354 = tpu.memref_squeeze %dma_start3A_353 : memref<1x100xi32, #tpu.memory_space<vmem>> -> memref<100xi32, #tpu.memory_space<vmem>>
        %dma_start3A_355 = arith.constant 0 : i32
        %dma_start3A_356 = arith.constant 0 : i32
        %dma_start3A_357 = tpu.memref_slice %arg7[%dma_start3A_355, %dma_start3A_356] : memref<10112x128xf32, #tpu.memory_space<vmem_shared>> -> memref<10112x128xf32, #tpu.memory_space<vmem_shared>>
        tpu.enqueue_indirect_dma source(%arg11 : memref<100x128xf32, #tpu.memory_space<vmem>>) target(%dma_start3A_357 : memref<10112x128xf32, #tpu.memory_space<vmem_shared>>) offsets(%dma_start3A_354 : memref<100xi32, #tpu.memory_space<vmem>>) semaphore(%run_scoped3A_351 : memref<!tpu.dma_semaphore, #tpu.memory_space<semaphore_mem>>) {add = true}
        %dma_wait3A_358 = arith.constant 0 : i32
        %dma_wait3A_359 = tpu.memref_slice %arg9[%add3A_320, %dma_wait3A_358] : memref<25x100xi32, #tpu.memory_space<vmem>> -> memref<1x100xi32, #tpu.memory_space<vmem>>
        %dma_wait3A_360 = tpu.memref_squeeze %dma_wait3A_359 : memref<1x100xi32, #tpu.memory_space<vmem>> -> memref<100xi32, #tpu.memory_space<vmem>>
        %dma_wait3A_361 = arith.constant 0 : i32
        %dma_wait3A_362 = arith.constant 0 : i32
        %dma_wait3A_363 = tpu.memref_slice %arg7[%dma_wait3A_361, %dma_wait3A_362] : memref<10112x128xf32, #tpu.memory_space<vmem_shared>> -> memref<10112x128xf32, #tpu.memory_space<vmem_shared>>
        tpu.wait_indirect_dma semaphore(%run_scoped3A_351 : memref<!tpu.dma_semaphore, #tpu.memory_space<semaphore_mem>>) src(%arg11 : memref<100x128xf32, #tpu.memory_space<vmem>>) dst(%dma_wait3A_363 : memref<10112x128xf32, #tpu.memory_space<vmem_shared>>)
        tpu.yield
      }) : () -> ()
      %add3A_327 = arith.constant 4 : i32
      %add3A_328 = arith.addi %mul3A_304, %add3A_327 : i32
      %dma_start3A_329 = arith.constant 0 : i32
      %dma_start3A_330 = tpu.memref_slice %arg8[%add3A_328, %dma_start3A_329] : memref<25x100xi32, #tpu.memory_space<vmem>> -> memref<1x100xi32, #tpu.memory_space<vmem>>
      %dma_start3A_331 = tpu.memref_squeeze %dma_start3A_330 : memref<1x100xi32, #tpu.memory_space<vmem>> -> memref<100xi32, #tpu.memory_space<vmem>>
      %dma_start3A_332 = arith.constant 0 : i32
      %dma_start3A_333 = arith.constant 0 : i32
      %dma_start3A_334 = tpu.memref_slice %arg2[%dma_start3A_332, %dma_start3A_333] : memref<10000x128xf32, #tpu.memory_space<hbm>> -> memref<10000x128xf32, #tpu.memory_space<hbm>>
      tpu.enqueue_indirect_dma source(%dma_start3A_334 : memref<10000x128xf32, #tpu.memory_space<hbm>>) target(%arg11 : memref<100x128xf32, #tpu.memory_space<vmem>>) offsets(%dma_start3A_331 : memref<100xi32, #tpu.memory_space<vmem>>) semaphore(%arg14 : memref<!tpu.dma_semaphore, #tpu.memory_space<semaphore_mem>>)
      %add3A_335 = arith.constant 2 : i32
      %add3A_336 = arith.addi %mul3A_304, %add3A_335 : i32
      %dma_wait3A_337 = arith.constant 0 : i32
      %dma_wait3A_338 = tpu.memref_slice %arg8[%add3A_336, %dma_wait3A_337] : memref<25x100xi32, #tpu.memory_space<vmem>> -> memref<1x100xi32, #tpu.memory_space<vmem>>
      %dma_wait3A_339 = tpu.memref_squeeze %dma_wait3A_338 : memref<1x100xi32, #tpu.memory_space<vmem>> -> memref<100xi32, #tpu.memory_space<vmem>>
      %dma_wait3A_340 = arith.constant 0 : i32
      %dma_wait3A_341 = arith.constant 0 : i32
      %dma_wait3A_342 = tpu.memref_slice %arg2[%dma_wait3A_340, %dma_wait3A_341] : memref<10000x128xf32, #tpu.memory_space<hbm>> -> memref<10000x128xf32, #tpu.memory_space<hbm>>
      tpu.wait_indirect_dma semaphore(%arg15 : memref<!tpu.dma_semaphore, #tpu.memory_space<semaphore_mem>>) src(%dma_wait3A_342 : memref<10000x128xf32, #tpu.memory_space<hbm>>) dst(%arg12 : memref<100x128xf32, #tpu.memory_space<vmem>>)
      "tpu.region"() ({
        %run_scoped3A_351 = tpu.sem_alloc : memref<!tpu.dma_semaphore, #tpu.memory_space<semaphore_mem>>
        %dma_start3A_352 = arith.constant 0 : i32
        %dma_start3A_353 = tpu.memref_slice %arg9[%add3A_336, %dma_start3A_352] : memref<25x100xi32, #tpu.memory_space<vmem>> -> memref<1x100xi32, #tpu.memory_space<vmem>>
        %dma_start3A_354 = tpu.memref_squeeze %dma_start3A_353 : memref<1x100xi32, #tpu.memory_space<vmem>> -> memref<100xi32, #tpu.memory_space<vmem>>
        %dma_start3A_355 = arith.constant 0 : i32
        %dma_start3A_356 = arith.constant 0 : i32
        %dma_start3A_357 = tpu.memref_slice %arg7[%dma_start3A_355, %dma_start3A_356] : memref<10112x128xf32, #tpu.memory_space<vmem_shared>> -> memref<10112x128xf32, #tpu.memory_space<vmem_shared>>
        tpu.enqueue_indirect_dma source(%arg12 : memref<100x128xf32, #tpu.memory_space<vmem>>) target(%dma_start3A_357 : memref<10112x128xf32, #tpu.memory_space<vmem_shared>>) offsets(%dma_start3A_354 : memref<100xi32, #tpu.memory_space<vmem>>) semaphore(%run_scoped3A_351 : memref<!tpu.dma_semaphore, #tpu.memory_space<semaphore_mem>>) {add = true}
        %dma_wait3A_358 = arith.constant 0 : i32
        %dma_wait3A_359 = tpu.memref_slice %arg9[%add3A_336, %dma_wait3A_358] : memref<25x100xi32, #tpu.memory_space<vmem>> -> memref<1x100xi32, #tpu.memory_space<vmem>>
        %dma_wait3A_360 = tpu.memref_squeeze %dma_wait3A_359 : memref<1x100xi32, #tpu.memory_space<vmem>> -> memref<100xi32, #tpu.memory_space<vmem>>
        %dma_wait3A_361 = arith.constant 0 : i32
        %dma_wait3A_362 = arith.constant 0 : i32
        %dma_wait3A_363 = tpu.memref_slice %arg7[%dma_wait3A_361, %dma_wait3A_362] : memref<10112x128xf32, #tpu.memory_space<vmem_shared>> -> memref<10112x128xf32, #tpu.memory_space<vmem_shared>>
        tpu.wait_indirect_dma semaphore(%run_scoped3A_351 : memref<!tpu.dma_semaphore, #tpu.memory_space<semaphore_mem>>) src(%arg12 : memref<100x128xf32, #tpu.memory_space<vmem>>) dst(%dma_wait3A_363 : memref<10112x128xf32, #tpu.memory_space<vmem_shared>>)
        tpu.yield
      }) : () -> ()
      %add3A_343 = arith.constant 5 : i32
      %add3A_344 = arith.addi %mul3A_304, %add3A_343 : i32
      %dma_start3A_345 = arith.constant 0 : i32
      %dma_start3A_346 = tpu.memref_slice %arg8[%add3A_344, %dma_start3A_345] : memref<25x100xi32, #tpu.memory_space<vmem>> -> memref<1x100xi32, #tpu.memory_space<vmem>>
      %dma_start3A_347 = tpu.memref_squeeze %dma_start3A_346 : memref<1x100xi32, #tpu.memory_space<vmem>> -> memref<100xi32, #tpu.memory_space<vmem>>
      %dma_start3A_348 = arith.constant 0 : i32
      %dma_start3A_349 = arith.constant 0 : i32
      %dma_start3A_350 = tpu.memref_slice %arg2[%dma_start3A_348, %dma_start3A_349] : memref<10000x128xf32, #tpu.memory_space<hbm>> -> memref<10000x128xf32, #tpu.memory_space<hbm>>
      tpu.enqueue_indirect_dma source(%dma_start3A_350 : memref<10000x128xf32, #tpu.memory_space<hbm>>) target(%arg12 : memref<100x128xf32, #tpu.memory_space<vmem>>) offsets(%dma_start3A_347 : memref<100xi32, #tpu.memory_space<vmem>>) semaphore(%arg15 : memref<!tpu.dma_semaphore, #tpu.memory_space<semaphore_mem>>)
    }
    %scan3A_35 = arith.constant 7 : i32
    %dma_wait3A = arith.constant 21 : i32
    %dma_wait3A_36 = arith.constant 0 : i32
    %dma_wait3A_37 = tpu.memref_slice %arg8[%dma_wait3A, %dma_wait3A_36] : memref<25x100xi32, #tpu.memory_space<vmem>> -> memref<1x100xi32, #tpu.memory_space<vmem>>
    %dma_wait3A_38 = tpu.memref_squeeze %dma_wait3A_37 : memref<1x100xi32, #tpu.memory_space<vmem>> -> memref<100xi32, #tpu.memory_space<vmem>>
    %dma_wait3A_39 = arith.constant 0 : i32
    %dma_wait3A_40 = arith.constant 0 : i32
    %dma_wait3A_41 = tpu.memref_slice %arg2[%dma_wait3A_39, %dma_wait3A_40] : memref<10000x128xf32, #tpu.memory_space<hbm>> -> memref<10000x128xf32, #tpu.memory_space<hbm>>
    tpu.wait_indirect_dma semaphore(%arg13 : memref<!tpu.dma_semaphore, #tpu.memory_space<semaphore_mem>>) src(%dma_wait3A_41 : memref<10000x128xf32, #tpu.memory_space<hbm>>) dst(%arg10 : memref<100x128xf32, #tpu.memory_space<vmem>>)
    %run_scoped3A = arith.constant 21 : i32
    "tpu.region"() ({
      %run_scoped3A_302 = tpu.sem_alloc : memref<!tpu.dma_semaphore, #tpu.memory_space<semaphore_mem>>
      %dma_start3A_303 = arith.constant 0 : i32
      %dma_start3A_304 = tpu.memref_slice %arg9[%run_scoped3A, %dma_start3A_303] : memref<25x100xi32, #tpu.memory_space<vmem>> -> memref<1x100xi32, #tpu.memory_space<vmem>>
      %dma_start3A_305 = tpu.memref_squeeze %dma_start3A_304 : memref<1x100xi32, #tpu.memory_space<vmem>> -> memref<100xi32, #tpu.memory_space<vmem>>
      %dma_start3A_306 = arith.constant 0 : i32
      %dma_start3A_307 = arith.constant 0 : i32
      %dma_start3A_308 = tpu.memref_slice %arg7[%dma_start3A_306, %dma_start3A_307] : memref<10112x128xf32, #tpu.memory_space<vmem_shared>> -> memref<10112x128xf32, #tpu.memory_space<vmem_shared>>
      tpu.enqueue_indirect_dma source(%arg10 : memref<100x128xf32, #tpu.memory_space<vmem>>) target(%dma_start3A_308 : memref<10112x128xf32, #tpu.memory_space<vmem_shared>>) offsets(%dma_start3A_305 : memref<100xi32, #tpu.memory_space<vmem>>) semaphore(%run_scoped3A_302 : memref<!tpu.dma_semaphore, #tpu.memory_space<semaphore_mem>>) {add = true}
      %dma_wait3A_309 = arith.constant 0 : i32
      %dma_wait3A_310 = tpu.memref_slice %arg9[%run_scoped3A, %dma_wait3A_309] : memref<25x100xi32, #tpu.memory_space<vmem>> -> memref<1x100xi32, #tpu.memory_space<vmem>>
      %dma_wait3A_311 = tpu.memref_squeeze %dma_wait3A_310 : memref<1x100xi32, #tpu.memory_space<vmem>> -> memref<100xi32, #tpu.memory_space<vmem>>
      %dma_wait3A_312 = arith.constant 0 : i32
      %dma_wait3A_313 = arith.constant 0 : i32
      %dma_wait3A_314 = tpu.memref_slice %arg7[%dma_wait3A_312, %dma_wait3A_313] : memref<10112x128xf32, #tpu.memory_space<vmem_shared>> -> memref<10112x128xf32, #tpu.memory_space<vmem_shared>>
      tpu.wait_indirect_dma semaphore(%run_scoped3A_302 : memref<!tpu.dma_semaphore, #tpu.memory_space<semaphore_mem>>) src(%arg10 : memref<100x128xf32, #tpu.memory_space<vmem>>) dst(%dma_wait3A_314 : memref<10112x128xf32, #tpu.memory_space<vmem_shared>>)
      tpu.yield
    }) : () -> ()
    %dma_start3A_42 = arith.constant 24 : i32
    %dma_start3A_43 = arith.constant 0 : i32
    %dma_start3A_44 = tpu.memref_slice %arg8[%dma_start3A_42, %dma_start3A_43] : memref<25x100xi32, #tpu.memory_space<vmem>> -> memref<1x100xi32, #tpu.memory_space<vmem>>
    %dma_start3A_45 = tpu.memref_squeeze %dma_start3A_44 : memref<1x100xi32, #tpu.memory_space<vmem>> -> memref<100xi32, #tpu.memory_space<vmem>>
    %dma_start3A_46 = arith.constant 0 : i32
    %dma_start3A_47 = arith.constant 0 : i32
    %dma_start3A_48 = tpu.memref_slice %arg2[%dma_start3A_46, %dma_start3A_47] : memref<10000x128xf32, #tpu.memory_space<hbm>> -> memref<10000x128xf32, #tpu.memory_space<hbm>>
    tpu.enqueue_indirect_dma source(%dma_start3A_48 : memref<10000x128xf32, #tpu.memory_space<hbm>>) target(%arg10 : memref<100x128xf32, #tpu.memory_space<vmem>>) offsets(%dma_start3A_45 : memref<100xi32, #tpu.memory_space<vmem>>) semaphore(%arg13 : memref<!tpu.dma_semaphore, #tpu.memory_space<semaphore_mem>>)
    %dma_wait3A_49 = arith.constant 22 : i32
    %dma_wait3A_50 = arith.constant 0 : i32
    %dma_wait3A_51 = tpu.memref_slice %arg8[%dma_wait3A_49, %dma_wait3A_50] : memref<25x100xi32, #tpu.memory_space<vmem>> -> memref<1x100xi32, #tpu.memory_space<vmem>>
    %dma_wait3A_52 = tpu.memref_squeeze %dma_wait3A_51 : memref<1x100xi32, #tpu.memory_space<vmem>> -> memref<100xi32, #tpu.memory_space<vmem>>
    %dma_wait3A_53 = arith.constant 0 : i32
    %dma_wait3A_54 = arith.constant 0 : i32
    %dma_wait3A_55 = tpu.memref_slice %arg2[%dma_wait3A_53, %dma_wait3A_54] : memref<10000x128xf32, #tpu.memory_space<hbm>> -> memref<10000x128xf32, #tpu.memory_space<hbm>>
    tpu.wait_indirect_dma semaphore(%arg14 : memref<!tpu.dma_semaphore, #tpu.memory_space<semaphore_mem>>) src(%dma_wait3A_55 : memref<10000x128xf32, #tpu.memory_space<hbm>>) dst(%arg11 : memref<100x128xf32, #tpu.memory_space<vmem>>)
    %run_scoped3A_56 = arith.constant 22 : i32
    "tpu.region"() ({
      %run_scoped3A_302 = tpu.sem_alloc : memref<!tpu.dma_semaphore, #tpu.memory_space<semaphore_mem>>
      %dma_start3A_303 = arith.constant 0 : i32
      %dma_start3A_304 = tpu.memref_slice %arg9[%run_scoped3A_56, %dma_start3A_303] : memref<25x100xi32, #tpu.memory_space<vmem>> -> memref<1x100xi32, #tpu.memory_space<vmem>>
      %dma_start3A_305 = tpu.memref_squeeze %dma_start3A_304 : memref<1x100xi32, #tpu.memory_space<vmem>> -> memref<100xi32, #tpu.memory_space<vmem>>
      %dma_start3A_306 = arith.constant 0 : i32
      %dma_start3A_307 = arith.constant 0 : i32
      %dma_start3A_308 = tpu.memref_slice %arg7[%dma_start3A_306, %dma_start3A_307] : memref<10112x128xf32, #tpu.memory_space<vmem_shared>> -> memref<10112x128xf32, #tpu.memory_space<vmem_shared>>
      tpu.enqueue_indirect_dma source(%arg11 : memref<100x128xf32, #tpu.memory_space<vmem>>) target(%dma_start3A_308 : memref<10112x128xf32, #tpu.memory_space<vmem_shared>>) offsets(%dma_start3A_305 : memref<100xi32, #tpu.memory_space<vmem>>) semaphore(%run_scoped3A_302 : memref<!tpu.dma_semaphore, #tpu.memory_space<semaphore_mem>>) {add = true}
      %dma_wait3A_309 = arith.constant 0 : i32
      %dma_wait3A_310 = tpu.memref_slice %arg9[%run_scoped3A_56, %dma_wait3A_309] : memref<25x100xi32, #tpu.memory_space<vmem>> -> memref<1x100xi32, #tpu.memory_space<vmem>>
      %dma_wait3A_311 = tpu.memref_squeeze %dma_wait3A_310 : memref<1x100xi32, #tpu.memory_space<vmem>> -> memref<100xi32, #tpu.memory_space<vmem>>
      %dma_wait3A_312 = arith.constant 0 : i32
      %dma_wait3A_313 = arith.constant 0 : i32
      %dma_wait3A_314 = tpu.memref_slice %arg7[%dma_wait3A_312, %dma_wait3A_313] : memref<10112x128xf32, #tpu.memory_space<vmem_shared>> -> memref<10112x128xf32, #tpu.memory_space<vmem_shared>>
      tpu.wait_indirect_dma semaphore(%run_scoped3A_302 : memref<!tpu.dma_semaphore, #tpu.memory_space<semaphore_mem>>) src(%arg11 : memref<100x128xf32, #tpu.memory_space<vmem>>) dst(%dma_wait3A_314 : memref<10112x128xf32, #tpu.memory_space<vmem_shared>>)
      tpu.yield
    }) : () -> ()
    %dma_wait3A_57 = arith.constant 23 : i32
    %dma_wait3A_58 = arith.constant 0 : i32
    %dma_wait3A_59 = tpu.memref_slice %arg8[%dma_wait3A_57, %dma_wait3A_58] : memref<25x100xi32, #tpu.memory_space<vmem>> -> memref<1x100xi32, #tpu.memory_space<vmem>>
    %dma_wait3A_60 = tpu.memref_squeeze %dma_wait3A_59 : memref<1x100xi32, #tpu.memory_space<vmem>> -> memref<100xi32, #tpu.memory_space<vmem>>
    %dma_wait3A_61 = arith.constant 0 : i32
    %dma_wait3A_62 = arith.constant 0 : i32
    %dma_wait3A_63 = tpu.memref_slice %arg2[%dma_wait3A_61, %dma_wait3A_62] : memref<10000x128xf32, #tpu.memory_space<hbm>> -> memref<10000x128xf32, #tpu.memory_space<hbm>>
    tpu.wait_indirect_dma semaphore(%arg15 : memref<!tpu.dma_semaphore, #tpu.memory_space<semaphore_mem>>) src(%dma_wait3A_63 : memref<10000x128xf32, #tpu.memory_space<hbm>>) dst(%arg12 : memref<100x128xf32, #tpu.memory_space<vmem>>)
    %run_scoped3A_64 = arith.constant 23 : i32
    "tpu.region"() ({
      %run_scoped3A_302 = tpu.sem_alloc : memref<!tpu.dma_semaphore, #tpu.memory_space<semaphore_mem>>
      %dma_start3A_303 = arith.constant 0 : i32
      %dma_start3A_304 = tpu.memref_slice %arg9[%run_scoped3A_64, %dma_start3A_303] : memref<25x100xi32, #tpu.memory_space<vmem>> -> memref<1x100xi32, #tpu.memory_space<vmem>>
      %dma_start3A_305 = tpu.memref_squeeze %dma_start3A_304 : memref<1x100xi32, #tpu.memory_space<vmem>> -> memref<100xi32, #tpu.memory_space<vmem>>
      %dma_start3A_306 = arith.constant 0 : i32
      %dma_start3A_307 = arith.constant 0 : i32
      %dma_start3A_308 = tpu.memref_slice %arg7[%dma_start3A_306, %dma_start3A_307] : memref<10112x128xf32, #tpu.memory_space<vmem_shared>> -> memref<10112x128xf32, #tpu.memory_space<vmem_shared>>
      tpu.enqueue_indirect_dma source(%arg12 : memref<100x128xf32, #tpu.memory_space<vmem>>) target(%dma_start3A_308 : memref<10112x128xf32, #tpu.memory_space<vmem_shared>>) offsets(%dma_start3A_305 : memref<100xi32, #tpu.memory_space<vmem>>) semaphore(%run_scoped3A_302 : memref<!tpu.dma_semaphore, #tpu.memory_space<semaphore_mem>>) {add = true}
      %dma_wait3A_309 = arith.constant 0 : i32
      %dma_wait3A_310 = tpu.memref_slice %arg9[%run_scoped3A_64, %dma_wait3A_309] : memref<25x100xi32, #tpu.memory_space<vmem>> -> memref<1x100xi32, #tpu.memory_space<vmem>>
      %dma_wait3A_311 = tpu.memref_squeeze %dma_wait3A_310 : memref<1x100xi32, #tpu.memory_space<vmem>> -> memref<100xi32, #tpu.memory_space<vmem>>
      %dma_wait3A_312 = arith.constant 0 : i32
      %dma_wait3A_313 = arith.constant 0 : i32
      %dma_wait3A_314 = tpu.memref_slice %arg7[%dma_wait3A_312, %dma_wait3A_313] : memref<10112x128xf32, #tpu.memory_space<vmem_shared>> -> memref<10112x128xf32, #tpu.memory_space<vmem_shared>>
      tpu.wait_indirect_dma semaphore(%run_scoped3A_302 : memref<!tpu.dma_semaphore, #tpu.memory_space<semaphore_mem>>) src(%arg12 : memref<100x128xf32, #tpu.memory_space<vmem>>) dst(%dma_wait3A_314 : memref<10112x128xf32, #tpu.memory_space<vmem_shared>>)
      tpu.yield
    }) : () -> ()
    %dma_wait3A_65 = arith.constant 24 : i32
    %dma_wait3A_66 = arith.constant 0 : i32
    %dma_wait3A_67 = tpu.memref_slice %arg8[%dma_wait3A_65, %dma_wait3A_66] : memref<25x100xi32, #tpu.memory_space<vmem>> -> memref<1x100xi32, #tpu.memory_space<vmem>>
    %dma_wait3A_68 = tpu.memref_squeeze %dma_wait3A_67 : memref<1x100xi32, #tpu.memory_space<vmem>> -> memref<100xi32, #tpu.memory_space<vmem>>
    %dma_wait3A_69 = arith.constant 0 : i32
    %dma_wait3A_70 = arith.constant 0 : i32
    %dma_wait3A_71 = tpu.memref_slice %arg2[%dma_wait3A_69, %dma_wait3A_70] : memref<10000x128xf32, #tpu.memory_space<hbm>> -> memref<10000x128xf32, #tpu.memory_space<hbm>>
    tpu.wait_indirect_dma semaphore(%arg13 : memref<!tpu.dma_semaphore, #tpu.memory_space<semaphore_mem>>) src(%dma_wait3A_71 : memref<10000x128xf32, #tpu.memory_space<hbm>>) dst(%arg10 : memref<100x128xf32, #tpu.memory_space<vmem>>)
    %run_scoped3A_72 = arith.constant 24 : i32
    "tpu.region"() ({
      %run_scoped3A_302 = tpu.sem_alloc : memref<!tpu.dma_semaphore, #tpu.memory_space<semaphore_mem>>
      %dma_start3A_303 = arith.constant 0 : i32
      %dma_start3A_304 = tpu.memref_slice %arg9[%run_scoped3A_72, %dma_start3A_303] : memref<25x100xi32, #tpu.memory_space<vmem>> -> memref<1x100xi32, #tpu.memory_space<vmem>>
      %dma_start3A_305 = tpu.memref_squeeze %dma_start3A_304 : memref<1x100xi32, #tpu.memory_space<vmem>> -> memref<100xi32, #tpu.memory_space<vmem>>
      %dma_start3A_306 = arith.constant 0 : i32
      %dma_start3A_307 = arith.constant 0 : i32
      %dma_start3A_308 = tpu.memref_slice %arg7[%dma_start3A_306, %dma_start3A_307] : memref<10112x128xf32, #tpu.memory_space<vmem_shared>> -> memref<10112x128xf32, #tpu.memory_space<vmem_shared>>
      tpu.enqueue_indirect_dma source(%arg10 : memref<100x128xf32, #tpu.memory_space<vmem>>) target(%dma_start3A_308 : memref<10112x128xf32, #tpu.memory_space<vmem_shared>>) offsets(%dma_start3A_305 : memref<100xi32, #tpu.memory_space<vmem>>) semaphore(%run_scoped3A_302 : memref<!tpu.dma_semaphore, #tpu.memory_space<semaphore_mem>>) {add = true}
      %dma_wait3A_309 = arith.constant 0 : i32
      %dma_wait3A_310 = tpu.memref_slice %arg9[%run_scoped3A_72, %dma_wait3A_309] : memref<25x100xi32, #tpu.memory_space<vmem>> -> memref<1x100xi32, #tpu.memory_space<vmem>>
      %dma_wait3A_311 = tpu.memref_squeeze %dma_wait3A_310 : memref<1x100xi32, #tpu.memory_space<vmem>> -> memref<100xi32, #tpu.memory_space<vmem>>
      %dma_wait3A_312 = arith.constant 0 : i32
      %dma_wait3A_313 = arith.constant 0 : i32
      %dma_wait3A_314 = tpu.memref_slice %arg7[%dma_wait3A_312, %dma_wait3A_313] : memref<10112x128xf32, #tpu.memory_space<vmem_shared>> -> memref<10112x128xf32, #tpu.memory_space<vmem_shared>>
      tpu.wait_indirect_dma semaphore(%run_scoped3A_302 : memref<!tpu.dma_semaphore, #tpu.memory_space<semaphore_mem>>) src(%arg10 : memref<100x128xf32, #tpu.memory_space<vmem>>) dst(%dma_wait3A_314 : memref<10112x128xf32, #tpu.memory_space<vmem_shared>>)
      tpu.yield
    }) : () -> ()
    %mul3A_73 = arith.constant 4 : i32
    %mul3A_74 = arith.muli %mul3A_73, %add3A : i32
    %add3A_75 = arith.constant 1 : i32
    %add3A_76 = arith.addi %mul3A_74, %add3A_75 : i32
    "tpu.region"() ({
      %run_scoped3A_302 = tpu.sem_alloc : memref<!tpu.dma_semaphore, #tpu.memory_space<semaphore_mem>>
      %dma_start3A_303 = arith.constant 0 : i32
      %dma_start3A_304 = arith.constant 0 : i32
      %dma_start3A_305 = tpu.memref_slice %arg3[%add3A_76, %dma_start3A_303, %dma_start3A_304] : memref<128x25x100xi32, #tpu.memory_space<hbm>> -> memref<1x25x100xi32, #tpu.memory_space<hbm>>
      %dma_start3A_306 = tpu.memref_squeeze %dma_start3A_305 : memref<1x25x100xi32, #tpu.memory_space<hbm>> -> memref<25x100xi32, #tpu.memory_space<hbm>>
      %dma_start3A_307 = arith.constant 0 : i32
      %dma_start3A_308 = arith.constant 0 : i32
      %dma_start3A_309 = tpu.memref_slice %arg3[%add3A_76, %dma_start3A_307, %dma_start3A_308] : memref<128x25x100xi32, #tpu.memory_space<hbm>> -> memref<1x25x100xi32, #tpu.memory_space<hbm>>
      %dma_start3A_310 = tpu.memref_squeeze %dma_start3A_309 : memref<1x25x100xi32, #tpu.memory_space<hbm>> -> memref<25x100xi32, #tpu.memory_space<hbm>>
      tpu.enqueue_dma source(%dma_start3A_310 : memref<25x100xi32, #tpu.memory_space<hbm>>) target(%arg8 : memref<25x100xi32, #tpu.memory_space<vmem>>) target_semaphore(%run_scoped3A_302 : memref<!tpu.dma_semaphore, #tpu.memory_space<semaphore_mem>>)
      %dma_wait3A_311 = arith.constant 0 : i32
      %dma_wait3A_312 = arith.constant 0 : i32
      %dma_wait3A_313 = tpu.memref_slice %arg3[%add3A_76, %dma_wait3A_311, %dma_wait3A_312] : memref<128x25x100xi32, #tpu.memory_space<hbm>> -> memref<1x25x100xi32, #tpu.memory_space<hbm>>
      %dma_wait3A_314 = tpu.memref_squeeze %dma_wait3A_313 : memref<1x25x100xi32, #tpu.memory_space<hbm>> -> memref<25x100xi32, #tpu.memory_space<hbm>>
      %dma_wait3A_315 = arith.constant 0 : i32
      %dma_wait3A_316 = arith.constant 0 : i32
      %dma_wait3A_317 = tpu.memref_slice %arg3[%add3A_76, %dma_wait3A_315, %dma_wait3A_316] : memref<128x25x100xi32, #tpu.memory_space<hbm>> -> memref<1x25x100xi32, #tpu.memory_space<hbm>>
      %dma_wait3A_318 = tpu.memref_squeeze %dma_wait3A_317 : memref<1x25x100xi32, #tpu.memory_space<hbm>> -> memref<25x100xi32, #tpu.memory_space<hbm>>
      tpu.wait_dma2 semaphore(%run_scoped3A_302 : memref<!tpu.dma_semaphore, #tpu.memory_space<semaphore_mem>>) src(%dma_wait3A_318 : memref<25x100xi32, #tpu.memory_space<hbm>>) dst(%arg8 : memref<25x100xi32, #tpu.memory_space<vmem>>)
      tpu.yield
    }) : () -> ()
    %mul3A_77 = arith.constant 4 : i32
    %mul3A_78 = arith.muli %mul3A_77, %add3A : i32
    %add3A_79 = arith.constant 1 : i32
    %add3A_80 = arith.addi %mul3A_78, %add3A_79 : i32
    "tpu.region"() ({
      %run_scoped3A_302 = tpu.sem_alloc : memref<!tpu.dma_semaphore, #tpu.memory_space<semaphore_mem>>
      %dma_start3A_303 = arith.constant 0 : i32
      %dma_start3A_304 = arith.constant 0 : i32
      %dma_start3A_305 = tpu.memref_slice %arg4[%add3A_80, %dma_start3A_303, %dma_start3A_304] : memref<128x25x100xi32, #tpu.memory_space<hbm>> -> memref<1x25x100xi32, #tpu.memory_space<hbm>>
      %dma_start3A_306 = tpu.memref_squeeze %dma_start3A_305 : memref<1x25x100xi32, #tpu.memory_space<hbm>> -> memref<25x100xi32, #tpu.memory_space<hbm>>
      %dma_start3A_307 = arith.constant 0 : i32
      %dma_start3A_308 = arith.constant 0 : i32
      %dma_start3A_309 = tpu.memref_slice %arg4[%add3A_80, %dma_start3A_307, %dma_start3A_308] : memref<128x25x100xi32, #tpu.memory_space<hbm>> -> memref<1x25x100xi32, #tpu.memory_space<hbm>>
      %dma_start3A_310 = tpu.memref_squeeze %dma_start3A_309 : memref<1x25x100xi32, #tpu.memory_space<hbm>> -> memref<25x100xi32, #tpu.memory_space<hbm>>
      tpu.enqueue_dma source(%dma_start3A_310 : memref<25x100xi32, #tpu.memory_space<hbm>>) target(%arg9 : memref<25x100xi32, #tpu.memory_space<vmem>>) target_semaphore(%run_scoped3A_302 : memref<!tpu.dma_semaphore, #tpu.memory_space<semaphore_mem>>)
      %dma_wait3A_311 = arith.constant 0 : i32
      %dma_wait3A_312 = arith.constant 0 : i32
      %dma_wait3A_313 = tpu.memref_slice %arg4[%add3A_80, %dma_wait3A_311, %dma_wait3A_312] : memref<128x25x100xi32, #tpu.memory_space<hbm>> -> memref<1x25x100xi32, #tpu.memory_space<hbm>>
      %dma_wait3A_314 = tpu.memref_squeeze %dma_wait3A_313 : memref<1x25x100xi32, #tpu.memory_space<hbm>> -> memref<25x100xi32, #tpu.memory_space<hbm>>
      %dma_wait3A_315 = arith.constant 0 : i32
      %dma_wait3A_316 = arith.constant 0 : i32
      %dma_wait3A_317 = tpu.memref_slice %arg4[%add3A_80, %dma_wait3A_315, %dma_wait3A_316] : memref<128x25x100xi32, #tpu.memory_space<hbm>> -> memref<1x25x100xi32, #tpu.memory_space<hbm>>
      %dma_wait3A_318 = tpu.memref_squeeze %dma_wait3A_317 : memref<1x25x100xi32, #tpu.memory_space<hbm>> -> memref<25x100xi32, #tpu.memory_space<hbm>>
      tpu.wait_dma2 semaphore(%run_scoped3A_302 : memref<!tpu.dma_semaphore, #tpu.memory_space<semaphore_mem>>) src(%dma_wait3A_318 : memref<25x100xi32, #tpu.memory_space<hbm>>) dst(%arg9 : memref<25x100xi32, #tpu.memory_space<vmem>>)
      tpu.yield
    }) : () -> ()
    %dma_start3A_81 = arith.constant 0 : i32
    %dma_start3A_82 = arith.constant 0 : i32
    %dma_start3A_83 = tpu.memref_slice %arg8[%dma_start3A_81, %dma_start3A_82] : memref<25x100xi32, #tpu.memory_space<vmem>> -> memref<1x100xi32, #tpu.memory_space<vmem>>
    %dma_start3A_84 = tpu.memref_squeeze %dma_start3A_83 : memref<1x100xi32, #tpu.memory_space<vmem>> -> memref<100xi32, #tpu.memory_space<vmem>>
    %dma_start3A_85 = arith.constant 0 : i32
    %dma_start3A_86 = arith.constant 0 : i32
    %dma_start3A_87 = tpu.memref_slice %arg2[%dma_start3A_85, %dma_start3A_86] : memref<10000x128xf32, #tpu.memory_space<hbm>> -> memref<10000x128xf32, #tpu.memory_space<hbm>>
    tpu.enqueue_indirect_dma source(%dma_start3A_87 : memref<10000x128xf32, #tpu.memory_space<hbm>>) target(%arg10 : memref<100x128xf32, #tpu.memory_space<vmem>>) offsets(%dma_start3A_84 : memref<100xi32, #tpu.memory_space<vmem>>) semaphore(%arg13 : memref<!tpu.dma_semaphore, #tpu.memory_space<semaphore_mem>>)
    %dma_start3A_88 = arith.constant 1 : i32
    %dma_start3A_89 = arith.constant 0 : i32
    %dma_start3A_90 = tpu.memref_slice %arg8[%dma_start3A_88, %dma_start3A_89] : memref<25x100xi32, #tpu.memory_space<vmem>> -> memref<1x100xi32, #tpu.memory_space<vmem>>
    %dma_start3A_91 = tpu.memref_squeeze %dma_start3A_90 : memref<1x100xi32, #tpu.memory_space<vmem>> -> memref<100xi32, #tpu.memory_space<vmem>>
    %dma_start3A_92 = arith.constant 0 : i32
    %dma_start3A_93 = arith.constant 0 : i32
    %dma_start3A_94 = tpu.memref_slice %arg2[%dma_start3A_92, %dma_start3A_93] : memref<10000x128xf32, #tpu.memory_space<hbm>> -> memref<10000x128xf32, #tpu.memory_space<hbm>>
    tpu.enqueue_indirect_dma source(%dma_start3A_94 : memref<10000x128xf32, #tpu.memory_space<hbm>>) target(%arg11 : memref<100x128xf32, #tpu.memory_space<vmem>>) offsets(%dma_start3A_91 : memref<100xi32, #tpu.memory_space<vmem>>) semaphore(%arg14 : memref<!tpu.dma_semaphore, #tpu.memory_space<semaphore_mem>>)
    %dma_start3A_95 = arith.constant 2 : i32
    %dma_start3A_96 = arith.constant 0 : i32
    %dma_start3A_97 = tpu.memref_slice %arg8[%dma_start3A_95, %dma_start3A_96] : memref<25x100xi32, #tpu.memory_space<vmem>> -> memref<1x100xi32, #tpu.memory_space<vmem>>
    %dma_start3A_98 = tpu.memref_squeeze %dma_start3A_97 : memref<1x100xi32, #tpu.memory_space<vmem>> -> memref<100xi32, #tpu.memory_space<vmem>>
    %dma_start3A_99 = arith.constant 0 : i32
    %dma_start3A_100 = arith.constant 0 : i32
    %dma_start3A_101 = tpu.memref_slice %arg2[%dma_start3A_99, %dma_start3A_100] : memref<10000x128xf32, #tpu.memory_space<hbm>> -> memref<10000x128xf32, #tpu.memory_space<hbm>>
    tpu.enqueue_indirect_dma source(%dma_start3A_101 : memref<10000x128xf32, #tpu.memory_space<hbm>>) target(%arg12 : memref<100x128xf32, #tpu.memory_space<vmem>>) offsets(%dma_start3A_98 : memref<100xi32, #tpu.memory_space<vmem>>) semaphore(%arg15 : memref<!tpu.dma_semaphore, #tpu.memory_space<semaphore_mem>>)
    %scan3A_102 = arith.constant 0 : i32
    %scan3A_103 = arith.constant 0 : i32
    %scan3A_104 = arith.constant 7 : i32
    %scan3A_105 = arith.addi %scan3A_103, %scan3A_104 : i32
    %scan3A_106 = arith.constant 1 : i32
    scf.for %scan3A_302 = %scan3A_103 to %scan3A_105 step %scan3A_106  : i32 {
      %mul3A_303 = arith.constant 3 : i32
      %mul3A_304 = arith.muli %mul3A_303, %scan3A_302 : i32
      %dma_wait3A_305 = arith.constant 0 : i32
      %dma_wait3A_306 = tpu.memref_slice %arg8[%mul3A_304, %dma_wait3A_305] : memref<25x100xi32, #tpu.memory_space<vmem>> -> memref<1x100xi32, #tpu.memory_space<vmem>>
      %dma_wait3A_307 = tpu.memref_squeeze %dma_wait3A_306 : memref<1x100xi32, #tpu.memory_space<vmem>> -> memref<100xi32, #tpu.memory_space<vmem>>
      %dma_wait3A_308 = arith.constant 0 : i32
      %dma_wait3A_309 = arith.constant 0 : i32
      %dma_wait3A_310 = tpu.memref_slice %arg2[%dma_wait3A_308, %dma_wait3A_309] : memref<10000x128xf32, #tpu.memory_space<hbm>> -> memref<10000x128xf32, #tpu.memory_space<hbm>>
      tpu.wait_indirect_dma semaphore(%arg13 : memref<!tpu.dma_semaphore, #tpu.memory_space<semaphore_mem>>) src(%dma_wait3A_310 : memref<10000x128xf32, #tpu.memory_space<hbm>>) dst(%arg10 : memref<100x128xf32, #tpu.memory_space<vmem>>)
      "tpu.region"() ({
        %run_scoped3A_351 = tpu.sem_alloc : memref<!tpu.dma_semaphore, #tpu.memory_space<semaphore_mem>>
        %dma_start3A_352 = arith.constant 0 : i32
        %dma_start3A_353 = tpu.memref_slice %arg9[%mul3A_304, %dma_start3A_352] : memref<25x100xi32, #tpu.memory_space<vmem>> -> memref<1x100xi32, #tpu.memory_space<vmem>>
        %dma_start3A_354 = tpu.memref_squeeze %dma_start3A_353 : memref<1x100xi32, #tpu.memory_space<vmem>> -> memref<100xi32, #tpu.memory_space<vmem>>
        %dma_start3A_355 = arith.constant 0 : i32
        %dma_start3A_356 = arith.constant 0 : i32
        %dma_start3A_357 = tpu.memref_slice %arg7[%dma_start3A_355, %dma_start3A_356] : memref<10112x128xf32, #tpu.memory_space<vmem_shared>> -> memref<10112x128xf32, #tpu.memory_space<vmem_shared>>
        tpu.enqueue_indirect_dma source(%arg10 : memref<100x128xf32, #tpu.memory_space<vmem>>) target(%dma_start3A_357 : memref<10112x128xf32, #tpu.memory_space<vmem_shared>>) offsets(%dma_start3A_354 : memref<100xi32, #tpu.memory_space<vmem>>) semaphore(%run_scoped3A_351 : memref<!tpu.dma_semaphore, #tpu.memory_space<semaphore_mem>>) {add = true}
        %dma_wait3A_358 = arith.constant 0 : i32
        %dma_wait3A_359 = tpu.memref_slice %arg9[%mul3A_304, %dma_wait3A_358] : memref<25x100xi32, #tpu.memory_space<vmem>> -> memref<1x100xi32, #tpu.memory_space<vmem>>
        %dma_wait3A_360 = tpu.memref_squeeze %dma_wait3A_359 : memref<1x100xi32, #tpu.memory_space<vmem>> -> memref<100xi32, #tpu.memory_space<vmem>>
        %dma_wait3A_361 = arith.constant 0 : i32
        %dma_wait3A_362 = arith.constant 0 : i32
        %dma_wait3A_363 = tpu.memref_slice %arg7[%dma_wait3A_361, %dma_wait3A_362] : memref<10112x128xf32, #tpu.memory_space<vmem_shared>> -> memref<10112x128xf32, #tpu.memory_space<vmem_shared>>
        tpu.wait_indirect_dma semaphore(%run_scoped3A_351 : memref<!tpu.dma_semaphore, #tpu.memory_space<semaphore_mem>>) src(%arg10 : memref<100x128xf32, #tpu.memory_space<vmem>>) dst(%dma_wait3A_363 : memref<10112x128xf32, #tpu.memory_space<vmem_shared>>)
        tpu.yield
      }) : () -> ()
      %add3A_311 = arith.constant 3 : i32
      %add3A_312 = arith.addi %mul3A_304, %add3A_311 : i32
      %dma_start3A_313 = arith.constant 0 : i32
      %dma_start3A_314 = tpu.memref_slice %arg8[%add3A_312, %dma_start3A_313] : memref<25x100xi32, #tpu.memory_space<vmem>> -> memref<1x100xi32, #tpu.memory_space<vmem>>
      %dma_start3A_315 = tpu.memref_squeeze %dma_start3A_314 : memref<1x100xi32, #tpu.memory_space<vmem>> -> memref<100xi32, #tpu.memory_space<vmem>>
      %dma_start3A_316 = arith.constant 0 : i32
      %dma_start3A_317 = arith.constant 0 : i32
      %dma_start3A_318 = tpu.memref_slice %arg2[%dma_start3A_316, %dma_start3A_317] : memref<10000x128xf32, #tpu.memory_space<hbm>> -> memref<10000x128xf32, #tpu.memory_space<hbm>>
      tpu.enqueue_indirect_dma source(%dma_start3A_318 : memref<10000x128xf32, #tpu.memory_space<hbm>>) target(%arg10 : memref<100x128xf32, #tpu.memory_space<vmem>>) offsets(%dma_start3A_315 : memref<100xi32, #tpu.memory_space<vmem>>) semaphore(%arg13 : memref<!tpu.dma_semaphore, #tpu.memory_space<semaphore_mem>>)
      %add3A_319 = arith.constant 1 : i32
      %add3A_320 = arith.addi %mul3A_304, %add3A_319 : i32
      %dma_wait3A_321 = arith.constant 0 : i32
      %dma_wait3A_322 = tpu.memref_slice %arg8[%add3A_320, %dma_wait3A_321] : memref<25x100xi32, #tpu.memory_space<vmem>> -> memref<1x100xi32, #tpu.memory_space<vmem>>
      %dma_wait3A_323 = tpu.memref_squeeze %dma_wait3A_322 : memref<1x100xi32, #tpu.memory_space<vmem>> -> memref<100xi32, #tpu.memory_space<vmem>>
      %dma_wait3A_324 = arith.constant 0 : i32
      %dma_wait3A_325 = arith.constant 0 : i32
      %dma_wait3A_326 = tpu.memref_slice %arg2[%dma_wait3A_324, %dma_wait3A_325] : memref<10000x128xf32, #tpu.memory_space<hbm>> -> memref<10000x128xf32, #tpu.memory_space<hbm>>
      tpu.wait_indirect_dma semaphore(%arg14 : memref<!tpu.dma_semaphore, #tpu.memory_space<semaphore_mem>>) src(%dma_wait3A_326 : memref<10000x128xf32, #tpu.memory_space<hbm>>) dst(%arg11 : memref<100x128xf32, #tpu.memory_space<vmem>>)
      "tpu.region"() ({
        %run_scoped3A_351 = tpu.sem_alloc : memref<!tpu.dma_semaphore, #tpu.memory_space<semaphore_mem>>
        %dma_start3A_352 = arith.constant 0 : i32
        %dma_start3A_353 = tpu.memref_slice %arg9[%add3A_320, %dma_start3A_352] : memref<25x100xi32, #tpu.memory_space<vmem>> -> memref<1x100xi32, #tpu.memory_space<vmem>>
        %dma_start3A_354 = tpu.memref_squeeze %dma_start3A_353 : memref<1x100xi32, #tpu.memory_space<vmem>> -> memref<100xi32, #tpu.memory_space<vmem>>
        %dma_start3A_355 = arith.constant 0 : i32
        %dma_start3A_356 = arith.constant 0 : i32
        %dma_start3A_357 = tpu.memref_slice %arg7[%dma_start3A_355, %dma_start3A_356] : memref<10112x128xf32, #tpu.memory_space<vmem_shared>> -> memref<10112x128xf32, #tpu.memory_space<vmem_shared>>
        tpu.enqueue_indirect_dma source(%arg11 : memref<100x128xf32, #tpu.memory_space<vmem>>) target(%dma_start3A_357 : memref<10112x128xf32, #tpu.memory_space<vmem_shared>>) offsets(%dma_start3A_354 : memref<100xi32, #tpu.memory_space<vmem>>) semaphore(%run_scoped3A_351 : memref<!tpu.dma_semaphore, #tpu.memory_space<semaphore_mem>>) {add = true}
        %dma_wait3A_358 = arith.constant 0 : i32
        %dma_wait3A_359 = tpu.memref_slice %arg9[%add3A_320, %dma_wait3A_358] : memref<25x100xi32, #tpu.memory_space<vmem>> -> memref<1x100xi32, #tpu.memory_space<vmem>>
        %dma_wait3A_360 = tpu.memref_squeeze %dma_wait3A_359 : memref<1x100xi32, #tpu.memory_space<vmem>> -> memref<100xi32, #tpu.memory_space<vmem>>
        %dma_wait3A_361 = arith.constant 0 : i32
        %dma_wait3A_362 = arith.constant 0 : i32
        %dma_wait3A_363 = tpu.memref_slice %arg7[%dma_wait3A_361, %dma_wait3A_362] : memref<10112x128xf32, #tpu.memory_space<vmem_shared>> -> memref<10112x128xf32, #tpu.memory_space<vmem_shared>>
        tpu.wait_indirect_dma semaphore(%run_scoped3A_351 : memref<!tpu.dma_semaphore, #tpu.memory_space<semaphore_mem>>) src(%arg11 : memref<100x128xf32, #tpu.memory_space<vmem>>) dst(%dma_wait3A_363 : memref<10112x128xf32, #tpu.memory_space<vmem_shared>>)
        tpu.yield
      }) : () -> ()
      %add3A_327 = arith.constant 4 : i32
      %add3A_328 = arith.addi %mul3A_304, %add3A_327 : i32
      %dma_start3A_329 = arith.constant 0 : i32
      %dma_start3A_330 = tpu.memref_slice %arg8[%add3A_328, %dma_start3A_329] : memref<25x100xi32, #tpu.memory_space<vmem>> -> memref<1x100xi32, #tpu.memory_space<vmem>>
      %dma_start3A_331 = tpu.memref_squeeze %dma_start3A_330 : memref<1x100xi32, #tpu.memory_space<vmem>> -> memref<100xi32, #tpu.memory_space<vmem>>
      %dma_start3A_332 = arith.constant 0 : i32
      %dma_start3A_333 = arith.constant 0 : i32
      %dma_start3A_334 = tpu.memref_slice %arg2[%dma_start3A_332, %dma_start3A_333] : memref<10000x128xf32, #tpu.memory_space<hbm>> -> memref<10000x128xf32, #tpu.memory_space<hbm>>
      tpu.enqueue_indirect_dma source(%dma_start3A_334 : memref<10000x128xf32, #tpu.memory_space<hbm>>) target(%arg11 : memref<100x128xf32, #tpu.memory_space<vmem>>) offsets(%dma_start3A_331 : memref<100xi32, #tpu.memory_space<vmem>>) semaphore(%arg14 : memref<!tpu.dma_semaphore, #tpu.memory_space<semaphore_mem>>)
      %add3A_335 = arith.constant 2 : i32
      %add3A_336 = arith.addi %mul3A_304, %add3A_335 : i32
      %dma_wait3A_337 = arith.constant 0 : i32
      %dma_wait3A_338 = tpu.memref_slice %arg8[%add3A_336, %dma_wait3A_337] : memref<25x100xi32, #tpu.memory_space<vmem>> -> memref<1x100xi32, #tpu.memory_space<vmem>>
      %dma_wait3A_339 = tpu.memref_squeeze %dma_wait3A_338 : memref<1x100xi32, #tpu.memory_space<vmem>> -> memref<100xi32, #tpu.memory_space<vmem>>
      %dma_wait3A_340 = arith.constant 0 : i32
      %dma_wait3A_341 = arith.constant 0 : i32
      %dma_wait3A_342 = tpu.memref_slice %arg2[%dma_wait3A_340, %dma_wait3A_341] : memref<10000x128xf32, #tpu.memory_space<hbm>> -> memref<10000x128xf32, #tpu.memory_space<hbm>>
      tpu.wait_indirect_dma semaphore(%arg15 : memref<!tpu.dma_semaphore, #tpu.memory_space<semaphore_mem>>) src(%dma_wait3A_342 : memref<10000x128xf32, #tpu.memory_space<hbm>>) dst(%arg12 : memref<100x128xf32, #tpu.memory_space<vmem>>)
      "tpu.region"() ({
        %run_scoped3A_351 = tpu.sem_alloc : memref<!tpu.dma_semaphore, #tpu.memory_space<semaphore_mem>>
        %dma_start3A_352 = arith.constant 0 : i32
        %dma_start3A_353 = tpu.memref_slice %arg9[%add3A_336, %dma_start3A_352] : memref<25x100xi32, #tpu.memory_space<vmem>> -> memref<1x100xi32, #tpu.memory_space<vmem>>
        %dma_start3A_354 = tpu.memref_squeeze %dma_start3A_353 : memref<1x100xi32, #tpu.memory_space<vmem>> -> memref<100xi32, #tpu.memory_space<vmem>>
        %dma_start3A_355 = arith.constant 0 : i32
        %dma_start3A_356 = arith.constant 0 : i32
        %dma_start3A_357 = tpu.memref_slice %arg7[%dma_start3A_355, %dma_start3A_356] : memref<10112x128xf32, #tpu.memory_space<vmem_shared>> -> memref<10112x128xf32, #tpu.memory_space<vmem_shared>>
        tpu.enqueue_indirect_dma source(%arg12 : memref<100x128xf32, #tpu.memory_space<vmem>>) target(%dma_start3A_357 : memref<10112x128xf32, #tpu.memory_space<vmem_shared>>) offsets(%dma_start3A_354 : memref<100xi32, #tpu.memory_space<vmem>>) semaphore(%run_scoped3A_351 : memref<!tpu.dma_semaphore, #tpu.memory_space<semaphore_mem>>) {add = true}
        %dma_wait3A_358 = arith.constant 0 : i32
        %dma_wait3A_359 = tpu.memref_slice %arg9[%add3A_336, %dma_wait3A_358] : memref<25x100xi32, #tpu.memory_space<vmem>> -> memref<1x100xi32, #tpu.memory_space<vmem>>
        %dma_wait3A_360 = tpu.memref_squeeze %dma_wait3A_359 : memref<1x100xi32, #tpu.memory_space<vmem>> -> memref<100xi32, #tpu.memory_space<vmem>>
        %dma_wait3A_361 = arith.constant 0 : i32
        %dma_wait3A_362 = arith.constant 0 : i32
        %dma_wait3A_363 = tpu.memref_slice %arg7[%dma_wait3A_361, %dma_wait3A_362] : memref<10112x128xf32, #tpu.memory_space<vmem_shared>> -> memref<10112x128xf32, #tpu.memory_space<vmem_shared>>
        tpu.wait_indirect_dma semaphore(%run_scoped3A_351 : memref<!tpu.dma_semaphore, #tpu.memory_space<semaphore_mem>>) src(%arg12 : memref<100x128xf32, #tpu.memory_space<vmem>>) dst(%dma_wait3A_363 : memref<10112x128xf32, #tpu.memory_space<vmem_shared>>)
        tpu.yield
      }) : () -> ()
      %add3A_343 = arith.constant 5 : i32
      %add3A_344 = arith.addi %mul3A_304, %add3A_343 : i32
      %dma_start3A_345 = arith.constant 0 : i32
      %dma_start3A_346 = tpu.memref_slice %arg8[%add3A_344, %dma_start3A_345] : memref<25x100xi32, #tpu.memory_space<vmem>> -> memref<1x100xi32, #tpu.memory_space<vmem>>
      %dma_start3A_347 = tpu.memref_squeeze %dma_start3A_346 : memref<1x100xi32, #tpu.memory_space<vmem>> -> memref<100xi32, #tpu.memory_space<vmem>>
      %dma_start3A_348 = arith.constant 0 : i32
      %dma_start3A_349 = arith.constant 0 : i32
      %dma_start3A_350 = tpu.memref_slice %arg2[%dma_start3A_348, %dma_start3A_349] : memref<10000x128xf32, #tpu.memory_space<hbm>> -> memref<10000x128xf32, #tpu.memory_space<hbm>>
      tpu.enqueue_indirect_dma source(%dma_start3A_350 : memref<10000x128xf32, #tpu.memory_space<hbm>>) target(%arg12 : memref<100x128xf32, #tpu.memory_space<vmem>>) offsets(%dma_start3A_347 : memref<100xi32, #tpu.memory_space<vmem>>) semaphore(%arg15 : memref<!tpu.dma_semaphore, #tpu.memory_space<semaphore_mem>>)
    }
    %scan3A_107 = arith.constant 7 : i32
    %dma_wait3A_108 = arith.constant 21 : i32
    %dma_wait3A_109 = arith.constant 0 : i32
    %dma_wait3A_110 = tpu.memref_slice %arg8[%dma_wait3A_108, %dma_wait3A_109] : memref<25x100xi32, #tpu.memory_space<vmem>> -> memref<1x100xi32, #tpu.memory_space<vmem>>
    %dma_wait3A_111 = tpu.memref_squeeze %dma_wait3A_110 : memref<1x100xi32, #tpu.memory_space<vmem>> -> memref<100xi32, #tpu.memory_space<vmem>>
    %dma_wait3A_112 = arith.constant 0 : i32
    %dma_wait3A_113 = arith.constant 0 : i32
    %dma_wait3A_114 = tpu.memref_slice %arg2[%dma_wait3A_112, %dma_wait3A_113] : memref<10000x128xf32, #tpu.memory_space<hbm>> -> memref<10000x128xf32, #tpu.memory_space<hbm>>
    tpu.wait_indirect_dma semaphore(%arg13 : memref<!tpu.dma_semaphore, #tpu.memory_space<semaphore_mem>>) src(%dma_wait3A_114 : memref<10000x128xf32, #tpu.memory_space<hbm>>) dst(%arg10 : memref<100x128xf32, #tpu.memory_space<vmem>>)
    %run_scoped3A_115 = arith.constant 21 : i32
    "tpu.region"() ({
      %run_scoped3A_302 = tpu.sem_alloc : memref<!tpu.dma_semaphore, #tpu.memory_space<semaphore_mem>>
      %dma_start3A_303 = arith.constant 0 : i32
      %dma_start3A_304 = tpu.memref_slice %arg9[%run_scoped3A_115, %dma_start3A_303] : memref<25x100xi32, #tpu.memory_space<vmem>> -> memref<1x100xi32, #tpu.memory_space<vmem>>
      %dma_start3A_305 = tpu.memref_squeeze %dma_start3A_304 : memref<1x100xi32, #tpu.memory_space<vmem>> -> memref<100xi32, #tpu.memory_space<vmem>>
      %dma_start3A_306 = arith.constant 0 : i32
      %dma_start3A_307 = arith.constant 0 : i32
      %dma_start3A_308 = tpu.memref_slice %arg7[%dma_start3A_306, %dma_start3A_307] : memref<10112x128xf32, #tpu.memory_space<vmem_shared>> -> memref<10112x128xf32, #tpu.memory_space<vmem_shared>>
      tpu.enqueue_indirect_dma source(%arg10 : memref<100x128xf32, #tpu.memory_space<vmem>>) target(%dma_start3A_308 : memref<10112x128xf32, #tpu.memory_space<vmem_shared>>) offsets(%dma_start3A_305 : memref<100xi32, #tpu.memory_space<vmem>>) semaphore(%run_scoped3A_302 : memref<!tpu.dma_semaphore, #tpu.memory_space<semaphore_mem>>) {add = true}
      %dma_wait3A_309 = arith.constant 0 : i32
      %dma_wait3A_310 = tpu.memref_slice %arg9[%run_scoped3A_115, %dma_wait3A_309] : memref<25x100xi32, #tpu.memory_space<vmem>> -> memref<1x100xi32, #tpu.memory_space<vmem>>
      %dma_wait3A_311 = tpu.memref_squeeze %dma_wait3A_310 : memref<1x100xi32, #tpu.memory_space<vmem>> -> memref<100xi32, #tpu.memory_space<vmem>>
      %dma_wait3A_312 = arith.constant 0 : i32
      %dma_wait3A_313 = arith.constant 0 : i32
      %dma_wait3A_314 = tpu.memref_slice %arg7[%dma_wait3A_312, %dma_wait3A_313] : memref<10112x128xf32, #tpu.memory_space<vmem_shared>> -> memref<10112x128xf32, #tpu.memory_space<vmem_shared>>
      tpu.wait_indirect_dma semaphore(%run_scoped3A_302 : memref<!tpu.dma_semaphore, #tpu.memory_space<semaphore_mem>>) src(%arg10 : memref<100x128xf32, #tpu.memory_space<vmem>>) dst(%dma_wait3A_314 : memref<10112x128xf32, #tpu.memory_space<vmem_shared>>)
      tpu.yield
    }) : () -> ()
    %dma_start3A_116 = arith.constant 24 : i32
    %dma_start3A_117 = arith.constant 0 : i32
    %dma_start3A_118 = tpu.memref_slice %arg8[%dma_start3A_116, %dma_start3A_117] : memref<25x100xi32, #tpu.memory_space<vmem>> -> memref<1x100xi32, #tpu.memory_space<vmem>>
    %dma_start3A_119 = tpu.memref_squeeze %dma_start3A_118 : memref<1x100xi32, #tpu.memory_space<vmem>> -> memref<100xi32, #tpu.memory_space<vmem>>
    %dma_start3A_120 = arith.constant 0 : i32
    %dma_start3A_121 = arith.constant 0 : i32
    %dma_start3A_122 = tpu.memref_slice %arg2[%dma_start3A_120, %dma_start3A_121] : memref<10000x128xf32, #tpu.memory_space<hbm>> -> memref<10000x128xf32, #tpu.memory_space<hbm>>
    tpu.enqueue_indirect_dma source(%dma_start3A_122 : memref<10000x128xf32, #tpu.memory_space<hbm>>) target(%arg10 : memref<100x128xf32, #tpu.memory_space<vmem>>) offsets(%dma_start3A_119 : memref<100xi32, #tpu.memory_space<vmem>>) semaphore(%arg13 : memref<!tpu.dma_semaphore, #tpu.memory_space<semaphore_mem>>)
    %dma_wait3A_123 = arith.constant 22 : i32
    %dma_wait3A_124 = arith.constant 0 : i32
    %dma_wait3A_125 = tpu.memref_slice %arg8[%dma_wait3A_123, %dma_wait3A_124] : memref<25x100xi32, #tpu.memory_space<vmem>> -> memref<1x100xi32, #tpu.memory_space<vmem>>
    %dma_wait3A_126 = tpu.memref_squeeze %dma_wait3A_125 : memref<1x100xi32, #tpu.memory_space<vmem>> -> memref<100xi32, #tpu.memory_space<vmem>>
    %dma_wait3A_127 = arith.constant 0 : i32
    %dma_wait3A_128 = arith.constant 0 : i32
    %dma_wait3A_129 = tpu.memref_slice %arg2[%dma_wait3A_127, %dma_wait3A_128] : memref<10000x128xf32, #tpu.memory_space<hbm>> -> memref<10000x128xf32, #tpu.memory_space<hbm>>
    tpu.wait_indirect_dma semaphore(%arg14 : memref<!tpu.dma_semaphore, #tpu.memory_space<semaphore_mem>>) src(%dma_wait3A_129 : memref<10000x128xf32, #tpu.memory_space<hbm>>) dst(%arg11 : memref<100x128xf32, #tpu.memory_space<vmem>>)
    %run_scoped3A_130 = arith.constant 22 : i32
    "tpu.region"() ({
      %run_scoped3A_302 = tpu.sem_alloc : memref<!tpu.dma_semaphore, #tpu.memory_space<semaphore_mem>>
      %dma_start3A_303 = arith.constant 0 : i32
      %dma_start3A_304 = tpu.memref_slice %arg9[%run_scoped3A_130, %dma_start3A_303] : memref<25x100xi32, #tpu.memory_space<vmem>> -> memref<1x100xi32, #tpu.memory_space<vmem>>
      %dma_start3A_305 = tpu.memref_squeeze %dma_start3A_304 : memref<1x100xi32, #tpu.memory_space<vmem>> -> memref<100xi32, #tpu.memory_space<vmem>>
      %dma_start3A_306 = arith.constant 0 : i32
      %dma_start3A_307 = arith.constant 0 : i32
      %dma_start3A_308 = tpu.memref_slice %arg7[%dma_start3A_306, %dma_start3A_307] : memref<10112x128xf32, #tpu.memory_space<vmem_shared>> -> memref<10112x128xf32, #tpu.memory_space<vmem_shared>>
      tpu.enqueue_indirect_dma source(%arg11 : memref<100x128xf32, #tpu.memory_space<vmem>>) target(%dma_start3A_308 : memref<10112x128xf32, #tpu.memory_space<vmem_shared>>) offsets(%dma_start3A_305 : memref<100xi32, #tpu.memory_space<vmem>>) semaphore(%run_scoped3A_302 : memref<!tpu.dma_semaphore, #tpu.memory_space<semaphore_mem>>) {add = true}
      %dma_wait3A_309 = arith.constant 0 : i32
      %dma_wait3A_310 = tpu.memref_slice %arg9[%run_scoped3A_130, %dma_wait3A_309] : memref<25x100xi32, #tpu.memory_space<vmem>> -> memref<1x100xi32, #tpu.memory_space<vmem>>
      %dma_wait3A_311 = tpu.memref_squeeze %dma_wait3A_310 : memref<1x100xi32, #tpu.memory_space<vmem>> -> memref<100xi32, #tpu.memory_space<vmem>>
      %dma_wait3A_312 = arith.constant 0 : i32
      %dma_wait3A_313 = arith.constant 0 : i32
      %dma_wait3A_314 = tpu.memref_slice %arg7[%dma_wait3A_312, %dma_wait3A_313] : memref<10112x128xf32, #tpu.memory_space<vmem_shared>> -> memref<10112x128xf32, #tpu.memory_space<vmem_shared>>
      tpu.wait_indirect_dma semaphore(%run_scoped3A_302 : memref<!tpu.dma_semaphore, #tpu.memory_space<semaphore_mem>>) src(%arg11 : memref<100x128xf32, #tpu.memory_space<vmem>>) dst(%dma_wait3A_314 : memref<10112x128xf32, #tpu.memory_space<vmem_shared>>)
      tpu.yield
    }) : () -> ()
    %dma_wait3A_131 = arith.constant 23 : i32
    %dma_wait3A_132 = arith.constant 0 : i32
    %dma_wait3A_133 = tpu.memref_slice %arg8[%dma_wait3A_131, %dma_wait3A_132] : memref<25x100xi32, #tpu.memory_space<vmem>> -> memref<1x100xi32, #tpu.memory_space<vmem>>
    %dma_wait3A_134 = tpu.memref_squeeze %dma_wait3A_133 : memref<1x100xi32, #tpu.memory_space<vmem>> -> memref<100xi32, #tpu.memory_space<vmem>>
    %dma_wait3A_135 = arith.constant 0 : i32
    %dma_wait3A_136 = arith.constant 0 : i32
    %dma_wait3A_137 = tpu.memref_slice %arg2[%dma_wait3A_135, %dma_wait3A_136] : memref<10000x128xf32, #tpu.memory_space<hbm>> -> memref<10000x128xf32, #tpu.memory_space<hbm>>
    tpu.wait_indirect_dma semaphore(%arg15 : memref<!tpu.dma_semaphore, #tpu.memory_space<semaphore_mem>>) src(%dma_wait3A_137 : memref<10000x128xf32, #tpu.memory_space<hbm>>) dst(%arg12 : memref<100x128xf32, #tpu.memory_space<vmem>>)
    %run_scoped3A_138 = arith.constant 23 : i32
    "tpu.region"() ({
      %run_scoped3A_302 = tpu.sem_alloc : memref<!tpu.dma_semaphore, #tpu.memory_space<semaphore_mem>>
      %dma_start3A_303 = arith.constant 0 : i32
      %dma_start3A_304 = tpu.memref_slice %arg9[%run_scoped3A_138, %dma_start3A_303] : memref<25x100xi32, #tpu.memory_space<vmem>> -> memref<1x100xi32, #tpu.memory_space<vmem>>
      %dma_start3A_305 = tpu.memref_squeeze %dma_start3A_304 : memref<1x100xi32, #tpu.memory_space<vmem>> -> memref<100xi32, #tpu.memory_space<vmem>>
      %dma_start3A_306 = arith.constant 0 : i32
      %dma_start3A_307 = arith.constant 0 : i32
      %dma_start3A_308 = tpu.memref_slice %arg7[%dma_start3A_306, %dma_start3A_307] : memref<10112x128xf32, #tpu.memory_space<vmem_shared>> -> memref<10112x128xf32, #tpu.memory_space<vmem_shared>>
      tpu.enqueue_indirect_dma source(%arg12 : memref<100x128xf32, #tpu.memory_space<vmem>>) target(%dma_start3A_308 : memref<10112x128xf32, #tpu.memory_space<vmem_shared>>) offsets(%dma_start3A_305 : memref<100xi32, #tpu.memory_space<vmem>>) semaphore(%run_scoped3A_302 : memref<!tpu.dma_semaphore, #tpu.memory_space<semaphore_mem>>) {add = true}
      %dma_wait3A_309 = arith.constant 0 : i32
      %dma_wait3A_310 = tpu.memref_slice %arg9[%run_scoped3A_138, %dma_wait3A_309] : memref<25x100xi32, #tpu.memory_space<vmem>> -> memref<1x100xi32, #tpu.memory_space<vmem>>
      %dma_wait3A_311 = tpu.memref_squeeze %dma_wait3A_310 : memref<1x100xi32, #tpu.memory_space<vmem>> -> memref<100xi32, #tpu.memory_space<vmem>>
      %dma_wait3A_312 = arith.constant 0 : i32
      %dma_wait3A_313 = arith.constant 0 : i32
      %dma_wait3A_314 = tpu.memref_slice %arg7[%dma_wait3A_312, %dma_wait3A_313] : memref<10112x128xf32, #tpu.memory_space<vmem_shared>> -> memref<10112x128xf32, #tpu.memory_space<vmem_shared>>
      tpu.wait_indirect_dma semaphore(%run_scoped3A_302 : memref<!tpu.dma_semaphore, #tpu.memory_space<semaphore_mem>>) src(%arg12 : memref<100x128xf32, #tpu.memory_space<vmem>>) dst(%dma_wait3A_314 : memref<10112x128xf32, #tpu.memory_space<vmem_shared>>)
      tpu.yield
    }) : () -> ()
    %dma_wait3A_139 = arith.constant 24 : i32
    %dma_wait3A_140 = arith.constant 0 : i32
    %dma_wait3A_141 = tpu.memref_slice %arg8[%dma_wait3A_139, %dma_wait3A_140] : memref<25x100xi32, #tpu.memory_space<vmem>> -> memref<1x100xi32, #tpu.memory_space<vmem>>
    %dma_wait3A_142 = tpu.memref_squeeze %dma_wait3A_141 : memref<1x100xi32, #tpu.memory_space<vmem>> -> memref<100xi32, #tpu.memory_space<vmem>>
    %dma_wait3A_143 = arith.constant 0 : i32
    %dma_wait3A_144 = arith.constant 0 : i32
    %dma_wait3A_145 = tpu.memref_slice %arg2[%dma_wait3A_143, %dma_wait3A_144] : memref<10000x128xf32, #tpu.memory_space<hbm>> -> memref<10000x128xf32, #tpu.memory_space<hbm>>
    tpu.wait_indirect_dma semaphore(%arg13 : memref<!tpu.dma_semaphore, #tpu.memory_space<semaphore_mem>>) src(%dma_wait3A_145 : memref<10000x128xf32, #tpu.memory_space<hbm>>) dst(%arg10 : memref<100x128xf32, #tpu.memory_space<vmem>>)
    %run_scoped3A_146 = arith.constant 24 : i32
    "tpu.region"() ({
      %run_scoped3A_302 = tpu.sem_alloc : memref<!tpu.dma_semaphore, #tpu.memory_space<semaphore_mem>>
      %dma_start3A_303 = arith.constant 0 : i32
      %dma_start3A_304 = tpu.memref_slice %arg9[%run_scoped3A_146, %dma_start3A_303] : memref<25x100xi32, #tpu.memory_space<vmem>> -> memref<1x100xi32, #tpu.memory_space<vmem>>
      %dma_start3A_305 = tpu.memref_squeeze %dma_start3A_304 : memref<1x100xi32, #tpu.memory_space<vmem>> -> memref<100xi32, #tpu.memory_space<vmem>>
      %dma_start3A_306 = arith.constant 0 : i32
      %dma_start3A_307 = arith.constant 0 : i32
      %dma_start3A_308 = tpu.memref_slice %arg7[%dma_start3A_306, %dma_start3A_307] : memref<10112x128xf32, #tpu.memory_space<vmem_shared>> -> memref<10112x128xf32, #tpu.memory_space<vmem_shared>>
      tpu.enqueue_indirect_dma source(%arg10 : memref<100x128xf32, #tpu.memory_space<vmem>>) target(%dma_start3A_308 : memref<10112x128xf32, #tpu.memory_space<vmem_shared>>) offsets(%dma_start3A_305 : memref<100xi32, #tpu.memory_space<vmem>>) semaphore(%run_scoped3A_302 : memref<!tpu.dma_semaphore, #tpu.memory_space<semaphore_mem>>) {add = true}
      %dma_wait3A_309 = arith.constant 0 : i32
      %dma_wait3A_310 = tpu.memref_slice %arg9[%run_scoped3A_146, %dma_wait3A_309] : memref<25x100xi32, #tpu.memory_space<vmem>> -> memref<1x100xi32, #tpu.memory_space<vmem>>
      %dma_wait3A_311 = tpu.memref_squeeze %dma_wait3A_310 : memref<1x100xi32, #tpu.memory_space<vmem>> -> memref<100xi32, #tpu.memory_space<vmem>>
      %dma_wait3A_312 = arith.constant 0 : i32
      %dma_wait3A_313 = arith.constant 0 : i32
      %dma_wait3A_314 = tpu.memref_slice %arg7[%dma_wait3A_312, %dma_wait3A_313] : memref<10112x128xf32, #tpu.memory_space<vmem_shared>> -> memref<10112x128xf32, #tpu.memory_space<vmem_shared>>
      tpu.wait_indirect_dma semaphore(%run_scoped3A_302 : memref<!tpu.dma_semaphore, #tpu.memory_space<semaphore_mem>>) src(%arg10 : memref<100x128xf32, #tpu.memory_space<vmem>>) dst(%dma_wait3A_314 : memref<10112x128xf32, #tpu.memory_space<vmem_shared>>)
      tpu.yield
    }) : () -> ()
    %mul3A_147 = arith.constant 4 : i32
    %mul3A_148 = arith.muli %mul3A_147, %add3A : i32
    %add3A_149 = arith.constant 2 : i32
    %add3A_150 = arith.addi %mul3A_148, %add3A_149 : i32
    "tpu.region"() ({
      %run_scoped3A_302 = tpu.sem_alloc : memref<!tpu.dma_semaphore, #tpu.memory_space<semaphore_mem>>
      %dma_start3A_303 = arith.constant 0 : i32
      %dma_start3A_304 = arith.constant 0 : i32
      %dma_start3A_305 = tpu.memref_slice %arg3[%add3A_150, %dma_start3A_303, %dma_start3A_304] : memref<128x25x100xi32, #tpu.memory_space<hbm>> -> memref<1x25x100xi32, #tpu.memory_space<hbm>>
      %dma_start3A_306 = tpu.memref_squeeze %dma_start3A_305 : memref<1x25x100xi32, #tpu.memory_space<hbm>> -> memref<25x100xi32, #tpu.memory_space<hbm>>
      %dma_start3A_307 = arith.constant 0 : i32
      %dma_start3A_308 = arith.constant 0 : i32
      %dma_start3A_309 = tpu.memref_slice %arg3[%add3A_150, %dma_start3A_307, %dma_start3A_308] : memref<128x25x100xi32, #tpu.memory_space<hbm>> -> memref<1x25x100xi32, #tpu.memory_space<hbm>>
      %dma_start3A_310 = tpu.memref_squeeze %dma_start3A_309 : memref<1x25x100xi32, #tpu.memory_space<hbm>> -> memref<25x100xi32, #tpu.memory_space<hbm>>
      tpu.enqueue_dma source(%dma_start3A_310 : memref<25x100xi32, #tpu.memory_space<hbm>>) target(%arg8 : memref<25x100xi32, #tpu.memory_space<vmem>>) target_semaphore(%run_scoped3A_302 : memref<!tpu.dma_semaphore, #tpu.memory_space<semaphore_mem>>)
      %dma_wait3A_311 = arith.constant 0 : i32
      %dma_wait3A_312 = arith.constant 0 : i32
      %dma_wait3A_313 = tpu.memref_slice %arg3[%add3A_150, %dma_wait3A_311, %dma_wait3A_312] : memref<128x25x100xi32, #tpu.memory_space<hbm>> -> memref<1x25x100xi32, #tpu.memory_space<hbm>>
      %dma_wait3A_314 = tpu.memref_squeeze %dma_wait3A_313 : memref<1x25x100xi32, #tpu.memory_space<hbm>> -> memref<25x100xi32, #tpu.memory_space<hbm>>
      %dma_wait3A_315 = arith.constant 0 : i32
      %dma_wait3A_316 = arith.constant 0 : i32
      %dma_wait3A_317 = tpu.memref_slice %arg3[%add3A_150, %dma_wait3A_315, %dma_wait3A_316] : memref<128x25x100xi32, #tpu.memory_space<hbm>> -> memref<1x25x100xi32, #tpu.memory_space<hbm>>
      %dma_wait3A_318 = tpu.memref_squeeze %dma_wait3A_317 : memref<1x25x100xi32, #tpu.memory_space<hbm>> -> memref<25x100xi32, #tpu.memory_space<hbm>>
      tpu.wait_dma2 semaphore(%run_scoped3A_302 : memref<!tpu.dma_semaphore, #tpu.memory_space<semaphore_mem>>) src(%dma_wait3A_318 : memref<25x100xi32, #tpu.memory_space<hbm>>) dst(%arg8 : memref<25x100xi32, #tpu.memory_space<vmem>>)
      tpu.yield
    }) : () -> ()
    %mul3A_151 = arith.constant 4 : i32
    %mul3A_152 = arith.muli %mul3A_151, %add3A : i32
    %add3A_153 = arith.constant 2 : i32
    %add3A_154 = arith.addi %mul3A_152, %add3A_153 : i32
    "tpu.region"() ({
      %run_scoped3A_302 = tpu.sem_alloc : memref<!tpu.dma_semaphore, #tpu.memory_space<semaphore_mem>>
      %dma_start3A_303 = arith.constant 0 : i32
      %dma_start3A_304 = arith.constant 0 : i32
      %dma_start3A_305 = tpu.memref_slice %arg4[%add3A_154, %dma_start3A_303, %dma_start3A_304] : memref<128x25x100xi32, #tpu.memory_space<hbm>> -> memref<1x25x100xi32, #tpu.memory_space<hbm>>
      %dma_start3A_306 = tpu.memref_squeeze %dma_start3A_305 : memref<1x25x100xi32, #tpu.memory_space<hbm>> -> memref<25x100xi32, #tpu.memory_space<hbm>>
      %dma_start3A_307 = arith.constant 0 : i32
      %dma_start3A_308 = arith.constant 0 : i32
      %dma_start3A_309 = tpu.memref_slice %arg4[%add3A_154, %dma_start3A_307, %dma_start3A_308] : memref<128x25x100xi32, #tpu.memory_space<hbm>> -> memref<1x25x100xi32, #tpu.memory_space<hbm>>
      %dma_start3A_310 = tpu.memref_squeeze %dma_start3A_309 : memref<1x25x100xi32, #tpu.memory_space<hbm>> -> memref<25x100xi32, #tpu.memory_space<hbm>>
      tpu.enqueue_dma source(%dma_start3A_310 : memref<25x100xi32, #tpu.memory_space<hbm>>) target(%arg9 : memref<25x100xi32, #tpu.memory_space<vmem>>) target_semaphore(%run_scoped3A_302 : memref<!tpu.dma_semaphore, #tpu.memory_space<semaphore_mem>>)
      %dma_wait3A_311 = arith.constant 0 : i32
      %dma_wait3A_312 = arith.constant 0 : i32
      %dma_wait3A_313 = tpu.memref_slice %arg4[%add3A_154, %dma_wait3A_311, %dma_wait3A_312] : memref<128x25x100xi32, #tpu.memory_space<hbm>> -> memref<1x25x100xi32, #tpu.memory_space<hbm>>
      %dma_wait3A_314 = tpu.memref_squeeze %dma_wait3A_313 : memref<1x25x100xi32, #tpu.memory_space<hbm>> -> memref<25x100xi32, #tpu.memory_space<hbm>>
      %dma_wait3A_315 = arith.constant 0 : i32
      %dma_wait3A_316 = arith.constant 0 : i32
      %dma_wait3A_317 = tpu.memref_slice %arg4[%add3A_154, %dma_wait3A_315, %dma_wait3A_316] : memref<128x25x100xi32, #tpu.memory_space<hbm>> -> memref<1x25x100xi32, #tpu.memory_space<hbm>>
      %dma_wait3A_318 = tpu.memref_squeeze %dma_wait3A_317 : memref<1x25x100xi32, #tpu.memory_space<hbm>> -> memref<25x100xi32, #tpu.memory_space<hbm>>
      tpu.wait_dma2 semaphore(%run_scoped3A_302 : memref<!tpu.dma_semaphore, #tpu.memory_space<semaphore_mem>>) src(%dma_wait3A_318 : memref<25x100xi32, #tpu.memory_space<hbm>>) dst(%arg9 : memref<25x100xi32, #tpu.memory_space<vmem>>)
      tpu.yield
    }) : () -> ()
    %dma_start3A_155 = arith.constant 0 : i32
    %dma_start3A_156 = arith.constant 0 : i32
    %dma_start3A_157 = tpu.memref_slice %arg8[%dma_start3A_155, %dma_start3A_156] : memref<25x100xi32, #tpu.memory_space<vmem>> -> memref<1x100xi32, #tpu.memory_space<vmem>>
    %dma_start3A_158 = tpu.memref_squeeze %dma_start3A_157 : memref<1x100xi32, #tpu.memory_space<vmem>> -> memref<100xi32, #tpu.memory_space<vmem>>
    %dma_start3A_159 = arith.constant 0 : i32
    %dma_start3A_160 = arith.constant 0 : i32
    %dma_start3A_161 = tpu.memref_slice %arg2[%dma_start3A_159, %dma_start3A_160] : memref<10000x128xf32, #tpu.memory_space<hbm>> -> memref<10000x128xf32, #tpu.memory_space<hbm>>
    tpu.enqueue_indirect_dma source(%dma_start3A_161 : memref<10000x128xf32, #tpu.memory_space<hbm>>) target(%arg10 : memref<100x128xf32, #tpu.memory_space<vmem>>) offsets(%dma_start3A_158 : memref<100xi32, #tpu.memory_space<vmem>>) semaphore(%arg13 : memref<!tpu.dma_semaphore, #tpu.memory_space<semaphore_mem>>)
    %dma_start3A_162 = arith.constant 1 : i32
    %dma_start3A_163 = arith.constant 0 : i32
    %dma_start3A_164 = tpu.memref_slice %arg8[%dma_start3A_162, %dma_start3A_163] : memref<25x100xi32, #tpu.memory_space<vmem>> -> memref<1x100xi32, #tpu.memory_space<vmem>>
    %dma_start3A_165 = tpu.memref_squeeze %dma_start3A_164 : memref<1x100xi32, #tpu.memory_space<vmem>> -> memref<100xi32, #tpu.memory_space<vmem>>
    %dma_start3A_166 = arith.constant 0 : i32
    %dma_start3A_167 = arith.constant 0 : i32
    %dma_start3A_168 = tpu.memref_slice %arg2[%dma_start3A_166, %dma_start3A_167] : memref<10000x128xf32, #tpu.memory_space<hbm>> -> memref<10000x128xf32, #tpu.memory_space<hbm>>
    tpu.enqueue_indirect_dma source(%dma_start3A_168 : memref<10000x128xf32, #tpu.memory_space<hbm>>) target(%arg11 : memref<100x128xf32, #tpu.memory_space<vmem>>) offsets(%dma_start3A_165 : memref<100xi32, #tpu.memory_space<vmem>>) semaphore(%arg14 : memref<!tpu.dma_semaphore, #tpu.memory_space<semaphore_mem>>)
    %dma_start3A_169 = arith.constant 2 : i32
    %dma_start3A_170 = arith.constant 0 : i32
    %dma_start3A_171 = tpu.memref_slice %arg8[%dma_start3A_169, %dma_start3A_170] : memref<25x100xi32, #tpu.memory_space<vmem>> -> memref<1x100xi32, #tpu.memory_space<vmem>>
    %dma_start3A_172 = tpu.memref_squeeze %dma_start3A_171 : memref<1x100xi32, #tpu.memory_space<vmem>> -> memref<100xi32, #tpu.memory_space<vmem>>
    %dma_start3A_173 = arith.constant 0 : i32
    %dma_start3A_174 = arith.constant 0 : i32
    %dma_start3A_175 = tpu.memref_slice %arg2[%dma_start3A_173, %dma_start3A_174] : memref<10000x128xf32, #tpu.memory_space<hbm>> -> memref<10000x128xf32, #tpu.memory_space<hbm>>
    tpu.enqueue_indirect_dma source(%dma_start3A_175 : memref<10000x128xf32, #tpu.memory_space<hbm>>) target(%arg12 : memref<100x128xf32, #tpu.memory_space<vmem>>) offsets(%dma_start3A_172 : memref<100xi32, #tpu.memory_space<vmem>>) semaphore(%arg15 : memref<!tpu.dma_semaphore, #tpu.memory_space<semaphore_mem>>)
    %scan3A_176 = arith.constant 0 : i32
    %scan3A_177 = arith.constant 0 : i32
    %scan3A_178 = arith.constant 7 : i32
    %scan3A_179 = arith.addi %scan3A_177, %scan3A_178 : i32
    %scan3A_180 = arith.constant 1 : i32
    scf.for %scan3A_302 = %scan3A_177 to %scan3A_179 step %scan3A_180  : i32 {
      %mul3A_303 = arith.constant 3 : i32
      %mul3A_304 = arith.muli %mul3A_303, %scan3A_302 : i32
      %dma_wait3A_305 = arith.constant 0 : i32
      %dma_wait3A_306 = tpu.memref_slice %arg8[%mul3A_304, %dma_wait3A_305] : memref<25x100xi32, #tpu.memory_space<vmem>> -> memref<1x100xi32, #tpu.memory_space<vmem>>
      %dma_wait3A_307 = tpu.memref_squeeze %dma_wait3A_306 : memref<1x100xi32, #tpu.memory_space<vmem>> -> memref<100xi32, #tpu.memory_space<vmem>>
      %dma_wait3A_308 = arith.constant 0 : i32
      %dma_wait3A_309 = arith.constant 0 : i32
      %dma_wait3A_310 = tpu.memref_slice %arg2[%dma_wait3A_308, %dma_wait3A_309] : memref<10000x128xf32, #tpu.memory_space<hbm>> -> memref<10000x128xf32, #tpu.memory_space<hbm>>
      tpu.wait_indirect_dma semaphore(%arg13 : memref<!tpu.dma_semaphore, #tpu.memory_space<semaphore_mem>>) src(%dma_wait3A_310 : memref<10000x128xf32, #tpu.memory_space<hbm>>) dst(%arg10 : memref<100x128xf32, #tpu.memory_space<vmem>>)
      "tpu.region"() ({
        %run_scoped3A_351 = tpu.sem_alloc : memref<!tpu.dma_semaphore, #tpu.memory_space<semaphore_mem>>
        %dma_start3A_352 = arith.constant 0 : i32
        %dma_start3A_353 = tpu.memref_slice %arg9[%mul3A_304, %dma_start3A_352] : memref<25x100xi32, #tpu.memory_space<vmem>> -> memref<1x100xi32, #tpu.memory_space<vmem>>
        %dma_start3A_354 = tpu.memref_squeeze %dma_start3A_353 : memref<1x100xi32, #tpu.memory_space<vmem>> -> memref<100xi32, #tpu.memory_space<vmem>>
        %dma_start3A_355 = arith.constant 0 : i32
        %dma_start3A_356 = arith.constant 0 : i32
        %dma_start3A_357 = tpu.memref_slice %arg7[%dma_start3A_355, %dma_start3A_356] : memref<10112x128xf32, #tpu.memory_space<vmem_shared>> -> memref<10112x128xf32, #tpu.memory_space<vmem_shared>>
        tpu.enqueue_indirect_dma source(%arg10 : memref<100x128xf32, #tpu.memory_space<vmem>>) target(%dma_start3A_357 : memref<10112x128xf32, #tpu.memory_space<vmem_shared>>) offsets(%dma_start3A_354 : memref<100xi32, #tpu.memory_space<vmem>>) semaphore(%run_scoped3A_351 : memref<!tpu.dma_semaphore, #tpu.memory_space<semaphore_mem>>) {add = true}
        %dma_wait3A_358 = arith.constant 0 : i32
        %dma_wait3A_359 = tpu.memref_slice %arg9[%mul3A_304, %dma_wait3A_358] : memref<25x100xi32, #tpu.memory_space<vmem>> -> memref<1x100xi32, #tpu.memory_space<vmem>>
        %dma_wait3A_360 = tpu.memref_squeeze %dma_wait3A_359 : memref<1x100xi32, #tpu.memory_space<vmem>> -> memref<100xi32, #tpu.memory_space<vmem>>
        %dma_wait3A_361 = arith.constant 0 : i32
        %dma_wait3A_362 = arith.constant 0 : i32
        %dma_wait3A_363 = tpu.memref_slice %arg7[%dma_wait3A_361, %dma_wait3A_362] : memref<10112x128xf32, #tpu.memory_space<vmem_shared>> -> memref<10112x128xf32, #tpu.memory_space<vmem_shared>>
        tpu.wait_indirect_dma semaphore(%run_scoped3A_351 : memref<!tpu.dma_semaphore, #tpu.memory_space<semaphore_mem>>) src(%arg10 : memref<100x128xf32, #tpu.memory_space<vmem>>) dst(%dma_wait3A_363 : memref<10112x128xf32, #tpu.memory_space<vmem_shared>>)
        tpu.yield
      }) : () -> ()
      %add3A_311 = arith.constant 3 : i32
      %add3A_312 = arith.addi %mul3A_304, %add3A_311 : i32
      %dma_start3A_313 = arith.constant 0 : i32
      %dma_start3A_314 = tpu.memref_slice %arg8[%add3A_312, %dma_start3A_313] : memref<25x100xi32, #tpu.memory_space<vmem>> -> memref<1x100xi32, #tpu.memory_space<vmem>>
      %dma_start3A_315 = tpu.memref_squeeze %dma_start3A_314 : memref<1x100xi32, #tpu.memory_space<vmem>> -> memref<100xi32, #tpu.memory_space<vmem>>
      %dma_start3A_316 = arith.constant 0 : i32
      %dma_start3A_317 = arith.constant 0 : i32
      %dma_start3A_318 = tpu.memref_slice %arg2[%dma_start3A_316, %dma_start3A_317] : memref<10000x128xf32, #tpu.memory_space<hbm>> -> memref<10000x128xf32, #tpu.memory_space<hbm>>
      tpu.enqueue_indirect_dma source(%dma_start3A_318 : memref<10000x128xf32, #tpu.memory_space<hbm>>) target(%arg10 : memref<100x128xf32, #tpu.memory_space<vmem>>) offsets(%dma_start3A_315 : memref<100xi32, #tpu.memory_space<vmem>>) semaphore(%arg13 : memref<!tpu.dma_semaphore, #tpu.memory_space<semaphore_mem>>)
      %add3A_319 = arith.constant 1 : i32
      %add3A_320 = arith.addi %mul3A_304, %add3A_319 : i32
      %dma_wait3A_321 = arith.constant 0 : i32
      %dma_wait3A_322 = tpu.memref_slice %arg8[%add3A_320, %dma_wait3A_321] : memref<25x100xi32, #tpu.memory_space<vmem>> -> memref<1x100xi32, #tpu.memory_space<vmem>>
      %dma_wait3A_323 = tpu.memref_squeeze %dma_wait3A_322 : memref<1x100xi32, #tpu.memory_space<vmem>> -> memref<100xi32, #tpu.memory_space<vmem>>
      %dma_wait3A_324 = arith.constant 0 : i32
      %dma_wait3A_325 = arith.constant 0 : i32
      %dma_wait3A_326 = tpu.memref_slice %arg2[%dma_wait3A_324, %dma_wait3A_325] : memref<10000x128xf32, #tpu.memory_space<hbm>> -> memref<10000x128xf32, #tpu.memory_space<hbm>>
      tpu.wait_indirect_dma semaphore(%arg14 : memref<!tpu.dma_semaphore, #tpu.memory_space<semaphore_mem>>) src(%dma_wait3A_326 : memref<10000x128xf32, #tpu.memory_space<hbm>>) dst(%arg11 : memref<100x128xf32, #tpu.memory_space<vmem>>)
      "tpu.region"() ({
        %run_scoped3A_351 = tpu.sem_alloc : memref<!tpu.dma_semaphore, #tpu.memory_space<semaphore_mem>>
        %dma_start3A_352 = arith.constant 0 : i32
        %dma_start3A_353 = tpu.memref_slice %arg9[%add3A_320, %dma_start3A_352] : memref<25x100xi32, #tpu.memory_space<vmem>> -> memref<1x100xi32, #tpu.memory_space<vmem>>
        %dma_start3A_354 = tpu.memref_squeeze %dma_start3A_353 : memref<1x100xi32, #tpu.memory_space<vmem>> -> memref<100xi32, #tpu.memory_space<vmem>>
        %dma_start3A_355 = arith.constant 0 : i32
        %dma_start3A_356 = arith.constant 0 : i32
        %dma_start3A_357 = tpu.memref_slice %arg7[%dma_start3A_355, %dma_start3A_356] : memref<10112x128xf32, #tpu.memory_space<vmem_shared>> -> memref<10112x128xf32, #tpu.memory_space<vmem_shared>>
        tpu.enqueue_indirect_dma source(%arg11 : memref<100x128xf32, #tpu.memory_space<vmem>>) target(%dma_start3A_357 : memref<10112x128xf32, #tpu.memory_space<vmem_shared>>) offsets(%dma_start3A_354 : memref<100xi32, #tpu.memory_space<vmem>>) semaphore(%run_scoped3A_351 : memref<!tpu.dma_semaphore, #tpu.memory_space<semaphore_mem>>) {add = true}
        %dma_wait3A_358 = arith.constant 0 : i32
        %dma_wait3A_359 = tpu.memref_slice %arg9[%add3A_320, %dma_wait3A_358] : memref<25x100xi32, #tpu.memory_space<vmem>> -> memref<1x100xi32, #tpu.memory_space<vmem>>
        %dma_wait3A_360 = tpu.memref_squeeze %dma_wait3A_359 : memref<1x100xi32, #tpu.memory_space<vmem>> -> memref<100xi32, #tpu.memory_space<vmem>>
        %dma_wait3A_361 = arith.constant 0 : i32
        %dma_wait3A_362 = arith.constant 0 : i32
        %dma_wait3A_363 = tpu.memref_slice %arg7[%dma_wait3A_361, %dma_wait3A_362] : memref<10112x128xf32, #tpu.memory_space<vmem_shared>> -> memref<10112x128xf32, #tpu.memory_space<vmem_shared>>
        tpu.wait_indirect_dma semaphore(%run_scoped3A_351 : memref<!tpu.dma_semaphore, #tpu.memory_space<semaphore_mem>>) src(%arg11 : memref<100x128xf32, #tpu.memory_space<vmem>>) dst(%dma_wait3A_363 : memref<10112x128xf32, #tpu.memory_space<vmem_shared>>)
        tpu.yield
      }) : () -> ()
      %add3A_327 = arith.constant 4 : i32
      %add3A_328 = arith.addi %mul3A_304, %add3A_327 : i32
      %dma_start3A_329 = arith.constant 0 : i32
      %dma_start3A_330 = tpu.memref_slice %arg8[%add3A_328, %dma_start3A_329] : memref<25x100xi32, #tpu.memory_space<vmem>> -> memref<1x100xi32, #tpu.memory_space<vmem>>
      %dma_start3A_331 = tpu.memref_squeeze %dma_start3A_330 : memref<1x100xi32, #tpu.memory_space<vmem>> -> memref<100xi32, #tpu.memory_space<vmem>>
      %dma_start3A_332 = arith.constant 0 : i32
      %dma_start3A_333 = arith.constant 0 : i32
      %dma_start3A_334 = tpu.memref_slice %arg2[%dma_start3A_332, %dma_start3A_333] : memref<10000x128xf32, #tpu.memory_space<hbm>> -> memref<10000x128xf32, #tpu.memory_space<hbm>>
      tpu.enqueue_indirect_dma source(%dma_start3A_334 : memref<10000x128xf32, #tpu.memory_space<hbm>>) target(%arg11 : memref<100x128xf32, #tpu.memory_space<vmem>>) offsets(%dma_start3A_331 : memref<100xi32, #tpu.memory_space<vmem>>) semaphore(%arg14 : memref<!tpu.dma_semaphore, #tpu.memory_space<semaphore_mem>>)
      %add3A_335 = arith.constant 2 : i32
      %add3A_336 = arith.addi %mul3A_304, %add3A_335 : i32
      %dma_wait3A_337 = arith.constant 0 : i32
      %dma_wait3A_338 = tpu.memref_slice %arg8[%add3A_336, %dma_wait3A_337] : memref<25x100xi32, #tpu.memory_space<vmem>> -> memref<1x100xi32, #tpu.memory_space<vmem>>
      %dma_wait3A_339 = tpu.memref_squeeze %dma_wait3A_338 : memref<1x100xi32, #tpu.memory_space<vmem>> -> memref<100xi32, #tpu.memory_space<vmem>>
      %dma_wait3A_340 = arith.constant 0 : i32
      %dma_wait3A_341 = arith.constant 0 : i32
      %dma_wait3A_342 = tpu.memref_slice %arg2[%dma_wait3A_340, %dma_wait3A_341] : memref<10000x128xf32, #tpu.memory_space<hbm>> -> memref<10000x128xf32, #tpu.memory_space<hbm>>
      tpu.wait_indirect_dma semaphore(%arg15 : memref<!tpu.dma_semaphore, #tpu.memory_space<semaphore_mem>>) src(%dma_wait3A_342 : memref<10000x128xf32, #tpu.memory_space<hbm>>) dst(%arg12 : memref<100x128xf32, #tpu.memory_space<vmem>>)
      "tpu.region"() ({
        %run_scoped3A_351 = tpu.sem_alloc : memref<!tpu.dma_semaphore, #tpu.memory_space<semaphore_mem>>
        %dma_start3A_352 = arith.constant 0 : i32
        %dma_start3A_353 = tpu.memref_slice %arg9[%add3A_336, %dma_start3A_352] : memref<25x100xi32, #tpu.memory_space<vmem>> -> memref<1x100xi32, #tpu.memory_space<vmem>>
        %dma_start3A_354 = tpu.memref_squeeze %dma_start3A_353 : memref<1x100xi32, #tpu.memory_space<vmem>> -> memref<100xi32, #tpu.memory_space<vmem>>
        %dma_start3A_355 = arith.constant 0 : i32
        %dma_start3A_356 = arith.constant 0 : i32
        %dma_start3A_357 = tpu.memref_slice %arg7[%dma_start3A_355, %dma_start3A_356] : memref<10112x128xf32, #tpu.memory_space<vmem_shared>> -> memref<10112x128xf32, #tpu.memory_space<vmem_shared>>
        tpu.enqueue_indirect_dma source(%arg12 : memref<100x128xf32, #tpu.memory_space<vmem>>) target(%dma_start3A_357 : memref<10112x128xf32, #tpu.memory_space<vmem_shared>>) offsets(%dma_start3A_354 : memref<100xi32, #tpu.memory_space<vmem>>) semaphore(%run_scoped3A_351 : memref<!tpu.dma_semaphore, #tpu.memory_space<semaphore_mem>>) {add = true}
        %dma_wait3A_358 = arith.constant 0 : i32
        %dma_wait3A_359 = tpu.memref_slice %arg9[%add3A_336, %dma_wait3A_358] : memref<25x100xi32, #tpu.memory_space<vmem>> -> memref<1x100xi32, #tpu.memory_space<vmem>>
        %dma_wait3A_360 = tpu.memref_squeeze %dma_wait3A_359 : memref<1x100xi32, #tpu.memory_space<vmem>> -> memref<100xi32, #tpu.memory_space<vmem>>
        %dma_wait3A_361 = arith.constant 0 : i32
        %dma_wait3A_362 = arith.constant 0 : i32
        %dma_wait3A_363 = tpu.memref_slice %arg7[%dma_wait3A_361, %dma_wait3A_362] : memref<10112x128xf32, #tpu.memory_space<vmem_shared>> -> memref<10112x128xf32, #tpu.memory_space<vmem_shared>>
        tpu.wait_indirect_dma semaphore(%run_scoped3A_351 : memref<!tpu.dma_semaphore, #tpu.memory_space<semaphore_mem>>) src(%arg12 : memref<100x128xf32, #tpu.memory_space<vmem>>) dst(%dma_wait3A_363 : memref<10112x128xf32, #tpu.memory_space<vmem_shared>>)
        tpu.yield
      }) : () -> ()
      %add3A_343 = arith.constant 5 : i32
      %add3A_344 = arith.addi %mul3A_304, %add3A_343 : i32
      %dma_start3A_345 = arith.constant 0 : i32
      %dma_start3A_346 = tpu.memref_slice %arg8[%add3A_344, %dma_start3A_345] : memref<25x100xi32, #tpu.memory_space<vmem>> -> memref<1x100xi32, #tpu.memory_space<vmem>>
      %dma_start3A_347 = tpu.memref_squeeze %dma_start3A_346 : memref<1x100xi32, #tpu.memory_space<vmem>> -> memref<100xi32, #tpu.memory_space<vmem>>
      %dma_start3A_348 = arith.constant 0 : i32
      %dma_start3A_349 = arith.constant 0 : i32
      %dma_start3A_350 = tpu.memref_slice %arg2[%dma_start3A_348, %dma_start3A_349] : memref<10000x128xf32, #tpu.memory_space<hbm>> -> memref<10000x128xf32, #tpu.memory_space<hbm>>
      tpu.enqueue_indirect_dma source(%dma_start3A_350 : memref<10000x128xf32, #tpu.memory_space<hbm>>) target(%arg12 : memref<100x128xf32, #tpu.memory_space<vmem>>) offsets(%dma_start3A_347 : memref<100xi32, #tpu.memory_space<vmem>>) semaphore(%arg15 : memref<!tpu.dma_semaphore, #tpu.memory_space<semaphore_mem>>)
    }
    %scan3A_181 = arith.constant 7 : i32
    %dma_wait3A_182 = arith.constant 21 : i32
    %dma_wait3A_183 = arith.constant 0 : i32
    %dma_wait3A_184 = tpu.memref_slice %arg8[%dma_wait3A_182, %dma_wait3A_183] : memref<25x100xi32, #tpu.memory_space<vmem>> -> memref<1x100xi32, #tpu.memory_space<vmem>>
    %dma_wait3A_185 = tpu.memref_squeeze %dma_wait3A_184 : memref<1x100xi32, #tpu.memory_space<vmem>> -> memref<100xi32, #tpu.memory_space<vmem>>
    %dma_wait3A_186 = arith.constant 0 : i32
    %dma_wait3A_187 = arith.constant 0 : i32
    %dma_wait3A_188 = tpu.memref_slice %arg2[%dma_wait3A_186, %dma_wait3A_187] : memref<10000x128xf32, #tpu.memory_space<hbm>> -> memref<10000x128xf32, #tpu.memory_space<hbm>>
    tpu.wait_indirect_dma semaphore(%arg13 : memref<!tpu.dma_semaphore, #tpu.memory_space<semaphore_mem>>) src(%dma_wait3A_188 : memref<10000x128xf32, #tpu.memory_space<hbm>>) dst(%arg10 : memref<100x128xf32, #tpu.memory_space<vmem>>)
    %run_scoped3A_189 = arith.constant 21 : i32
    "tpu.region"() ({
      %run_scoped3A_302 = tpu.sem_alloc : memref<!tpu.dma_semaphore, #tpu.memory_space<semaphore_mem>>
      %dma_start3A_303 = arith.constant 0 : i32
      %dma_start3A_304 = tpu.memref_slice %arg9[%run_scoped3A_189, %dma_start3A_303] : memref<25x100xi32, #tpu.memory_space<vmem>> -> memref<1x100xi32, #tpu.memory_space<vmem>>
      %dma_start3A_305 = tpu.memref_squeeze %dma_start3A_304 : memref<1x100xi32, #tpu.memory_space<vmem>> -> memref<100xi32, #tpu.memory_space<vmem>>
      %dma_start3A_306 = arith.constant 0 : i32
      %dma_start3A_307 = arith.constant 0 : i32
      %dma_start3A_308 = tpu.memref_slice %arg7[%dma_start3A_306, %dma_start3A_307] : memref<10112x128xf32, #tpu.memory_space<vmem_shared>> -> memref<10112x128xf32, #tpu.memory_space<vmem_shared>>
      tpu.enqueue_indirect_dma source(%arg10 : memref<100x128xf32, #tpu.memory_space<vmem>>) target(%dma_start3A_308 : memref<10112x128xf32, #tpu.memory_space<vmem_shared>>) offsets(%dma_start3A_305 : memref<100xi32, #tpu.memory_space<vmem>>) semaphore(%run_scoped3A_302 : memref<!tpu.dma_semaphore, #tpu.memory_space<semaphore_mem>>) {add = true}
      %dma_wait3A_309 = arith.constant 0 : i32
      %dma_wait3A_310 = tpu.memref_slice %arg9[%run_scoped3A_189, %dma_wait3A_309] : memref<25x100xi32, #tpu.memory_space<vmem>> -> memref<1x100xi32, #tpu.memory_space<vmem>>
      %dma_wait3A_311 = tpu.memref_squeeze %dma_wait3A_310 : memref<1x100xi32, #tpu.memory_space<vmem>> -> memref<100xi32, #tpu.memory_space<vmem>>
      %dma_wait3A_312 = arith.constant 0 : i32
      %dma_wait3A_313 = arith.constant 0 : i32
      %dma_wait3A_314 = tpu.memref_slice %arg7[%dma_wait3A_312, %dma_wait3A_313] : memref<10112x128xf32, #tpu.memory_space<vmem_shared>> -> memref<10112x128xf32, #tpu.memory_space<vmem_shared>>
      tpu.wait_indirect_dma semaphore(%run_scoped3A_302 : memref<!tpu.dma_semaphore, #tpu.memory_space<semaphore_mem>>) src(%arg10 : memref<100x128xf32, #tpu.memory_space<vmem>>) dst(%dma_wait3A_314 : memref<10112x128xf32, #tpu.memory_space<vmem_shared>>)
      tpu.yield
    }) : () -> ()
    %dma_start3A_190 = arith.constant 24 : i32
    %dma_start3A_191 = arith.constant 0 : i32
    %dma_start3A_192 = tpu.memref_slice %arg8[%dma_start3A_190, %dma_start3A_191] : memref<25x100xi32, #tpu.memory_space<vmem>> -> memref<1x100xi32, #tpu.memory_space<vmem>>
    %dma_start3A_193 = tpu.memref_squeeze %dma_start3A_192 : memref<1x100xi32, #tpu.memory_space<vmem>> -> memref<100xi32, #tpu.memory_space<vmem>>
    %dma_start3A_194 = arith.constant 0 : i32
    %dma_start3A_195 = arith.constant 0 : i32
    %dma_start3A_196 = tpu.memref_slice %arg2[%dma_start3A_194, %dma_start3A_195] : memref<10000x128xf32, #tpu.memory_space<hbm>> -> memref<10000x128xf32, #tpu.memory_space<hbm>>
    tpu.enqueue_indirect_dma source(%dma_start3A_196 : memref<10000x128xf32, #tpu.memory_space<hbm>>) target(%arg10 : memref<100x128xf32, #tpu.memory_space<vmem>>) offsets(%dma_start3A_193 : memref<100xi32, #tpu.memory_space<vmem>>) semaphore(%arg13 : memref<!tpu.dma_semaphore, #tpu.memory_space<semaphore_mem>>)
    %dma_wait3A_197 = arith.constant 22 : i32
    %dma_wait3A_198 = arith.constant 0 : i32
    %dma_wait3A_199 = tpu.memref_slice %arg8[%dma_wait3A_197, %dma_wait3A_198] : memref<25x100xi32, #tpu.memory_space<vmem>> -> memref<1x100xi32, #tpu.memory_space<vmem>>
    %dma_wait3A_200 = tpu.memref_squeeze %dma_wait3A_199 : memref<1x100xi32, #tpu.memory_space<vmem>> -> memref<100xi32, #tpu.memory_space<vmem>>
    %dma_wait3A_201 = arith.constant 0 : i32
    %dma_wait3A_202 = arith.constant 0 : i32
    %dma_wait3A_203 = tpu.memref_slice %arg2[%dma_wait3A_201, %dma_wait3A_202] : memref<10000x128xf32, #tpu.memory_space<hbm>> -> memref<10000x128xf32, #tpu.memory_space<hbm>>
    tpu.wait_indirect_dma semaphore(%arg14 : memref<!tpu.dma_semaphore, #tpu.memory_space<semaphore_mem>>) src(%dma_wait3A_203 : memref<10000x128xf32, #tpu.memory_space<hbm>>) dst(%arg11 : memref<100x128xf32, #tpu.memory_space<vmem>>)
    %run_scoped3A_204 = arith.constant 22 : i32
    "tpu.region"() ({
      %run_scoped3A_302 = tpu.sem_alloc : memref<!tpu.dma_semaphore, #tpu.memory_space<semaphore_mem>>
      %dma_start3A_303 = arith.constant 0 : i32
      %dma_start3A_304 = tpu.memref_slice %arg9[%run_scoped3A_204, %dma_start3A_303] : memref<25x100xi32, #tpu.memory_space<vmem>> -> memref<1x100xi32, #tpu.memory_space<vmem>>
      %dma_start3A_305 = tpu.memref_squeeze %dma_start3A_304 : memref<1x100xi32, #tpu.memory_space<vmem>> -> memref<100xi32, #tpu.memory_space<vmem>>
      %dma_start3A_306 = arith.constant 0 : i32
      %dma_start3A_307 = arith.constant 0 : i32
      %dma_start3A_308 = tpu.memref_slice %arg7[%dma_start3A_306, %dma_start3A_307] : memref<10112x128xf32, #tpu.memory_space<vmem_shared>> -> memref<10112x128xf32, #tpu.memory_space<vmem_shared>>
      tpu.enqueue_indirect_dma source(%arg11 : memref<100x128xf32, #tpu.memory_space<vmem>>) target(%dma_start3A_308 : memref<10112x128xf32, #tpu.memory_space<vmem_shared>>) offsets(%dma_start3A_305 : memref<100xi32, #tpu.memory_space<vmem>>) semaphore(%run_scoped3A_302 : memref<!tpu.dma_semaphore, #tpu.memory_space<semaphore_mem>>) {add = true}
      %dma_wait3A_309 = arith.constant 0 : i32
      %dma_wait3A_310 = tpu.memref_slice %arg9[%run_scoped3A_204, %dma_wait3A_309] : memref<25x100xi32, #tpu.memory_space<vmem>> -> memref<1x100xi32, #tpu.memory_space<vmem>>
      %dma_wait3A_311 = tpu.memref_squeeze %dma_wait3A_310 : memref<1x100xi32, #tpu.memory_space<vmem>> -> memref<100xi32, #tpu.memory_space<vmem>>
      %dma_wait3A_312 = arith.constant 0 : i32
      %dma_wait3A_313 = arith.constant 0 : i32
      %dma_wait3A_314 = tpu.memref_slice %arg7[%dma_wait3A_312, %dma_wait3A_313] : memref<10112x128xf32, #tpu.memory_space<vmem_shared>> -> memref<10112x128xf32, #tpu.memory_space<vmem_shared>>
      tpu.wait_indirect_dma semaphore(%run_scoped3A_302 : memref<!tpu.dma_semaphore, #tpu.memory_space<semaphore_mem>>) src(%arg11 : memref<100x128xf32, #tpu.memory_space<vmem>>) dst(%dma_wait3A_314 : memref<10112x128xf32, #tpu.memory_space<vmem_shared>>)
      tpu.yield
    }) : () -> ()
    %dma_wait3A_205 = arith.constant 23 : i32
    %dma_wait3A_206 = arith.constant 0 : i32
    %dma_wait3A_207 = tpu.memref_slice %arg8[%dma_wait3A_205, %dma_wait3A_206] : memref<25x100xi32, #tpu.memory_space<vmem>> -> memref<1x100xi32, #tpu.memory_space<vmem>>
    %dma_wait3A_208 = tpu.memref_squeeze %dma_wait3A_207 : memref<1x100xi32, #tpu.memory_space<vmem>> -> memref<100xi32, #tpu.memory_space<vmem>>
    %dma_wait3A_209 = arith.constant 0 : i32
    %dma_wait3A_210 = arith.constant 0 : i32
    %dma_wait3A_211 = tpu.memref_slice %arg2[%dma_wait3A_209, %dma_wait3A_210] : memref<10000x128xf32, #tpu.memory_space<hbm>> -> memref<10000x128xf32, #tpu.memory_space<hbm>>
    tpu.wait_indirect_dma semaphore(%arg15 : memref<!tpu.dma_semaphore, #tpu.memory_space<semaphore_mem>>) src(%dma_wait3A_211 : memref<10000x128xf32, #tpu.memory_space<hbm>>) dst(%arg12 : memref<100x128xf32, #tpu.memory_space<vmem>>)
    %run_scoped3A_212 = arith.constant 23 : i32
    "tpu.region"() ({
      %run_scoped3A_302 = tpu.sem_alloc : memref<!tpu.dma_semaphore, #tpu.memory_space<semaphore_mem>>
      %dma_start3A_303 = arith.constant 0 : i32
      %dma_start3A_304 = tpu.memref_slice %arg9[%run_scoped3A_212, %dma_start3A_303] : memref<25x100xi32, #tpu.memory_space<vmem>> -> memref<1x100xi32, #tpu.memory_space<vmem>>
      %dma_start3A_305 = tpu.memref_squeeze %dma_start3A_304 : memref<1x100xi32, #tpu.memory_space<vmem>> -> memref<100xi32, #tpu.memory_space<vmem>>
      %dma_start3A_306 = arith.constant 0 : i32
      %dma_start3A_307 = arith.constant 0 : i32
      %dma_start3A_308 = tpu.memref_slice %arg7[%dma_start3A_306, %dma_start3A_307] : memref<10112x128xf32, #tpu.memory_space<vmem_shared>> -> memref<10112x128xf32, #tpu.memory_space<vmem_shared>>
      tpu.enqueue_indirect_dma source(%arg12 : memref<100x128xf32, #tpu.memory_space<vmem>>) target(%dma_start3A_308 : memref<10112x128xf32, #tpu.memory_space<vmem_shared>>) offsets(%dma_start3A_305 : memref<100xi32, #tpu.memory_space<vmem>>) semaphore(%run_scoped3A_302 : memref<!tpu.dma_semaphore, #tpu.memory_space<semaphore_mem>>) {add = true}
      %dma_wait3A_309 = arith.constant 0 : i32
      %dma_wait3A_310 = tpu.memref_slice %arg9[%run_scoped3A_212, %dma_wait3A_309] : memref<25x100xi32, #tpu.memory_space<vmem>> -> memref<1x100xi32, #tpu.memory_space<vmem>>
      %dma_wait3A_311 = tpu.memref_squeeze %dma_wait3A_310 : memref<1x100xi32, #tpu.memory_space<vmem>> -> memref<100xi32, #tpu.memory_space<vmem>>
      %dma_wait3A_312 = arith.constant 0 : i32
      %dma_wait3A_313 = arith.constant 0 : i32
      %dma_wait3A_314 = tpu.memref_slice %arg7[%dma_wait3A_312, %dma_wait3A_313] : memref<10112x128xf32, #tpu.memory_space<vmem_shared>> -> memref<10112x128xf32, #tpu.memory_space<vmem_shared>>
      tpu.wait_indirect_dma semaphore(%run_scoped3A_302 : memref<!tpu.dma_semaphore, #tpu.memory_space<semaphore_mem>>) src(%arg12 : memref<100x128xf32, #tpu.memory_space<vmem>>) dst(%dma_wait3A_314 : memref<10112x128xf32, #tpu.memory_space<vmem_shared>>)
      tpu.yield
    }) : () -> ()
    %dma_wait3A_213 = arith.constant 24 : i32
    %dma_wait3A_214 = arith.constant 0 : i32
    %dma_wait3A_215 = tpu.memref_slice %arg8[%dma_wait3A_213, %dma_wait3A_214] : memref<25x100xi32, #tpu.memory_space<vmem>> -> memref<1x100xi32, #tpu.memory_space<vmem>>
    %dma_wait3A_216 = tpu.memref_squeeze %dma_wait3A_215 : memref<1x100xi32, #tpu.memory_space<vmem>> -> memref<100xi32, #tpu.memory_space<vmem>>
    %dma_wait3A_217 = arith.constant 0 : i32
    %dma_wait3A_218 = arith.constant 0 : i32
    %dma_wait3A_219 = tpu.memref_slice %arg2[%dma_wait3A_217, %dma_wait3A_218] : memref<10000x128xf32, #tpu.memory_space<hbm>> -> memref<10000x128xf32, #tpu.memory_space<hbm>>
    tpu.wait_indirect_dma semaphore(%arg13 : memref<!tpu.dma_semaphore, #tpu.memory_space<semaphore_mem>>) src(%dma_wait3A_219 : memref<10000x128xf32, #tpu.memory_space<hbm>>) dst(%arg10 : memref<100x128xf32, #tpu.memory_space<vmem>>)
    %run_scoped3A_220 = arith.constant 24 : i32
    "tpu.region"() ({
      %run_scoped3A_302 = tpu.sem_alloc : memref<!tpu.dma_semaphore, #tpu.memory_space<semaphore_mem>>
      %dma_start3A_303 = arith.constant 0 : i32
      %dma_start3A_304 = tpu.memref_slice %arg9[%run_scoped3A_220, %dma_start3A_303] : memref<25x100xi32, #tpu.memory_space<vmem>> -> memref<1x100xi32, #tpu.memory_space<vmem>>
      %dma_start3A_305 = tpu.memref_squeeze %dma_start3A_304 : memref<1x100xi32, #tpu.memory_space<vmem>> -> memref<100xi32, #tpu.memory_space<vmem>>
      %dma_start3A_306 = arith.constant 0 : i32
      %dma_start3A_307 = arith.constant 0 : i32
      %dma_start3A_308 = tpu.memref_slice %arg7[%dma_start3A_306, %dma_start3A_307] : memref<10112x128xf32, #tpu.memory_space<vmem_shared>> -> memref<10112x128xf32, #tpu.memory_space<vmem_shared>>
      tpu.enqueue_indirect_dma source(%arg10 : memref<100x128xf32, #tpu.memory_space<vmem>>) target(%dma_start3A_308 : memref<10112x128xf32, #tpu.memory_space<vmem_shared>>) offsets(%dma_start3A_305 : memref<100xi32, #tpu.memory_space<vmem>>) semaphore(%run_scoped3A_302 : memref<!tpu.dma_semaphore, #tpu.memory_space<semaphore_mem>>) {add = true}
      %dma_wait3A_309 = arith.constant 0 : i32
      %dma_wait3A_310 = tpu.memref_slice %arg9[%run_scoped3A_220, %dma_wait3A_309] : memref<25x100xi32, #tpu.memory_space<vmem>> -> memref<1x100xi32, #tpu.memory_space<vmem>>
      %dma_wait3A_311 = tpu.memref_squeeze %dma_wait3A_310 : memref<1x100xi32, #tpu.memory_space<vmem>> -> memref<100xi32, #tpu.memory_space<vmem>>
      %dma_wait3A_312 = arith.constant 0 : i32
      %dma_wait3A_313 = arith.constant 0 : i32
      %dma_wait3A_314 = tpu.memref_slice %arg7[%dma_wait3A_312, %dma_wait3A_313] : memref<10112x128xf32, #tpu.memory_space<vmem_shared>> -> memref<10112x128xf32, #tpu.memory_space<vmem_shared>>
      tpu.wait_indirect_dma semaphore(%run_scoped3A_302 : memref<!tpu.dma_semaphore, #tpu.memory_space<semaphore_mem>>) src(%arg10 : memref<100x128xf32, #tpu.memory_space<vmem>>) dst(%dma_wait3A_314 : memref<10112x128xf32, #tpu.memory_space<vmem_shared>>)
      tpu.yield
    }) : () -> ()
    %mul3A_221 = arith.constant 4 : i32
    %mul3A_222 = arith.muli %mul3A_221, %add3A : i32
    %add3A_223 = arith.constant 3 : i32
    %add3A_224 = arith.addi %mul3A_222, %add3A_223 : i32
    "tpu.region"() ({
      %run_scoped3A_302 = tpu.sem_alloc : memref<!tpu.dma_semaphore, #tpu.memory_space<semaphore_mem>>
      %dma_start3A_303 = arith.constant 0 : i32
      %dma_start3A_304 = arith.constant 0 : i32
      %dma_start3A_305 = tpu.memref_slice %arg3[%add3A_224, %dma_start3A_303, %dma_start3A_304] : memref<128x25x100xi32, #tpu.memory_space<hbm>> -> memref<1x25x100xi32, #tpu.memory_space<hbm>>
      %dma_start3A_306 = tpu.memref_squeeze %dma_start3A_305 : memref<1x25x100xi32, #tpu.memory_space<hbm>> -> memref<25x100xi32, #tpu.memory_space<hbm>>
      %dma_start3A_307 = arith.constant 0 : i32
      %dma_start3A_308 = arith.constant 0 : i32
      %dma_start3A_309 = tpu.memref_slice %arg3[%add3A_224, %dma_start3A_307, %dma_start3A_308] : memref<128x25x100xi32, #tpu.memory_space<hbm>> -> memref<1x25x100xi32, #tpu.memory_space<hbm>>
      %dma_start3A_310 = tpu.memref_squeeze %dma_start3A_309 : memref<1x25x100xi32, #tpu.memory_space<hbm>> -> memref<25x100xi32, #tpu.memory_space<hbm>>
      tpu.enqueue_dma source(%dma_start3A_310 : memref<25x100xi32, #tpu.memory_space<hbm>>) target(%arg8 : memref<25x100xi32, #tpu.memory_space<vmem>>) target_semaphore(%run_scoped3A_302 : memref<!tpu.dma_semaphore, #tpu.memory_space<semaphore_mem>>)
      %dma_wait3A_311 = arith.constant 0 : i32
      %dma_wait3A_312 = arith.constant 0 : i32
      %dma_wait3A_313 = tpu.memref_slice %arg3[%add3A_224, %dma_wait3A_311, %dma_wait3A_312] : memref<128x25x100xi32, #tpu.memory_space<hbm>> -> memref<1x25x100xi32, #tpu.memory_space<hbm>>
      %dma_wait3A_314 = tpu.memref_squeeze %dma_wait3A_313 : memref<1x25x100xi32, #tpu.memory_space<hbm>> -> memref<25x100xi32, #tpu.memory_space<hbm>>
      %dma_wait3A_315 = arith.constant 0 : i32
      %dma_wait3A_316 = arith.constant 0 : i32
      %dma_wait3A_317 = tpu.memref_slice %arg3[%add3A_224, %dma_wait3A_315, %dma_wait3A_316] : memref<128x25x100xi32, #tpu.memory_space<hbm>> -> memref<1x25x100xi32, #tpu.memory_space<hbm>>
      %dma_wait3A_318 = tpu.memref_squeeze %dma_wait3A_317 : memref<1x25x100xi32, #tpu.memory_space<hbm>> -> memref<25x100xi32, #tpu.memory_space<hbm>>
      tpu.wait_dma2 semaphore(%run_scoped3A_302 : memref<!tpu.dma_semaphore, #tpu.memory_space<semaphore_mem>>) src(%dma_wait3A_318 : memref<25x100xi32, #tpu.memory_space<hbm>>) dst(%arg8 : memref<25x100xi32, #tpu.memory_space<vmem>>)
      tpu.yield
    }) : () -> ()
    %mul3A_225 = arith.constant 4 : i32
    %mul3A_226 = arith.muli %mul3A_225, %add3A : i32
    %add3A_227 = arith.constant 3 : i32
    %add3A_228 = arith.addi %mul3A_226, %add3A_227 : i32
    "tpu.region"() ({
      %run_scoped3A_302 = tpu.sem_alloc : memref<!tpu.dma_semaphore, #tpu.memory_space<semaphore_mem>>
      %dma_start3A_303 = arith.constant 0 : i32
      %dma_start3A_304 = arith.constant 0 : i32
      %dma_start3A_305 = tpu.memref_slice %arg4[%add3A_228, %dma_start3A_303, %dma_start3A_304] : memref<128x25x100xi32, #tpu.memory_space<hbm>> -> memref<1x25x100xi32, #tpu.memory_space<hbm>>
      %dma_start3A_306 = tpu.memref_squeeze %dma_start3A_305 : memref<1x25x100xi32, #tpu.memory_space<hbm>> -> memref<25x100xi32, #tpu.memory_space<hbm>>
      %dma_start3A_307 = arith.constant 0 : i32
      %dma_start3A_308 = arith.constant 0 : i32
      %dma_start3A_309 = tpu.memref_slice %arg4[%add3A_228, %dma_start3A_307, %dma_start3A_308] : memref<128x25x100xi32, #tpu.memory_space<hbm>> -> memref<1x25x100xi32, #tpu.memory_space<hbm>>
      %dma_start3A_310 = tpu.memref_squeeze %dma_start3A_309 : memref<1x25x100xi32, #tpu.memory_space<hbm>> -> memref<25x100xi32, #tpu.memory_space<hbm>>
      tpu.enqueue_dma source(%dma_start3A_310 : memref<25x100xi32, #tpu.memory_space<hbm>>) target(%arg9 : memref<25x100xi32, #tpu.memory_space<vmem>>) target_semaphore(%run_scoped3A_302 : memref<!tpu.dma_semaphore, #tpu.memory_space<semaphore_mem>>)
      %dma_wait3A_311 = arith.constant 0 : i32
      %dma_wait3A_312 = arith.constant 0 : i32
      %dma_wait3A_313 = tpu.memref_slice %arg4[%add3A_228, %dma_wait3A_311, %dma_wait3A_312] : memref<128x25x100xi32, #tpu.memory_space<hbm>> -> memref<1x25x100xi32, #tpu.memory_space<hbm>>
      %dma_wait3A_314 = tpu.memref_squeeze %dma_wait3A_313 : memref<1x25x100xi32, #tpu.memory_space<hbm>> -> memref<25x100xi32, #tpu.memory_space<hbm>>
      %dma_wait3A_315 = arith.constant 0 : i32
      %dma_wait3A_316 = arith.constant 0 : i32
      %dma_wait3A_317 = tpu.memref_slice %arg4[%add3A_228, %dma_wait3A_315, %dma_wait3A_316] : memref<128x25x100xi32, #tpu.memory_space<hbm>> -> memref<1x25x100xi32, #tpu.memory_space<hbm>>
      %dma_wait3A_318 = tpu.memref_squeeze %dma_wait3A_317 : memref<1x25x100xi32, #tpu.memory_space<hbm>> -> memref<25x100xi32, #tpu.memory_space<hbm>>
      tpu.wait_dma2 semaphore(%run_scoped3A_302 : memref<!tpu.dma_semaphore, #tpu.memory_space<semaphore_mem>>) src(%dma_wait3A_318 : memref<25x100xi32, #tpu.memory_space<hbm>>) dst(%arg9 : memref<25x100xi32, #tpu.memory_space<vmem>>)
      tpu.yield
    }) : () -> ()
    %dma_start3A_229 = arith.constant 0 : i32
    %dma_start3A_230 = arith.constant 0 : i32
    %dma_start3A_231 = tpu.memref_slice %arg8[%dma_start3A_229, %dma_start3A_230] : memref<25x100xi32, #tpu.memory_space<vmem>> -> memref<1x100xi32, #tpu.memory_space<vmem>>
    %dma_start3A_232 = tpu.memref_squeeze %dma_start3A_231 : memref<1x100xi32, #tpu.memory_space<vmem>> -> memref<100xi32, #tpu.memory_space<vmem>>
    %dma_start3A_233 = arith.constant 0 : i32
    %dma_start3A_234 = arith.constant 0 : i32
    %dma_start3A_235 = tpu.memref_slice %arg2[%dma_start3A_233, %dma_start3A_234] : memref<10000x128xf32, #tpu.memory_space<hbm>> -> memref<10000x128xf32, #tpu.memory_space<hbm>>
    tpu.enqueue_indirect_dma source(%dma_start3A_235 : memref<10000x128xf32, #tpu.memory_space<hbm>>) target(%arg10 : memref<100x128xf32, #tpu.memory_space<vmem>>) offsets(%dma_start3A_232 : memref<100xi32, #tpu.memory_space<vmem>>) semaphore(%arg13 : memref<!tpu.dma_semaphore, #tpu.memory_space<semaphore_mem>>)
    %dma_start3A_236 = arith.constant 1 : i32
    %dma_start3A_237 = arith.constant 0 : i32
    %dma_start3A_238 = tpu.memref_slice %arg8[%dma_start3A_236, %dma_start3A_237] : memref<25x100xi32, #tpu.memory_space<vmem>> -> memref<1x100xi32, #tpu.memory_space<vmem>>
    %dma_start3A_239 = tpu.memref_squeeze %dma_start3A_238 : memref<1x100xi32, #tpu.memory_space<vmem>> -> memref<100xi32, #tpu.memory_space<vmem>>
    %dma_start3A_240 = arith.constant 0 : i32
    %dma_start3A_241 = arith.constant 0 : i32
    %dma_start3A_242 = tpu.memref_slice %arg2[%dma_start3A_240, %dma_start3A_241] : memref<10000x128xf32, #tpu.memory_space<hbm>> -> memref<10000x128xf32, #tpu.memory_space<hbm>>
    tpu.enqueue_indirect_dma source(%dma_start3A_242 : memref<10000x128xf32, #tpu.memory_space<hbm>>) target(%arg11 : memref<100x128xf32, #tpu.memory_space<vmem>>) offsets(%dma_start3A_239 : memref<100xi32, #tpu.memory_space<vmem>>) semaphore(%arg14 : memref<!tpu.dma_semaphore, #tpu.memory_space<semaphore_mem>>)
    %dma_start3A_243 = arith.constant 2 : i32
    %dma_start3A_244 = arith.constant 0 : i32
    %dma_start3A_245 = tpu.memref_slice %arg8[%dma_start3A_243, %dma_start3A_244] : memref<25x100xi32, #tpu.memory_space<vmem>> -> memref<1x100xi32, #tpu.memory_space<vmem>>
    %dma_start3A_246 = tpu.memref_squeeze %dma_start3A_245 : memref<1x100xi32, #tpu.memory_space<vmem>> -> memref<100xi32, #tpu.memory_space<vmem>>
    %dma_start3A_247 = arith.constant 0 : i32
    %dma_start3A_248 = arith.constant 0 : i32
    %dma_start3A_249 = tpu.memref_slice %arg2[%dma_start3A_247, %dma_start3A_248] : memref<10000x128xf32, #tpu.memory_space<hbm>> -> memref<10000x128xf32, #tpu.memory_space<hbm>>
    tpu.enqueue_indirect_dma source(%dma_start3A_249 : memref<10000x128xf32, #tpu.memory_space<hbm>>) target(%arg12 : memref<100x128xf32, #tpu.memory_space<vmem>>) offsets(%dma_start3A_246 : memref<100xi32, #tpu.memory_space<vmem>>) semaphore(%arg15 : memref<!tpu.dma_semaphore, #tpu.memory_space<semaphore_mem>>)
    %scan3A_250 = arith.constant 0 : i32
    %scan3A_251 = arith.constant 0 : i32
    %scan3A_252 = arith.constant 7 : i32
    %scan3A_253 = arith.addi %scan3A_251, %scan3A_252 : i32
    %scan3A_254 = arith.constant 1 : i32
    scf.for %scan3A_302 = %scan3A_251 to %scan3A_253 step %scan3A_254  : i32 {
      %mul3A_303 = arith.constant 3 : i32
      %mul3A_304 = arith.muli %mul3A_303, %scan3A_302 : i32
      %dma_wait3A_305 = arith.constant 0 : i32
      %dma_wait3A_306 = tpu.memref_slice %arg8[%mul3A_304, %dma_wait3A_305] : memref<25x100xi32, #tpu.memory_space<vmem>> -> memref<1x100xi32, #tpu.memory_space<vmem>>
      %dma_wait3A_307 = tpu.memref_squeeze %dma_wait3A_306 : memref<1x100xi32, #tpu.memory_space<vmem>> -> memref<100xi32, #tpu.memory_space<vmem>>
      %dma_wait3A_308 = arith.constant 0 : i32
      %dma_wait3A_309 = arith.constant 0 : i32
      %dma_wait3A_310 = tpu.memref_slice %arg2[%dma_wait3A_308, %dma_wait3A_309] : memref<10000x128xf32, #tpu.memory_space<hbm>> -> memref<10000x128xf32, #tpu.memory_space<hbm>>
      tpu.wait_indirect_dma semaphore(%arg13 : memref<!tpu.dma_semaphore, #tpu.memory_space<semaphore_mem>>) src(%dma_wait3A_310 : memref<10000x128xf32, #tpu.memory_space<hbm>>) dst(%arg10 : memref<100x128xf32, #tpu.memory_space<vmem>>)
      "tpu.region"() ({
        %run_scoped3A_351 = tpu.sem_alloc : memref<!tpu.dma_semaphore, #tpu.memory_space<semaphore_mem>>
        %dma_start3A_352 = arith.constant 0 : i32
        %dma_start3A_353 = tpu.memref_slice %arg9[%mul3A_304, %dma_start3A_352] : memref<25x100xi32, #tpu.memory_space<vmem>> -> memref<1x100xi32, #tpu.memory_space<vmem>>
        %dma_start3A_354 = tpu.memref_squeeze %dma_start3A_353 : memref<1x100xi32, #tpu.memory_space<vmem>> -> memref<100xi32, #tpu.memory_space<vmem>>
        %dma_start3A_355 = arith.constant 0 : i32
        %dma_start3A_356 = arith.constant 0 : i32
        %dma_start3A_357 = tpu.memref_slice %arg7[%dma_start3A_355, %dma_start3A_356] : memref<10112x128xf32, #tpu.memory_space<vmem_shared>> -> memref<10112x128xf32, #tpu.memory_space<vmem_shared>>
        tpu.enqueue_indirect_dma source(%arg10 : memref<100x128xf32, #tpu.memory_space<vmem>>) target(%dma_start3A_357 : memref<10112x128xf32, #tpu.memory_space<vmem_shared>>) offsets(%dma_start3A_354 : memref<100xi32, #tpu.memory_space<vmem>>) semaphore(%run_scoped3A_351 : memref<!tpu.dma_semaphore, #tpu.memory_space<semaphore_mem>>) {add = true}
        %dma_wait3A_358 = arith.constant 0 : i32
        %dma_wait3A_359 = tpu.memref_slice %arg9[%mul3A_304, %dma_wait3A_358] : memref<25x100xi32, #tpu.memory_space<vmem>> -> memref<1x100xi32, #tpu.memory_space<vmem>>
        %dma_wait3A_360 = tpu.memref_squeeze %dma_wait3A_359 : memref<1x100xi32, #tpu.memory_space<vmem>> -> memref<100xi32, #tpu.memory_space<vmem>>
        %dma_wait3A_361 = arith.constant 0 : i32
        %dma_wait3A_362 = arith.constant 0 : i32
        %dma_wait3A_363 = tpu.memref_slice %arg7[%dma_wait3A_361, %dma_wait3A_362] : memref<10112x128xf32, #tpu.memory_space<vmem_shared>> -> memref<10112x128xf32, #tpu.memory_space<vmem_shared>>
        tpu.wait_indirect_dma semaphore(%run_scoped3A_351 : memref<!tpu.dma_semaphore, #tpu.memory_space<semaphore_mem>>) src(%arg10 : memref<100x128xf32, #tpu.memory_space<vmem>>) dst(%dma_wait3A_363 : memref<10112x128xf32, #tpu.memory_space<vmem_shared>>)
        tpu.yield
      }) : () -> ()
      %add3A_311 = arith.constant 3 : i32
      %add3A_312 = arith.addi %mul3A_304, %add3A_311 : i32
      %dma_start3A_313 = arith.constant 0 : i32
      %dma_start3A_314 = tpu.memref_slice %arg8[%add3A_312, %dma_start3A_313] : memref<25x100xi32, #tpu.memory_space<vmem>> -> memref<1x100xi32, #tpu.memory_space<vmem>>
      %dma_start3A_315 = tpu.memref_squeeze %dma_start3A_314 : memref<1x100xi32, #tpu.memory_space<vmem>> -> memref<100xi32, #tpu.memory_space<vmem>>
      %dma_start3A_316 = arith.constant 0 : i32
      %dma_start3A_317 = arith.constant 0 : i32
      %dma_start3A_318 = tpu.memref_slice %arg2[%dma_start3A_316, %dma_start3A_317] : memref<10000x128xf32, #tpu.memory_space<hbm>> -> memref<10000x128xf32, #tpu.memory_space<hbm>>
      tpu.enqueue_indirect_dma source(%dma_start3A_318 : memref<10000x128xf32, #tpu.memory_space<hbm>>) target(%arg10 : memref<100x128xf32, #tpu.memory_space<vmem>>) offsets(%dma_start3A_315 : memref<100xi32, #tpu.memory_space<vmem>>) semaphore(%arg13 : memref<!tpu.dma_semaphore, #tpu.memory_space<semaphore_mem>>)
      %add3A_319 = arith.constant 1 : i32
      %add3A_320 = arith.addi %mul3A_304, %add3A_319 : i32
      %dma_wait3A_321 = arith.constant 0 : i32
      %dma_wait3A_322 = tpu.memref_slice %arg8[%add3A_320, %dma_wait3A_321] : memref<25x100xi32, #tpu.memory_space<vmem>> -> memref<1x100xi32, #tpu.memory_space<vmem>>
      %dma_wait3A_323 = tpu.memref_squeeze %dma_wait3A_322 : memref<1x100xi32, #tpu.memory_space<vmem>> -> memref<100xi32, #tpu.memory_space<vmem>>
      %dma_wait3A_324 = arith.constant 0 : i32
      %dma_wait3A_325 = arith.constant 0 : i32
      %dma_wait3A_326 = tpu.memref_slice %arg2[%dma_wait3A_324, %dma_wait3A_325] : memref<10000x128xf32, #tpu.memory_space<hbm>> -> memref<10000x128xf32, #tpu.memory_space<hbm>>
      tpu.wait_indirect_dma semaphore(%arg14 : memref<!tpu.dma_semaphore, #tpu.memory_space<semaphore_mem>>) src(%dma_wait3A_326 : memref<10000x128xf32, #tpu.memory_space<hbm>>) dst(%arg11 : memref<100x128xf32, #tpu.memory_space<vmem>>)
      "tpu.region"() ({
        %run_scoped3A_351 = tpu.sem_alloc : memref<!tpu.dma_semaphore, #tpu.memory_space<semaphore_mem>>
        %dma_start3A_352 = arith.constant 0 : i32
        %dma_start3A_353 = tpu.memref_slice %arg9[%add3A_320, %dma_start3A_352] : memref<25x100xi32, #tpu.memory_space<vmem>> -> memref<1x100xi32, #tpu.memory_space<vmem>>
        %dma_start3A_354 = tpu.memref_squeeze %dma_start3A_353 : memref<1x100xi32, #tpu.memory_space<vmem>> -> memref<100xi32, #tpu.memory_space<vmem>>
        %dma_start3A_355 = arith.constant 0 : i32
        %dma_start3A_356 = arith.constant 0 : i32
        %dma_start3A_357 = tpu.memref_slice %arg7[%dma_start3A_355, %dma_start3A_356] : memref<10112x128xf32, #tpu.memory_space<vmem_shared>> -> memref<10112x128xf32, #tpu.memory_space<vmem_shared>>
        tpu.enqueue_indirect_dma source(%arg11 : memref<100x128xf32, #tpu.memory_space<vmem>>) target(%dma_start3A_357 : memref<10112x128xf32, #tpu.memory_space<vmem_shared>>) offsets(%dma_start3A_354 : memref<100xi32, #tpu.memory_space<vmem>>) semaphore(%run_scoped3A_351 : memref<!tpu.dma_semaphore, #tpu.memory_space<semaphore_mem>>) {add = true}
        %dma_wait3A_358 = arith.constant 0 : i32
        %dma_wait3A_359 = tpu.memref_slice %arg9[%add3A_320, %dma_wait3A_358] : memref<25x100xi32, #tpu.memory_space<vmem>> -> memref<1x100xi32, #tpu.memory_space<vmem>>
        %dma_wait3A_360 = tpu.memref_squeeze %dma_wait3A_359 : memref<1x100xi32, #tpu.memory_space<vmem>> -> memref<100xi32, #tpu.memory_space<vmem>>
        %dma_wait3A_361 = arith.constant 0 : i32
        %dma_wait3A_362 = arith.constant 0 : i32
        %dma_wait3A_363 = tpu.memref_slice %arg7[%dma_wait3A_361, %dma_wait3A_362] : memref<10112x128xf32, #tpu.memory_space<vmem_shared>> -> memref<10112x128xf32, #tpu.memory_space<vmem_shared>>
        tpu.wait_indirect_dma semaphore(%run_scoped3A_351 : memref<!tpu.dma_semaphore, #tpu.memory_space<semaphore_mem>>) src(%arg11 : memref<100x128xf32, #tpu.memory_space<vmem>>) dst(%dma_wait3A_363 : memref<10112x128xf32, #tpu.memory_space<vmem_shared>>)
        tpu.yield
      }) : () -> ()
      %add3A_327 = arith.constant 4 : i32
      %add3A_328 = arith.addi %mul3A_304, %add3A_327 : i32
      %dma_start3A_329 = arith.constant 0 : i32
      %dma_start3A_330 = tpu.memref_slice %arg8[%add3A_328, %dma_start3A_329] : memref<25x100xi32, #tpu.memory_space<vmem>> -> memref<1x100xi32, #tpu.memory_space<vmem>>
      %dma_start3A_331 = tpu.memref_squeeze %dma_start3A_330 : memref<1x100xi32, #tpu.memory_space<vmem>> -> memref<100xi32, #tpu.memory_space<vmem>>
      %dma_start3A_332 = arith.constant 0 : i32
      %dma_start3A_333 = arith.constant 0 : i32
      %dma_start3A_334 = tpu.memref_slice %arg2[%dma_start3A_332, %dma_start3A_333] : memref<10000x128xf32, #tpu.memory_space<hbm>> -> memref<10000x128xf32, #tpu.memory_space<hbm>>
      tpu.enqueue_indirect_dma source(%dma_start3A_334 : memref<10000x128xf32, #tpu.memory_space<hbm>>) target(%arg11 : memref<100x128xf32, #tpu.memory_space<vmem>>) offsets(%dma_start3A_331 : memref<100xi32, #tpu.memory_space<vmem>>) semaphore(%arg14 : memref<!tpu.dma_semaphore, #tpu.memory_space<semaphore_mem>>)
      %add3A_335 = arith.constant 2 : i32
      %add3A_336 = arith.addi %mul3A_304, %add3A_335 : i32
      %dma_wait3A_337 = arith.constant 0 : i32
      %dma_wait3A_338 = tpu.memref_slice %arg8[%add3A_336, %dma_wait3A_337] : memref<25x100xi32, #tpu.memory_space<vmem>> -> memref<1x100xi32, #tpu.memory_space<vmem>>
      %dma_wait3A_339 = tpu.memref_squeeze %dma_wait3A_338 : memref<1x100xi32, #tpu.memory_space<vmem>> -> memref<100xi32, #tpu.memory_space<vmem>>
      %dma_wait3A_340 = arith.constant 0 : i32
      %dma_wait3A_341 = arith.constant 0 : i32
      %dma_wait3A_342 = tpu.memref_slice %arg2[%dma_wait3A_340, %dma_wait3A_341] : memref<10000x128xf32, #tpu.memory_space<hbm>> -> memref<10000x128xf32, #tpu.memory_space<hbm>>
      tpu.wait_indirect_dma semaphore(%arg15 : memref<!tpu.dma_semaphore, #tpu.memory_space<semaphore_mem>>) src(%dma_wait3A_342 : memref<10000x128xf32, #tpu.memory_space<hbm>>) dst(%arg12 : memref<100x128xf32, #tpu.memory_space<vmem>>)
      "tpu.region"() ({
        %run_scoped3A_351 = tpu.sem_alloc : memref<!tpu.dma_semaphore, #tpu.memory_space<semaphore_mem>>
        %dma_start3A_352 = arith.constant 0 : i32
        %dma_start3A_353 = tpu.memref_slice %arg9[%add3A_336, %dma_start3A_352] : memref<25x100xi32, #tpu.memory_space<vmem>> -> memref<1x100xi32, #tpu.memory_space<vmem>>
        %dma_start3A_354 = tpu.memref_squeeze %dma_start3A_353 : memref<1x100xi32, #tpu.memory_space<vmem>> -> memref<100xi32, #tpu.memory_space<vmem>>
        %dma_start3A_355 = arith.constant 0 : i32
        %dma_start3A_356 = arith.constant 0 : i32
        %dma_start3A_357 = tpu.memref_slice %arg7[%dma_start3A_355, %dma_start3A_356] : memref<10112x128xf32, #tpu.memory_space<vmem_shared>> -> memref<10112x128xf32, #tpu.memory_space<vmem_shared>>
        tpu.enqueue_indirect_dma source(%arg12 : memref<100x128xf32, #tpu.memory_space<vmem>>) target(%dma_start3A_357 : memref<10112x128xf32, #tpu.memory_space<vmem_shared>>) offsets(%dma_start3A_354 : memref<100xi32, #tpu.memory_space<vmem>>) semaphore(%run_scoped3A_351 : memref<!tpu.dma_semaphore, #tpu.memory_space<semaphore_mem>>) {add = true}
        %dma_wait3A_358 = arith.constant 0 : i32
        %dma_wait3A_359 = tpu.memref_slice %arg9[%add3A_336, %dma_wait3A_358] : memref<25x100xi32, #tpu.memory_space<vmem>> -> memref<1x100xi32, #tpu.memory_space<vmem>>
        %dma_wait3A_360 = tpu.memref_squeeze %dma_wait3A_359 : memref<1x100xi32, #tpu.memory_space<vmem>> -> memref<100xi32, #tpu.memory_space<vmem>>
        %dma_wait3A_361 = arith.constant 0 : i32
        %dma_wait3A_362 = arith.constant 0 : i32
        %dma_wait3A_363 = tpu.memref_slice %arg7[%dma_wait3A_361, %dma_wait3A_362] : memref<10112x128xf32, #tpu.memory_space<vmem_shared>> -> memref<10112x128xf32, #tpu.memory_space<vmem_shared>>
        tpu.wait_indirect_dma semaphore(%run_scoped3A_351 : memref<!tpu.dma_semaphore, #tpu.memory_space<semaphore_mem>>) src(%arg12 : memref<100x128xf32, #tpu.memory_space<vmem>>) dst(%dma_wait3A_363 : memref<10112x128xf32, #tpu.memory_space<vmem_shared>>)
        tpu.yield
      }) : () -> ()
      %add3A_343 = arith.constant 5 : i32
      %add3A_344 = arith.addi %mul3A_304, %add3A_343 : i32
      %dma_start3A_345 = arith.constant 0 : i32
      %dma_start3A_346 = tpu.memref_slice %arg8[%add3A_344, %dma_start3A_345] : memref<25x100xi32, #tpu.memory_space<vmem>> -> memref<1x100xi32, #tpu.memory_space<vmem>>
      %dma_start3A_347 = tpu.memref_squeeze %dma_start3A_346 : memref<1x100xi32, #tpu.memory_space<vmem>> -> memref<100xi32, #tpu.memory_space<vmem>>
      %dma_start3A_348 = arith.constant 0 : i32
      %dma_start3A_349 = arith.constant 0 : i32
      %dma_start3A_350 = tpu.memref_slice %arg2[%dma_start3A_348, %dma_start3A_349] : memref<10000x128xf32, #tpu.memory_space<hbm>> -> memref<10000x128xf32, #tpu.memory_space<hbm>>
      tpu.enqueue_indirect_dma source(%dma_start3A_350 : memref<10000x128xf32, #tpu.memory_space<hbm>>) target(%arg12 : memref<100x128xf32, #tpu.memory_space<vmem>>) offsets(%dma_start3A_347 : memref<100xi32, #tpu.memory_space<vmem>>) semaphore(%arg15 : memref<!tpu.dma_semaphore, #tpu.memory_space<semaphore_mem>>)
    }
    %scan3A_255 = arith.constant 7 : i32
    %dma_wait3A_256 = arith.constant 21 : i32
    %dma_wait3A_257 = arith.constant 0 : i32
    %dma_wait3A_258 = tpu.memref_slice %arg8[%dma_wait3A_256, %dma_wait3A_257] : memref<25x100xi32, #tpu.memory_space<vmem>> -> memref<1x100xi32, #tpu.memory_space<vmem>>
    %dma_wait3A_259 = tpu.memref_squeeze %dma_wait3A_258 : memref<1x100xi32, #tpu.memory_space<vmem>> -> memref<100xi32, #tpu.memory_space<vmem>>
    %dma_wait3A_260 = arith.constant 0 : i32
    %dma_wait3A_261 = arith.constant 0 : i32
    %dma_wait3A_262 = tpu.memref_slice %arg2[%dma_wait3A_260, %dma_wait3A_261] : memref<10000x128xf32, #tpu.memory_space<hbm>> -> memref<10000x128xf32, #tpu.memory_space<hbm>>
    tpu.wait_indirect_dma semaphore(%arg13 : memref<!tpu.dma_semaphore, #tpu.memory_space<semaphore_mem>>) src(%dma_wait3A_262 : memref<10000x128xf32, #tpu.memory_space<hbm>>) dst(%arg10 : memref<100x128xf32, #tpu.memory_space<vmem>>)
    %run_scoped3A_263 = arith.constant 21 : i32
    "tpu.region"() ({
      %run_scoped3A_302 = tpu.sem_alloc : memref<!tpu.dma_semaphore, #tpu.memory_space<semaphore_mem>>
      %dma_start3A_303 = arith.constant 0 : i32
      %dma_start3A_304 = tpu.memref_slice %arg9[%run_scoped3A_263, %dma_start3A_303] : memref<25x100xi32, #tpu.memory_space<vmem>> -> memref<1x100xi32, #tpu.memory_space<vmem>>
      %dma_start3A_305 = tpu.memref_squeeze %dma_start3A_304 : memref<1x100xi32, #tpu.memory_space<vmem>> -> memref<100xi32, #tpu.memory_space<vmem>>
      %dma_start3A_306 = arith.constant 0 : i32
      %dma_start3A_307 = arith.constant 0 : i32
      %dma_start3A_308 = tpu.memref_slice %arg7[%dma_start3A_306, %dma_start3A_307] : memref<10112x128xf32, #tpu.memory_space<vmem_shared>> -> memref<10112x128xf32, #tpu.memory_space<vmem_shared>>
      tpu.enqueue_indirect_dma source(%arg10 : memref<100x128xf32, #tpu.memory_space<vmem>>) target(%dma_start3A_308 : memref<10112x128xf32, #tpu.memory_space<vmem_shared>>) offsets(%dma_start3A_305 : memref<100xi32, #tpu.memory_space<vmem>>) semaphore(%run_scoped3A_302 : memref<!tpu.dma_semaphore, #tpu.memory_space<semaphore_mem>>) {add = true}
      %dma_wait3A_309 = arith.constant 0 : i32
      %dma_wait3A_310 = tpu.memref_slice %arg9[%run_scoped3A_263, %dma_wait3A_309] : memref<25x100xi32, #tpu.memory_space<vmem>> -> memref<1x100xi32, #tpu.memory_space<vmem>>
      %dma_wait3A_311 = tpu.memref_squeeze %dma_wait3A_310 : memref<1x100xi32, #tpu.memory_space<vmem>> -> memref<100xi32, #tpu.memory_space<vmem>>
      %dma_wait3A_312 = arith.constant 0 : i32
      %dma_wait3A_313 = arith.constant 0 : i32
      %dma_wait3A_314 = tpu.memref_slice %arg7[%dma_wait3A_312, %dma_wait3A_313] : memref<10112x128xf32, #tpu.memory_space<vmem_shared>> -> memref<10112x128xf32, #tpu.memory_space<vmem_shared>>
      tpu.wait_indirect_dma semaphore(%run_scoped3A_302 : memref<!tpu.dma_semaphore, #tpu.memory_space<semaphore_mem>>) src(%arg10 : memref<100x128xf32, #tpu.memory_space<vmem>>) dst(%dma_wait3A_314 : memref<10112x128xf32, #tpu.memory_space<vmem_shared>>)
      tpu.yield
    }) : () -> ()
    %dma_start3A_264 = arith.constant 24 : i32
    %dma_start3A_265 = arith.constant 0 : i32
    %dma_start3A_266 = tpu.memref_slice %arg8[%dma_start3A_264, %dma_start3A_265] : memref<25x100xi32, #tpu.memory_space<vmem>> -> memref<1x100xi32, #tpu.memory_space<vmem>>
    %dma_start3A_267 = tpu.memref_squeeze %dma_start3A_266 : memref<1x100xi32, #tpu.memory_space<vmem>> -> memref<100xi32, #tpu.memory_space<vmem>>
    %dma_start3A_268 = arith.constant 0 : i32
    %dma_start3A_269 = arith.constant 0 : i32
    %dma_start3A_270 = tpu.memref_slice %arg2[%dma_start3A_268, %dma_start3A_269] : memref<10000x128xf32, #tpu.memory_space<hbm>> -> memref<10000x128xf32, #tpu.memory_space<hbm>>
    tpu.enqueue_indirect_dma source(%dma_start3A_270 : memref<10000x128xf32, #tpu.memory_space<hbm>>) target(%arg10 : memref<100x128xf32, #tpu.memory_space<vmem>>) offsets(%dma_start3A_267 : memref<100xi32, #tpu.memory_space<vmem>>) semaphore(%arg13 : memref<!tpu.dma_semaphore, #tpu.memory_space<semaphore_mem>>)
    %dma_wait3A_271 = arith.constant 22 : i32
    %dma_wait3A_272 = arith.constant 0 : i32
    %dma_wait3A_273 = tpu.memref_slice %arg8[%dma_wait3A_271, %dma_wait3A_272] : memref<25x100xi32, #tpu.memory_space<vmem>> -> memref<1x100xi32, #tpu.memory_space<vmem>>
    %dma_wait3A_274 = tpu.memref_squeeze %dma_wait3A_273 : memref<1x100xi32, #tpu.memory_space<vmem>> -> memref<100xi32, #tpu.memory_space<vmem>>
    %dma_wait3A_275 = arith.constant 0 : i32
    %dma_wait3A_276 = arith.constant 0 : i32
    %dma_wait3A_277 = tpu.memref_slice %arg2[%dma_wait3A_275, %dma_wait3A_276] : memref<10000x128xf32, #tpu.memory_space<hbm>> -> memref<10000x128xf32, #tpu.memory_space<hbm>>
    tpu.wait_indirect_dma semaphore(%arg14 : memref<!tpu.dma_semaphore, #tpu.memory_space<semaphore_mem>>) src(%dma_wait3A_277 : memref<10000x128xf32, #tpu.memory_space<hbm>>) dst(%arg11 : memref<100x128xf32, #tpu.memory_space<vmem>>)
    %run_scoped3A_278 = arith.constant 22 : i32
    "tpu.region"() ({
      %run_scoped3A_302 = tpu.sem_alloc : memref<!tpu.dma_semaphore, #tpu.memory_space<semaphore_mem>>
      %dma_start3A_303 = arith.constant 0 : i32
      %dma_start3A_304 = tpu.memref_slice %arg9[%run_scoped3A_278, %dma_start3A_303] : memref<25x100xi32, #tpu.memory_space<vmem>> -> memref<1x100xi32, #tpu.memory_space<vmem>>
      %dma_start3A_305 = tpu.memref_squeeze %dma_start3A_304 : memref<1x100xi32, #tpu.memory_space<vmem>> -> memref<100xi32, #tpu.memory_space<vmem>>
      %dma_start3A_306 = arith.constant 0 : i32
      %dma_start3A_307 = arith.constant 0 : i32
      %dma_start3A_308 = tpu.memref_slice %arg7[%dma_start3A_306, %dma_start3A_307] : memref<10112x128xf32, #tpu.memory_space<vmem_shared>> -> memref<10112x128xf32, #tpu.memory_space<vmem_shared>>
      tpu.enqueue_indirect_dma source(%arg11 : memref<100x128xf32, #tpu.memory_space<vmem>>) target(%dma_start3A_308 : memref<10112x128xf32, #tpu.memory_space<vmem_shared>>) offsets(%dma_start3A_305 : memref<100xi32, #tpu.memory_space<vmem>>) semaphore(%run_scoped3A_302 : memref<!tpu.dma_semaphore, #tpu.memory_space<semaphore_mem>>) {add = true}
      %dma_wait3A_309 = arith.constant 0 : i32
      %dma_wait3A_310 = tpu.memref_slice %arg9[%run_scoped3A_278, %dma_wait3A_309] : memref<25x100xi32, #tpu.memory_space<vmem>> -> memref<1x100xi32, #tpu.memory_space<vmem>>
      %dma_wait3A_311 = tpu.memref_squeeze %dma_wait3A_310 : memref<1x100xi32, #tpu.memory_space<vmem>> -> memref<100xi32, #tpu.memory_space<vmem>>
      %dma_wait3A_312 = arith.constant 0 : i32
      %dma_wait3A_313 = arith.constant 0 : i32
      %dma_wait3A_314 = tpu.memref_slice %arg7[%dma_wait3A_312, %dma_wait3A_313] : memref<10112x128xf32, #tpu.memory_space<vmem_shared>> -> memref<10112x128xf32, #tpu.memory_space<vmem_shared>>
      tpu.wait_indirect_dma semaphore(%run_scoped3A_302 : memref<!tpu.dma_semaphore, #tpu.memory_space<semaphore_mem>>) src(%arg11 : memref<100x128xf32, #tpu.memory_space<vmem>>) dst(%dma_wait3A_314 : memref<10112x128xf32, #tpu.memory_space<vmem_shared>>)
      tpu.yield
    }) : () -> ()
    %dma_wait3A_279 = arith.constant 23 : i32
    %dma_wait3A_280 = arith.constant 0 : i32
    %dma_wait3A_281 = tpu.memref_slice %arg8[%dma_wait3A_279, %dma_wait3A_280] : memref<25x100xi32, #tpu.memory_space<vmem>> -> memref<1x100xi32, #tpu.memory_space<vmem>>
    %dma_wait3A_282 = tpu.memref_squeeze %dma_wait3A_281 : memref<1x100xi32, #tpu.memory_space<vmem>> -> memref<100xi32, #tpu.memory_space<vmem>>
    %dma_wait3A_283 = arith.constant 0 : i32
    %dma_wait3A_284 = arith.constant 0 : i32
    %dma_wait3A_285 = tpu.memref_slice %arg2[%dma_wait3A_283, %dma_wait3A_284] : memref<10000x128xf32, #tpu.memory_space<hbm>> -> memref<10000x128xf32, #tpu.memory_space<hbm>>
    tpu.wait_indirect_dma semaphore(%arg15 : memref<!tpu.dma_semaphore, #tpu.memory_space<semaphore_mem>>) src(%dma_wait3A_285 : memref<10000x128xf32, #tpu.memory_space<hbm>>) dst(%arg12 : memref<100x128xf32, #tpu.memory_space<vmem>>)
    %run_scoped3A_286 = arith.constant 23 : i32
    "tpu.region"() ({
      %run_scoped3A_302 = tpu.sem_alloc : memref<!tpu.dma_semaphore, #tpu.memory_space<semaphore_mem>>
      %dma_start3A_303 = arith.constant 0 : i32
      %dma_start3A_304 = tpu.memref_slice %arg9[%run_scoped3A_286, %dma_start3A_303] : memref<25x100xi32, #tpu.memory_space<vmem>> -> memref<1x100xi32, #tpu.memory_space<vmem>>
      %dma_start3A_305 = tpu.memref_squeeze %dma_start3A_304 : memref<1x100xi32, #tpu.memory_space<vmem>> -> memref<100xi32, #tpu.memory_space<vmem>>
      %dma_start3A_306 = arith.constant 0 : i32
      %dma_start3A_307 = arith.constant 0 : i32
      %dma_start3A_308 = tpu.memref_slice %arg7[%dma_start3A_306, %dma_start3A_307] : memref<10112x128xf32, #tpu.memory_space<vmem_shared>> -> memref<10112x128xf32, #tpu.memory_space<vmem_shared>>
      tpu.enqueue_indirect_dma source(%arg12 : memref<100x128xf32, #tpu.memory_space<vmem>>) target(%dma_start3A_308 : memref<10112x128xf32, #tpu.memory_space<vmem_shared>>) offsets(%dma_start3A_305 : memref<100xi32, #tpu.memory_space<vmem>>) semaphore(%run_scoped3A_302 : memref<!tpu.dma_semaphore, #tpu.memory_space<semaphore_mem>>) {add = true}
      %dma_wait3A_309 = arith.constant 0 : i32
      %dma_wait3A_310 = tpu.memref_slice %arg9[%run_scoped3A_286, %dma_wait3A_309] : memref<25x100xi32, #tpu.memory_space<vmem>> -> memref<1x100xi32, #tpu.memory_space<vmem>>
      %dma_wait3A_311 = tpu.memref_squeeze %dma_wait3A_310 : memref<1x100xi32, #tpu.memory_space<vmem>> -> memref<100xi32, #tpu.memory_space<vmem>>
      %dma_wait3A_312 = arith.constant 0 : i32
      %dma_wait3A_313 = arith.constant 0 : i32
      %dma_wait3A_314 = tpu.memref_slice %arg7[%dma_wait3A_312, %dma_wait3A_313] : memref<10112x128xf32, #tpu.memory_space<vmem_shared>> -> memref<10112x128xf32, #tpu.memory_space<vmem_shared>>
      tpu.wait_indirect_dma semaphore(%run_scoped3A_302 : memref<!tpu.dma_semaphore, #tpu.memory_space<semaphore_mem>>) src(%arg12 : memref<100x128xf32, #tpu.memory_space<vmem>>) dst(%dma_wait3A_314 : memref<10112x128xf32, #tpu.memory_space<vmem_shared>>)
      tpu.yield
    }) : () -> ()
    %dma_wait3A_287 = arith.constant 24 : i32
    %dma_wait3A_288 = arith.constant 0 : i32
    %dma_wait3A_289 = tpu.memref_slice %arg8[%dma_wait3A_287, %dma_wait3A_288] : memref<25x100xi32, #tpu.memory_space<vmem>> -> memref<1x100xi32, #tpu.memory_space<vmem>>
    %dma_wait3A_290 = tpu.memref_squeeze %dma_wait3A_289 : memref<1x100xi32, #tpu.memory_space<vmem>> -> memref<100xi32, #tpu.memory_space<vmem>>
    %dma_wait3A_291 = arith.constant 0 : i32
    %dma_wait3A_292 = arith.constant 0 : i32
    %dma_wait3A_293 = tpu.memref_slice %arg2[%dma_wait3A_291, %dma_wait3A_292] : memref<10000x128xf32, #tpu.memory_space<hbm>> -> memref<10000x128xf32, #tpu.memory_space<hbm>>
    tpu.wait_indirect_dma semaphore(%arg13 : memref<!tpu.dma_semaphore, #tpu.memory_space<semaphore_mem>>) src(%dma_wait3A_293 : memref<10000x128xf32, #tpu.memory_space<hbm>>) dst(%arg10 : memref<100x128xf32, #tpu.memory_space<vmem>>)
    %run_scoped3A_294 = arith.constant 24 : i32
    "tpu.region"() ({
      %run_scoped3A_302 = tpu.sem_alloc : memref<!tpu.dma_semaphore, #tpu.memory_space<semaphore_mem>>
      %dma_start3A_303 = arith.constant 0 : i32
      %dma_start3A_304 = tpu.memref_slice %arg9[%run_scoped3A_294, %dma_start3A_303] : memref<25x100xi32, #tpu.memory_space<vmem>> -> memref<1x100xi32, #tpu.memory_space<vmem>>
      %dma_start3A_305 = tpu.memref_squeeze %dma_start3A_304 : memref<1x100xi32, #tpu.memory_space<vmem>> -> memref<100xi32, #tpu.memory_space<vmem>>
      %dma_start3A_306 = arith.constant 0 : i32
      %dma_start3A_307 = arith.constant 0 : i32
      %dma_start3A_308 = tpu.memref_slice %arg7[%dma_start3A_306, %dma_start3A_307] : memref<10112x128xf32, #tpu.memory_space<vmem_shared>> -> memref<10112x128xf32, #tpu.memory_space<vmem_shared>>
      tpu.enqueue_indirect_dma source(%arg10 : memref<100x128xf32, #tpu.memory_space<vmem>>) target(%dma_start3A_308 : memref<10112x128xf32, #tpu.memory_space<vmem_shared>>) offsets(%dma_start3A_305 : memref<100xi32, #tpu.memory_space<vmem>>) semaphore(%run_scoped3A_302 : memref<!tpu.dma_semaphore, #tpu.memory_space<semaphore_mem>>) {add = true}
      %dma_wait3A_309 = arith.constant 0 : i32
      %dma_wait3A_310 = tpu.memref_slice %arg9[%run_scoped3A_294, %dma_wait3A_309] : memref<25x100xi32, #tpu.memory_space<vmem>> -> memref<1x100xi32, #tpu.memory_space<vmem>>
      %dma_wait3A_311 = tpu.memref_squeeze %dma_wait3A_310 : memref<1x100xi32, #tpu.memory_space<vmem>> -> memref<100xi32, #tpu.memory_space<vmem>>
      %dma_wait3A_312 = arith.constant 0 : i32
      %dma_wait3A_313 = arith.constant 0 : i32
      %dma_wait3A_314 = tpu.memref_slice %arg7[%dma_wait3A_312, %dma_wait3A_313] : memref<10112x128xf32, #tpu.memory_space<vmem_shared>> -> memref<10112x128xf32, #tpu.memory_space<vmem_shared>>
      tpu.wait_indirect_dma semaphore(%run_scoped3A_302 : memref<!tpu.dma_semaphore, #tpu.memory_space<semaphore_mem>>) src(%arg10 : memref<100x128xf32, #tpu.memory_space<vmem>>) dst(%dma_wait3A_314 : memref<10112x128xf32, #tpu.memory_space<vmem_shared>>)
      tpu.yield
    }) : () -> ()
    %barrier3A_295 = arith.constant 0 : index
    tpu.barrier barrier_id(%barrier3A_295)
    %lt3A = arith.constant 15 : i32
    %lt3A_296 = arith.cmpi slt, %arg1, %lt3A : i32
    %convert_element_type3A = arith.extui %lt3A_296 : i1 to i32
    %cond3A = arith.constant 0 : i32
    %cond3A_297 = arith.cmpi ne, %convert_element_type3A, %cond3A : i32
    scf.if %cond3A_297 {
      %mul3A_302 = arith.constant 10000 : i32
      %mul3A_303 = arith.muli %arg0, %mul3A_302 : i32
      %add3A_304 = arith.addi %mul3A_303, %mul3A_2 : i32
      "tpu.region"() ({
        %run_scoped3A_305 = tpu.sem_alloc : memref<!tpu.dma_semaphore, #tpu.memory_space<semaphore_mem>>
        %dma_start3A_306 = arith.constant 0 : i32
        %dma_start3A_307 = tpu.memref_slice %arg6[%add3A_304, %dma_start3A_306] : memref<20000x128xf32, #tpu.memory_space<hbm>> -> memref<632x128xf32, #tpu.memory_space<hbm>>
        %dma_start3A_308 = arith.constant 0 : i32
        %dma_start3A_309 = tpu.memref_slice %arg7[%mul3A_2, %dma_start3A_308] : memref<10112x128xf32, #tpu.memory_space<vmem_shared>> -> memref<632x128xf32, #tpu.memory_space<vmem_shared>>
        tpu.enqueue_dma source(%dma_start3A_309 : memref<632x128xf32, #tpu.memory_space<vmem_shared>>) target(%dma_start3A_307 : memref<632x128xf32, #tpu.memory_space<hbm>>) target_semaphore(%run_scoped3A_305 : memref<!tpu.dma_semaphore, #tpu.memory_space<semaphore_mem>>)
        %dma_wait3A_310 = arith.constant 0 : i32
        %dma_wait3A_311 = tpu.memref_slice %arg6[%add3A_304, %dma_wait3A_310] : memref<20000x128xf32, #tpu.memory_space<hbm>> -> memref<632x128xf32, #tpu.memory_space<hbm>>
        %dma_wait3A_312 = arith.constant 0 : i32
        %dma_wait3A_313 = tpu.memref_slice %arg7[%mul3A_2, %dma_wait3A_312] : memref<10112x128xf32, #tpu.memory_space<vmem_shared>> -> memref<632x128xf32, #tpu.memory_space<vmem_shared>>
        tpu.wait_dma2 semaphore(%run_scoped3A_305 : memref<!tpu.dma_semaphore, #tpu.memory_space<semaphore_mem>>) src(%dma_wait3A_313 : memref<632x128xf32, #tpu.memory_space<vmem_shared>>) dst(%dma_wait3A_311 : memref<632x128xf32, #tpu.memory_space<hbm>>)
        tpu.yield
      }) : () -> ()
    } else {
    }
    %eq3A = arith.constant 15 : i32
    %eq3A_298 = arith.cmpi eq, %arg1, %eq3A : i32
    %convert_element_type3A_299 = arith.extui %eq3A_298 : i1 to i32
    %cond3A_300 = arith.constant 0 : i32
    %cond3A_301 = arith.cmpi ne, %convert_element_type3A_299, %cond3A_300 : i32
    scf.if %cond3A_301 {
      %mul3A_302 = arith.constant 10000 : i32
      %mul3A_303 = arith.muli %arg0, %mul3A_302 : i32
      %add3A_304 = arith.addi %mul3A_303, %mul3A_2 : i32
      "tpu.region"() ({
        %run_scoped3A_305 = tpu.sem_alloc : memref<!tpu.dma_semaphore, #tpu.memory_space<semaphore_mem>>
        %dma_start3A_306 = arith.constant 0 : i32
        %dma_start3A_307 = tpu.memref_slice %arg6[%add3A_304, %dma_start3A_306] : memref<20000x128xf32, #tpu.memory_space<hbm>> -> memref<520x128xf32, #tpu.memory_space<hbm>>
        %dma_start3A_308 = arith.constant 0 : i32
        %dma_start3A_309 = tpu.memref_slice %arg7[%mul3A_2, %dma_start3A_308] : memref<10112x128xf32, #tpu.memory_space<vmem_shared>> -> memref<520x128xf32, #tpu.memory_space<vmem_shared>>
        tpu.enqueue_dma source(%dma_start3A_309 : memref<520x128xf32, #tpu.memory_space<vmem_shared>>) target(%dma_start3A_307 : memref<520x128xf32, #tpu.memory_space<hbm>>) target_semaphore(%run_scoped3A_305 : memref<!tpu.dma_semaphore, #tpu.memory_space<semaphore_mem>>)
        %dma_wait3A_310 = arith.constant 0 : i32
        %dma_wait3A_311 = tpu.memref_slice %arg6[%add3A_304, %dma_wait3A_310] : memref<20000x128xf32, #tpu.memory_space<hbm>> -> memref<520x128xf32, #tpu.memory_space<hbm>>
        %dma_wait3A_312 = arith.constant 0 : i32
        %dma_wait3A_313 = tpu.memref_slice %arg7[%mul3A_2, %dma_wait3A_312] : memref<10112x128xf32, #tpu.memory_space<vmem_shared>> -> memref<520x128xf32, #tpu.memory_space<vmem_shared>>
        tpu.wait_dma2 semaphore(%run_scoped3A_305 : memref<!tpu.dma_semaphore, #tpu.memory_space<semaphore_mem>>) src(%dma_wait3A_313 : memref<520x128xf32, #tpu.memory_space<vmem_shared>>) dst(%dma_wait3A_311 : memref<520x128xf32, #tpu.memory_space<hbm>>)
        tpu.yield
      }) : () -> ()
    } else {
    }
    return
  }
}

module attributes {stable_mosaic.version = 14 : i64} {
  func.func @body(%arg0: i32, %arg1: memref<1000x128xf32, #tpu.memory_space<vmem>>, %arg2: memref<128x128xf32, #tpu.memory_space<vmem>>, %arg3: memref<1x128xf32, #tpu.memory_space<vmem>>, %arg4: memref<1000x128xf32, #tpu.memory_space<vmem>>) attributes {dimension_semantics = [#tpu.dimension_semantics<arbitrary>], iteration_bounds = array<i64: 10>, scalar_prefetch = 0 : i64, scratch_operands = 0 : i64, tpu.core_type = #tpu.core_type<tc>, window_params = [{transform_indices = @transform_0, window_bounds = array<i64: 1000, 128>}, {pipeline_mode = #tpu.pipeline_mode<synchronous>, transform_indices = @transform_1, window_bounds = array<i64: 128, 128>}, {pipeline_mode = #tpu.pipeline_mode<synchronous>, transform_indices = @transform_2, window_bounds = array<i64: 1, 128>}, {transform_indices = @transform_3, window_bounds = array<i64: 1000, 128>}]} {
    %get3A = arith.constant 0 : index
    %get3A_0 = arith.constant 0 : index
    %get3A_1 = vector.load %arg1[%get3A, %get3A_0] : memref<1000x128xf32, #tpu.memory_space<vmem>>, vector<1000x128xf32>
    %get3A_2 = arith.constant 0 : index
    %get3A_3 = arith.constant 0 : index
    %get3A_4 = vector.load %arg2[%get3A_2, %get3A_3] : memref<128x128xf32, #tpu.memory_space<vmem>>, vector<128x128xf32>
    %dot_general3A = arith.constant dense<0.000000e+00> : vector<1000x128xf32>
    %dot_general3A_5 = tpu.matmul %get3A_1, %get3A_4, %dot_general3A {dimension_numbers = #tpu.dot_dimension_numbers<[1], [0], [0], [1], [0, 0, 1, 1], [], []>, transpose_lhs_hint = false} : vector<1000x128xf32>, vector<128x128xf32>, vector<1000x128xf32> -> vector<1000x128xf32>
    %get3A_6 = arith.constant 0 : index
    %get3A_7 = arith.constant 0 : index
    %get3A_8 = vector.load %arg3[%get3A_6, %get3A_7] : memref<1x128xf32, #tpu.memory_space<vmem>>, vector<1x128xf32>
    %add3A = vector.broadcast %get3A_8 : vector<1x128xf32> to vector<1000x128xf32>
    %add3A_9 = arith.addf %dot_general3A_5, %add3A : vector<1000x128xf32>
    %swap3A = arith.constant 0 : index
    %swap3A_10 = arith.constant 0 : index
    %swap3A_11 = vector.load %arg4[%swap3A, %swap3A_10] : memref<1000x128xf32, #tpu.memory_space<vmem>>, vector<1000x128xf32>
    tpu.vector_store %arg4[%swap3A, %swap3A_10], %add3A_9 {strides = array<i32>} : memref<1000x128xf32, #tpu.memory_space<vmem>>, vector<1000x128xf32>,
    return
  }
  func.func @transform_0(%arg0: i32) -> (i32, i32) {
    %c0_i32 = arith.constant 0 : i32
    %c0_i32_0 = arith.constant 0 : i32
    return %arg0, %c0_i32 : i32, i32
  }
  func.func @transform_1(%arg0: i32) -> (i32, i32) {
    %c0_i32 = arith.constant 0 : i32
    %c0_i32_0 = arith.constant 0 : i32
    %c0_i32_1 = arith.constant 0 : i32
    return %c0_i32, %c0_i32_0 : i32, i32
  }
  func.func @transform_2(%arg0: i32) -> (i32, i32) {
    %c0_i32 = arith.constant 0 : i32
    %c0_i32_0 = arith.constant 0 : i32
    %c0_i32_1 = arith.constant 0 : i32
    return %c0_i32, %c0_i32_0 : i32, i32
  }
  func.func @transform_3(%arg0: i32) -> (i32, i32) {
    %c0_i32 = arith.constant 0 : i32
    %c0_i32_0 = arith.constant 0 : i32
    return %arg0, %c0_i32 : i32, i32
  }
}

module attributes {stable_mosaic.version = 14 : i64} {
  func.func @body(%arg0: i32, %arg1: memref<1000x128xf32, #tpu.memory_space<vmem>>, %arg2: memref<1000x128xf32, #tpu.memory_space<vmem>>, %arg3: memref<1000x128xf32, #tpu.memory_space<vmem>>, %arg4: memref<128x128xf32, #tpu.memory_space<vmem>>, %arg5: memref<128x128xf32, #tpu.memory_space<vmem>>, %arg6: memref<1000x128xf32, #tpu.memory_space<vmem>>) attributes {dimension_semantics = [#tpu.dimension_semantics<arbitrary>], iteration_bounds = array<i64: 10>, scalar_prefetch = 0 : i64, scratch_operands = 0 : i64, tpu.core_type = #tpu.core_type<tc>, window_params = [{transform_indices = @transform_0, window_bounds = array<i64: 1000, 128>}, {transform_indices = @transform_1, window_bounds = array<i64: 1000, 128>}, {transform_indices = @transform_2, window_bounds = array<i64: 1000, 128>}, {pipeline_mode = #tpu.pipeline_mode<synchronous>, transform_indices = @transform_3, window_bounds = array<i64: 128, 128>}, {pipeline_mode = #tpu.pipeline_mode<synchronous>, transform_indices = @transform_4, window_bounds = array<i64: 128, 128>}, {transform_indices = @transform_5, window_bounds = array<i64: 1000, 128>}]} {
    %get3A = arith.constant 0 : index
    %get3A_0 = arith.constant 0 : index
    %get3A_1 = vector.load %arg1[%get3A, %get3A_0] : memref<1000x128xf32, #tpu.memory_space<vmem>>, vector<1000x128xf32>
    %get3A_2 = arith.constant 0 : index
    %get3A_3 = arith.constant 0 : index
    %get3A_4 = vector.load %arg2[%get3A_2, %get3A_3] : memref<1000x128xf32, #tpu.memory_space<vmem>>, vector<1000x128xf32>
    %get3A_5 = arith.constant 0 : index
    %get3A_6 = arith.constant 0 : index
    %get3A_7 = vector.load %arg4[%get3A_5, %get3A_6] : memref<128x128xf32, #tpu.memory_space<vmem>>, vector<128x128xf32>
    %dot_general3A = arith.constant dense<0.000000e+00> : vector<1000x128xf32>
    %dot_general3A_8 = tpu.matmul %get3A_4, %get3A_7, %dot_general3A {dimension_numbers = #tpu.dot_dimension_numbers<[1], [0], [0], [1], [0, 0, 1, 1], [], []>, transpose_lhs_hint = false} : vector<1000x128xf32>, vector<128x128xf32>, vector<1000x128xf32> -> vector<1000x128xf32>
    %add3A = arith.addf %get3A_1, %dot_general3A_8 : vector<1000x128xf32>
    %get3A_9 = arith.constant 0 : index
    %get3A_10 = arith.constant 0 : index
    %get3A_11 = vector.load %arg3[%get3A_9, %get3A_10] : memref<1000x128xf32, #tpu.memory_space<vmem>>, vector<1000x128xf32>
    %get3A_12 = arith.constant 0 : index
    %get3A_13 = arith.constant 0 : index
    %get3A_14 = vector.load %arg5[%get3A_12, %get3A_13] : memref<128x128xf32, #tpu.memory_space<vmem>>, vector<128x128xf32>
    %dot_general3A_15 = arith.constant dense<0.000000e+00> : vector<1000x128xf32>
    %dot_general3A_16 = tpu.matmul %get3A_11, %get3A_14, %dot_general3A_15 {dimension_numbers = #tpu.dot_dimension_numbers<[1], [0], [0], [1], [0, 0, 1, 1], [], []>, transpose_lhs_hint = false} : vector<1000x128xf32>, vector<128x128xf32>, vector<1000x128xf32> -> vector<1000x128xf32>
    %add3A_17 = arith.addf %add3A, %dot_general3A_16 : vector<1000x128xf32>
    %max3A = arith.constant 0.000000e+00 : f32
    %max3A_18 = vector.broadcast %max3A : f32 to vector<1000x128xf32>
    %max3A_19 = arith.maximumf %add3A_17, %max3A_18 : vector<1000x128xf32>
    %swap3A = arith.constant 0 : index
    %swap3A_20 = arith.constant 0 : index
    %swap3A_21 = vector.load %arg6[%swap3A, %swap3A_20] : memref<1000x128xf32, #tpu.memory_space<vmem>>, vector<1000x128xf32>
    tpu.vector_store %arg6[%swap3A, %swap3A_20], %max3A_19 {strides = array<i32>} : memref<1000x128xf32, #tpu.memory_space<vmem>>, vector<1000x128xf32>,
    return
  }
  func.func @transform_0(%arg0: i32) -> (i32, i32) {
    %c0_i32 = arith.constant 0 : i32
    %c0_i32_0 = arith.constant 0 : i32
    return %arg0, %c0_i32 : i32, i32
  }
  func.func @transform_1(%arg0: i32) -> (i32, i32) {
    %c0_i32 = arith.constant 0 : i32
    %c0_i32_0 = arith.constant 0 : i32
    return %arg0, %c0_i32 : i32, i32
  }
  func.func @transform_2(%arg0: i32) -> (i32, i32) {
    %add3A = arith.constant 10 : i32
    %add3A_0 = arith.addi %arg0, %add3A : i32
    %c0_i32 = arith.constant 0 : i32
    %c0_i32_1 = arith.constant 0 : i32
    return %add3A_0, %c0_i32 : i32, i32
  }
  func.func @transform_3(%arg0: i32) -> (i32, i32) {
    %c0_i32 = arith.constant 0 : i32
    %c0_i32_0 = arith.constant 0 : i32
    %c0_i32_1 = arith.constant 0 : i32
    return %c0_i32, %c0_i32_0 : i32, i32
  }
  func.func @transform_4(%arg0: i32) -> (i32, i32) {
    %c0_i32 = arith.constant 0 : i32
    %c0_i32_0 = arith.constant 0 : i32
    %c0_i32_1 = arith.constant 0 : i32
    return %c0_i32, %c0_i32_0 : i32, i32
  }
  func.func @transform_5(%arg0: i32) -> (i32, i32) {
    %c0_i32 = arith.constant 0 : i32
    %c0_i32_0 = arith.constant 0 : i32
    return %arg0, %c0_i32 : i32, i32
  }
}

</mosaic_0001>

<sc_bundles>
// kernel: kernel.5.cloned.1.call-start
scs
__scs_entry_jumppad:
0x0: {  	(pc) =	sbr.rel $0x88, $3  }
0x1: {  	(tag) =	ssettag $0x0;
	lr =	simm.s32 $0x1  }
0x2: {  	[smem:$0x3F9A] =	sst lr;
	_ =	strace $0xD0000000  }
0x3: {  	_ = 	snop  }
0x4: {  	_ = 	snop  }
0x5: {  	_ = 	snop  }
0x6: {  	_ = 	snop  }
0x7: {  	_ = 	snop  }
__scs_overlays_trampoline_lowered:
0x8: {  	[smem:$0x3FA9] =	sst s0  }
0x9: {  	[smem:$0x3FAA] =	sst s1  }
0xa: {  	[smem:$0x3FAB] =	sst s2  }
0xb: {  	[smem:$0x3FAC] =	sst s3  }
0xc: {  	[smem:$0x3FAD] =	sst s4  }
0xd: {  	[smem:$0x3FAE] =	sst s5  }
0xe: {  	[smem:$0x3FAF] =	sst s6  }
0xf: {  	[smem:$0x3FB0] =	sst s7  }
0x10: {  	[smem:$0x3FB1] =	sst s8  }
0x11: {  	[smem:$0x3FB2] =	sst s9;
	s0 =	simm.s32 @!p0 $0x0  }
0x12: {  	s1 =	sld [smem:$0x3F98];
	s0 =	simm.s32 @p0 $0x1  }
0x13: {  	[smem:$0x3FB3] =	sst s0;
	s0 =	simm.s32 @!p1 $0x0  }
0x14: {  	s2 =	sld [smem:$0x3F97];
	s0 =	simm.s32 @p1 $0x1  }
0x15: {  	[smem:$0x3FB4] =	sst s0;
	s0 =	simm.s32 @!p2 $0x0  }
0x16: {  	s3 =	sld [smem:$0x3FDB];
	s0 =	simm.s32 @p2 $0x1  }
0x17: {  	s4 =	simm.s32 $0x1BF5;
	[smem:$0x3FB6] =	sst s0  }
0x18: {  	s0 =	sld [smem:$0x3F99];
	_ =	swait.ge [sflag:s4], $0x0  }
0x19: {  	s7 =	sld [smem:$0x3F9A]  }
0x1a: {  	s8 =	sadd.s32 $0xFFFFE003, lr  }
0x1b: {  	s9 =	sadd.s32 $0xFFFFFEF7, lr;
	s5 =	simm.s32 $0xFFFFFFFF;
	p2 =	slt.u32 s8, $0xFFFFF086  }
0x1c: {  	p1 =	slt.u32 s9, $0xF7A;
	s5 =	simm.s32 @!p2 $0x0  }
0x1d: {  	s5 =	simm.s32 @p1 $0x1;
	p0 =	seq.s32 s7, s2  }
0x1e: {  	s7 =	smul.u32 @!p0 $0xF7A, s2;
	p2 =	seq.s32 @!p0 s5, $0x0  }
0x1f: {  	s9 =	smul.u32 $0xF7A, s1;
	s8 =	simm.s32 @!p0 $0x1BF5;
	p2 =	por !p2, p0  }
0x20: {  	[sflag:s8] =	ssyncset.s32 @!p0 $0xFFFFF086;
	s6 =	sadd.s32 @!p0 s3, s7;
	s7 =	simm.s32 @!p0 $0x108  }
0x21: {  	s3 =	sadd.s32 s3, s9;
	s6 =	sadd.s32 @!p0 $0x88, s6;
	s7 =	simm.s32 @p2 $0x1082  }
0x22: {  	[simem:s7], [sflag:s8] =	dma.local @!p0 [hbm:s6], $0xF7A  }
0x23: {  	s9 =	sor.u32 $0xD0000000, s2;
	s6 =	simm.s32 $0x108;
	_ =	swait.ge @!p0 [sflag:s8], $0x0  }
0x24: {  	s3 =	sadd.s32 $0x88, s3;
	s6 =	simm.s32 @!p1 $0x1082;
	[sflag:s4] =	ssyncset.s32 $0xFFFFF086  }
0x25: {  	[simem:s6], [sflag:s4] =	dma.local [hbm:s3], $0xF7A  }
0x26: {  	[smem:$0x3F9A] =	sst s1;
	(tag) =	ssettag s2;
	_ =	strace s9  }
0x27: {  	s1 =	sld [smem:$0x3FAA]  }
0x28: {  	s2 =	sld [smem:$0x3FAB]  }
0x29: {  	s4 =	sld [smem:$0x3FAD]  }
0x2a: {  	p0 =	seq.s32 s5, $0x0;
	s5 =	sld [smem:$0x3FAE]  }
0x2b: {  	s6 =	sld [smem:$0x3FAF]  }
0x2c: {  	s7 =	sld [smem:$0x3FB0]  }
0x2d: {  	s3 =	simm.s32 $0x108;
	s8 =	sld [smem:$0x3FB1]  }
0x2e: {  	s3 =	simm.s32 @!p0 $0x1082;
	s9 =	sld [smem:$0x3FB2]  }
0x2f: {  	lr =	sadd.s32 s0, s3;
	s0 =	sld [smem:$0x3FA9]  }
0x30: {  	s3 =	sld [smem:$0x3FAC]  }
0x31: {  	[smem:$0x3FB5] =	sst s10  }
0x32: {  	s10 =	sld [smem:$0x3FB3];
	_ =	sdelay $0x3  }
0x33: {  	p0 =	seq.s32 s10, $0x1;
	s10 =	sld [smem:$0x3FB5];
	_ =	sdelay $0x3  }
0x34: {  	[smem:$0x3FB5] =	sst s10  }
0x35: {  	s10 =	sld [smem:$0x3FB4];
	_ =	sdelay $0x3  }
0x36: {  	p1 =	seq.s32 s10, $0x1;
	s10 =	sld [smem:$0x3FB5];
	_ =	sdelay $0x3  }
0x37: {  	[smem:$0x3FB5] =	sst s10  }
0x38: {  	s10 =	sld [smem:$0x3FB6]  }
0x39: {  	_ = 	snop;
	(pc) =	sbr.ind lr, $3  }
0x3a: {  	_ = 	snop  }
0x3b: {  	_ = 	snop  }
0x3c: {  	p2 =	seq.s32 s10, $0x1;
	s10 =	sld [smem:$0x3FB5]  }
0x3d: {  	_ =	shalt  }
0x3e: {  	_ =	shalt  }
0x3f: {  	_ =	shalt  }
0x40: {  	_ =	shalt  }
0x41: {  	_ =	shalt  }
0x42: {  	_ =	shalt  }
0x43: {  	_ =	shalt  }
0x44: {  	_ =	shalt  }
0x45: {  	_ =	shalt  }
0x46: {  	_ =	shalt  }
0x47: {  	_ =	shalt  }
0x48: {  	_ =	shalt  }
0x49: {  	_ =	shalt  }
0x4a: {  	_ =	shalt  }
0x4b: {  	_ =	shalt  }
0x4c: {  	_ =	shalt  }
0x4d: {  	_ =	shalt  }
0x4e: {  	_ =	shalt  }
0x4f: {  	_ =	shalt  }
0x50: {  	_ =	shalt  }
0x51: {  	_ =	shalt  }
0x52: {  	_ =	shalt  }
0x53: {  	_ =	shalt  }
0x54: {  	_ =	shalt  }
0x55: {  	_ =	shalt  }
0x56: {  	_ =	shalt  }
0x57: {  	_ =	shalt  }
0x58: {  	_ =	shalt  }
0x59: {  	_ =	shalt  }
0x5a: {  	_ =	shalt  }
0x5b: {  	_ =	shalt  }
0x5c: {  	_ =	shalt  }
0x5d: {  	_ =	shalt  }
0x5e: {  	_ =	shalt  }
0x5f: {  	_ =	shalt  }
0x60: {  	_ =	shalt  }
0x61: {  	_ =	shalt  }
0x62: {  	_ =	shalt  }
0x63: {  	_ =	shalt  }
0x64: {  	_ =	shalt  }
0x65: {  	_ =	shalt  }
0x66: {  	_ =	shalt  }
0x67: {  	_ =	shalt  }
0x68: {  	_ =	shalt  }
0x69: {  	_ =	shalt  }
0x6a: {  	_ =	shalt  }
0x6b: {  	_ =	shalt  }
0x6c: {  	_ =	shalt  }
0x6d: {  	_ =	shalt  }
0x6e: {  	_ =	shalt  }
0x6f: {  	_ =	shalt  }
0x70: {  	_ =	shalt  }
0x71: {  	_ =	shalt  }
0x72: {  	_ =	shalt  }
0x73: {  	_ =	shalt  }
0x74: {  	_ =	shalt  }
0x75: {  	_ =	shalt  }
0x76: {  	_ =	shalt  }
0x77: {  	_ =	shalt  }
0x78: {  	_ =	shalt  }
0x79: {  	_ =	shalt  }
0x7a: {  	_ =	shalt  }
0x7b: {  	_ =	shalt  }
0x7c: {  	_ =	shalt  }
0x7d: {  	_ =	shalt  }
0x7e: {  	_ =	shalt  }
0x7f: {  	_ =	shalt  }
0x80: {  	_ =	shalt  }
0x81: {  	_ =	shalt  }
0x82: {  	_ =	shalt  }
0x83: {  	_ =	shalt  }
0x84: {  	_ =	shalt  }
0x85: {  	_ =	shalt  }
0x86: {  	_ =	shalt  }
0x87: {  	_ =	shalt  }
.Lfunc_end0:
.L_simem_size_0:
called_computation_lowered:
.L_overlay_start_0:
0x88: {  	s2 =	sld [smem:$0x3FD9]  }
0x89: {  	s3 =	sld [smem:$0x3FFE];
	_ =	sdelay $0x1  }
0x8a: {  	s1 =	srdreg.scid  }
0x8b: {  	s0 =	sand.u32 $0x1, s1  }
0x8c: {  	s17 =	sshll.u32 s0, $0xA;
	s2 =	sadd.s32 s3, s2  }
0x8d: {  	s2 =	sadd.s32 s2, s17  }
0x8e: {  	[smem:$0x3FC1] =	sst s2  }
0x8f: {  	_ = 	snop  }
0x90: {  	s2 =	sld [smem:$0x3FC9]  }
0x91: {  	s18 =	sld [smem:$0x3FD0];
	(tm) =	ssettm $0x1  }
0x92: {  	s4 =	sld [smem:$0x3FFB];
	_ =	sdelay $0x3  }
0x93: {  	_ =	strace s4  }
0x94: {  	s4 =	sld [smem:$0x3FFC];
	_ =	sdelay $0x3  }
0x95: {  	_ =	strace s4  }
0x96: {  	s4 =	sld [smem:$0x3FFD];
	_ =	sdelay $0x3  }
0x97: {  	_ =	strace s4  }
0x98: {  	_ =	strace $0x8FFFFFFF  }
0x99: {  	s19 =	sld [smem:$0x3FDB];
	_ =	sdelay $0x1  }
0x9a: {  	s5 =	simm.s32 $_scs_section_size  }
0x9b: {  	s6 =	simm.s32 $_size__tile_overlayer_lowered;
	s7 =	simm.s32 $_tile_overlayer_lowered  }
0x9c: {  	s22 =	simm.s32 $0x1BFF;
	s21 =	sshll.u32 s7, $0x1;
	s4 =	sadd.s32 s5, s19  }
0x9d: {  	s8 =	simm.s32 $0x0;
	s20 =	sshll.u32 s6, $0x1;
	s6 =	sadd.s32 s21, s4  }
0x9e: {  	[timem:s8], [sflag:s22] =	dma.local [hbm:s6], s20  }
0x9f: {  	_ =	swait.ge [sflag:s22], s20  }
0xa0: {  	s5 =	ssub.s32 $0x0, s20;
	[sflag:s22] =	ssyncset.done $0x0  }
0xa1: {  	[sflag:s22] =	ssyncadd.s32 s5;
	_ =	sdelay $0x1  }
0xa2: {  	s23 =	simm.s32 $0x1B8B  }
0xa3: {  	_ =	swait.ge [sflag:s23], $0x1  }
0xa4: {  	[sflag:s23] =	ssyncset.done $0x0  }
0xa5: {  	s25 =	simm.s32 $0x1B8E;
	s24 =	sld [smem:$0x3FFE];
	[sflag:s23] =	ssyncadd.s32 $0xFFFFFFFF  }
0xa6: {  	s26 =	simm.s32 $execute0_lowered;
	[smem:$0x3FD2] =	sst s25  }
0xa7: {  	s6 =	sshll.u32 s26, $0x1;
	_ =	strace $0x80000046;
	[dreg:$0x1] =	wrdreg $0xFFFFFFFF  }
0xa8: {  	s28 =	simm.s32 $_size_execute0_lowered;
	s4 =	sadd.s32 s4, s6;
	[dreg:$0x0] =	wrdreg $0x0  }
0xa9: {  	s6 =	sshll.u32 s28, $0x1;
	[dreg:$0x2] =	wrdreg s4  }
0xaa: {  	[dreg:$0x3] =	wrdreg s6  }
0xab: {  	[dreg:$0x4] =	wrdreg $0xC0  }
0xac: {  	_ =	task [dreg:s8], $0x5FFFF  }
0xad: {  	[dreg:$0x1] =	wrdreg $0xFFFFFFFF  }
0xae: {  	[dreg:$0x0] =	wrdreg $0x60  }
0xaf: {  	[dreg:$0x2] =	wrdreg s2  }
0xb0: {  	[dreg:$0x3] =	wrdreg s18  }
0xb1: {  	[dreg:$0x4] =	wrdreg s24  }
0xb2: {  	[dreg:$0x5] =	wrdreg $0x0  }
0xb3: {  	[dreg:$0x6] =	wrdreg $0x9  }
0xb4: {  	_ =	task.clear_ibuf [dreg:s8], $0x7FFFF;
	_ =	strace $0x90000046  }
0xb5: {  	s29 =	simm.s32 $0x9;
	_ =	strace $0x80000048  }
0xb6: {  	_ =	swait.ge [sflag:s29], $0x1  }
0xb7: {  	[sflag:s29] =	ssyncadd.s32 $0xFFFFFFFF  }
0xb8: {  	_ =	strace $0x90000048  }
0xb9: {  	_ =	sfence  }
0xba: {  	s30 =	sld [smem:$0x0];
	_ =	sdelay $0x2  }
0xbb: {  	s31 =	sshll.u32 s1, $0xD;
	s1 =	sshrl.u32 s1, $0x2  }
0xbc: {  	s3 =	sand.u32 $0x4000, s31;
	s1 =	sadd.s32 s1, s30  }
0xbd: {  	s0 =	sor.u32 s3, s0;
	s1 =	sshll.u32 s1, $0x11  }
0xbe: {  	s0 =	sor.u32 s1, s0  }
0xbf: {  	s0 =	sadd.s32 $0x8F2B, s0  }
0xc0: {  	[sflag:s0] =	ssyncadd.remote.s32 $0x1  }
0xc1: {  	_ =	sfence.sel $0xFFFF  }
0xc2: {  	[dreg:$0x0] =	wrdreg $0xFFFFFFFF;
	(pc) =	sbr.abs _section_cstart, $3  }
0xc3: {  	[dreg:$0x1] =	wrdreg $0xFFFFFFFF  }
0xc4: {  	_ =	task.clear_ibuf [dreg:s8], $0x2FFFF;
	_ =	strace $0x9FFFFFFF  }
0xc5: {  	(tm) =	ssettm $0x7FFFFFFF  }
tec
execute0_lowered:
.L_overlay_start_1:
0x0: {  	(tag) =	ssettag $0x1  }
0x1: {  	s2 =	rddreg [dreg:$0x0]  }
0x2: {  	s5 =	rddreg [dreg:$0x1]  }
0x3: {  	s6 =	rddreg [dreg:$0x2]  }
0x4: {  	s3 =	rddreg [dreg:$0x3]  }
0x5: {  	s4 =	stileid.u32;
	s0 =	srdreg.scid  }
0x6: {  	s13 =	simm.s32 $0x0;
	s29 =	stileid.u32;
	s14 =	stileid.u32  }
0x7: {  	s7 =	smul.u32 $0x2780, s4;
	[smem:$0x7FF] =	sst s13  }
0x8: {  	s12 =	sand.u32 $0x1, s0;
	s9 =	sshll.u32 s4, $0xB;
	s11 =	smul.u32 $0x4F000, s29  }
0x9: {  	s26 =	sshll.u32 s14, $0x6;
	s8 =	sshll.u32 s12, $0xF;
	_ =	strace $0x80000047  }
0xa: {  	[dreg:$0x15] =	wrdreg s12;
	s0 =	sor.u32 $0x1C04, s26;
	s1 =	sadd.s32 s7, s6  }
0xb: {  	s8 =	sor.u32 s9, s8;
	[dreg:$0x11] =	wrdreg s0;
	s1 =	sadd.s32 $0x10800, s1  }
0xc: {  	s30 =	sadd.s32 $0x800, s6;
	s31 =	sadd.s32 s5, s8;
	[dreg:$0x5] =	wrdreg s1  }
0xd: {  	s11 =	sshrl.u32 s11, $0x2;
	s4 =	sadd.s32 s30, s8;
	[dreg:$0x6] =	wrdreg s31  }
0xe: {  	s10 =	sor.u32 $0x200, s8;
	s19 =	sadd.s32 s11, s3;
	[dreg:$0x7] =	wrdreg s4  }
0xf: {  	s15 =	sadd.s32 s5, s10;
	[dreg:$0x14] =	wrdreg s19  }
0x10: {  	s17 =	sor.u32 $0x400, s8;
	s16 =	sadd.s32 s30, s10;
	[dreg:$0x8] =	wrdreg s15  }
0x11: {  	s18 =	sadd.s32 s5, s17;
	[dreg:$0x9] =	wrdreg s16  }
0x12: {  	s8 =	sor.u32 $0x600, s8;
	s10 =	sadd.s32 s30, s17;
	[dreg:$0xa] =	wrdreg s18  }
0x13: {  	s5 =	sadd.s32 s5, s8;
	[dreg:$0xb] =	wrdreg s10  }
0x14: {  	s21 =	smul.u32 $0x27100, s12;
	s20 =	sadd.s32 s30, s8;
	[dreg:$0xc] =	wrdreg s5  }
0x15: {  	s22 =	smul.u32 $0x138800, s12;
	s23 =	sshrl.u32 s19, $0x3;
	[dreg:$0xd] =	wrdreg s20  }
0x16: {  	s6 =	sadd.s32 $0x38000, s6;
	s7 =	sadd.s32 s7, s21;
	[dreg:$0x10] =	wrdreg s23  }
0x17: {  	s7 =	sadd.s32 s6, s7;
	s5 =	sshrl.u32 s22, $0x3;
	s25 =	rddreg [dreg:$0x5]  }
0x18: {  	[dreg:$0xe] =	wrdreg s7;
	s5 =	sadd.s32 s6, s5  }
0x19: {  	s24 =	rddreg [dreg:$0x10];
	s28 =	sadd.s32 $0x25080, s5  }
0x1a: {  	s6 =	simm.s32 $0x4;
	[dreg:$0xf] =	wrdreg s28  }
0x1b: {  	[spmem:s24], [sflag:s0] =	dma.local [hbm:s25], $0x2780  }
0x1c: {  	_ =	swait.ge [sflag:s6], $0x2780  }
0x1d: {  	[sflag:s6] =	ssyncset.done $0x0  }
0x1e: {  	[sflag:s6] =	ssyncadd.s32 $0xFFFFD880  }
0x1f: {  	[bflag:$0x0] =	sbarrier.arrive $0xFFFF  }
0x20: {  	s30 =	simm.s32 $0x13C00;
	s29 =	rddreg [dreg:$0x6]  }
0x21: {  	[tilespmem:s30], [sflag:$0x4] =	stream.linear.gather [hbm4b:s29+s13], $0xC80, $0x38;
	[tilespmem:$0x1F800] =	vst v63  }
0x22: {  	_ =	swait.ge [sflag:s6], $0xC80  }
0x23: {  	[sflag:s6] =	ssyncset.done $0x0  }
0x24: {  	s5 =	simm.s32 $0x14C00;
	s4 =	rddreg [dreg:$0x7];
	[sflag:s6] =	ssyncadd.s32 $0xFFFFF380  }
0x25: {  	[tilespmem:s5], [sflag:$0x4] =	stream.linear.gather [hbm4b:s4+s13], $0xC80, $0x38;
	[tilespmem:$0x1F800] =	vst v63  }
0x26: {  	_ =	swait.ge [sflag:s6], $0xC80  }
0x27: {  	s9 =	simm.s32 $0x64;
	[sflag:s6] =	ssyncset.done $0x0  }
0x28: {  	s31 =	simm.s32 $0x13C00;
	s10 =	simm.s32 $0x15C00;
	[sflag:s6] =	ssyncadd.s32 $0xFFFFF380  }
0x29: {  	[tilespmem:s10], [sflag:$0x1] =	stream.indirect.gather [hbm4b:s2+s9], $0x80, s31, s9, $0xb8;
	[tilespmem:$0x1F800] =	vst v63  }
0x2a: {  	s12 =	simm.s32 $0x19000;
	s8 =	simm.s32 $0x13C80  }
0x2b: {  	[tilespmem:s12], [sflag:$0x2] =	stream.indirect.gather [hbm4b:s2+s9], $0x80, s8, s9, $0xb8;
	[tilespmem:$0x1F800] =	vst v63  }
0x2c: {  	s14 =	simm.s32 $0x1C400;
	s11 =	simm.s32 $0x13D00;
	s15 =	simm.s32 $0x1  }
0x2d: {  	[tilespmem:s14], [sflag:$0x3] =	stream.indirect.gather [hbm4b:s2+s9], $0x80, s11, s9, $0xb8;
	[tilespmem:$0x1F800] =	vst v63  }
0x2e: {  	_ =	swait.ge [sflag:s15], $0x3200  }
0x2f: {  	[sflag:s15] =	ssyncset.done $0x0  }
0x30: {  	s7 =	simm.s32 $0x14C00;
	[sflag:s15] =	ssyncadd.s32 $0xFFFFCE00  }
0x31: {  	[spmem:s3] =	stream.indirect.scatter.add.f32 [tilespmem:s10], [sflag:$0x4], $0x80, s7, s9, $0xb8;
	[tilespmem:$0x1F800] =	vst v63  }
0x32: {  	_ =	swait.ge [sflag:s6], $0x3200  }
0x33: {  	[sflag:s6] =	ssyncset.done $0x0  }
0x34: {  	s17 =	simm.s32 $0x2;
	s16 =	simm.s32 $0x13D80;
	[sflag:s6] =	ssyncadd.s32 $0xFFFFCE00  }
0x35: {  	[tilespmem:s10], [sflag:$0x1] =	stream.indirect.gather [hbm4b:s2+s9], $0x80, s16, s9, $0xb8;
	[tilespmem:$0x1F800] =	vst v63  }
0x36: {  	_ =	swait.ge [sflag:s17], $0x3200  }
0x37: {  	[sflag:s17] =	ssyncset.done $0x0  }
0x38: {  	s18 =	simm.s32 $0x14C80;
	[sflag:s17] =	ssyncadd.s32 $0xFFFFCE00  }
0x39: {  	[spmem:s3] =	stream.indirect.scatter.add.f32 [tilespmem:s12], [sflag:$0x4], $0x80, s18, s9, $0xb8;
	[tilespmem:$0x1F800] =	vst v63  }
0x3a: {  	_ =	swait.ge [sflag:s6], $0x3200  }
0x3b: {  	[sflag:s6] =	ssyncset.done $0x0  }
0x3c: {  	s19 =	simm.s32 $0x13E00;
	s20 =	simm.s32 $0x3;
	[sflag:s6] =	ssyncadd.s32 $0xFFFFCE00  }
0x3d: {  	[tilespmem:s12], [sflag:$0x2] =	stream.indirect.gather [hbm4b:s2+s9], $0x80, s19, s9, $0xb8;
	[tilespmem:$0x1F800] =	vst v63  }
0x3e: {  	_ =	swait.ge [sflag:s20], $0x3200  }
0x3f: {  	[sflag:s20] =	ssyncset.done $0x0  }
0x40: {  	s21 =	simm.s32 $0x14D00;
	[sflag:s20] =	ssyncadd.s32 $0xFFFFCE00  }
0x41: {  	[spmem:s3] =	stream.indirect.scatter.add.f32 [tilespmem:s14], [sflag:$0x4], $0x80, s21, s9, $0xb8;
	[tilespmem:$0x1F800] =	vst v63  }
0x42: {  	_ =	swait.ge [sflag:s6], $0x3200  }
0x43: {  	[sflag:s6] =	ssyncset.done $0x0  }
0x44: {  	s22 =	simm.s32 $0x13E80;
	[sflag:s6] =	ssyncadd.s32 $0xFFFFCE00  }
0x45: {  	[tilespmem:s14], [sflag:$0x3] =	stream.indirect.gather [hbm4b:s2+s9], $0x80, s22, s9, $0xb8;
	[tilespmem:$0x1F800] =	vst v63  }
0x46: {  	_ =	swait.ge [sflag:s15], $0x3200  }
0x47: {  	[sflag:s15] =	ssyncset.done $0x0  }
0x48: {  	s23 =	simm.s32 $0x14D80;
	[sflag:s15] =	ssyncadd.s32 $0xFFFFCE00  }
0x49: {  	[spmem:s3] =	stream.indirect.scatter.add.f32 [tilespmem:s10], [sflag:$0x4], $0x80, s23, s9, $0xb8;
	[tilespmem:$0x1F800] =	vst v63  }
0x4a: {  	_ =	swait.ge [sflag:s6], $0x3200  }
0x4b: {  	[sflag:s6] =	ssyncset.done $0x0  }
0x4c: {  	s24 =	simm.s32 $0x13F00;
	[sflag:s6] =	ssyncadd.s32 $0xFFFFCE00  }
0x4d: {  	[tilespmem:s10], [sflag:$0x1] =	stream.indirect.gather [hbm4b:s2+s9], $0x80, s24, s9, $0xb8;
	[tilespmem:$0x1F800] =	vst v63  }
0x4e: {  	_ =	swait.ge [sflag:s17], $0x3200  }
0x4f: {  	[sflag:s17] =	ssyncset.done $0x0  }
0x50: {  	s25 =	simm.s32 $0x14E00;
	[sflag:s17] =	ssyncadd.s32 $0xFFFFCE00  }
0x51: {  	[spmem:s3] =	stream.indirect.scatter.add.f32 [tilespmem:s12], [sflag:$0x4], $0x80, s25, s9, $0xb8;
	[tilespmem:$0x1F800] =	vst v63  }
0x52: {  	_ =	swait.ge [sflag:s6], $0x3200  }
0x53: {  	[sflag:s6] =	ssyncset.done $0x0  }
0x54: {  	s26 =	simm.s32 $0x13F80;
	[sflag:s6] =	ssyncadd.s32 $0xFFFFCE00  }
0x55: {  	[tilespmem:s12], [sflag:$0x2] =	stream.indirect.gather [hbm4b:s2+s9], $0x80, s26, s9, $0xb8;
	[tilespmem:$0x1F800] =	vst v63  }
0x56: {  	_ =	swait.ge [sflag:s20], $0x3200  }
0x57: {  	[sflag:s20] =	ssyncset.done $0x0  }
0x58: {  	s28 =	simm.s32 $0x14E80;
	[sflag:s20] =	ssyncadd.s32 $0xFFFFCE00  }
0x59: {  	[spmem:s3] =	stream.indirect.scatter.add.f32 [tilespmem:s14], [sflag:$0x4], $0x80, s28, s9, $0xb8;
	[tilespmem:$0x1F800] =	vst v63  }
0x5a: {  	_ =	swait.ge [sflag:s6], $0x3200  }
0x5b: {  	[sflag:s6] =	ssyncset.done $0x0  }
0x5c: {  	s29 =	simm.s32 $0x14000;
	[sflag:s6] =	ssyncadd.s32 $0xFFFFCE00  }
0x5d: {  	[tilespmem:s14], [sflag:$0x3] =	stream.indirect.gather [hbm4b:s2+s9], $0x80, s29, s9, $0xb8;
	[tilespmem:$0x1F800] =	vst v63  }
0x5e: {  	_ =	swait.ge [sflag:s15], $0x3200  }
0x5f: {  	[sflag:s15] =	ssyncset.done $0x0  }
0x60: {  	s30 =	simm.s32 $0x14F00;
	[sflag:s15] =	ssyncadd.s32 $0xFFFFCE00  }
0x61: {  	[spmem:s3] =	stream.indirect.scatter.add.f32 [tilespmem:s10], [sflag:$0x4], $0x80, s30, s9, $0xb8;
	[tilespmem:$0x1F800] =	vst v63  }
0x62: {  	_ =	swait.ge [sflag:s6], $0x3200  }
0x63: {  	[sflag:s6] =	ssyncset.done $0x0  }
0x64: {  	s31 =	simm.s32 $0x14080;
	[sflag:s6] =	ssyncadd.s32 $0xFFFFCE00  }
0x65: {  	[tilespmem:s10], [sflag:$0x1] =	stream.indirect.gather [hbm4b:s2+s9], $0x80, s31, s9, $0xb8;
	[tilespmem:$0x1F800] =	vst v63  }
0x66: {  	_ =	swait.ge [sflag:s17], $0x3200  }
0x67: {  	[sflag:s17] =	ssyncset.done $0x0  }
0x68: {  	s1 =	simm.s32 $0x14F80;
	[sflag:s17] =	ssyncadd.s32 $0xFFFFCE00  }
0x69: {  	[spmem:s3] =	stream.indirect.scatter.add.f32 [tilespmem:s12], [sflag:$0x4], $0x80, s1, s9, $0xb8;
	[tilespmem:$0x1F800] =	vst v63  }
0x6a: {  	_ =	swait.ge [sflag:s6], $0x3200  }
0x6b: {  	[sflag:s6] =	ssyncset.done $0x0  }
0x6c: {  	s4 =	simm.s32 $0x14100;
	[sflag:s6] =	ssyncadd.s32 $0xFFFFCE00  }
0x6d: {  	[tilespmem:s12], [sflag:$0x2] =	stream.indirect.gather [hbm4b:s2+s9], $0x80, s4, s9, $0xb8;
	[tilespmem:$0x1F800] =	vst v63  }
0x6e: {  	_ =	swait.ge [sflag:s20], $0x3200  }
0x6f: {  	[sflag:s20] =	ssyncset.done $0x0  }
0x70: {  	s5 =	simm.s32 $0x15000;
	[sflag:s20] =	ssyncadd.s32 $0xFFFFCE00  }
0x71: {  	[spmem:s3] =	stream.indirect.scatter.add.f32 [tilespmem:s14], [sflag:$0x4], $0x80, s5, s9, $0xb8;
	[tilespmem:$0x1F800] =	vst v63  }
0x72: {  	_ =	swait.ge [sflag:s6], $0x3200  }
0x73: {  	[sflag:s6] =	ssyncset.done $0x0  }
0x74: {  	s7 =	simm.s32 $0x14180;
	[sflag:s6] =	ssyncadd.s32 $0xFFFFCE00  }
0x75: {  	[tilespmem:s14], [sflag:$0x3] =	stream.indirect.gather [hbm4b:s2+s9], $0x80, s7, s9, $0xb8;
	[tilespmem:$0x1F800] =	vst v63  }
0x76: {  	_ =	swait.ge [sflag:s15], $0x3200  }
0x77: {  	[sflag:s15] =	ssyncset.done $0x0  }
0x78: {  	s8 =	simm.s32 $0x15080;
	[sflag:s15] =	ssyncadd.s32 $0xFFFFCE00  }
0x79: {  	[spmem:s3] =	stream.indirect.scatter.add.f32 [tilespmem:s10], [sflag:$0x4], $0x80, s8, s9, $0xb8;
	[tilespmem:$0x1F800] =	vst v63  }
0x7a: {  	_ =	swait.ge [sflag:s6], $0x3200  }
0x7b: {  	[sflag:s6] =	ssyncset.done $0x0  }
0x7c: {  	s11 =	simm.s32 $0x14200;
	[sflag:s6] =	ssyncadd.s32 $0xFFFFCE00  }
0x7d: {  	[tilespmem:s10], [sflag:$0x1] =	stream.indirect.gather [hbm4b:s2+s9], $0x80, s11, s9, $0xb8;
	[tilespmem:$0x1F800] =	vst v63  }
0x7e: {  	_ =	swait.ge [sflag:s17], $0x3200  }
0x7f: {  	[sflag:s17] =	ssyncset.done $0x0  }
0x80: {  	s16 =	simm.s32 $0x15100;
	[sflag:s17] =	ssyncadd.s32 $0xFFFFCE00  }
0x81: {  	[spmem:s3] =	stream.indirect.scatter.add.f32 [tilespmem:s12], [sflag:$0x4], $0x80, s16, s9, $0xb8;
	[tilespmem:$0x1F800] =	vst v63  }
0x82: {  	_ =	swait.ge [sflag:s6], $0x3200  }
0x83: {  	[sflag:s6] =	ssyncset.done $0x0  }
0x84: {  	s18 =	simm.s32 $0x14280;
	[sflag:s6] =	ssyncadd.s32 $0xFFFFCE00  }
0x85: {  	[tilespmem:s12], [sflag:$0x2] =	stream.indirect.gather [hbm4b:s2+s9], $0x80, s18, s9, $0xb8;
	[tilespmem:$0x1F800] =	vst v63  }
0x86: {  	_ =	swait.ge [sflag:s20], $0x3200  }
0x87: {  	[sflag:s20] =	ssyncset.done $0x0  }
0x88: {  	s19 =	simm.s32 $0x15180;
	[sflag:s20] =	ssyncadd.s32 $0xFFFFCE00  }
0x89: {  	[spmem:s3] =	stream.indirect.scatter.add.f32 [tilespmem:s14], [sflag:$0x4], $0x80, s19, s9, $0xb8;
	[tilespmem:$0x1F800] =	vst v63  }
0x8a: {  	_ =	swait.ge [sflag:s6], $0x3200  }
0x8b: {  	[sflag:s6] =	ssyncset.done $0x0  }
0x8c: {  	s21 =	simm.s32 $0x14300;
	[sflag:s6] =	ssyncadd.s32 $0xFFFFCE00  }
0x8d: {  	[tilespmem:s14], [sflag:$0x3] =	stream.indirect.gather [hbm4b:s2+s9], $0x80, s21, s9, $0xb8;
	[tilespmem:$0x1F800] =	vst v63  }
0x8e: {  	_ =	swait.ge [sflag:s15], $0x3200  }
0x8f: {  	[sflag:s15] =	ssyncset.done $0x0  }
0x90: {  	s22 =	simm.s32 $0x15200;
	[sflag:s15] =	ssyncadd.s32 $0xFFFFCE00  }
0x91: {  	[spmem:s3] =	stream.indirect.scatter.add.f32 [tilespmem:s10], [sflag:$0x4], $0x80, s22, s9, $0xb8;
	[tilespmem:$0x1F800] =	vst v63  }
0x92: {  	_ =	swait.ge [sflag:s6], $0x3200  }
0x93: {  	[sflag:s6] =	ssyncset.done $0x0  }
0x94: {  	s23 =	simm.s32 $0x14380;
	[sflag:s6] =	ssyncadd.s32 $0xFFFFCE00  }
0x95: {  	[tilespmem:s10], [sflag:$0x1] =	stream.indirect.gather [hbm4b:s2+s9], $0x80, s23, s9, $0xb8;
	[tilespmem:$0x1F800] =	vst v63  }
0x96: {  	_ =	swait.ge [sflag:s17], $0x3200  }
0x97: {  	[sflag:s17] =	ssyncset.done $0x0  }
0x98: {  	s24 =	simm.s32 $0x15280;
	[sflag:s17] =	ssyncadd.s32 $0xFFFFCE00  }
0x99: {  	[spmem:s3] =	stream.indirect.scatter.add.f32 [tilespmem:s12], [sflag:$0x4], $0x80, s24, s9, $0xb8;
	[tilespmem:$0x1F800] =	vst v63  }
0x9a: {  	_ =	swait.ge [sflag:s6], $0x3200  }
0x9b: {  	[sflag:s6] =	ssyncset.done $0x0  }
0x9c: {  	s25 =	simm.s32 $0x14400;
	[sflag:s6] =	ssyncadd.s32 $0xFFFFCE00  }
0x9d: {  	[tilespmem:s12], [sflag:$0x2] =	stream.indirect.gather [hbm4b:s2+s9], $0x80, s25, s9, $0xb8;
	[tilespmem:$0x1F800] =	vst v63  }
0x9e: {  	_ =	swait.ge [sflag:s20], $0x3200  }
0x9f: {  	[sflag:s20] =	ssyncset.done $0x0  }
0xa0: {  	s26 =	simm.s32 $0x15300;
	[sflag:s20] =	ssyncadd.s32 $0xFFFFCE00  }
0xa1: {  	[spmem:s3] =	stream.indirect.scatter.add.f32 [tilespmem:s14], [sflag:$0x4], $0x80, s26, s9, $0xb8;
	[tilespmem:$0x1F800] =	vst v63  }
0xa2: {  	_ =	swait.ge [sflag:s6], $0x3200  }
0xa3: {  	[sflag:s6] =	ssyncset.done $0x0  }
0xa4: {  	s28 =	simm.s32 $0x14480;
	[sflag:s6] =	ssyncadd.s32 $0xFFFFCE00  }
0xa5: {  	[tilespmem:s14], [sflag:$0x3] =	stream.indirect.gather [hbm4b:s2+s9], $0x80, s28, s9, $0xb8;
	[tilespmem:$0x1F800] =	vst v63  }
0xa6: {  	_ =	swait.ge [sflag:s15], $0x3200  }
0xa7: {  	[sflag:s15] =	ssyncset.done $0x0  }
0xa8: {  	s29 =	simm.s32 $0x15380;
	[sflag:s15] =	ssyncadd.s32 $0xFFFFCE00  }
0xa9: {  	[spmem:s3] =	stream.indirect.scatter.add.f32 [tilespmem:s10], [sflag:$0x4], $0x80, s29, s9, $0xb8;
	[tilespmem:$0x1F800] =	vst v63  }
0xaa: {  	_ =	swait.ge [sflag:s6], $0x3200  }
0xab: {  	[sflag:s6] =	ssyncset.done $0x0  }
0xac: {  	s30 =	simm.s32 $0x14500;
	[sflag:s6] =	ssyncadd.s32 $0xFFFFCE00  }
0xad: {  	[tilespmem:s10], [sflag:$0x1] =	stream.indirect.gather [hbm4b:s2+s9], $0x80, s30, s9, $0xb8;
	[tilespmem:$0x1F800] =	vst v63  }
0xae: {  	_ =	swait.ge [sflag:s17], $0x3200  }
0xaf: {  	[sflag:s17] =	ssyncset.done $0x0  }
0xb0: {  	s31 =	simm.s32 $0x15400;
	[sflag:s17] =	ssyncadd.s32 $0xFFFFCE00  }
0xb1: {  	[spmem:s3] =	stream.indirect.scatter.add.f32 [tilespmem:s12], [sflag:$0x4], $0x80, s31, s9, $0xb8;
	[tilespmem:$0x1F800] =	vst v63  }
0xb2: {  	_ =	swait.ge [sflag:s6], $0x3200  }
0xb3: {  	[sflag:s6] =	ssyncset.done $0x0  }
0xb4: {  	s1 =	simm.s32 $0x14580;
	[sflag:s6] =	ssyncadd.s32 $0xFFFFCE00  }
0xb5: {  	[tilespmem:s12], [sflag:$0x2] =	stream.indirect.gather [hbm4b:s2+s9], $0x80, s1, s9, $0xb8;
	[tilespmem:$0x1F800] =	vst v63  }
0xb6: {  	_ =	swait.ge [sflag:s20], $0x3200  }
0xb7: {  	[sflag:s20] =	ssyncset.done $0x0  }
0xb8: {  	s4 =	simm.s32 $0x15480;
	[sflag:s20] =	ssyncadd.s32 $0xFFFFCE00  }
0xb9: {  	[spmem:s3] =	stream.indirect.scatter.add.f32 [tilespmem:s14], [sflag:$0x4], $0x80, s4, s9, $0xb8;
	[tilespmem:$0x1F800] =	vst v63  }
0xba: {  	_ =	swait.ge [sflag:s6], $0x3200  }
0xbb: {  	[sflag:s6] =	ssyncset.done $0x0  }
0xbc: {  	s5 =	simm.s32 $0x14600;
	[sflag:s6] =	ssyncadd.s32 $0xFFFFCE00  }
0xbd: {  	[tilespmem:s14], [sflag:$0x3] =	stream.indirect.gather [hbm4b:s2+s9], $0x80, s5, s9, $0xb8;
	[tilespmem:$0x1F800] =	vst v63  }
0xbe: {  	_ =	swait.ge [sflag:s15], $0x3200  }
0xbf: {  	[sflag:s15] =	ssyncset.done $0x0  }
0xc0: {  	s7 =	simm.s32 $0x15500;
	[sflag:s15] =	ssyncadd.s32 $0xFFFFCE00  }
0xc1: {  	[spmem:s3] =	stream.indirect.scatter.add.f32 [tilespmem:s10], [sflag:$0x4], $0x80, s7, s9, $0xb8;
	[tilespmem:$0x1F800] =	vst v63  }
0xc2: {  	_ =	swait.ge [sflag:s6], $0x3200  }
0xc3: {  	[sflag:s6] =	ssyncset.done $0x0  }
0xc4: {  	s8 =	simm.s32 $0x14680;
	[sflag:s6] =	ssyncadd.s32 $0xFFFFCE00  }
0xc5: {  	[tilespmem:s10], [sflag:$0x1] =	stream.indirect.gather [hbm4b:s2+s9], $0x80, s8, s9, $0xb8;
	[tilespmem:$0x1F800] =	vst v63  }
0xc6: {  	_ =	swait.ge [sflag:s17], $0x3200  }
0xc7: {  	[sflag:s17] =	ssyncset.done $0x0  }
0xc8: {  	s11 =	simm.s32 $0x15580;
	[sflag:s17] =	ssyncadd.s32 $0xFFFFCE00  }
0xc9: {  	[spmem:s3] =	stream.indirect.scatter.add.f32 [tilespmem:s12], [sflag:$0x4], $0x80, s11, s9, $0xb8;
	[tilespmem:$0x1F800] =	vst v63  }
0xca: {  	_ =	swait.ge [sflag:s6], $0x3200  }
0xcb: {  	[sflag:s6] =	ssyncset.done $0x0  }
0xcc: {  	s16 =	simm.s32 $0x14700;
	[sflag:s6] =	ssyncadd.s32 $0xFFFFCE00  }
0xcd: {  	[tilespmem:s12], [sflag:$0x2] =	stream.indirect.gather [hbm4b:s2+s9], $0x80, s16, s9, $0xb8;
	[tilespmem:$0x1F800] =	vst v63  }
0xce: {  	_ =	swait.ge [sflag:s20], $0x3200  }
0xcf: {  	[sflag:s20] =	ssyncset.done $0x0  }
0xd0: {  	s18 =	simm.s32 $0x15600;
	[sflag:s20] =	ssyncadd.s32 $0xFFFFCE00  }
0xd1: {  	[spmem:s3] =	stream.indirect.scatter.add.f32 [tilespmem:s14], [sflag:$0x4], $0x80, s18, s9, $0xb8;
	[tilespmem:$0x1F800] =	vst v63  }
0xd2: {  	_ =	swait.ge [sflag:s6], $0x3200  }
0xd3: {  	[sflag:s6] =	ssyncset.done $0x0  }
0xd4: {  	s19 =	simm.s32 $0x14780;
	[sflag:s6] =	ssyncadd.s32 $0xFFFFCE00  }
0xd5: {  	[tilespmem:s14], [sflag:$0x3] =	stream.indirect.gather [hbm4b:s2+s9], $0x80, s19, s9, $0xb8;
	[tilespmem:$0x1F800] =	vst v63  }
0xd6: {  	_ =	swait.ge [sflag:s15], $0x3200  }
0xd7: {  	[sflag:s15] =	ssyncset.done $0x0  }
0xd8: {  	s21 =	simm.s32 $0x15680;
	[sflag:s15] =	ssyncadd.s32 $0xFFFFCE00  }
0xd9: {  	[spmem:s3] =	stream.indirect.scatter.add.f32 [tilespmem:s10], [sflag:$0x4], $0x80, s21, s9, $0xb8;
	[tilespmem:$0x1F800] =	vst v63  }
0xda: {  	_ =	swait.ge [sflag:s6], $0x3200  }
0xdb: {  	[sflag:s6] =	ssyncset.done $0x0  }
0xdc: {  	s22 =	simm.s32 $0x14800;
	[sflag:s6] =	ssyncadd.s32 $0xFFFFCE00  }
0xdd: {  	[tilespmem:s10], [sflag:$0x1] =	stream.indirect.gather [hbm4b:s2+s9], $0x80, s22, s9, $0xb8;
	[tilespmem:$0x1F800] =	vst v63  }
0xde: {  	_ =	swait.ge [sflag:s17], $0x3200  }
0xdf: {  	[sflag:s17] =	ssyncset.done $0x0  }
0xe0: {  	s23 =	simm.s32 $0x15700;
	[sflag:s17] =	ssyncadd.s32 $0xFFFFCE00  }
0xe1: {  	[spmem:s3] =	stream.indirect.scatter.add.f32 [tilespmem:s12], [sflag:$0x4], $0x80, s23, s9, $0xb8;
	[tilespmem:$0x1F800] =	vst v63  }
0xe2: {  	_ =	swait.ge [sflag:s6], $0x3200  }
0xe3: {  	[sflag:s6] =	ssyncset.done $0x0  }
0xe4: {  	[sflag:s6] =	ssyncadd.s32 $0xFFFFCE00  }
0xe5: {  	_ =	swait.ge [sflag:s20], $0x3200  }
0xe6: {  	[sflag:s20] =	ssyncset.done $0x0  }
0xe7: {  	s24 =	simm.s32 $0x15780;
	[sflag:s20] =	ssyncadd.s32 $0xFFFFCE00  }
0xe8: {  	[spmem:s3] =	stream.indirect.scatter.add.f32 [tilespmem:s14], [sflag:$0x4], $0x80, s24, s9, $0xb8;
	[tilespmem:$0x1F800] =	vst v63  }
0xe9: {  	_ =	swait.ge [sflag:s6], $0x3200  }
0xea: {  	[sflag:s6] =	ssyncset.done $0x0  }
0xeb: {  	[sflag:s6] =	ssyncadd.s32 $0xFFFFCE00  }
0xec: {  	_ =	swait.ge [sflag:s15], $0x3200  }
0xed: {  	[sflag:s15] =	ssyncset.done $0x0  }
0xee: {  	s25 =	simm.s32 $0x15800;
	[sflag:s15] =	ssyncadd.s32 $0xFFFFCE00  }
0xef: {  	[spmem:s3] =	stream.indirect.scatter.add.f32 [tilespmem:s10], [sflag:$0x4], $0x80, s25, s9, $0xb8;
	[tilespmem:$0x1F800] =	vst v63  }
0xf0: {  	_ =	swait.ge [sflag:s6], $0x3200  }
0xf1: {  	[sflag:s6] =	ssyncset.done $0x0  }
0xf2: {  	s26 =	simm.s32 $0x13C00;
	s31 =	rddreg [dreg:$0x8];
	[sflag:s6] =	ssyncadd.s32 $0xFFFFCE00  }
0xf3: {  	[tilespmem:s26], [sflag:$0x4] =	stream.linear.gather [hbm4b:s31+s13], $0xC80, $0x38;
	[tilespmem:$0x1F800] =	vst v63  }
0xf4: {  	_ =	swait.ge [sflag:s6], $0xC80  }
0xf5: {  	[sflag:s6] =	ssyncset.done $0x0  }
0xf6: {  	s29 =	simm.s32 $0x14C00;
	s28 =	rddreg [dreg:$0x9];
	[sflag:s6] =	ssyncadd.s32 $0xFFFFF380  }
0xf7: {  	[tilespmem:s29], [sflag:$0x4] =	stream.linear.gather [hbm4b:s28+s13], $0xC80, $0x38;
	[tilespmem:$0x1F800] =	vst v63  }
0xf8: {  	_ =	swait.ge [sflag:s6], $0xC80  }
0xf9: {  	[sflag:s6] =	ssyncset.done $0x0  }
0xfa: {  	[sflag:s6] =	ssyncadd.s32 $0xFFFFF380  }
0xfb: {  	[tilespmem:s10], [sflag:$0x1] =	stream.indirect.gather [hbm4b:s2+s9], $0x80, s26, s9, $0xb8;
	[tilespmem:$0x1F800] =	vst v63  }
0xfc: {  	s30 =	simm.s32 $0x13C80  }
0xfd: {  	[tilespmem:s12], [sflag:$0x2] =	stream.indirect.gather [hbm4b:s2+s9], $0x80, s30, s9, $0xb8;
	[tilespmem:$0x1F800] =	vst v63  }
0xfe: {  	s31 =	simm.s32 $0x13D00  }
0xff: {  	[tilespmem:s14], [sflag:$0x3] =	stream.indirect.gather [hbm4b:s2+s9], $0x80, s31, s9, $0xb8;
	[tilespmem:$0x1F800] =	vst v63  }
0x100: {  	_ =	swait.ge [sflag:s15], $0x3200  }
0x101: {  	[sflag:s15] =	ssyncset.done $0x0  }
0x102: {  	[sflag:s15] =	ssyncadd.s32 $0xFFFFCE00  }
0x103: {  	[spmem:s3] =	stream.indirect.scatter.add.f32 [tilespmem:s10], [sflag:$0x4], $0x80, s29, s9, $0xb8;
	[tilespmem:$0x1F800] =	vst v63  }
0x104: {  	_ =	swait.ge [sflag:s6], $0x3200  }
0x105: {  	[sflag:s6] =	ssyncset.done $0x0  }
0x106: {  	s4 =	simm.s32 $0x13D80;
	[sflag:s6] =	ssyncadd.s32 $0xFFFFCE00  }
0x107: {  	[tilespmem:s10], [sflag:$0x1] =	stream.indirect.gather [hbm4b:s2+s9], $0x80, s4, s9, $0xb8;
	[tilespmem:$0x1F800] =	vst v63  }
0x108: {  	_ =	swait.ge [sflag:s17], $0x3200  }
0x109: {  	[sflag:s17] =	ssyncset.done $0x0  }
0x10a: {  	s5 =	simm.s32 $0x14C80;
	[sflag:s17] =	ssyncadd.s32 $0xFFFFCE00  }
0x10b: {  	[spmem:s3] =	stream.indirect.scatter.add.f32 [tilespmem:s12], [sflag:$0x4], $0x80, s5, s9, $0xb8;
	[tilespmem:$0x1F800] =	vst v63  }
0x10c: {  	_ =	swait.ge [sflag:s6], $0x3200  }
0x10d: {  	[sflag:s6] =	ssyncset.done $0x0  }
0x10e: {  	s7 =	simm.s32 $0x13E00;
	[sflag:s6] =	ssyncadd.s32 $0xFFFFCE00  }
0x10f: {  	[tilespmem:s12], [sflag:$0x2] =	stream.indirect.gather [hbm4b:s2+s9], $0x80, s7, s9, $0xb8;
	[tilespmem:$0x1F800] =	vst v63  }
0x110: {  	_ =	swait.ge [sflag:s20], $0x3200  }
0x111: {  	[sflag:s20] =	ssyncset.done $0x0  }
0x112: {  	s8 =	simm.s32 $0x14D00;
	[sflag:s20] =	ssyncadd.s32 $0xFFFFCE00  }
0x113: {  	[spmem:s3] =	stream.indirect.scatter.add.f32 [tilespmem:s14], [sflag:$0x4], $0x80, s8, s9, $0xb8;
	[tilespmem:$0x1F800] =	vst v63  }
0x114: {  	_ =	swait.ge [sflag:s6], $0x3200  }
0x115: {  	[sflag:s6] =	ssyncset.done $0x0  }
0x116: {  	s11 =	simm.s32 $0x13E80;
	[sflag:s6] =	ssyncadd.s32 $0xFFFFCE00  }
0x117: {  	[tilespmem:s14], [sflag:$0x3] =	stream.indirect.gather [hbm4b:s2+s9], $0x80, s11, s9, $0xb8;
	[tilespmem:$0x1F800] =	vst v63  }
0x118: {  	_ =	swait.ge [sflag:s15], $0x3200  }
0x119: {  	[sflag:s15] =	ssyncset.done $0x0  }
0x11a: {  	s16 =	simm.s32 $0x14D80;
	[sflag:s15] =	ssyncadd.s32 $0xFFFFCE00  }
0x11b: {  	[spmem:s3] =	stream.indirect.scatter.add.f32 [tilespmem:s10], [sflag:$0x4], $0x80, s16, s9, $0xb8;
	[tilespmem:$0x1F800] =	vst v63  }
0x11c: {  	_ =	swait.ge [sflag:s6], $0x3200  }
0x11d: {  	[sflag:s6] =	ssyncset.done $0x0  }
0x11e: {  	s18 =	simm.s32 $0x13F00;
	[sflag:s6] =	ssyncadd.s32 $0xFFFFCE00  }
0x11f: {  	[tilespmem:s10], [sflag:$0x1] =	stream.indirect.gather [hbm4b:s2+s9], $0x80, s18, s9, $0xb8;
	[tilespmem:$0x1F800] =	vst v63  }
0x120: {  	_ =	swait.ge [sflag:s17], $0x3200  }
0x121: {  	[sflag:s17] =	ssyncset.done $0x0  }
0x122: {  	s19 =	simm.s32 $0x14E00;
	[sflag:s17] =	ssyncadd.s32 $0xFFFFCE00  }
0x123: {  	[spmem:s3] =	stream.indirect.scatter.add.f32 [tilespmem:s12], [sflag:$0x4], $0x80, s19, s9, $0xb8;
	[tilespmem:$0x1F800] =	vst v63  }
0x124: {  	_ =	swait.ge [sflag:s6], $0x3200  }
0x125: {  	[sflag:s6] =	ssyncset.done $0x0  }
0x126: {  	s21 =	simm.s32 $0x13F80;
	[sflag:s6] =	ssyncadd.s32 $0xFFFFCE00  }
0x127: {  	[tilespmem:s12], [sflag:$0x2] =	stream.indirect.gather [hbm4b:s2+s9], $0x80, s21, s9, $0xb8;
	[tilespmem:$0x1F800] =	vst v63  }
0x128: {  	_ =	swait.ge [sflag:s20], $0x3200  }
0x129: {  	[sflag:s20] =	ssyncset.done $0x0  }
0x12a: {  	s22 =	simm.s32 $0x14E80;
	[sflag:s20] =	ssyncadd.s32 $0xFFFFCE00  }
0x12b: {  	[spmem:s3] =	stream.indirect.scatter.add.f32 [tilespmem:s14], [sflag:$0x4], $0x80, s22, s9, $0xb8;
	[tilespmem:$0x1F800] =	vst v63  }
0x12c: {  	_ =	swait.ge [sflag:s6], $0x3200  }
0x12d: {  	[sflag:s6] =	ssyncset.done $0x0  }
0x12e: {  	s23 =	simm.s32 $0x14000;
	[sflag:s6] =	ssyncadd.s32 $0xFFFFCE00  }
0x12f: {  	[tilespmem:s14], [sflag:$0x3] =	stream.indirect.gather [hbm4b:s2+s9], $0x80, s23, s9, $0xb8;
	[tilespmem:$0x1F800] =	vst v63  }
0x130: {  	_ =	swait.ge [sflag:s15], $0x3200  }
0x131: {  	[sflag:s15] =	ssyncset.done $0x0  }
0x132: {  	s24 =	simm.s32 $0x14F00;
	[sflag:s15] =	ssyncadd.s32 $0xFFFFCE00  }
0x133: {  	[spmem:s3] =	stream.indirect.scatter.add.f32 [tilespmem:s10], [sflag:$0x4], $0x80, s24, s9, $0xb8;
	[tilespmem:$0x1F800] =	vst v63  }
0x134: {  	_ =	swait.ge [sflag:s6], $0x3200  }
0x135: {  	[sflag:s6] =	ssyncset.done $0x0  }
0x136: {  	s25 =	simm.s32 $0x14080;
	[sflag:s6] =	ssyncadd.s32 $0xFFFFCE00  }
0x137: {  	[tilespmem:s10], [sflag:$0x1] =	stream.indirect.gather [hbm4b:s2+s9], $0x80, s25, s9, $0xb8;
	[tilespmem:$0x1F800] =	vst v63  }
0x138: {  	_ =	swait.ge [sflag:s17], $0x3200  }
0x139: {  	[sflag:s17] =	ssyncset.done $0x0  }
0x13a: {  	s26 =	simm.s32 $0x14F80;
	[sflag:s17] =	ssyncadd.s32 $0xFFFFCE00  }
0x13b: {  	[spmem:s3] =	stream.indirect.scatter.add.f32 [tilespmem:s12], [sflag:$0x4], $0x80, s26, s9, $0xb8;
	[tilespmem:$0x1F800] =	vst v63  }
0x13c: {  	_ =	swait.ge [sflag:s6], $0x3200  }
0x13d: {  	[sflag:s6] =	ssyncset.done $0x0  }
0x13e: {  	s28 =	simm.s32 $0x14100;
	[sflag:s6] =	ssyncadd.s32 $0xFFFFCE00  }
0x13f: {  	[tilespmem:s12], [sflag:$0x2] =	stream.indirect.gather [hbm4b:s2+s9], $0x80, s28, s9, $0xb8;
	[tilespmem:$0x1F800] =	vst v63  }
0x140: {  	_ =	swait.ge [sflag:s20], $0x3200  }
0x141: {  	[sflag:s20] =	ssyncset.done $0x0  }
0x142: {  	s29 =	simm.s32 $0x15000;
	[sflag:s20] =	ssyncadd.s32 $0xFFFFCE00  }
0x143: {  	[spmem:s3] =	stream.indirect.scatter.add.f32 [tilespmem:s14], [sflag:$0x4], $0x80, s29, s9, $0xb8;
	[tilespmem:$0x1F800] =	vst v63  }
0x144: {  	_ =	swait.ge [sflag:s6], $0x3200  }
0x145: {  	[sflag:s6] =	ssyncset.done $0x0  }
0x146: {  	s30 =	simm.s32 $0x14180;
	[sflag:s6] =	ssyncadd.s32 $0xFFFFCE00  }
0x147: {  	[tilespmem:s14], [sflag:$0x3] =	stream.indirect.gather [hbm4b:s2+s9], $0x80, s30, s9, $0xb8;
	[tilespmem:$0x1F800] =	vst v63  }
0x148: {  	_ =	swait.ge [sflag:s15], $0x3200  }
0x149: {  	[sflag:s15] =	ssyncset.done $0x0  }
0x14a: {  	s0 =	simm.s32 $0x15080;
	[sflag:s15] =	ssyncadd.s32 $0xFFFFCE00  }
0x14b: {  	[spmem:s3] =	stream.indirect.scatter.add.f32 [tilespmem:s10], [sflag:$0x4], $0x80, s0, s9, $0xb8;
	[tilespmem:$0x1F800] =	vst v63  }
0x14c: {  	_ =	swait.ge [sflag:s6], $0x3200  }
0x14d: {  	[sflag:s6] =	ssyncset.done $0x0  }
0x14e: {  	s1 =	simm.s32 $0x14200;
	[sflag:s6] =	ssyncadd.s32 $0xFFFFCE00  }
0x14f: {  	[tilespmem:s10], [sflag:$0x1] =	stream.indirect.gather [hbm4b:s2+s9], $0x80, s1, s9, $0xb8;
	[tilespmem:$0x1F800] =	vst v63  }
0x150: {  	_ =	swait.ge [sflag:s17], $0x3200  }
0x151: {  	[sflag:s17] =	ssyncset.done $0x0  }
0x152: {  	s0 =	simm.s32 $0x15100;
	[sflag:s17] =	ssyncadd.s32 $0xFFFFCE00  }
0x153: {  	[spmem:s3] =	stream.indirect.scatter.add.f32 [tilespmem:s12], [sflag:$0x4], $0x80, s0, s9, $0xb8;
	[tilespmem:$0x1F800] =	vst v63  }
0x154: {  	_ =	swait.ge [sflag:s6], $0x3200  }
0x155: {  	[sflag:s6] =	ssyncset.done $0x0  }
0x156: {  	s1 =	simm.s32 $0x14280;
	[sflag:s6] =	ssyncadd.s32 $0xFFFFCE00  }
0x157: {  	[tilespmem:s12], [sflag:$0x2] =	stream.indirect.gather [hbm4b:s2+s9], $0x80, s1, s9, $0xb8;
	[tilespmem:$0x1F800] =	vst v63  }
0x158: {  	_ =	swait.ge [sflag:s20], $0x3200  }
0x159: {  	[sflag:s20] =	ssyncset.done $0x0  }
0x15a: {  	s0 =	simm.s32 $0x15180;
	[sflag:s20] =	ssyncadd.s32 $0xFFFFCE00  }
0x15b: {  	[spmem:s3] =	stream.indirect.scatter.add.f32 [tilespmem:s14], [sflag:$0x4], $0x80, s0, s9, $0xb8;
	[tilespmem:$0x1F800] =	vst v63  }
0x15c: {  	_ =	swait.ge [sflag:s6], $0x3200  }
0x15d: {  	[sflag:s6] =	ssyncset.done $0x0  }
0x15e: {  	s1 =	simm.s32 $0x14300;
	[sflag:s6] =	ssyncadd.s32 $0xFFFFCE00  }
0x15f: {  	[tilespmem:s14], [sflag:$0x3] =	stream.indirect.gather [hbm4b:s2+s9], $0x80, s1, s9, $0xb8;
	[tilespmem:$0x1F800] =	vst v63  }
0x160: {  	_ =	swait.ge [sflag:s15], $0x3200  }
0x161: {  	[sflag:s15] =	ssyncset.done $0x0  }
0x162: {  	s0 =	simm.s32 $0x15200;
	[sflag:s15] =	ssyncadd.s32 $0xFFFFCE00  }
0x163: {  	[spmem:s3] =	stream.indirect.scatter.add.f32 [tilespmem:s10], [sflag:$0x4], $0x80, s0, s9, $0xb8;
	[tilespmem:$0x1F800] =	vst v63  }
0x164: {  	_ =	swait.ge [sflag:s6], $0x3200  }
0x165: {  	[sflag:s6] =	ssyncset.done $0x0  }
0x166: {  	s1 =	simm.s32 $0x14380;
	[sflag:s6] =	ssyncadd.s32 $0xFFFFCE00  }
0x167: {  	[tilespmem:s10], [sflag:$0x1] =	stream.indirect.gather [hbm4b:s2+s9], $0x80, s1, s9, $0xb8;
	[tilespmem:$0x1F800] =	vst v63  }
0x168: {  	_ =	swait.ge [sflag:s17], $0x3200  }
0x169: {  	[sflag:s17] =	ssyncset.done $0x0  }
0x16a: {  	s0 =	simm.s32 $0x15280;
	[sflag:s17] =	ssyncadd.s32 $0xFFFFCE00  }
0x16b: {  	[spmem:s3] =	stream.indirect.scatter.add.f32 [tilespmem:s12], [sflag:$0x4], $0x80, s0, s9, $0xb8;
	[tilespmem:$0x1F800] =	vst v63  }
0x16c: {  	_ =	swait.ge [sflag:s6], $0x3200  }
0x16d: {  	[sflag:s6] =	ssyncset.done $0x0  }
0x16e: {  	s1 =	simm.s32 $0x14400;
	[sflag:s6] =	ssyncadd.s32 $0xFFFFCE00  }
0x16f: {  	[tilespmem:s12], [sflag:$0x2] =	stream.indirect.gather [hbm4b:s2+s9], $0x80, s1, s9, $0xb8;
	[tilespmem:$0x1F800] =	vst v63  }
0x170: {  	_ =	swait.ge [sflag:s20], $0x3200  }
0x171: {  	[sflag:s20] =	ssyncset.done $0x0  }
0x172: {  	s0 =	simm.s32 $0x15300;
	[sflag:s20] =	ssyncadd.s32 $0xFFFFCE00  }
0x173: {  	[spmem:s3] =	stream.indirect.scatter.add.f32 [tilespmem:s14], [sflag:$0x4], $0x80, s0, s9, $0xb8;
	[tilespmem:$0x1F800] =	vst v63  }
0x174: {  	_ =	swait.ge [sflag:s6], $0x3200  }
0x175: {  	[sflag:s6] =	ssyncset.done $0x0  }
0x176: {  	s1 =	simm.s32 $0x14480;
	[sflag:s6] =	ssyncadd.s32 $0xFFFFCE00  }
0x177: {  	[tilespmem:s14], [sflag:$0x3] =	stream.indirect.gather [hbm4b:s2+s9], $0x80, s1, s9, $0xb8;
	[tilespmem:$0x1F800] =	vst v63  }
0x178: {  	_ =	swait.ge [sflag:s15], $0x3200  }
0x179: {  	[sflag:s15] =	ssyncset.done $0x0  }
0x17a: {  	s0 =	simm.s32 $0x15380;
	[sflag:s15] =	ssyncadd.s32 $0xFFFFCE00  }
0x17b: {  	[spmem:s3] =	stream.indirect.scatter.add.f32 [tilespmem:s10], [sflag:$0x4], $0x80, s0, s9, $0xb8;
	[tilespmem:$0x1F800] =	vst v63  }
0x17c: {  	_ =	swait.ge [sflag:s6], $0x3200  }
0x17d: {  	[sflag:s6] =	ssyncset.done $0x0  }
0x17e: {  	s1 =	simm.s32 $0x14500;
	[sflag:s6] =	ssyncadd.s32 $0xFFFFCE00  }
0x17f: {  	[tilespmem:s10], [sflag:$0x1] =	stream.indirect.gather [hbm4b:s2+s9], $0x80, s1, s9, $0xb8;
	[tilespmem:$0x1F800] =	vst v63  }
0x180: {  	_ =	swait.ge [sflag:s17], $0x3200  }
0x181: {  	[sflag:s17] =	ssyncset.done $0x0  }
0x182: {  	s0 =	simm.s32 $0x15400;
	[sflag:s17] =	ssyncadd.s32 $0xFFFFCE00  }
0x183: {  	[spmem:s3] =	stream.indirect.scatter.add.f32 [tilespmem:s12], [sflag:$0x4], $0x80, s0, s9, $0xb8;
	[tilespmem:$0x1F800] =	vst v63  }
0x184: {  	_ =	swait.ge [sflag:s6], $0x3200  }
0x185: {  	[sflag:s6] =	ssyncset.done $0x0  }
0x186: {  	s1 =	simm.s32 $0x14580;
	[sflag:s6] =	ssyncadd.s32 $0xFFFFCE00  }
0x187: {  	[tilespmem:s12], [sflag:$0x2] =	stream.indirect.gather [hbm4b:s2+s9], $0x80, s1, s9, $0xb8;
	[tilespmem:$0x1F800] =	vst v63  }
0x188: {  	_ =	swait.ge [sflag:s20], $0x3200  }
0x189: {  	[sflag:s20] =	ssyncset.done $0x0  }
0x18a: {  	s0 =	simm.s32 $0x15480;
	[sflag:s20] =	ssyncadd.s32 $0xFFFFCE00  }
0x18b: {  	[spmem:s3] =	stream.indirect.scatter.add.f32 [tilespmem:s14], [sflag:$0x4], $0x80, s0, s9, $0xb8;
	[tilespmem:$0x1F800] =	vst v63  }
0x18c: {  	_ =	swait.ge [sflag:s6], $0x3200  }
0x18d: {  	[sflag:s6] =	ssyncset.done $0x0  }
0x18e: {  	s1 =	simm.s32 $0x14600;
	[sflag:s6] =	ssyncadd.s32 $0xFFFFCE00  }
0x18f: {  	[tilespmem:s14], [sflag:$0x3] =	stream.indirect.gather [hbm4b:s2+s9], $0x80, s1, s9, $0xb8;
	[tilespmem:$0x1F800] =	vst v63  }
0x190: {  	_ =	swait.ge [sflag:s15], $0x3200  }
0x191: {  	[sflag:s15] =	ssyncset.done $0x0  }
0x192: {  	s0 =	simm.s32 $0x15500;
	[sflag:s15] =	ssyncadd.s32 $0xFFFFCE00  }
0x193: {  	[spmem:s3] =	stream.indirect.scatter.add.f32 [tilespmem:s10], [sflag:$0x4], $0x80, s0, s9, $0xb8;
	[tilespmem:$0x1F800] =	vst v63  }
0x194: {  	_ =	swait.ge [sflag:s6], $0x3200  }
0x195: {  	[sflag:s6] =	ssyncset.done $0x0  }
0x196: {  	s1 =	simm.s32 $0x14680;
	[sflag:s6] =	ssyncadd.s32 $0xFFFFCE00  }
0x197: {  	[tilespmem:s10], [sflag:$0x1] =	stream.indirect.gather [hbm4b:s2+s9], $0x80, s1, s9, $0xb8;
	[tilespmem:$0x1F800] =	vst v63  }
0x198: {  	_ =	swait.ge [sflag:s17], $0x3200  }
0x199: {  	[sflag:s17] =	ssyncset.done $0x0  }
0x19a: {  	s0 =	simm.s32 $0x15580;
	[sflag:s17] =	ssyncadd.s32 $0xFFFFCE00  }
0x19b: {  	[spmem:s3] =	stream.indirect.scatter.add.f32 [tilespmem:s12], [sflag:$0x4], $0x80, s0, s9, $0xb8;
	[tilespmem:$0x1F800] =	vst v63  }
0x19c: {  	_ =	swait.ge [sflag:s6], $0x3200  }
0x19d: {  	[sflag:s6] =	ssyncset.done $0x0  }
0x19e: {  	s1 =	simm.s32 $0x14700;
	[sflag:s6] =	ssyncadd.s32 $0xFFFFCE00  }
0x19f: {  	[tilespmem:s12], [sflag:$0x2] =	stream.indirect.gather [hbm4b:s2+s9], $0x80, s1, s9, $0xb8;
	[tilespmem:$0x1F800] =	vst v63  }
0x1a0: {  	_ =	swait.ge [sflag:s20], $0x3200  }
0x1a1: {  	[sflag:s20] =	ssyncset.done $0x0  }
0x1a2: {  	s0 =	simm.s32 $0x15600;
	[sflag:s20] =	ssyncadd.s32 $0xFFFFCE00  }
0x1a3: {  	[spmem:s3] =	stream.indirect.scatter.add.f32 [tilespmem:s14], [sflag:$0x4], $0x80, s0, s9, $0xb8;
	[tilespmem:$0x1F800] =	vst v63  }
0x1a4: {  	_ =	swait.ge [sflag:s6], $0x3200  }
0x1a5: {  	[sflag:s6] =	ssyncset.done $0x0  }
0x1a6: {  	s1 =	simm.s32 $0x14780;
	[sflag:s6] =	ssyncadd.s32 $0xFFFFCE00  }
0x1a7: {  	[tilespmem:s14], [sflag:$0x3] =	stream.indirect.gather [hbm4b:s2+s9], $0x80, s1, s9, $0xb8;
	[tilespmem:$0x1F800] =	vst v63  }
0x1a8: {  	_ =	swait.ge [sflag:s15], $0x3200  }
0x1a9: {  	[sflag:s15] =	ssyncset.done $0x0  }
0x1aa: {  	s0 =	simm.s32 $0x15680;
	[sflag:s15] =	ssyncadd.s32 $0xFFFFCE00  }
0x1ab: {  	[spmem:s3] =	stream.indirect.scatter.add.f32 [tilespmem:s10], [sflag:$0x4], $0x80, s0, s9, $0xb8;
	[tilespmem:$0x1F800] =	vst v63  }
0x1ac: {  	_ =	swait.ge [sflag:s6], $0x3200  }
0x1ad: {  	[sflag:s6] =	ssyncset.done $0x0  }
0x1ae: {  	s1 =	simm.s32 $0x14800;
	[sflag:s6] =	ssyncadd.s32 $0xFFFFCE00  }
0x1af: {  	[tilespmem:s10], [sflag:$0x1] =	stream.indirect.gather [hbm4b:s2+s9], $0x80, s1, s9, $0xb8;
	[tilespmem:$0x1F800] =	vst v63  }
0x1b0: {  	_ =	swait.ge [sflag:s17], $0x3200  }
0x1b1: {  	[sflag:s17] =	ssyncset.done $0x0  }
0x1b2: {  	s0 =	simm.s32 $0x15700;
	[sflag:s17] =	ssyncadd.s32 $0xFFFFCE00  }
0x1b3: {  	[spmem:s3] =	stream.indirect.scatter.add.f32 [tilespmem:s12], [sflag:$0x4], $0x80, s0, s9, $0xb8;
	[tilespmem:$0x1F800] =	vst v63  }
0x1b4: {  	_ =	swait.ge [sflag:s6], $0x3200  }
0x1b5: {  	[sflag:s6] =	ssyncset.done $0x0  }
0x1b6: {  	[sflag:s6] =	ssyncadd.s32 $0xFFFFCE00  }
0x1b7: {  	_ =	swait.ge [sflag:s20], $0x3200  }
0x1b8: {  	[sflag:s20] =	ssyncset.done $0x0  }
0x1b9: {  	s1 =	simm.s32 $0x15780;
	[sflag:s20] =	ssyncadd.s32 $0xFFFFCE00  }
0x1ba: {  	[spmem:s3] =	stream.indirect.scatter.add.f32 [tilespmem:s14], [sflag:$0x4], $0x80, s1, s9, $0xb8;
	[tilespmem:$0x1F800] =	vst v63  }
0x1bb: {  	_ =	swait.ge [sflag:s6], $0x3200  }
0x1bc: {  	[sflag:s6] =	ssyncset.done $0x0  }
0x1bd: {  	[sflag:s6] =	ssyncadd.s32 $0xFFFFCE00  }
0x1be: {  	_ =	swait.ge [sflag:s15], $0x3200  }
0x1bf: {  	[sflag:s15] =	ssyncset.done $0x0  }
0x1c0: {  	s0 =	simm.s32 $0x15800;
	[sflag:s15] =	ssyncadd.s32 $0xFFFFCE00  }
0x1c1: {  	[spmem:s3] =	stream.indirect.scatter.add.f32 [tilespmem:s10], [sflag:$0x4], $0x80, s0, s9, $0xb8;
	[tilespmem:$0x1F800] =	vst v63  }
0x1c2: {  	_ =	swait.ge [sflag:s6], $0x3200  }
0x1c3: {  	[sflag:s6] =	ssyncset.done $0x0  }
0x1c4: {  	s0 =	simm.s32 $0x13C00;
	s1 =	rddreg [dreg:$0xa];
	[sflag:s6] =	ssyncadd.s32 $0xFFFFCE00  }
0x1c5: {  	[tilespmem:s0], [sflag:$0x4] =	stream.linear.gather [hbm4b:s1+s13], $0xC80, $0x38;
	[tilespmem:$0x1F800] =	vst v63  }
0x1c6: {  	_ =	swait.ge [sflag:s6], $0xC80  }
0x1c7: {  	[sflag:s6] =	ssyncset.done $0x0  }
0x1c8: {  	s1 =	simm.s32 $0x14C00;
	s31 =	rddreg [dreg:$0xb];
	[sflag:s6] =	ssyncadd.s32 $0xFFFFF380  }
0x1c9: {  	[tilespmem:s1], [sflag:$0x4] =	stream.linear.gather [hbm4b:s31+s13], $0xC80, $0x38;
	[tilespmem:$0x1F800] =	vst v63  }
0x1ca: {  	_ =	swait.ge [sflag:s6], $0xC80  }
0x1cb: {  	[sflag:s6] =	ssyncset.done $0x0  }
0x1cc: {  	[sflag:s6] =	ssyncadd.s32 $0xFFFFF380  }
0x1cd: {  	[tilespmem:s10], [sflag:$0x1] =	stream.indirect.gather [hbm4b:s2+s9], $0x80, s0, s9, $0xb8;
	[tilespmem:$0x1F800] =	vst v63  }
0x1ce: {  	s31 =	simm.s32 $0x13C80  }
0x1cf: {  	[tilespmem:s12], [sflag:$0x2] =	stream.indirect.gather [hbm4b:s2+s9], $0x80, s31, s9, $0xb8;
	[tilespmem:$0x1F800] =	vst v63  }
0x1d0: {  	s31 =	simm.s32 $0x13D00  }
0x1d1: {  	[tilespmem:s14], [sflag:$0x3] =	stream.indirect.gather [hbm4b:s2+s9], $0x80, s31, s9, $0xb8;
	[tilespmem:$0x1F800] =	vst v63  }
0x1d2: {  	_ =	swait.ge [sflag:s15], $0x3200  }
0x1d3: {  	[sflag:s15] =	ssyncset.done $0x0  }
0x1d4: {  	[sflag:s15] =	ssyncadd.s32 $0xFFFFCE00  }
0x1d5: {  	[spmem:s3] =	stream.indirect.scatter.add.f32 [tilespmem:s10], [sflag:$0x4], $0x80, s1, s9, $0xb8;
	[tilespmem:$0x1F800] =	vst v63  }
0x1d6: {  	_ =	swait.ge [sflag:s6], $0x3200  }
0x1d7: {  	[sflag:s6] =	ssyncset.done $0x0  }
0x1d8: {  	[sflag:s6] =	ssyncadd.s32 $0xFFFFCE00  }
0x1d9: {  	[tilespmem:s10], [sflag:$0x1] =	stream.indirect.gather [hbm4b:s2+s9], $0x80, s4, s9, $0xb8;
	[tilespmem:$0x1F800] =	vst v63  }
0x1da: {  	_ =	swait.ge [sflag:s17], $0x3200  }
0x1db: {  	[sflag:s17] =	ssyncset.done $0x0  }
0x1dc: {  	[sflag:s17] =	ssyncadd.s32 $0xFFFFCE00  }
0x1dd: {  	[spmem:s3] =	stream.indirect.scatter.add.f32 [tilespmem:s12], [sflag:$0x4], $0x80, s5, s9, $0xb8;
	[tilespmem:$0x1F800] =	vst v63  }
0x1de: {  	_ =	swait.ge [sflag:s6], $0x3200  }
0x1df: {  	[sflag:s6] =	ssyncset.done $0x0  }
0x1e0: {  	[sflag:s6] =	ssyncadd.s32 $0xFFFFCE00  }
0x1e1: {  	[tilespmem:s12], [sflag:$0x2] =	stream.indirect.gather [hbm4b:s2+s9], $0x80, s7, s9, $0xb8;
	[tilespmem:$0x1F800] =	vst v63  }
0x1e2: {  	_ =	swait.ge [sflag:s20], $0x3200  }
0x1e3: {  	[sflag:s20] =	ssyncset.done $0x0  }
0x1e4: {  	[sflag:s20] =	ssyncadd.s32 $0xFFFFCE00  }
0x1e5: {  	[spmem:s3] =	stream.indirect.scatter.add.f32 [tilespmem:s14], [sflag:$0x4], $0x80, s8, s9, $0xb8;
	[tilespmem:$0x1F800] =	vst v63  }
0x1e6: {  	_ =	swait.ge [sflag:s6], $0x3200  }
0x1e7: {  	[sflag:s6] =	ssyncset.done $0x0  }
0x1e8: {  	[sflag:s6] =	ssyncadd.s32 $0xFFFFCE00  }
0x1e9: {  	[tilespmem:s14], [sflag:$0x3] =	stream.indirect.gather [hbm4b:s2+s9], $0x80, s11, s9, $0xb8;
	[tilespmem:$0x1F800] =	vst v63  }
0x1ea: {  	_ =	swait.ge [sflag:s15], $0x3200  }
0x1eb: {  	[sflag:s15] =	ssyncset.done $0x0  }
0x1ec: {  	[sflag:s15] =	ssyncadd.s32 $0xFFFFCE00  }
0x1ed: {  	[spmem:s3] =	stream.indirect.scatter.add.f32 [tilespmem:s10], [sflag:$0x4], $0x80, s16, s9, $0xb8;
	[tilespmem:$0x1F800] =	vst v63  }
0x1ee: {  	_ =	swait.ge [sflag:s6], $0x3200  }
0x1ef: {  	[sflag:s6] =	ssyncset.done $0x0  }
0x1f0: {  	[sflag:s6] =	ssyncadd.s32 $0xFFFFCE00  }
0x1f1: {  	[tilespmem:s10], [sflag:$0x1] =	stream.indirect.gather [hbm4b:s2+s9], $0x80, s18, s9, $0xb8;
	[tilespmem:$0x1F800] =	vst v63  }
0x1f2: {  	_ =	swait.ge [sflag:s17], $0x3200  }
0x1f3: {  	[sflag:s17] =	ssyncset.done $0x0  }
0x1f4: {  	[sflag:s17] =	ssyncadd.s32 $0xFFFFCE00  }
0x1f5: {  	[spmem:s3] =	stream.indirect.scatter.add.f32 [tilespmem:s12], [sflag:$0x4], $0x80, s19, s9, $0xb8;
	[tilespmem:$0x1F800] =	vst v63  }
0x1f6: {  	_ =	swait.ge [sflag:s6], $0x3200  }
0x1f7: {  	[sflag:s6] =	ssyncset.done $0x0  }
0x1f8: {  	[sflag:s6] =	ssyncadd.s32 $0xFFFFCE00  }
0x1f9: {  	[tilespmem:s12], [sflag:$0x2] =	stream.indirect.gather [hbm4b:s2+s9], $0x80, s21, s9, $0xb8;
	[tilespmem:$0x1F800] =	vst v63  }
0x1fa: {  	_ =	swait.ge [sflag:s20], $0x3200  }
0x1fb: {  	[sflag:s20] =	ssyncset.done $0x0  }
0x1fc: {  	[sflag:s20] =	ssyncadd.s32 $0xFFFFCE00  }
0x1fd: {  	[spmem:s3] =	stream.indirect.scatter.add.f32 [tilespmem:s14], [sflag:$0x4], $0x80, s22, s9, $0xb8;
	[tilespmem:$0x1F800] =	vst v63  }
0x1fe: {  	_ =	swait.ge [sflag:s6], $0x3200  }
0x1ff: {  	[sflag:s6] =	ssyncset.done $0x0  }
0x200: {  	[sflag:s6] =	ssyncadd.s32 $0xFFFFCE00  }
0x201: {  	[tilespmem:s14], [sflag:$0x3] =	stream.indirect.gather [hbm4b:s2+s9], $0x80, s23, s9, $0xb8;
	[tilespmem:$0x1F800] =	vst v63  }
0x202: {  	_ =	swait.ge [sflag:s15], $0x3200  }
0x203: {  	[sflag:s15] =	ssyncset.done $0x0  }
0x204: {  	[sflag:s15] =	ssyncadd.s32 $0xFFFFCE00  }
0x205: {  	[spmem:s3] =	stream.indirect.scatter.add.f32 [tilespmem:s10], [sflag:$0x4], $0x80, s24, s9, $0xb8;
	[tilespmem:$0x1F800] =	vst v63  }
0x206: {  	_ =	swait.ge [sflag:s6], $0x3200  }
0x207: {  	[sflag:s6] =	ssyncset.done $0x0  }
0x208: {  	[sflag:s6] =	ssyncadd.s32 $0xFFFFCE00  }
0x209: {  	[tilespmem:s10], [sflag:$0x1] =	stream.indirect.gather [hbm4b:s2+s9], $0x80, s25, s9, $0xb8;
	[tilespmem:$0x1F800] =	vst v63  }
0x20a: {  	_ =	swait.ge [sflag:s17], $0x3200  }
0x20b: {  	[sflag:s17] =	ssyncset.done $0x0  }
0x20c: {  	[sflag:s17] =	ssyncadd.s32 $0xFFFFCE00  }
0x20d: {  	[spmem:s3] =	stream.indirect.scatter.add.f32 [tilespmem:s12], [sflag:$0x4], $0x80, s26, s9, $0xb8;
	[tilespmem:$0x1F800] =	vst v63  }
0x20e: {  	_ =	swait.ge [sflag:s6], $0x3200  }
0x20f: {  	[sflag:s6] =	ssyncset.done $0x0  }
0x210: {  	[sflag:s6] =	ssyncadd.s32 $0xFFFFCE00  }
0x211: {  	[tilespmem:s12], [sflag:$0x2] =	stream.indirect.gather [hbm4b:s2+s9], $0x80, s28, s9, $0xb8;
	[tilespmem:$0x1F800] =	vst v63  }
0x212: {  	_ =	swait.ge [sflag:s20], $0x3200  }
0x213: {  	[sflag:s20] =	ssyncset.done $0x0  }
0x214: {  	[sflag:s20] =	ssyncadd.s32 $0xFFFFCE00  }
0x215: {  	[spmem:s3] =	stream.indirect.scatter.add.f32 [tilespmem:s14], [sflag:$0x4], $0x80, s29, s9, $0xb8;
	[tilespmem:$0x1F800] =	vst v63  }
0x216: {  	_ =	swait.ge [sflag:s6], $0x3200  }
0x217: {  	[sflag:s6] =	ssyncset.done $0x0  }
0x218: {  	[sflag:s6] =	ssyncadd.s32 $0xFFFFCE00  }
0x219: {  	[tilespmem:s14], [sflag:$0x3] =	stream.indirect.gather [hbm4b:s2+s9], $0x80, s30, s9, $0xb8;
	[tilespmem:$0x1F800] =	vst v63  }
0x21a: {  	_ =	swait.ge [sflag:s15], $0x3200  }
0x21b: {  	[sflag:s15] =	ssyncset.done $0x0  }
0x21c: {  	s31 =	simm.s32 $0x15080;
	[sflag:s15] =	ssyncadd.s32 $0xFFFFCE00  }
0x21d: {  	[spmem:s3] =	stream.indirect.scatter.add.f32 [tilespmem:s10], [sflag:$0x4], $0x80, s31, s9, $0xb8;
	[tilespmem:$0x1F800] =	vst v63  }
0x21e: {  	_ =	swait.ge [sflag:s6], $0x3200  }
0x21f: {  	[sflag:s6] =	ssyncset.done $0x0  }
0x220: {  	s31 =	simm.s32 $0x14200;
	[sflag:s6] =	ssyncadd.s32 $0xFFFFCE00  }
0x221: {  	[tilespmem:s10], [sflag:$0x1] =	stream.indirect.gather [hbm4b:s2+s9], $0x80, s31, s9, $0xb8;
	[tilespmem:$0x1F800] =	vst v63  }
0x222: {  	_ =	swait.ge [sflag:s17], $0x3200  }
0x223: {  	[sflag:s17] =	ssyncset.done $0x0  }
0x224: {  	s31 =	simm.s32 $0x15100;
	[sflag:s17] =	ssyncadd.s32 $0xFFFFCE00  }
0x225: {  	[spmem:s3] =	stream.indirect.scatter.add.f32 [tilespmem:s12], [sflag:$0x4], $0x80, s31, s9, $0xb8;
	[tilespmem:$0x1F800] =	vst v63  }
0x226: {  	_ =	swait.ge [sflag:s6], $0x3200  }
0x227: {  	[sflag:s6] =	ssyncset.done $0x0  }
0x228: {  	s31 =	simm.s32 $0x14280;
	[sflag:s6] =	ssyncadd.s32 $0xFFFFCE00  }
0x229: {  	[tilespmem:s12], [sflag:$0x2] =	stream.indirect.gather [hbm4b:s2+s9], $0x80, s31, s9, $0xb8;
	[tilespmem:$0x1F800] =	vst v63  }
0x22a: {  	_ =	swait.ge [sflag:s20], $0x3200  }
0x22b: {  	[sflag:s20] =	ssyncset.done $0x0  }
0x22c: {  	s31 =	simm.s32 $0x15180;
	[sflag:s20] =	ssyncadd.s32 $0xFFFFCE00  }
0x22d: {  	[spmem:s3] =	stream.indirect.scatter.add.f32 [tilespmem:s14], [sflag:$0x4], $0x80, s31, s9, $0xb8;
	[tilespmem:$0x1F800] =	vst v63  }
0x22e: {  	_ =	swait.ge [sflag:s6], $0x3200  }
0x22f: {  	[sflag:s6] =	ssyncset.done $0x0  }
0x230: {  	s31 =	simm.s32 $0x14300;
	[sflag:s6] =	ssyncadd.s32 $0xFFFFCE00  }
0x231: {  	[tilespmem:s14], [sflag:$0x3] =	stream.indirect.gather [hbm4b:s2+s9], $0x80, s31, s9, $0xb8;
	[tilespmem:$0x1F800] =	vst v63  }
0x232: {  	_ =	swait.ge [sflag:s15], $0x3200  }
0x233: {  	[sflag:s15] =	ssyncset.done $0x0  }
0x234: {  	s31 =	simm.s32 $0x15200;
	[sflag:s15] =	ssyncadd.s32 $0xFFFFCE00  }
0x235: {  	[spmem:s3] =	stream.indirect.scatter.add.f32 [tilespmem:s10], [sflag:$0x4], $0x80, s31, s9, $0xb8;
	[tilespmem:$0x1F800] =	vst v63  }
0x236: {  	_ =	swait.ge [sflag:s6], $0x3200  }
0x237: {  	[sflag:s6] =	ssyncset.done $0x0  }
0x238: {  	s31 =	simm.s32 $0x14380;
	[sflag:s6] =	ssyncadd.s32 $0xFFFFCE00  }
0x239: {  	[tilespmem:s10], [sflag:$0x1] =	stream.indirect.gather [hbm4b:s2+s9], $0x80, s31, s9, $0xb8;
	[tilespmem:$0x1F800] =	vst v63  }
0x23a: {  	_ =	swait.ge [sflag:s17], $0x3200  }
0x23b: {  	[sflag:s17] =	ssyncset.done $0x0  }
0x23c: {  	s31 =	simm.s32 $0x15280;
	[sflag:s17] =	ssyncadd.s32 $0xFFFFCE00  }
0x23d: {  	[spmem:s3] =	stream.indirect.scatter.add.f32 [tilespmem:s12], [sflag:$0x4], $0x80, s31, s9, $0xb8;
	[tilespmem:$0x1F800] =	vst v63  }
0x23e: {  	_ =	swait.ge [sflag:s6], $0x3200  }
0x23f: {  	[sflag:s6] =	ssyncset.done $0x0  }
0x240: {  	s31 =	simm.s32 $0x14400;
	[sflag:s6] =	ssyncadd.s32 $0xFFFFCE00  }
0x241: {  	[tilespmem:s12], [sflag:$0x2] =	stream.indirect.gather [hbm4b:s2+s9], $0x80, s31, s9, $0xb8;
	[tilespmem:$0x1F800] =	vst v63  }
0x242: {  	_ =	swait.ge [sflag:s20], $0x3200  }
0x243: {  	[sflag:s20] =	ssyncset.done $0x0  }
0x244: {  	s31 =	simm.s32 $0x15300;
	[sflag:s20] =	ssyncadd.s32 $0xFFFFCE00  }
0x245: {  	[spmem:s3] =	stream.indirect.scatter.add.f32 [tilespmem:s14], [sflag:$0x4], $0x80, s31, s9, $0xb8;
	[tilespmem:$0x1F800] =	vst v63  }
0x246: {  	_ =	swait.ge [sflag:s6], $0x3200  }
0x247: {  	[sflag:s6] =	ssyncset.done $0x0  }
0x248: {  	s31 =	simm.s32 $0x14480;
	[sflag:s6] =	ssyncadd.s32 $0xFFFFCE00  }
0x249: {  	[tilespmem:s14], [sflag:$0x3] =	stream.indirect.gather [hbm4b:s2+s9], $0x80, s31, s9, $0xb8;
	[tilespmem:$0x1F800] =	vst v63  }
0x24a: {  	_ =	swait.ge [sflag:s15], $0x3200  }
0x24b: {  	[sflag:s15] =	ssyncset.done $0x0  }
0x24c: {  	s31 =	simm.s32 $0x15380;
	[sflag:s15] =	ssyncadd.s32 $0xFFFFCE00  }
0x24d: {  	[spmem:s3] =	stream.indirect.scatter.add.f32 [tilespmem:s10], [sflag:$0x4], $0x80, s31, s9, $0xb8;
	[tilespmem:$0x1F800] =	vst v63  }
0x24e: {  	_ =	swait.ge [sflag:s6], $0x3200  }
0x24f: {  	[sflag:s6] =	ssyncset.done $0x0  }
0x250: {  	s31 =	simm.s32 $0x14500;
	[sflag:s6] =	ssyncadd.s32 $0xFFFFCE00  }
0x251: {  	[tilespmem:s10], [sflag:$0x1] =	stream.indirect.gather [hbm4b:s2+s9], $0x80, s31, s9, $0xb8;
	[tilespmem:$0x1F800] =	vst v63  }
0x252: {  	_ =	swait.ge [sflag:s17], $0x3200  }
0x253: {  	[sflag:s17] =	ssyncset.done $0x0  }
0x254: {  	s31 =	simm.s32 $0x15400;
	[sflag:s17] =	ssyncadd.s32 $0xFFFFCE00  }
0x255: {  	[spmem:s3] =	stream.indirect.scatter.add.f32 [tilespmem:s12], [sflag:$0x4], $0x80, s31, s9, $0xb8;
	[tilespmem:$0x1F800] =	vst v63  }
0x256: {  	_ =	swait.ge [sflag:s6], $0x3200  }
0x257: {  	[sflag:s6] =	ssyncset.done $0x0  }
0x258: {  	s31 =	simm.s32 $0x14580;
	[sflag:s6] =	ssyncadd.s32 $0xFFFFCE00  }
0x259: {  	[tilespmem:s12], [sflag:$0x2] =	stream.indirect.gather [hbm4b:s2+s9], $0x80, s31, s9, $0xb8;
	[tilespmem:$0x1F800] =	vst v63  }
0x25a: {  	_ =	swait.ge [sflag:s20], $0x3200  }
0x25b: {  	[sflag:s20] =	ssyncset.done $0x0  }
0x25c: {  	s31 =	simm.s32 $0x15480;
	[sflag:s20] =	ssyncadd.s32 $0xFFFFCE00  }
0x25d: {  	[spmem:s3] =	stream.indirect.scatter.add.f32 [tilespmem:s14], [sflag:$0x4], $0x80, s31, s9, $0xb8;
	[tilespmem:$0x1F800] =	vst v63  }
0x25e: {  	_ =	swait.ge [sflag:s6], $0x3200  }
0x25f: {  	[sflag:s6] =	ssyncset.done $0x0  }
0x260: {  	s31 =	simm.s32 $0x14600;
	[sflag:s6] =	ssyncadd.s32 $0xFFFFCE00  }
0x261: {  	[tilespmem:s14], [sflag:$0x3] =	stream.indirect.gather [hbm4b:s2+s9], $0x80, s31, s9, $0xb8;
	[tilespmem:$0x1F800] =	vst v63  }
0x262: {  	_ =	swait.ge [sflag:s15], $0x3200  }
0x263: {  	[sflag:s15] =	ssyncset.done $0x0  }
0x264: {  	s31 =	simm.s32 $0x15500;
	[sflag:s15] =	ssyncadd.s32 $0xFFFFCE00  }
0x265: {  	[spmem:s3] =	stream.indirect.scatter.add.f32 [tilespmem:s10], [sflag:$0x4], $0x80, s31, s9, $0xb8;
	[tilespmem:$0x1F800] =	vst v63  }
0x266: {  	_ =	swait.ge [sflag:s6], $0x3200  }
0x267: {  	[sflag:s6] =	ssyncset.done $0x0  }
0x268: {  	s31 =	simm.s32 $0x14680;
	[sflag:s6] =	ssyncadd.s32 $0xFFFFCE00  }
0x269: {  	[tilespmem:s10], [sflag:$0x1] =	stream.indirect.gather [hbm4b:s2+s9], $0x80, s31, s9, $0xb8;
	[tilespmem:$0x1F800] =	vst v63  }
0x26a: {  	_ =	swait.ge [sflag:s17], $0x3200  }
0x26b: {  	[sflag:s17] =	ssyncset.done $0x0  }
0x26c: {  	s31 =	simm.s32 $0x15580;
	[sflag:s17] =	ssyncadd.s32 $0xFFFFCE00  }
0x26d: {  	[spmem:s3] =	stream.indirect.scatter.add.f32 [tilespmem:s12], [sflag:$0x4], $0x80, s31, s9, $0xb8;
	[tilespmem:$0x1F800] =	vst v63  }
0x26e: {  	_ =	swait.ge [sflag:s6], $0x3200  }
0x26f: {  	[sflag:s6] =	ssyncset.done $0x0  }
0x270: {  	s31 =	simm.s32 $0x14700;
	[sflag:s6] =	ssyncadd.s32 $0xFFFFCE00  }
0x271: {  	[tilespmem:s12], [sflag:$0x2] =	stream.indirect.gather [hbm4b:s2+s9], $0x80, s31, s9, $0xb8;
	[tilespmem:$0x1F800] =	vst v63  }
0x272: {  	_ =	swait.ge [sflag:s20], $0x3200  }
0x273: {  	[sflag:s20] =	ssyncset.done $0x0  }
0x274: {  	s31 =	simm.s32 $0x15600;
	[sflag:s20] =	ssyncadd.s32 $0xFFFFCE00  }
0x275: {  	[spmem:s3] =	stream.indirect.scatter.add.f32 [tilespmem:s14], [sflag:$0x4], $0x80, s31, s9, $0xb8;
	[tilespmem:$0x1F800] =	vst v63  }
0x276: {  	_ =	swait.ge [sflag:s6], $0x3200  }
0x277: {  	[sflag:s6] =	ssyncset.done $0x0  }
0x278: {  	s31 =	simm.s32 $0x14780;
	[sflag:s6] =	ssyncadd.s32 $0xFFFFCE00  }
0x279: {  	[tilespmem:s14], [sflag:$0x3] =	stream.indirect.gather [hbm4b:s2+s9], $0x80, s31, s9, $0xb8;
	[tilespmem:$0x1F800] =	vst v63  }
0x27a: {  	_ =	swait.ge [sflag:s15], $0x3200  }
0x27b: {  	[sflag:s15] =	ssyncset.done $0x0  }
0x27c: {  	s31 =	simm.s32 $0x15680;
	[sflag:s15] =	ssyncadd.s32 $0xFFFFCE00  }
0x27d: {  	[spmem:s3] =	stream.indirect.scatter.add.f32 [tilespmem:s10], [sflag:$0x4], $0x80, s31, s9, $0xb8;
	[tilespmem:$0x1F800] =	vst v63  }
0x27e: {  	_ =	swait.ge [sflag:s6], $0x3200  }
0x27f: {  	[sflag:s6] =	ssyncset.done $0x0  }
0x280: {  	s31 =	simm.s32 $0x14800;
	[sflag:s6] =	ssyncadd.s32 $0xFFFFCE00  }
0x281: {  	[tilespmem:s10], [sflag:$0x1] =	stream.indirect.gather [hbm4b:s2+s9], $0x80, s31, s9, $0xb8;
	[tilespmem:$0x1F800] =	vst v63  }
0x282: {  	_ =	swait.ge [sflag:s17], $0x3200  }
0x283: {  	[sflag:s17] =	ssyncset.done $0x0  }
0x284: {  	s31 =	simm.s32 $0x15700;
	[sflag:s17] =	ssyncadd.s32 $0xFFFFCE00  }
0x285: {  	[spmem:s3] =	stream.indirect.scatter.add.f32 [tilespmem:s12], [sflag:$0x4], $0x80, s31, s9, $0xb8;
	[tilespmem:$0x1F800] =	vst v63  }
0x286: {  	_ =	swait.ge [sflag:s6], $0x3200  }
0x287: {  	[sflag:s6] =	ssyncset.done $0x0  }
0x288: {  	[sflag:s6] =	ssyncadd.s32 $0xFFFFCE00  }
0x289: {  	_ =	swait.ge [sflag:s20], $0x3200  }
0x28a: {  	[sflag:s20] =	ssyncset.done $0x0  }
0x28b: {  	s31 =	simm.s32 $0x15780;
	[sflag:s20] =	ssyncadd.s32 $0xFFFFCE00  }
0x28c: {  	[spmem:s3] =	stream.indirect.scatter.add.f32 [tilespmem:s14], [sflag:$0x4], $0x80, s31, s9, $0xb8;
	[tilespmem:$0x1F800] =	vst v63  }
0x28d: {  	_ =	swait.ge [sflag:s6], $0x3200  }
0x28e: {  	[sflag:s6] =	ssyncset.done $0x0  }
0x28f: {  	[sflag:s6] =	ssyncadd.s32 $0xFFFFCE00  }
0x290: {  	_ =	swait.ge [sflag:s15], $0x3200  }
0x291: {  	[sflag:s15] =	ssyncset.done $0x0  }
0x292: {  	s31 =	simm.s32 $0x15800;
	[sflag:s15] =	ssyncadd.s32 $0xFFFFCE00  }
0x293: {  	[spmem:s3] =	stream.indirect.scatter.add.f32 [tilespmem:s10], [sflag:$0x4], $0x80, s31, s9, $0xb8;
	[tilespmem:$0x1F800] =	vst v63  }
0x294: {  	_ =	swait.ge [sflag:s6], $0x3200  }
0x295: {  	[sflag:s6] =	ssyncset.done $0x0  }
0x296: {  	s0 =	simm.s32 $0x13C00;
	s31 =	rddreg [dreg:$0xc];
	[sflag:s6] =	ssyncadd.s32 $0xFFFFCE00  }
0x297: {  	[tilespmem:s0], [sflag:$0x4] =	stream.linear.gather [hbm4b:s31+s13], $0xC80, $0x38;
	[tilespmem:$0x1F800] =	vst v63  }
0x298: {  	_ =	swait.ge [sflag:s6], $0xC80  }
0x299: {  	[sflag:s6] =	ssyncset.done $0x0  }
0x29a: {  	s1 =	simm.s32 $0x14C00;
	s31 =	rddreg [dreg:$0xd];
	[sflag:s6] =	ssyncadd.s32 $0xFFFFF380  }
0x29b: {  	[tilespmem:s1], [sflag:$0x4] =	stream.linear.gather [hbm4b:s31+s13], $0xC80, $0x38;
	[tilespmem:$0x1F800] =	vst v63  }
0x29c: {  	_ =	swait.ge [sflag:s6], $0xC80  }
0x29d: {  	[sflag:s6] =	ssyncset.done $0x0  }
0x29e: {  	[sflag:s6] =	ssyncadd.s32 $0xFFFFF380  }
0x29f: {  	[tilespmem:s10], [sflag:$0x1] =	stream.indirect.gather [hbm4b:s2+s9], $0x80, s0, s9, $0xb8;
	[tilespmem:$0x1F800] =	vst v63  }
0x2a0: {  	s31 =	simm.s32 $0x13C80  }
0x2a1: {  	[tilespmem:s12], [sflag:$0x2] =	stream.indirect.gather [hbm4b:s2+s9], $0x80, s31, s9, $0xb8;
	[tilespmem:$0x1F800] =	vst v63  }
0x2a2: {  	s13 =	simm.s32 $0x13D00  }
0x2a3: {  	[tilespmem:s14], [sflag:$0x3] =	stream.indirect.gather [hbm4b:s2+s9], $0x80, s13, s9, $0xb8;
	[tilespmem:$0x1F800] =	vst v63  }
0x2a4: {  	_ =	swait.ge [sflag:s15], $0x3200  }
0x2a5: {  	[sflag:s15] =	ssyncset.done $0x0  }
0x2a6: {  	[sflag:s15] =	ssyncadd.s32 $0xFFFFCE00  }
0x2a7: {  	[spmem:s3] =	stream.indirect.scatter.add.f32 [tilespmem:s10], [sflag:$0x4], $0x80, s1, s9, $0xb8;
	[tilespmem:$0x1F800] =	vst v63  }
0x2a8: {  	_ =	swait.ge [sflag:s6], $0x3200  }
0x2a9: {  	[sflag:s6] =	ssyncset.done $0x0  }
0x2aa: {  	s4 =	simm.s32 $0x13D80;
	[sflag:s6] =	ssyncadd.s32 $0xFFFFCE00  }
0x2ab: {  	[tilespmem:s10], [sflag:$0x1] =	stream.indirect.gather [hbm4b:s2+s9], $0x80, s4, s9, $0xb8;
	[tilespmem:$0x1F800] =	vst v63  }
0x2ac: {  	_ =	swait.ge [sflag:s17], $0x3200  }
0x2ad: {  	[sflag:s17] =	ssyncset.done $0x0  }
0x2ae: {  	s5 =	simm.s32 $0x14C80;
	[sflag:s17] =	ssyncadd.s32 $0xFFFFCE00  }
0x2af: {  	[spmem:s3] =	stream.indirect.scatter.add.f32 [tilespmem:s12], [sflag:$0x4], $0x80, s5, s9, $0xb8;
	[tilespmem:$0x1F800] =	vst v63  }
0x2b0: {  	_ =	swait.ge [sflag:s6], $0x3200  }
0x2b1: {  	[sflag:s6] =	ssyncset.done $0x0  }
0x2b2: {  	s7 =	simm.s32 $0x13E00;
	[sflag:s6] =	ssyncadd.s32 $0xFFFFCE00  }
0x2b3: {  	[tilespmem:s12], [sflag:$0x2] =	stream.indirect.gather [hbm4b:s2+s9], $0x80, s7, s9, $0xb8;
	[tilespmem:$0x1F800] =	vst v63  }
0x2b4: {  	_ =	swait.ge [sflag:s20], $0x3200  }
0x2b5: {  	[sflag:s20] =	ssyncset.done $0x0  }
0x2b6: {  	s8 =	simm.s32 $0x14D00;
	[sflag:s20] =	ssyncadd.s32 $0xFFFFCE00  }
0x2b7: {  	[spmem:s3] =	stream.indirect.scatter.add.f32 [tilespmem:s14], [sflag:$0x4], $0x80, s8, s9, $0xb8;
	[tilespmem:$0x1F800] =	vst v63  }
0x2b8: {  	_ =	swait.ge [sflag:s6], $0x3200  }
0x2b9: {  	[sflag:s6] =	ssyncset.done $0x0  }
0x2ba: {  	s11 =	simm.s32 $0x13E80;
	[sflag:s6] =	ssyncadd.s32 $0xFFFFCE00  }
0x2bb: {  	[tilespmem:s14], [sflag:$0x3] =	stream.indirect.gather [hbm4b:s2+s9], $0x80, s11, s9, $0xb8;
	[tilespmem:$0x1F800] =	vst v63  }
0x2bc: {  	_ =	swait.ge [sflag:s15], $0x3200  }
0x2bd: {  	[sflag:s15] =	ssyncset.done $0x0  }
0x2be: {  	s16 =	simm.s32 $0x14D80;
	[sflag:s15] =	ssyncadd.s32 $0xFFFFCE00  }
0x2bf: {  	[spmem:s3] =	stream.indirect.scatter.add.f32 [tilespmem:s10], [sflag:$0x4], $0x80, s16, s9, $0xb8;
	[tilespmem:$0x1F800] =	vst v63  }
0x2c0: {  	_ =	swait.ge [sflag:s6], $0x3200  }
0x2c1: {  	[sflag:s6] =	ssyncset.done $0x0  }
0x2c2: {  	s18 =	simm.s32 $0x13F00;
	[sflag:s6] =	ssyncadd.s32 $0xFFFFCE00  }
0x2c3: {  	[tilespmem:s10], [sflag:$0x1] =	stream.indirect.gather [hbm4b:s2+s9], $0x80, s18, s9, $0xb8;
	[tilespmem:$0x1F800] =	vst v63  }
0x2c4: {  	_ =	swait.ge [sflag:s17], $0x3200  }
0x2c5: {  	[sflag:s17] =	ssyncset.done $0x0  }
0x2c6: {  	s19 =	simm.s32 $0x14E00;
	[sflag:s17] =	ssyncadd.s32 $0xFFFFCE00  }
0x2c7: {  	[spmem:s3] =	stream.indirect.scatter.add.f32 [tilespmem:s12], [sflag:$0x4], $0x80, s19, s9, $0xb8;
	[tilespmem:$0x1F800] =	vst v63  }
0x2c8: {  	_ =	swait.ge [sflag:s6], $0x3200  }
0x2c9: {  	[sflag:s6] =	ssyncset.done $0x0  }
0x2ca: {  	s21 =	simm.s32 $0x13F80;
	[sflag:s6] =	ssyncadd.s32 $0xFFFFCE00  }
0x2cb: {  	[tilespmem:s12], [sflag:$0x2] =	stream.indirect.gather [hbm4b:s2+s9], $0x80, s21, s9, $0xb8;
	[tilespmem:$0x1F800] =	vst v63  }
0x2cc: {  	_ =	swait.ge [sflag:s20], $0x3200  }
0x2cd: {  	[sflag:s20] =	ssyncset.done $0x0  }
0x2ce: {  	s22 =	simm.s32 $0x14E80;
	[sflag:s20] =	ssyncadd.s32 $0xFFFFCE00  }
0x2cf: {  	[spmem:s3] =	stream.indirect.scatter.add.f32 [tilespmem:s14], [sflag:$0x4], $0x80, s22, s9, $0xb8;
	[tilespmem:$0x1F800] =	vst v63  }
0x2d0: {  	_ =	swait.ge [sflag:s6], $0x3200  }
0x2d1: {  	[sflag:s6] =	ssyncset.done $0x0  }
0x2d2: {  	s23 =	simm.s32 $0x14000;
	[sflag:s6] =	ssyncadd.s32 $0xFFFFCE00  }
0x2d3: {  	[tilespmem:s14], [sflag:$0x3] =	stream.indirect.gather [hbm4b:s2+s9], $0x80, s23, s9, $0xb8;
	[tilespmem:$0x1F800] =	vst v63  }
0x2d4: {  	_ =	swait.ge [sflag:s15], $0x3200  }
0x2d5: {  	[sflag:s15] =	ssyncset.done $0x0  }
0x2d6: {  	s24 =	simm.s32 $0x14F00;
	[sflag:s15] =	ssyncadd.s32 $0xFFFFCE00  }
0x2d7: {  	[spmem:s3] =	stream.indirect.scatter.add.f32 [tilespmem:s10], [sflag:$0x4], $0x80, s24, s9, $0xb8;
	[tilespmem:$0x1F800] =	vst v63  }
0x2d8: {  	_ =	swait.ge [sflag:s6], $0x3200  }
0x2d9: {  	[sflag:s6] =	ssyncset.done $0x0  }
0x2da: {  	s25 =	simm.s32 $0x14080;
	[sflag:s6] =	ssyncadd.s32 $0xFFFFCE00  }
0x2db: {  	[tilespmem:s10], [sflag:$0x1] =	stream.indirect.gather [hbm4b:s2+s9], $0x80, s25, s9, $0xb8;
	[tilespmem:$0x1F800] =	vst v63  }
0x2dc: {  	_ =	swait.ge [sflag:s17], $0x3200  }
0x2dd: {  	[sflag:s17] =	ssyncset.done $0x0  }
0x2de: {  	s26 =	simm.s32 $0x14F80;
	[sflag:s17] =	ssyncadd.s32 $0xFFFFCE00  }
0x2df: {  	[spmem:s3] =	stream.indirect.scatter.add.f32 [tilespmem:s12], [sflag:$0x4], $0x80, s26, s9, $0xb8;
	[tilespmem:$0x1F800] =	vst v63  }
0x2e0: {  	_ =	swait.ge [sflag:s6], $0x3200  }
0x2e1: {  	[sflag:s6] =	ssyncset.done $0x0  }
0x2e2: {  	s28 =	simm.s32 $0x14100;
	[sflag:s6] =	ssyncadd.s32 $0xFFFFCE00  }
0x2e3: {  	[tilespmem:s12], [sflag:$0x2] =	stream.indirect.gather [hbm4b:s2+s9], $0x80, s28, s9, $0xb8;
	[tilespmem:$0x1F800] =	vst v63  }
0x2e4: {  	_ =	swait.ge [sflag:s20], $0x3200  }
0x2e5: {  	[sflag:s20] =	ssyncset.done $0x0  }
0x2e6: {  	s29 =	simm.s32 $0x15000;
	[sflag:s20] =	ssyncadd.s32 $0xFFFFCE00  }
0x2e7: {  	[spmem:s3] =	stream.indirect.scatter.add.f32 [tilespmem:s14], [sflag:$0x4], $0x80, s29, s9, $0xb8;
	[tilespmem:$0x1F800] =	vst v63  }
0x2e8: {  	_ =	swait.ge [sflag:s6], $0x3200  }
0x2e9: {  	[sflag:s6] =	ssyncset.done $0x0  }
0x2ea: {  	s30 =	simm.s32 $0x14180;
	[sflag:s6] =	ssyncadd.s32 $0xFFFFCE00  }
0x2eb: {  	[tilespmem:s14], [sflag:$0x3] =	stream.indirect.gather [hbm4b:s2+s9], $0x80, s30, s9, $0xb8;
	[tilespmem:$0x1F800] =	vst v63  }
0x2ec: {  	_ =	swait.ge [sflag:s15], $0x3200  }
0x2ed: {  	[sflag:s15] =	ssyncset.done $0x0  }
0x2ee: {  	s18 =	simm.s32 $0x15080;
	[sflag:s15] =	ssyncadd.s32 $0xFFFFCE00  }
0x2ef: {  	[spmem:s3] =	stream.indirect.scatter.add.f32 [tilespmem:s10], [sflag:$0x4], $0x80, s18, s9, $0xb8;
	[tilespmem:$0x1F800] =	vst v63  }
0x2f0: {  	_ =	swait.ge [sflag:s6], $0x3200  }
0x2f1: {  	[sflag:s6] =	ssyncset.done $0x0  }
0x2f2: {  	s19 =	simm.s32 $0x14200;
	[sflag:s6] =	ssyncadd.s32 $0xFFFFCE00  }
0x2f3: {  	[tilespmem:s10], [sflag:$0x1] =	stream.indirect.gather [hbm4b:s2+s9], $0x80, s19, s9, $0xb8;
	[tilespmem:$0x1F800] =	vst v63  }
0x2f4: {  	_ =	swait.ge [sflag:s17], $0x3200  }
0x2f5: {  	[sflag:s17] =	ssyncset.done $0x0  }
0x2f6: {  	s21 =	simm.s32 $0x15100;
	[sflag:s17] =	ssyncadd.s32 $0xFFFFCE00  }
0x2f7: {  	[spmem:s3] =	stream.indirect.scatter.add.f32 [tilespmem:s12], [sflag:$0x4], $0x80, s21, s9, $0xb8;
	[tilespmem:$0x1F800] =	vst v63  }
0x2f8: {  	_ =	swait.ge [sflag:s6], $0x3200  }
0x2f9: {  	[sflag:s6] =	ssyncset.done $0x0  }
0x2fa: {  	s22 =	simm.s32 $0x14280;
	[sflag:s6] =	ssyncadd.s32 $0xFFFFCE00  }
0x2fb: {  	[tilespmem:s12], [sflag:$0x2] =	stream.indirect.gather [hbm4b:s2+s9], $0x80, s22, s9, $0xb8;
	[tilespmem:$0x1F800] =	vst v63  }
0x2fc: {  	_ =	swait.ge [sflag:s20], $0x3200  }
0x2fd: {  	[sflag:s20] =	ssyncset.done $0x0  }
0x2fe: {  	s23 =	simm.s32 $0x15180;
	[sflag:s20] =	ssyncadd.s32 $0xFFFFCE00  }
0x2ff: {  	[spmem:s3] =	stream.indirect.scatter.add.f32 [tilespmem:s14], [sflag:$0x4], $0x80, s23, s9, $0xb8;
	[tilespmem:$0x1F800] =	vst v63  }
0x300: {  	_ =	swait.ge [sflag:s6], $0x3200  }
0x301: {  	[sflag:s6] =	ssyncset.done $0x0  }
0x302: {  	s24 =	simm.s32 $0x14300;
	[sflag:s6] =	ssyncadd.s32 $0xFFFFCE00  }
0x303: {  	[tilespmem:s14], [sflag:$0x3] =	stream.indirect.gather [hbm4b:s2+s9], $0x80, s24, s9, $0xb8;
	[tilespmem:$0x1F800] =	vst v63  }
0x304: {  	_ =	swait.ge [sflag:s15], $0x3200  }
0x305: {  	[sflag:s15] =	ssyncset.done $0x0  }
0x306: {  	s25 =	simm.s32 $0x15200;
	[sflag:s15] =	ssyncadd.s32 $0xFFFFCE00  }
0x307: {  	[spmem:s3] =	stream.indirect.scatter.add.f32 [tilespmem:s10], [sflag:$0x4], $0x80, s25, s9, $0xb8;
	[tilespmem:$0x1F800] =	vst v63  }
0x308: {  	_ =	swait.ge [sflag:s6], $0x3200  }
0x309: {  	[sflag:s6] =	ssyncset.done $0x0  }
0x30a: {  	s26 =	simm.s32 $0x14380;
	[sflag:s6] =	ssyncadd.s32 $0xFFFFCE00  }
0x30b: {  	[tilespmem:s10], [sflag:$0x1] =	stream.indirect.gather [hbm4b:s2+s9], $0x80, s26, s9, $0xb8;
	[tilespmem:$0x1F800] =	vst v63  }
0x30c: {  	_ =	swait.ge [sflag:s17], $0x3200  }
0x30d: {  	[sflag:s17] =	ssyncset.done $0x0  }
0x30e: {  	s28 =	simm.s32 $0x15280;
	[sflag:s17] =	ssyncadd.s32 $0xFFFFCE00  }
0x30f: {  	[spmem:s3] =	stream.indirect.scatter.add.f32 [tilespmem:s12], [sflag:$0x4], $0x80, s28, s9, $0xb8;
	[tilespmem:$0x1F800] =	vst v63  }
0x310: {  	_ =	swait.ge [sflag:s6], $0x3200  }
0x311: {  	[sflag:s6] =	ssyncset.done $0x0  }
0x312: {  	s29 =	simm.s32 $0x14400;
	[sflag:s6] =	ssyncadd.s32 $0xFFFFCE00  }
0x313: {  	[tilespmem:s12], [sflag:$0x2] =	stream.indirect.gather [hbm4b:s2+s9], $0x80, s29, s9, $0xb8;
	[tilespmem:$0x1F800] =	vst v63  }
0x314: {  	_ =	swait.ge [sflag:s20], $0x3200  }
0x315: {  	[sflag:s20] =	ssyncset.done $0x0  }
0x316: {  	s30 =	simm.s32 $0x15300;
	[sflag:s20] =	ssyncadd.s32 $0xFFFFCE00  }
0x317: {  	[spmem:s3] =	stream.indirect.scatter.add.f32 [tilespmem:s14], [sflag:$0x4], $0x80, s30, s9, $0xb8;
	[tilespmem:$0x1F800] =	vst v63  }
0x318: {  	_ =	swait.ge [sflag:s6], $0x3200  }
0x319: {  	[sflag:s6] =	ssyncset.done $0x0  }
0x31a: {  	s31 =	simm.s32 $0x14480;
	[sflag:s6] =	ssyncadd.s32 $0xFFFFCE00  }
0x31b: {  	[tilespmem:s14], [sflag:$0x3] =	stream.indirect.gather [hbm4b:s2+s9], $0x80, s31, s9, $0xb8;
	[tilespmem:$0x1F800] =	vst v63  }
0x31c: {  	_ =	swait.ge [sflag:s15], $0x3200  }
0x31d: {  	[sflag:s15] =	ssyncset.done $0x0  }
0x31e: {  	s1 =	simm.s32 $0x15380;
	[sflag:s15] =	ssyncadd.s32 $0xFFFFCE00  }
0x31f: {  	[spmem:s3] =	stream.indirect.scatter.add.f32 [tilespmem:s10], [sflag:$0x4], $0x80, s1, s9, $0xb8;
	[tilespmem:$0x1F800] =	vst v63  }
0x320: {  	_ =	swait.ge [sflag:s6], $0x3200  }
0x321: {  	[sflag:s6] =	ssyncset.done $0x0  }
0x322: {  	s4 =	simm.s32 $0x14500;
	[sflag:s6] =	ssyncadd.s32 $0xFFFFCE00  }
0x323: {  	[tilespmem:s10], [sflag:$0x1] =	stream.indirect.gather [hbm4b:s2+s9], $0x80, s4, s9, $0xb8;
	[tilespmem:$0x1F800] =	vst v63  }
0x324: {  	_ =	swait.ge [sflag:s17], $0x3200  }
0x325: {  	[sflag:s17] =	ssyncset.done $0x0  }
0x326: {  	s5 =	simm.s32 $0x15400;
	[sflag:s17] =	ssyncadd.s32 $0xFFFFCE00  }
0x327: {  	[spmem:s3] =	stream.indirect.scatter.add.f32 [tilespmem:s12], [sflag:$0x4], $0x80, s5, s9, $0xb8;
	[tilespmem:$0x1F800] =	vst v63  }
0x328: {  	_ =	swait.ge [sflag:s6], $0x3200  }
0x329: {  	[sflag:s6] =	ssyncset.done $0x0  }
0x32a: {  	s7 =	simm.s32 $0x14580;
	[sflag:s6] =	ssyncadd.s32 $0xFFFFCE00  }
0x32b: {  	[tilespmem:s12], [sflag:$0x2] =	stream.indirect.gather [hbm4b:s2+s9], $0x80, s7, s9, $0xb8;
	[tilespmem:$0x1F800] =	vst v63  }
0x32c: {  	_ =	swait.ge [sflag:s20], $0x3200  }
0x32d: {  	[sflag:s20] =	ssyncset.done $0x0  }
0x32e: {  	s8 =	simm.s32 $0x15480;
	[sflag:s20] =	ssyncadd.s32 $0xFFFFCE00  }
0x32f: {  	[spmem:s3] =	stream.indirect.scatter.add.f32 [tilespmem:s14], [sflag:$0x4], $0x80, s8, s9, $0xb8;
	[tilespmem:$0x1F800] =	vst v63  }
0x330: {  	_ =	swait.ge [sflag:s6], $0x3200  }
0x331: {  	[sflag:s6] =	ssyncset.done $0x0  }
0x332: {  	s11 =	simm.s32 $0x14600;
	[sflag:s6] =	ssyncadd.s32 $0xFFFFCE00  }
0x333: {  	[tilespmem:s14], [sflag:$0x3] =	stream.indirect.gather [hbm4b:s2+s9], $0x80, s11, s9, $0xb8;
	[tilespmem:$0x1F800] =	vst v63  }
0x334: {  	_ =	swait.ge [sflag:s15], $0x3200  }
0x335: {  	[sflag:s15] =	ssyncset.done $0x0  }
0x336: {  	s13 =	simm.s32 $0x15500;
	[sflag:s15] =	ssyncadd.s32 $0xFFFFCE00  }
0x337: {  	[spmem:s3] =	stream.indirect.scatter.add.f32 [tilespmem:s10], [sflag:$0x4], $0x80, s13, s9, $0xb8;
	[tilespmem:$0x1F800] =	vst v63  }
0x338: {  	_ =	swait.ge [sflag:s6], $0x3200  }
0x339: {  	[sflag:s6] =	ssyncset.done $0x0  }
0x33a: {  	s16 =	simm.s32 $0x14680;
	[sflag:s6] =	ssyncadd.s32 $0xFFFFCE00  }
0x33b: {  	[tilespmem:s10], [sflag:$0x1] =	stream.indirect.gather [hbm4b:s2+s9], $0x80, s16, s9, $0xb8;
	[tilespmem:$0x1F800] =	vst v63  }
0x33c: {  	_ =	swait.ge [sflag:s17], $0x3200  }
0x33d: {  	[sflag:s17] =	ssyncset.done $0x0  }
0x33e: {  	s18 =	simm.s32 $0x15580;
	[sflag:s17] =	ssyncadd.s32 $0xFFFFCE00  }
0x33f: {  	[spmem:s3] =	stream.indirect.scatter.add.f32 [tilespmem:s12], [sflag:$0x4], $0x80, s18, s9, $0xb8;
	[tilespmem:$0x1F800] =	vst v63  }
0x340: {  	_ =	swait.ge [sflag:s6], $0x3200  }
0x341: {  	[sflag:s6] =	ssyncset.done $0x0  }
0x342: {  	s19 =	simm.s32 $0x14700;
	[sflag:s6] =	ssyncadd.s32 $0xFFFFCE00  }
0x343: {  	[tilespmem:s12], [sflag:$0x2] =	stream.indirect.gather [hbm4b:s2+s9], $0x80, s19, s9, $0xb8;
	[tilespmem:$0x1F800] =	vst v63  }
0x344: {  	_ =	swait.ge [sflag:s20], $0x3200  }
0x345: {  	[sflag:s20] =	ssyncset.done $0x0  }
0x346: {  	s21 =	simm.s32 $0x15600;
	[sflag:s20] =	ssyncadd.s32 $0xFFFFCE00  }
0x347: {  	[spmem:s3] =	stream.indirect.scatter.add.f32 [tilespmem:s14], [sflag:$0x4], $0x80, s21, s9, $0xb8;
	[tilespmem:$0x1F800] =	vst v63  }
0x348: {  	_ =	swait.ge [sflag:s6], $0x3200  }
0x349: {  	[sflag:s6] =	ssyncset.done $0x0  }
0x34a: {  	s22 =	simm.s32 $0x14780;
	[sflag:s6] =	ssyncadd.s32 $0xFFFFCE00  }
0x34b: {  	[tilespmem:s14], [sflag:$0x3] =	stream.indirect.gather [hbm4b:s2+s9], $0x80, s22, s9, $0xb8;
	[tilespmem:$0x1F800] =	vst v63  }
0x34c: {  	_ =	swait.ge [sflag:s15], $0x3200  }
0x34d: {  	[sflag:s15] =	ssyncset.done $0x0  }
0x34e: {  	s23 =	simm.s32 $0x15680;
	[sflag:s15] =	ssyncadd.s32 $0xFFFFCE00  }
0x34f: {  	[spmem:s3] =	stream.indirect.scatter.add.f32 [tilespmem:s10], [sflag:$0x4], $0x80, s23, s9, $0xb8;
	[tilespmem:$0x1F800] =	vst v63  }
0x350: {  	_ =	swait.ge [sflag:s6], $0x3200  }
0x351: {  	[sflag:s6] =	ssyncset.done $0x0  }
0x352: {  	s24 =	simm.s32 $0x14800;
	[sflag:s6] =	ssyncadd.s32 $0xFFFFCE00  }
0x353: {  	[tilespmem:s10], [sflag:$0x1] =	stream.indirect.gather [hbm4b:s2+s9], $0x80, s24, s9, $0xb8;
	[tilespmem:$0x1F800] =	vst v63  }
0x354: {  	_ =	swait.ge [sflag:s17], $0x3200  }
0x355: {  	[sflag:s17] =	ssyncset.done $0x0  }
0x356: {  	s25 =	simm.s32 $0x15700;
	[sflag:s17] =	ssyncadd.s32 $0xFFFFCE00  }
0x357: {  	[spmem:s3] =	stream.indirect.scatter.add.f32 [tilespmem:s12], [sflag:$0x4], $0x80, s25, s9, $0xb8;
	[tilespmem:$0x1F800] =	vst v63  }
0x358: {  	_ =	swait.ge [sflag:s6], $0x3200  }
0x359: {  	[sflag:s6] =	ssyncset.done $0x0  }
0x35a: {  	[sflag:s6] =	ssyncadd.s32 $0xFFFFCE00  }
0x35b: {  	_ =	swait.ge [sflag:s20], $0x3200  }
0x35c: {  	[sflag:s20] =	ssyncset.done $0x0  }
0x35d: {  	s26 =	simm.s32 $0x15780;
	[sflag:s20] =	ssyncadd.s32 $0xFFFFCE00  }
0x35e: {  	[spmem:s3] =	stream.indirect.scatter.add.f32 [tilespmem:s14], [sflag:$0x4], $0x80, s26, s9, $0xb8;
	[tilespmem:$0x1F800] =	vst v63  }
0x35f: {  	_ =	swait.ge [sflag:s6], $0x3200  }
0x360: {  	[sflag:s6] =	ssyncset.done $0x0  }
0x361: {  	[sflag:s6] =	ssyncadd.s32 $0xFFFFCE00  }
0x362: {  	_ =	swait.ge [sflag:s15], $0x3200  }
0x363: {  	[sflag:s15] =	ssyncset.done $0x0  }
0x364: {  	s28 =	simm.s32 $0x15800;
	[sflag:s15] =	ssyncadd.s32 $0xFFFFCE00  }
0x365: {  	[spmem:s3] =	stream.indirect.scatter.add.f32 [tilespmem:s10], [sflag:$0x4], $0x80, s28, s9, $0xb8;
	[tilespmem:$0x1F800] =	vst v63  }
0x366: {  	_ =	swait.ge [sflag:s6], $0x3200  }
0x367: {  	[sflag:s6] =	ssyncset.done $0x0  }
0x368: {  	[sflag:s6] =	ssyncadd.s32 $0xFFFFCE00  }
0x369: {  	[bflag:$0x0] =	sbarrier.arrive $0xFFFF  }
0x36a: {  	s29 =	stileid.u32;
	s31 =	rddreg [dreg:$0xf]  }
0x36b: {  	p0 =	seq.s32 s29, $0xF;
	s7 =	rddreg [dreg:$0x14]  }
0x36c: {  	s4 =	rddreg [dreg:$0x11];
	s0 =	sshrl.u32 @p0 s7, $0x3  }
0x36d: {  	s5 =	simm.s32 @p0 $0x4;
	[dreg:$0x12] =	wrdreg s0  }
0x36e: {  	[hbm:s31], [sflag:s4] =	dma.local @p0 [spmem:s0], $0x2080  }
0x36f: {  	_ =	swait.ge @p0 [sflag:s5], $0x2080  }
0x370: {  	s1 =	sshrl.u32 @!p0 s7, $0x3;
	s30 =	rddreg [dreg:$0x15]  }
0x371: {  	[dreg:$0x13] =	wrdreg s1;
	[sflag:s5] =	ssyncset.done @p0 $0x0;
	s0 =	ssub.s32 $0x2, s30  }
0x372: {  	s8 =	rddreg [dreg:$0xe];
	[sflag:s5] =	ssyncadd.s32 @p0 $0xFFFFDF80;
	s31 =	sshrl.u32 s0, $0x1  }
0x373: {  	[hbm:s8], [sflag:s4] =	dma.local @!p0 [spmem:s1], $0x2780  }
0x374: {  	s0 =	ssub.s32 s0, s31  }
0x375: {  	s0 =	smax.u32 s0, $0x1  }
0x376: {  	s1 =	sadd.s32 $0xFFFFFFFF, s0  }
0x377: {  	p1 =	sne.s32 s1, $0x0  }
.Ltmp0:
0x378: {  	_ = 	snop;
	(pc) =	sbr.rel @!p1 .LBB2_3-.Ltmp0, $3  }
0x379: {  	_ =	sdelay $0x1  }
0x37a: {  	s0 =	simm.s32 @!p0 $0x4  }
0x37b: {  	_ =	swait.ge @!p0 [sflag:s0], $0x2780  }
0x37c: {  	s7 =	simm.s32 $0x0;
	s8 =	simm.s32 $0x13C00  }
.LBB2_2:
0x37d: {  	s11 =	rddreg [dreg:$0x10]  }
0x37e: {  	s13 =	rddreg [dreg:$0x5];
	[sflag:s0] =	ssyncset.done @!p0 $0x0  }
0x37f: {  	s30 =	rddreg [dreg:$0x11];
	[sflag:s0] =	ssyncadd.s32 @!p0 $0xFFFFD880  }
0x380: {  	[spmem:s11], [sflag:s30] =	dma.local [hbm:s13], $0x2780  }
0x381: {  	_ =	swait.ge [sflag:s6], $0x2780  }
0x382: {  	[sflag:s6] =	ssyncset.done $0x0  }
0x383: {  	[sflag:s6] =	ssyncadd.s32 $0xFFFFD880  }
0x384: {  	[bflag:$0x0] =	sbarrier.arrive $0xFFFF  }
0x385: {  	s22 =	rddreg [dreg:$0x6]  }
0x386: {  	[tilespmem:s8], [sflag:$0x4] =	stream.linear.gather [hbm4b:s22+s7], $0xC80, $0x38;
	[tilespmem:$0x1F800] =	vst v63  }
0x387: {  	_ =	swait.ge [sflag:s6], $0xC80  }
0x388: {  	[sflag:s6] =	ssyncset.done $0x0  }
0x389: {  	s0 =	simm.s32 $0x14C00;
	s23 =	rddreg [dreg:$0x7];
	[sflag:s6] =	ssyncadd.s32 $0xFFFFF380  }
0x38a: {  	[tilespmem:s0], [sflag:$0x4] =	stream.linear.gather [hbm4b:s23+s7], $0xC80, $0x38;
	[tilespmem:$0x1F800] =	vst v63  }
0x38b: {  	_ =	swait.ge [sflag:s6], $0xC80  }
0x38c: {  	[sflag:s6] =	ssyncset.done $0x0  }
0x38d: {  	[sflag:s6] =	ssyncadd.s32 $0xFFFFF380  }
0x38e: {  	[tilespmem:s10], [sflag:$0x1] =	stream.indirect.gather [hbm4b:s2+s9], $0x80, s8, s9, $0xb8;
	[tilespmem:$0x1F800] =	vst v63  }
0x38f: {  	s5 =	simm.s32 $0x13C80  }
0x390: {  	[tilespmem:s12], [sflag:$0x2] =	stream.indirect.gather [hbm4b:s2+s9], $0x80, s5, s9, $0xb8;
	[tilespmem:$0x1F800] =	vst v63  }
0x391: {  	s24 =	simm.s32 $0x13D00  }
0x392: {  	[tilespmem:s14], [sflag:$0x3] =	stream.indirect.gather [hbm4b:s2+s9], $0x80, s24, s9, $0xb8;
	[tilespmem:$0x1F800] =	vst v63  }
0x393: {  	_ =	swait.ge [sflag:s15], $0x3200  }
0x394: {  	[sflag:s15] =	ssyncset.done $0x0  }
0x395: {  	[sflag:s15] =	ssyncadd.s32 $0xFFFFCE00  }
0x396: {  	[spmem:s3] =	stream.indirect.scatter.add.f32 [tilespmem:s10], [sflag:$0x4], $0x80, s0, s9, $0xb8;
	[tilespmem:$0x1F800] =	vst v63  }
0x397: {  	_ =	swait.ge [sflag:s6], $0x3200  }
0x398: {  	[sflag:s6] =	ssyncset.done $0x0  }
0x399: {  	s25 =	simm.s32 $0x13D80;
	[sflag:s6] =	ssyncadd.s32 $0xFFFFCE00  }
0x39a: {  	[tilespmem:s10], [sflag:$0x1] =	stream.indirect.gather [hbm4b:s2+s9], $0x80, s25, s9, $0xb8;
	[tilespmem:$0x1F800] =	vst v63  }
0x39b: {  	_ =	swait.ge [sflag:s17], $0x3200  }
0x39c: {  	[sflag:s17] =	ssyncset.done $0x0  }
0x39d: {  	s26 =	simm.s32 $0x14C80;
	[sflag:s17] =	ssyncadd.s32 $0xFFFFCE00  }
0x39e: {  	[spmem:s3] =	stream.indirect.scatter.add.f32 [tilespmem:s12], [sflag:$0x4], $0x80, s26, s9, $0xb8;
	[tilespmem:$0x1F800] =	vst v63  }
0x39f: {  	_ =	swait.ge [sflag:s6], $0x3200  }
0x3a0: {  	[sflag:s6] =	ssyncset.done $0x0  }
0x3a1: {  	s28 =	simm.s32 $0x13E00;
	[sflag:s6] =	ssyncadd.s32 $0xFFFFCE00  }
0x3a2: {  	[tilespmem:s12], [sflag:$0x2] =	stream.indirect.gather [hbm4b:s2+s9], $0x80, s28, s9, $0xb8;
	[tilespmem:$0x1F800] =	vst v63  }
0x3a3: {  	_ =	swait.ge [sflag:s20], $0x3200  }
0x3a4: {  	[sflag:s20] =	ssyncset.done $0x0  }
0x3a5: {  	s29 =	simm.s32 $0x14D00;
	[sflag:s20] =	ssyncadd.s32 $0xFFFFCE00  }
0x3a6: {  	[spmem:s3] =	stream.indirect.scatter.add.f32 [tilespmem:s14], [sflag:$0x4], $0x80, s29, s9, $0xb8;
	[tilespmem:$0x1F800] =	vst v63  }
0x3a7: {  	_ =	swait.ge [sflag:s6], $0x3200  }
0x3a8: {  	[sflag:s6] =	ssyncset.done $0x0  }
0x3a9: {  	s31 =	simm.s32 $0x13E80;
	[sflag:s6] =	ssyncadd.s32 $0xFFFFCE00  }
0x3aa: {  	[tilespmem:s14], [sflag:$0x3] =	stream.indirect.gather [hbm4b:s2+s9], $0x80, s31, s9, $0xb8;
	[tilespmem:$0x1F800] =	vst v63  }
0x3ab: {  	_ =	swait.ge [sflag:s15], $0x3200  }
0x3ac: {  	[sflag:s15] =	ssyncset.done $0x0  }
0x3ad: {  	s4 =	simm.s32 $0x14D80;
	[sflag:s15] =	ssyncadd.s32 $0xFFFFCE00  }
0x3ae: {  	[spmem:s3] =	stream.indirect.scatter.add.f32 [tilespmem:s10], [sflag:$0x4], $0x80, s4, s9, $0xb8;
	[tilespmem:$0x1F800] =	vst v63  }
0x3af: {  	_ =	swait.ge [sflag:s6], $0x3200  }
0x3b0: {  	[sflag:s6] =	ssyncset.done $0x0  }
0x3b1: {  	s11 =	simm.s32 $0x13F00;
	[sflag:s6] =	ssyncadd.s32 $0xFFFFCE00  }
0x3b2: {  	[tilespmem:s10], [sflag:$0x1] =	stream.indirect.gather [hbm4b:s2+s9], $0x80, s11, s9, $0xb8;
	[tilespmem:$0x1F800] =	vst v63  }
0x3b3: {  	_ =	swait.ge [sflag:s17], $0x3200  }
0x3b4: {  	[sflag:s17] =	ssyncset.done $0x0  }
0x3b5: {  	s13 =	simm.s32 $0x14E00;
	[sflag:s17] =	ssyncadd.s32 $0xFFFFCE00  }
0x3b6: {  	[spmem:s3] =	stream.indirect.scatter.add.f32 [tilespmem:s12], [sflag:$0x4], $0x80, s13, s9, $0xb8;
	[tilespmem:$0x1F800] =	vst v63  }
0x3b7: {  	_ =	swait.ge [sflag:s6], $0x3200  }
0x3b8: {  	[sflag:s6] =	ssyncset.done $0x0  }
0x3b9: {  	s16 =	simm.s32 $0x13F80;
	[sflag:s6] =	ssyncadd.s32 $0xFFFFCE00  }
0x3ba: {  	[tilespmem:s12], [sflag:$0x2] =	stream.indirect.gather [hbm4b:s2+s9], $0x80, s16, s9, $0xb8;
	[tilespmem:$0x1F800] =	vst v63  }
0x3bb: {  	_ =	swait.ge [sflag:s20], $0x3200  }
0x3bc: {  	[sflag:s20] =	ssyncset.done $0x0  }
0x3bd: {  	s18 =	simm.s32 $0x14E80;
	[sflag:s20] =	ssyncadd.s32 $0xFFFFCE00  }
0x3be: {  	[spmem:s3] =	stream.indirect.scatter.add.f32 [tilespmem:s14], [sflag:$0x4], $0x80, s18, s9, $0xb8;
	[tilespmem:$0x1F800] =	vst v63  }
0x3bf: {  	_ =	swait.ge [sflag:s6], $0x3200  }
0x3c0: {  	[sflag:s6] =	ssyncset.done $0x0  }
0x3c1: {  	s19 =	simm.s32 $0x14000;
	[sflag:s6] =	ssyncadd.s32 $0xFFFFCE00  }
0x3c2: {  	[tilespmem:s14], [sflag:$0x3] =	stream.indirect.gather [hbm4b:s2+s9], $0x80, s19, s9, $0xb8;
	[tilespmem:$0x1F800] =	vst v63  }
0x3c3: {  	_ =	swait.ge [sflag:s15], $0x3200  }
0x3c4: {  	[sflag:s15] =	ssyncset.done $0x0  }
0x3c5: {  	s21 =	simm.s32 $0x14F00;
	[sflag:s15] =	ssyncadd.s32 $0xFFFFCE00  }
0x3c6: {  	[spmem:s3] =	stream.indirect.scatter.add.f32 [tilespmem:s10], [sflag:$0x4], $0x80, s21, s9, $0xb8;
	[tilespmem:$0x1F800] =	vst v63  }
0x3c7: {  	_ =	swait.ge [sflag:s6], $0x3200  }
0x3c8: {  	[sflag:s6] =	ssyncset.done $0x0  }
0x3c9: {  	s22 =	simm.s32 $0x14080;
	[sflag:s6] =	ssyncadd.s32 $0xFFFFCE00  }
0x3ca: {  	[tilespmem:s10], [sflag:$0x1] =	stream.indirect.gather [hbm4b:s2+s9], $0x80, s22, s9, $0xb8;
	[tilespmem:$0x1F800] =	vst v63  }
0x3cb: {  	_ =	swait.ge [sflag:s17], $0x3200  }
0x3cc: {  	[sflag:s17] =	ssyncset.done $0x0  }
0x3cd: {  	s23 =	simm.s32 $0x14F80;
	[sflag:s17] =	ssyncadd.s32 $0xFFFFCE00  }
0x3ce: {  	[spmem:s3] =	stream.indirect.scatter.add.f32 [tilespmem:s12], [sflag:$0x4], $0x80, s23, s9, $0xb8;
	[tilespmem:$0x1F800] =	vst v63  }
0x3cf: {  	_ =	swait.ge [sflag:s6], $0x3200  }
0x3d0: {  	[sflag:s6] =	ssyncset.done $0x0  }
0x3d1: {  	s24 =	simm.s32 $0x14100;
	[sflag:s6] =	ssyncadd.s32 $0xFFFFCE00  }
0x3d2: {  	[tilespmem:s12], [sflag:$0x2] =	stream.indirect.gather [hbm4b:s2+s9], $0x80, s24, s9, $0xb8;
	[tilespmem:$0x1F800] =	vst v63  }
0x3d3: {  	_ =	swait.ge [sflag:s20], $0x3200  }
0x3d4: {  	[sflag:s20] =	ssyncset.done $0x0  }
0x3d5: {  	s25 =	simm.s32 $0x15000;
	[sflag:s20] =	ssyncadd.s32 $0xFFFFCE00  }
0x3d6: {  	[spmem:s3] =	stream.indirect.scatter.add.f32 [tilespmem:s14], [sflag:$0x4], $0x80, s25, s9, $0xb8;
	[tilespmem:$0x1F800] =	vst v63  }
0x3d7: {  	_ =	swait.ge [sflag:s6], $0x3200  }
0x3d8: {  	[sflag:s6] =	ssyncset.done $0x0  }
0x3d9: {  	s26 =	simm.s32 $0x14180;
	[sflag:s6] =	ssyncadd.s32 $0xFFFFCE00  }
0x3da: {  	[tilespmem:s14], [sflag:$0x3] =	stream.indirect.gather [hbm4b:s2+s9], $0x80, s26, s9, $0xb8;
	[tilespmem:$0x1F800] =	vst v63  }
0x3db: {  	_ =	swait.ge [sflag:s15], $0x3200  }
0x3dc: {  	[sflag:s15] =	ssyncset.done $0x0  }
0x3dd: {  	s28 =	simm.s32 $0x15080;
	[sflag:s15] =	ssyncadd.s32 $0xFFFFCE00  }
0x3de: {  	[spmem:s3] =	stream.indirect.scatter.add.f32 [tilespmem:s10], [sflag:$0x4], $0x80, s28, s9, $0xb8;
	[tilespmem:$0x1F800] =	vst v63  }
0x3df: {  	_ =	swait.ge [sflag:s6], $0x3200  }
0x3e0: {  	[sflag:s6] =	ssyncset.done $0x0  }
0x3e1: {  	s29 =	simm.s32 $0x14200;
	[sflag:s6] =	ssyncadd.s32 $0xFFFFCE00  }
0x3e2: {  	[tilespmem:s10], [sflag:$0x1] =	stream.indirect.gather [hbm4b:s2+s9], $0x80, s29, s9, $0xb8;
	[tilespmem:$0x1F800] =	vst v63  }
0x3e3: {  	_ =	swait.ge [sflag:s17], $0x3200  }
0x3e4: {  	[sflag:s17] =	ssyncset.done $0x0  }
0x3e5: {  	s31 =	simm.s32 $0x15100;
	[sflag:s17] =	ssyncadd.s32 $0xFFFFCE00  }
0x3e6: {  	[spmem:s3] =	stream.indirect.scatter.add.f32 [tilespmem:s12], [sflag:$0x4], $0x80, s31, s9, $0xb8;
	[tilespmem:$0x1F800] =	vst v63  }
0x3e7: {  	_ =	swait.ge [sflag:s6], $0x3200  }
0x3e8: {  	[sflag:s6] =	ssyncset.done $0x0  }
0x3e9: {  	s4 =	simm.s32 $0x14280;
	[sflag:s6] =	ssyncadd.s32 $0xFFFFCE00  }
0x3ea: {  	[tilespmem:s12], [sflag:$0x2] =	stream.indirect.gather [hbm4b:s2+s9], $0x80, s4, s9, $0xb8;
	[tilespmem:$0x1F800] =	vst v63  }
0x3eb: {  	_ =	swait.ge [sflag:s20], $0x3200  }
0x3ec: {  	[sflag:s20] =	ssyncset.done $0x0  }
0x3ed: {  	s5 =	simm.s32 $0x15180;
	[sflag:s20] =	ssyncadd.s32 $0xFFFFCE00  }
0x3ee: {  	[spmem:s3] =	stream.indirect.scatter.add.f32 [tilespmem:s14], [sflag:$0x4], $0x80, s5, s9, $0xb8;
	[tilespmem:$0x1F800] =	vst v63  }
0x3ef: {  	_ =	swait.ge [sflag:s6], $0x3200  }
0x3f0: {  	[sflag:s6] =	ssyncset.done $0x0  }
0x3f1: {  	s13 =	simm.s32 $0x14300;
	[sflag:s6] =	ssyncadd.s32 $0xFFFFCE00  }
0x3f2: {  	[tilespmem:s14], [sflag:$0x3] =	stream.indirect.gather [hbm4b:s2+s9], $0x80, s13, s9, $0xb8;
	[tilespmem:$0x1F800] =	vst v63  }
0x3f3: {  	_ =	swait.ge [sflag:s15], $0x3200  }
0x3f4: {  	[sflag:s15] =	ssyncset.done $0x0  }
0x3f5: {  	s16 =	simm.s32 $0x15200;
	[sflag:s15] =	ssyncadd.s32 $0xFFFFCE00  }
0x3f6: {  	[spmem:s3] =	stream.indirect.scatter.add.f32 [tilespmem:s10], [sflag:$0x4], $0x80, s16, s9, $0xb8;
	[tilespmem:$0x1F800] =	vst v63  }
0x3f7: {  	_ =	swait.ge [sflag:s6], $0x3200  }
0x3f8: {  	[sflag:s6] =	ssyncset.done $0x0  }
0x3f9: {  	s18 =	simm.s32 $0x14380;
	[sflag:s6] =	ssyncadd.s32 $0xFFFFCE00  }
0x3fa: {  	[tilespmem:s10], [sflag:$0x1] =	stream.indirect.gather [hbm4b:s2+s9], $0x80, s18, s9, $0xb8;
	[tilespmem:$0x1F800] =	vst v63  }
0x3fb: {  	_ =	swait.ge [sflag:s17], $0x3200  }
0x3fc: {  	[sflag:s17] =	ssyncset.done $0x0  }
0x3fd: {  	s19 =	simm.s32 $0x15280;
	[sflag:s17] =	ssyncadd.s32 $0xFFFFCE00  }
0x3fe: {  	[spmem:s3] =	stream.indirect.scatter.add.f32 [tilespmem:s12], [sflag:$0x4], $0x80, s19, s9, $0xb8;
	[tilespmem:$0x1F800] =	vst v63  }
0x3ff: {  	_ =	swait.ge [sflag:s6], $0x3200  }
0x400: {  	[sflag:s6] =	ssyncset.done $0x0  }
0x401: {  	s21 =	simm.s32 $0x14400;
	[sflag:s6] =	ssyncadd.s32 $0xFFFFCE00  }
0x402: {  	[tilespmem:s12], [sflag:$0x2] =	stream.indirect.gather [hbm4b:s2+s9], $0x80, s21, s9, $0xb8;
	[tilespmem:$0x1F800] =	vst v63  }
0x403: {  	_ =	swait.ge [sflag:s20], $0x3200  }
0x404: {  	[sflag:s20] =	ssyncset.done $0x0  }
0x405: {  	s22 =	simm.s32 $0x15300;
	[sflag:s20] =	ssyncadd.s32 $0xFFFFCE00  }
0x406: {  	[spmem:s3] =	stream.indirect.scatter.add.f32 [tilespmem:s14], [sflag:$0x4], $0x80, s22, s9, $0xb8;
	[tilespmem:$0x1F800] =	vst v63  }
0x407: {  	_ =	swait.ge [sflag:s6], $0x3200  }
0x408: {  	[sflag:s6] =	ssyncset.done $0x0  }
0x409: {  	s23 =	simm.s32 $0x14480;
	[sflag:s6] =	ssyncadd.s32 $0xFFFFCE00  }
0x40a: {  	[tilespmem:s14], [sflag:$0x3] =	stream.indirect.gather [hbm4b:s2+s9], $0x80, s23, s9, $0xb8;
	[tilespmem:$0x1F800] =	vst v63  }
0x40b: {  	_ =	swait.ge [sflag:s15], $0x3200  }
0x40c: {  	[sflag:s15] =	ssyncset.done $0x0  }
0x40d: {  	s24 =	simm.s32 $0x15380;
	[sflag:s15] =	ssyncadd.s32 $0xFFFFCE00  }
0x40e: {  	[spmem:s3] =	stream.indirect.scatter.add.f32 [tilespmem:s10], [sflag:$0x4], $0x80, s24, s9, $0xb8;
	[tilespmem:$0x1F800] =	vst v63  }
0x40f: {  	_ =	swait.ge [sflag:s6], $0x3200  }
0x410: {  	[sflag:s6] =	ssyncset.done $0x0  }
0x411: {  	s25 =	simm.s32 $0x14500;
	[sflag:s6] =	ssyncadd.s32 $0xFFFFCE00  }
0x412: {  	[tilespmem:s10], [sflag:$0x1] =	stream.indirect.gather [hbm4b:s2+s9], $0x80, s25, s9, $0xb8;
	[tilespmem:$0x1F800] =	vst v63  }
0x413: {  	_ =	swait.ge [sflag:s17], $0x3200  }
0x414: {  	[sflag:s17] =	ssyncset.done $0x0  }
0x415: {  	s26 =	simm.s32 $0x15400;
	[sflag:s17] =	ssyncadd.s32 $0xFFFFCE00  }
0x416: {  	[spmem:s3] =	stream.indirect.scatter.add.f32 [tilespmem:s12], [sflag:$0x4], $0x80, s26, s9, $0xb8;
	[tilespmem:$0x1F800] =	vst v63  }
0x417: {  	_ =	swait.ge [sflag:s6], $0x3200  }
0x418: {  	[sflag:s6] =	ssyncset.done $0x0  }
0x419: {  	s28 =	simm.s32 $0x14580;
	[sflag:s6] =	ssyncadd.s32 $0xFFFFCE00  }
0x41a: {  	[tilespmem:s12], [sflag:$0x2] =	stream.indirect.gather [hbm4b:s2+s9], $0x80, s28, s9, $0xb8;
	[tilespmem:$0x1F800] =	vst v63  }
0x41b: {  	_ =	swait.ge [sflag:s20], $0x3200  }
0x41c: {  	[sflag:s20] =	ssyncset.done $0x0  }
0x41d: {  	s29 =	simm.s32 $0x15480;
	[sflag:s20] =	ssyncadd.s32 $0xFFFFCE00  }
0x41e: {  	[spmem:s3] =	stream.indirect.scatter.add.f32 [tilespmem:s14], [sflag:$0x4], $0x80, s29, s9, $0xb8;
	[tilespmem:$0x1F800] =	vst v63  }
0x41f: {  	_ =	swait.ge [sflag:s6], $0x3200  }
0x420: {  	[sflag:s6] =	ssyncset.done $0x0  }
0x421: {  	s4 =	simm.s32 $0x14600;
	[sflag:s6] =	ssyncadd.s32 $0xFFFFCE00  }
0x422: {  	[tilespmem:s14], [sflag:$0x3] =	stream.indirect.gather [hbm4b:s2+s9], $0x80, s4, s9, $0xb8;
	[tilespmem:$0x1F800] =	vst v63  }
0x423: {  	_ =	swait.ge [sflag:s15], $0x3200  }
0x424: {  	[sflag:s15] =	ssyncset.done $0x0  }
0x425: {  	s5 =	simm.s32 $0x15500;
	[sflag:s15] =	ssyncadd.s32 $0xFFFFCE00  }
0x426: {  	[spmem:s3] =	stream.indirect.scatter.add.f32 [tilespmem:s10], [sflag:$0x4], $0x80, s5, s9, $0xb8;
	[tilespmem:$0x1F800] =	vst v63  }
0x427: {  	_ =	swait.ge [sflag:s6], $0x3200  }
0x428: {  	[sflag:s6] =	ssyncset.done $0x0  }
0x429: {  	s13 =	simm.s32 $0x14680;
	[sflag:s6] =	ssyncadd.s32 $0xFFFFCE00  }
0x42a: {  	[tilespmem:s10], [sflag:$0x1] =	stream.indirect.gather [hbm4b:s2+s9], $0x80, s13, s9, $0xb8;
	[tilespmem:$0x1F800] =	vst v63  }
0x42b: {  	_ =	swait.ge [sflag:s17], $0x3200  }
0x42c: {  	[sflag:s17] =	ssyncset.done $0x0  }
0x42d: {  	s16 =	simm.s32 $0x15580;
	[sflag:s17] =	ssyncadd.s32 $0xFFFFCE00  }
0x42e: {  	[spmem:s3] =	stream.indirect.scatter.add.f32 [tilespmem:s12], [sflag:$0x4], $0x80, s16, s9, $0xb8;
	[tilespmem:$0x1F800] =	vst v63  }
0x42f: {  	_ =	swait.ge [sflag:s6], $0x3200  }
0x430: {  	[sflag:s6] =	ssyncset.done $0x0  }
0x431: {  	s18 =	simm.s32 $0x14700;
	[sflag:s6] =	ssyncadd.s32 $0xFFFFCE00  }
0x432: {  	[tilespmem:s12], [sflag:$0x2] =	stream.indirect.gather [hbm4b:s2+s9], $0x80, s18, s9, $0xb8;
	[tilespmem:$0x1F800] =	vst v63  }
0x433: {  	_ =	swait.ge [sflag:s20], $0x3200  }
0x434: {  	[sflag:s20] =	ssyncset.done $0x0  }
0x435: {  	s19 =	simm.s32 $0x15600;
	[sflag:s20] =	ssyncadd.s32 $0xFFFFCE00  }
0x436: {  	[spmem:s3] =	stream.indirect.scatter.add.f32 [tilespmem:s14], [sflag:$0x4], $0x80, s19, s9, $0xb8;
	[tilespmem:$0x1F800] =	vst v63  }
0x437: {  	_ =	swait.ge [sflag:s6], $0x3200  }
0x438: {  	[sflag:s6] =	ssyncset.done $0x0  }
0x439: {  	s21 =	simm.s32 $0x14780;
	[sflag:s6] =	ssyncadd.s32 $0xFFFFCE00  }
0x43a: {  	[tilespmem:s14], [sflag:$0x3] =	stream.indirect.gather [hbm4b:s2+s9], $0x80, s21, s9, $0xb8;
	[tilespmem:$0x1F800] =	vst v63  }
0x43b: {  	_ =	swait.ge [sflag:s15], $0x3200  }
0x43c: {  	[sflag:s15] =	ssyncset.done $0x0  }
0x43d: {  	s22 =	simm.s32 $0x15680;
	[sflag:s15] =	ssyncadd.s32 $0xFFFFCE00  }
0x43e: {  	[spmem:s3] =	stream.indirect.scatter.add.f32 [tilespmem:s10], [sflag:$0x4], $0x80, s22, s9, $0xb8;
	[tilespmem:$0x1F800] =	vst v63  }
0x43f: {  	_ =	swait.ge [sflag:s6], $0x3200  }
0x440: {  	[sflag:s6] =	ssyncset.done $0x0  }
0x441: {  	s23 =	simm.s32 $0x14800;
	[sflag:s6] =	ssyncadd.s32 $0xFFFFCE00  }
0x442: {  	[tilespmem:s10], [sflag:$0x1] =	stream.indirect.gather [hbm4b:s2+s9], $0x80, s23, s9, $0xb8;
	[tilespmem:$0x1F800] =	vst v63  }
0x443: {  	_ =	swait.ge [sflag:s17], $0x3200  }
0x444: {  	[sflag:s17] =	ssyncset.done $0x0  }
0x445: {  	s24 =	simm.s32 $0x15700;
	[sflag:s17] =	ssyncadd.s32 $0xFFFFCE00  }
0x446: {  	[spmem:s3] =	stream.indirect.scatter.add.f32 [tilespmem:s12], [sflag:$0x4], $0x80, s24, s9, $0xb8;
	[tilespmem:$0x1F800] =	vst v63  }
0x447: {  	_ =	swait.ge [sflag:s6], $0x3200  }
0x448: {  	[sflag:s6] =	ssyncset.done $0x0  }
0x449: {  	[sflag:s6] =	ssyncadd.s32 $0xFFFFCE00  }
0x44a: {  	_ =	swait.ge [sflag:s20], $0x3200  }
0x44b: {  	[sflag:s20] =	ssyncset.done $0x0  }
0x44c: {  	s25 =	simm.s32 $0x15780;
	[sflag:s20] =	ssyncadd.s32 $0xFFFFCE00  }
0x44d: {  	[spmem:s3] =	stream.indirect.scatter.add.f32 [tilespmem:s14], [sflag:$0x4], $0x80, s25, s9, $0xb8;
	[tilespmem:$0x1F800] =	vst v63  }
0x44e: {  	_ =	swait.ge [sflag:s6], $0x3200  }
0x44f: {  	[sflag:s6] =	ssyncset.done $0x0  }
0x450: {  	[sflag:s6] =	ssyncadd.s32 $0xFFFFCE00  }
0x451: {  	_ =	swait.ge [sflag:s15], $0x3200  }
0x452: {  	[sflag:s15] =	ssyncset.done $0x0  }
0x453: {  	s26 =	simm.s32 $0x15800;
	[sflag:s15] =	ssyncadd.s32 $0xFFFFCE00  }
0x454: {  	[spmem:s3] =	stream.indirect.scatter.add.f32 [tilespmem:s10], [sflag:$0x4], $0x80, s26, s9, $0xb8;
	[tilespmem:$0x1F800] =	vst v63  }
0x455: {  	_ =	swait.ge [sflag:s6], $0x3200  }
0x456: {  	[sflag:s6] =	ssyncset.done $0x0  }
0x457: {  	s28 =	rddreg [dreg:$0x8];
	[sflag:s6] =	ssyncadd.s32 $0xFFFFCE00  }
0x458: {  	[tilespmem:s8], [sflag:$0x4] =	stream.linear.gather [hbm4b:s28+s7], $0xC80, $0x38;
	[tilespmem:$0x1F800] =	vst v63  }
0x459: {  	_ =	swait.ge [sflag:s6], $0xC80  }
0x45a: {  	[sflag:s6] =	ssyncset.done $0x0  }
0x45b: {  	s29 =	rddreg [dreg:$0x9];
	[sflag:s6] =	ssyncadd.s32 $0xFFFFF380  }
0x45c: {  	[tilespmem:s0], [sflag:$0x4] =	stream.linear.gather [hbm4b:s29+s7], $0xC80, $0x38;
	[tilespmem:$0x1F800] =	vst v63  }
0x45d: {  	_ =	swait.ge [sflag:s6], $0xC80  }
0x45e: {  	[sflag:s6] =	ssyncset.done $0x0  }
0x45f: {  	[sflag:s6] =	ssyncadd.s32 $0xFFFFF380  }
0x460: {  	[tilespmem:s10], [sflag:$0x1] =	stream.indirect.gather [hbm4b:s2+s9], $0x80, s8, s9, $0xb8;
	[tilespmem:$0x1F800] =	vst v63  }
0x461: {  	s4 =	simm.s32 $0x13C80  }
0x462: {  	[tilespmem:s12], [sflag:$0x2] =	stream.indirect.gather [hbm4b:s2+s9], $0x80, s4, s9, $0xb8;
	[tilespmem:$0x1F800] =	vst v63  }
0x463: {  	s5 =	simm.s32 $0x13D00  }
0x464: {  	[tilespmem:s14], [sflag:$0x3] =	stream.indirect.gather [hbm4b:s2+s9], $0x80, s5, s9, $0xb8;
	[tilespmem:$0x1F800] =	vst v63  }
0x465: {  	_ =	swait.ge [sflag:s15], $0x3200  }
0x466: {  	[sflag:s15] =	ssyncset.done $0x0  }
0x467: {  	[sflag:s15] =	ssyncadd.s32 $0xFFFFCE00  }
0x468: {  	[spmem:s3] =	stream.indirect.scatter.add.f32 [tilespmem:s10], [sflag:$0x4], $0x80, s0, s9, $0xb8;
	[tilespmem:$0x1F800] =	vst v63  }
0x469: {  	_ =	swait.ge [sflag:s6], $0x3200  }
0x46a: {  	[sflag:s6] =	ssyncset.done $0x0  }
0x46b: {  	s13 =	simm.s32 $0x13D80;
	[sflag:s6] =	ssyncadd.s32 $0xFFFFCE00  }
0x46c: {  	[tilespmem:s10], [sflag:$0x1] =	stream.indirect.gather [hbm4b:s2+s9], $0x80, s13, s9, $0xb8;
	[tilespmem:$0x1F800] =	vst v63  }
0x46d: {  	_ =	swait.ge [sflag:s17], $0x3200  }
0x46e: {  	[sflag:s17] =	ssyncset.done $0x0  }
0x46f: {  	s16 =	simm.s32 $0x14C80;
	[sflag:s17] =	ssyncadd.s32 $0xFFFFCE00  }
0x470: {  	[spmem:s3] =	stream.indirect.scatter.add.f32 [tilespmem:s12], [sflag:$0x4], $0x80, s16, s9, $0xb8;
	[tilespmem:$0x1F800] =	vst v63  }
0x471: {  	_ =	swait.ge [sflag:s6], $0x3200  }
0x472: {  	[sflag:s6] =	ssyncset.done $0x0  }
0x473: {  	s18 =	simm.s32 $0x13E00;
	[sflag:s6] =	ssyncadd.s32 $0xFFFFCE00  }
0x474: {  	[tilespmem:s12], [sflag:$0x2] =	stream.indirect.gather [hbm4b:s2+s9], $0x80, s18, s9, $0xb8;
	[tilespmem:$0x1F800] =	vst v63  }
0x475: {  	_ =	swait.ge [sflag:s20], $0x3200  }
0x476: {  	[sflag:s20] =	ssyncset.done $0x0  }
0x477: {  	s19 =	simm.s32 $0x14D00;
	[sflag:s20] =	ssyncadd.s32 $0xFFFFCE00  }
0x478: {  	[spmem:s3] =	stream.indirect.scatter.add.f32 [tilespmem:s14], [sflag:$0x4], $0x80, s19, s9, $0xb8;
	[tilespmem:$0x1F800] =	vst v63  }
0x479: {  	_ =	swait.ge [sflag:s6], $0x3200  }
0x47a: {  	[sflag:s6] =	ssyncset.done $0x0  }
0x47b: {  	s21 =	simm.s32 $0x13E80;
	[sflag:s6] =	ssyncadd.s32 $0xFFFFCE00  }
0x47c: {  	[tilespmem:s14], [sflag:$0x3] =	stream.indirect.gather [hbm4b:s2+s9], $0x80, s21, s9, $0xb8;
	[tilespmem:$0x1F800] =	vst v63  }
0x47d: {  	_ =	swait.ge [sflag:s15], $0x3200  }
0x47e: {  	[sflag:s15] =	ssyncset.done $0x0  }
0x47f: {  	s22 =	simm.s32 $0x14D80;
	[sflag:s15] =	ssyncadd.s32 $0xFFFFCE00  }
0x480: {  	[spmem:s3] =	stream.indirect.scatter.add.f32 [tilespmem:s10], [sflag:$0x4], $0x80, s22, s9, $0xb8;
	[tilespmem:$0x1F800] =	vst v63  }
0x481: {  	_ =	swait.ge [sflag:s6], $0x3200  }
0x482: {  	[sflag:s6] =	ssyncset.done $0x0  }
0x483: {  	s23 =	simm.s32 $0x13F00;
	[sflag:s6] =	ssyncadd.s32 $0xFFFFCE00  }
0x484: {  	[tilespmem:s10], [sflag:$0x1] =	stream.indirect.gather [hbm4b:s2+s9], $0x80, s23, s9, $0xb8;
	[tilespmem:$0x1F800] =	vst v63  }
0x485: {  	_ =	swait.ge [sflag:s17], $0x3200  }
0x486: {  	[sflag:s17] =	ssyncset.done $0x0  }
0x487: {  	s24 =	simm.s32 $0x14E00;
	[sflag:s17] =	ssyncadd.s32 $0xFFFFCE00  }
0x488: {  	[spmem:s3] =	stream.indirect.scatter.add.f32 [tilespmem:s12], [sflag:$0x4], $0x80, s24, s9, $0xb8;
	[tilespmem:$0x1F800] =	vst v63  }
0x489: {  	_ =	swait.ge [sflag:s6], $0x3200  }
0x48a: {  	[sflag:s6] =	ssyncset.done $0x0  }
0x48b: {  	s25 =	simm.s32 $0x13F80;
	[sflag:s6] =	ssyncadd.s32 $0xFFFFCE00  }
0x48c: {  	[tilespmem:s12], [sflag:$0x2] =	stream.indirect.gather [hbm4b:s2+s9], $0x80, s25, s9, $0xb8;
	[tilespmem:$0x1F800] =	vst v63  }
0x48d: {  	_ =	swait.ge [sflag:s20], $0x3200  }
0x48e: {  	[sflag:s20] =	ssyncset.done $0x0  }
0x48f: {  	s26 =	simm.s32 $0x14E80;
	[sflag:s20] =	ssyncadd.s32 $0xFFFFCE00  }
0x490: {  	[spmem:s3] =	stream.indirect.scatter.add.f32 [tilespmem:s14], [sflag:$0x4], $0x80, s26, s9, $0xb8;
	[tilespmem:$0x1F800] =	vst v63  }
0x491: {  	_ =	swait.ge [sflag:s6], $0x3200  }
0x492: {  	[sflag:s6] =	ssyncset.done $0x0  }
0x493: {  	s28 =	simm.s32 $0x14000;
	[sflag:s6] =	ssyncadd.s32 $0xFFFFCE00  }
0x494: {  	[tilespmem:s14], [sflag:$0x3] =	stream.indirect.gather [hbm4b:s2+s9], $0x80, s28, s9, $0xb8;
	[tilespmem:$0x1F800] =	vst v63  }
0x495: {  	_ =	swait.ge [sflag:s15], $0x3200  }
0x496: {  	[sflag:s15] =	ssyncset.done $0x0  }
0x497: {  	s29 =	simm.s32 $0x14F00;
	[sflag:s15] =	ssyncadd.s32 $0xFFFFCE00  }
0x498: {  	[spmem:s3] =	stream.indirect.scatter.add.f32 [tilespmem:s10], [sflag:$0x4], $0x80, s29, s9, $0xb8;
	[tilespmem:$0x1F800] =	vst v63  }
0x499: {  	_ =	swait.ge [sflag:s6], $0x3200  }
0x49a: {  	[sflag:s6] =	ssyncset.done $0x0  }
0x49b: {  	s11 =	simm.s32 $0x14080;
	[sflag:s6] =	ssyncadd.s32 $0xFFFFCE00  }
0x49c: {  	[tilespmem:s10], [sflag:$0x1] =	stream.indirect.gather [hbm4b:s2+s9], $0x80, s11, s9, $0xb8;
	[tilespmem:$0x1F800] =	vst v63  }
0x49d: {  	_ =	swait.ge [sflag:s17], $0x3200  }
0x49e: {  	[sflag:s17] =	ssyncset.done $0x0  }
0x49f: {  	s11 =	simm.s32 $0x14F80;
	[sflag:s17] =	ssyncadd.s32 $0xFFFFCE00  }
0x4a0: {  	[spmem:s3] =	stream.indirect.scatter.add.f32 [tilespmem:s12], [sflag:$0x4], $0x80, s11, s9, $0xb8;
	[tilespmem:$0x1F800] =	vst v63  }
0x4a1: {  	_ =	swait.ge [sflag:s6], $0x3200  }
0x4a2: {  	[sflag:s6] =	ssyncset.done $0x0  }
0x4a3: {  	s11 =	simm.s32 $0x14100;
	[sflag:s6] =	ssyncadd.s32 $0xFFFFCE00  }
0x4a4: {  	[tilespmem:s12], [sflag:$0x2] =	stream.indirect.gather [hbm4b:s2+s9], $0x80, s11, s9, $0xb8;
	[tilespmem:$0x1F800] =	vst v63  }
0x4a5: {  	_ =	swait.ge [sflag:s20], $0x3200  }
0x4a6: {  	[sflag:s20] =	ssyncset.done $0x0  }
0x4a7: {  	s11 =	simm.s32 $0x15000;
	[sflag:s20] =	ssyncadd.s32 $0xFFFFCE00  }
0x4a8: {  	[spmem:s3] =	stream.indirect.scatter.add.f32 [tilespmem:s14], [sflag:$0x4], $0x80, s11, s9, $0xb8;
	[tilespmem:$0x1F800] =	vst v63  }
0x4a9: {  	_ =	swait.ge [sflag:s6], $0x3200  }
0x4aa: {  	[sflag:s6] =	ssyncset.done $0x0  }
0x4ab: {  	s11 =	simm.s32 $0x14180;
	[sflag:s6] =	ssyncadd.s32 $0xFFFFCE00  }
0x4ac: {  	[tilespmem:s14], [sflag:$0x3] =	stream.indirect.gather [hbm4b:s2+s9], $0x80, s11, s9, $0xb8;
	[tilespmem:$0x1F800] =	vst v63  }
0x4ad: {  	_ =	swait.ge [sflag:s15], $0x3200  }
0x4ae: {  	[sflag:s15] =	ssyncset.done $0x0  }
0x4af: {  	s11 =	simm.s32 $0x15080;
	[sflag:s15] =	ssyncadd.s32 $0xFFFFCE00  }
0x4b0: {  	[spmem:s3] =	stream.indirect.scatter.add.f32 [tilespmem:s10], [sflag:$0x4], $0x80, s11, s9, $0xb8;
	[tilespmem:$0x1F800] =	vst v63  }
0x4b1: {  	_ =	swait.ge [sflag:s6], $0x3200  }
0x4b2: {  	[sflag:s6] =	ssyncset.done $0x0  }
0x4b3: {  	s11 =	simm.s32 $0x14200;
	[sflag:s6] =	ssyncadd.s32 $0xFFFFCE00  }
0x4b4: {  	[tilespmem:s10], [sflag:$0x1] =	stream.indirect.gather [hbm4b:s2+s9], $0x80, s11, s9, $0xb8;
	[tilespmem:$0x1F800] =	vst v63  }
0x4b5: {  	_ =	swait.ge [sflag:s17], $0x3200  }
0x4b6: {  	[sflag:s17] =	ssyncset.done $0x0  }
0x4b7: {  	s11 =	simm.s32 $0x15100;
	[sflag:s17] =	ssyncadd.s32 $0xFFFFCE00  }
0x4b8: {  	[spmem:s3] =	stream.indirect.scatter.add.f32 [tilespmem:s12], [sflag:$0x4], $0x80, s11, s9, $0xb8;
	[tilespmem:$0x1F800] =	vst v63  }
0x4b9: {  	_ =	swait.ge [sflag:s6], $0x3200  }
0x4ba: {  	[sflag:s6] =	ssyncset.done $0x0  }
0x4bb: {  	s11 =	simm.s32 $0x14280;
	[sflag:s6] =	ssyncadd.s32 $0xFFFFCE00  }
0x4bc: {  	[tilespmem:s12], [sflag:$0x2] =	stream.indirect.gather [hbm4b:s2+s9], $0x80, s11, s9, $0xb8;
	[tilespmem:$0x1F800] =	vst v63  }
0x4bd: {  	_ =	swait.ge [sflag:s20], $0x3200  }
0x4be: {  	[sflag:s20] =	ssyncset.done $0x0  }
0x4bf: {  	s11 =	simm.s32 $0x15180;
	[sflag:s20] =	ssyncadd.s32 $0xFFFFCE00  }
0x4c0: {  	[spmem:s3] =	stream.indirect.scatter.add.f32 [tilespmem:s14], [sflag:$0x4], $0x80, s11, s9, $0xb8;
	[tilespmem:$0x1F800] =	vst v63  }
0x4c1: {  	_ =	swait.ge [sflag:s6], $0x3200  }
0x4c2: {  	[sflag:s6] =	ssyncset.done $0x0  }
0x4c3: {  	s11 =	simm.s32 $0x14300;
	[sflag:s6] =	ssyncadd.s32 $0xFFFFCE00  }
0x4c4: {  	[tilespmem:s14], [sflag:$0x3] =	stream.indirect.gather [hbm4b:s2+s9], $0x80, s11, s9, $0xb8;
	[tilespmem:$0x1F800] =	vst v63  }
0x4c5: {  	_ =	swait.ge [sflag:s15], $0x3200  }
0x4c6: {  	[sflag:s15] =	ssyncset.done $0x0  }
0x4c7: {  	s11 =	simm.s32 $0x15200;
	[sflag:s15] =	ssyncadd.s32 $0xFFFFCE00  }
0x4c8: {  	[spmem:s3] =	stream.indirect.scatter.add.f32 [tilespmem:s10], [sflag:$0x4], $0x80, s11, s9, $0xb8;
	[tilespmem:$0x1F800] =	vst v63  }
0x4c9: {  	_ =	swait.ge [sflag:s6], $0x3200  }
0x4ca: {  	[sflag:s6] =	ssyncset.done $0x0  }
0x4cb: {  	s11 =	simm.s32 $0x14380;
	[sflag:s6] =	ssyncadd.s32 $0xFFFFCE00  }
0x4cc: {  	[tilespmem:s10], [sflag:$0x1] =	stream.indirect.gather [hbm4b:s2+s9], $0x80, s11, s9, $0xb8;
	[tilespmem:$0x1F800] =	vst v63  }
0x4cd: {  	_ =	swait.ge [sflag:s17], $0x3200  }
0x4ce: {  	[sflag:s17] =	ssyncset.done $0x0  }
0x4cf: {  	s11 =	simm.s32 $0x15280;
	[sflag:s17] =	ssyncadd.s32 $0xFFFFCE00  }
0x4d0: {  	[spmem:s3] =	stream.indirect.scatter.add.f32 [tilespmem:s12], [sflag:$0x4], $0x80, s11, s9, $0xb8;
	[tilespmem:$0x1F800] =	vst v63  }
0x4d1: {  	_ =	swait.ge [sflag:s6], $0x3200  }
0x4d2: {  	[sflag:s6] =	ssyncset.done $0x0  }
0x4d3: {  	s11 =	simm.s32 $0x14400;
	[sflag:s6] =	ssyncadd.s32 $0xFFFFCE00  }
0x4d4: {  	[tilespmem:s12], [sflag:$0x2] =	stream.indirect.gather [hbm4b:s2+s9], $0x80, s11, s9, $0xb8;
	[tilespmem:$0x1F800] =	vst v63  }
0x4d5: {  	_ =	swait.ge [sflag:s20], $0x3200  }
0x4d6: {  	[sflag:s20] =	ssyncset.done $0x0  }
0x4d7: {  	s31 =	simm.s32 $0x15300;
	[sflag:s20] =	ssyncadd.s32 $0xFFFFCE00  }
0x4d8: {  	[spmem:s3] =	stream.indirect.scatter.add.f32 [tilespmem:s14], [sflag:$0x4], $0x80, s31, s9, $0xb8;
	[tilespmem:$0x1F800] =	vst v63  }
0x4d9: {  	_ =	swait.ge [sflag:s6], $0x3200  }
0x4da: {  	[sflag:s6] =	ssyncset.done $0x0  }
0x4db: {  	s31 =	simm.s32 $0x14480;
	[sflag:s6] =	ssyncadd.s32 $0xFFFFCE00  }
0x4dc: {  	[tilespmem:s14], [sflag:$0x3] =	stream.indirect.gather [hbm4b:s2+s9], $0x80, s31, s9, $0xb8;
	[tilespmem:$0x1F800] =	vst v63  }
0x4dd: {  	_ =	swait.ge [sflag:s15], $0x3200  }
0x4de: {  	[sflag:s15] =	ssyncset.done $0x0  }
0x4df: {  	s31 =	simm.s32 $0x15380;
	[sflag:s15] =	ssyncadd.s32 $0xFFFFCE00  }
0x4e0: {  	[spmem:s3] =	stream.indirect.scatter.add.f32 [tilespmem:s10], [sflag:$0x4], $0x80, s31, s9, $0xb8;
	[tilespmem:$0x1F800] =	vst v63  }
0x4e1: {  	_ =	swait.ge [sflag:s6], $0x3200  }
0x4e2: {  	[sflag:s6] =	ssyncset.done $0x0  }
0x4e3: {  	s31 =	simm.s32 $0x14500;
	[sflag:s6] =	ssyncadd.s32 $0xFFFFCE00  }
0x4e4: {  	[tilespmem:s10], [sflag:$0x1] =	stream.indirect.gather [hbm4b:s2+s9], $0x80, s31, s9, $0xb8;
	[tilespmem:$0x1F800] =	vst v63  }
0x4e5: {  	_ =	swait.ge [sflag:s17], $0x3200  }
0x4e6: {  	[sflag:s17] =	ssyncset.done $0x0  }
0x4e7: {  	s31 =	simm.s32 $0x15400;
	[sflag:s17] =	ssyncadd.s32 $0xFFFFCE00  }
0x4e8: {  	[spmem:s3] =	stream.indirect.scatter.add.f32 [tilespmem:s12], [sflag:$0x4], $0x80, s31, s9, $0xb8;
	[tilespmem:$0x1F800] =	vst v63  }
0x4e9: {  	_ =	swait.ge [sflag:s6], $0x3200  }
0x4ea: {  	[sflag:s6] =	ssyncset.done $0x0  }
0x4eb: {  	s31 =	simm.s32 $0x14580;
	[sflag:s6] =	ssyncadd.s32 $0xFFFFCE00  }
0x4ec: {  	[tilespmem:s12], [sflag:$0x2] =	stream.indirect.gather [hbm4b:s2+s9], $0x80, s31, s9, $0xb8;
	[tilespmem:$0x1F800] =	vst v63  }
0x4ed: {  	_ =	swait.ge [sflag:s20], $0x3200  }
0x4ee: {  	[sflag:s20] =	ssyncset.done $0x0  }
0x4ef: {  	s31 =	simm.s32 $0x15480;
	[sflag:s20] =	ssyncadd.s32 $0xFFFFCE00  }
0x4f0: {  	[spmem:s3] =	stream.indirect.scatter.add.f32 [tilespmem:s14], [sflag:$0x4], $0x80, s31, s9, $0xb8;
	[tilespmem:$0x1F800] =	vst v63  }
0x4f1: {  	_ =	swait.ge [sflag:s6], $0x3200  }
0x4f2: {  	[sflag:s6] =	ssyncset.done $0x0  }
0x4f3: {  	s31 =	simm.s32 $0x14600;
	[sflag:s6] =	ssyncadd.s32 $0xFFFFCE00  }
0x4f4: {  	[tilespmem:s14], [sflag:$0x3] =	stream.indirect.gather [hbm4b:s2+s9], $0x80, s31, s9, $0xb8;
	[tilespmem:$0x1F800] =	vst v63  }
0x4f5: {  	_ =	swait.ge [sflag:s15], $0x3200  }
0x4f6: {  	[sflag:s15] =	ssyncset.done $0x0  }
0x4f7: {  	s31 =	simm.s32 $0x15500;
	[sflag:s15] =	ssyncadd.s32 $0xFFFFCE00  }
0x4f8: {  	[spmem:s3] =	stream.indirect.scatter.add.f32 [tilespmem:s10], [sflag:$0x4], $0x80, s31, s9, $0xb8;
	[tilespmem:$0x1F800] =	vst v63  }
0x4f9: {  	_ =	swait.ge [sflag:s6], $0x3200  }
0x4fa: {  	[sflag:s6] =	ssyncset.done $0x0  }
0x4fb: {  	s31 =	simm.s32 $0x14680;
	[sflag:s6] =	ssyncadd.s32 $0xFFFFCE00  }
0x4fc: {  	[tilespmem:s10], [sflag:$0x1] =	stream.indirect.gather [hbm4b:s2+s9], $0x80, s31, s9, $0xb8;
	[tilespmem:$0x1F800] =	vst v63  }
0x4fd: {  	_ =	swait.ge [sflag:s17], $0x3200  }
0x4fe: {  	[sflag:s17] =	ssyncset.done $0x0  }
0x4ff: {  	s31 =	simm.s32 $0x15580;
	[sflag:s17] =	ssyncadd.s32 $0xFFFFCE00  }
0x500: {  	[spmem:s3] =	stream.indirect.scatter.add.f32 [tilespmem:s12], [sflag:$0x4], $0x80, s31, s9, $0xb8;
	[tilespmem:$0x1F800] =	vst v63  }
0x501: {  	_ =	swait.ge [sflag:s6], $0x3200  }
0x502: {  	[sflag:s6] =	ssyncset.done $0x0  }
0x503: {  	s31 =	simm.s32 $0x14700;
	[sflag:s6] =	ssyncadd.s32 $0xFFFFCE00  }
0x504: {  	[tilespmem:s12], [sflag:$0x2] =	stream.indirect.gather [hbm4b:s2+s9], $0x80, s31, s9, $0xb8;
	[tilespmem:$0x1F800] =	vst v63  }
0x505: {  	_ =	swait.ge [sflag:s20], $0x3200  }
0x506: {  	[sflag:s20] =	ssyncset.done $0x0  }
0x507: {  	s31 =	simm.s32 $0x15600;
	[sflag:s20] =	ssyncadd.s32 $0xFFFFCE00  }
0x508: {  	[spmem:s3] =	stream.indirect.scatter.add.f32 [tilespmem:s14], [sflag:$0x4], $0x80, s31, s9, $0xb8;
	[tilespmem:$0x1F800] =	vst v63  }
0x509: {  	_ =	swait.ge [sflag:s6], $0x3200  }
0x50a: {  	[sflag:s6] =	ssyncset.done $0x0  }
0x50b: {  	s31 =	simm.s32 $0x14780;
	[sflag:s6] =	ssyncadd.s32 $0xFFFFCE00  }
0x50c: {  	[tilespmem:s14], [sflag:$0x3] =	stream.indirect.gather [hbm4b:s2+s9], $0x80, s31, s9, $0xb8;
	[tilespmem:$0x1F800] =	vst v63  }
0x50d: {  	_ =	swait.ge [sflag:s15], $0x3200  }
0x50e: {  	[sflag:s15] =	ssyncset.done $0x0  }
0x50f: {  	s31 =	simm.s32 $0x15680;
	[sflag:s15] =	ssyncadd.s32 $0xFFFFCE00  }
0x510: {  	[spmem:s3] =	stream.indirect.scatter.add.f32 [tilespmem:s10], [sflag:$0x4], $0x80, s31, s9, $0xb8;
	[tilespmem:$0x1F800] =	vst v63  }
0x511: {  	_ =	swait.ge [sflag:s6], $0x3200  }
0x512: {  	[sflag:s6] =	ssyncset.done $0x0  }
0x513: {  	s31 =	simm.s32 $0x14800;
	[sflag:s6] =	ssyncadd.s32 $0xFFFFCE00  }
0x514: {  	[tilespmem:s10], [sflag:$0x1] =	stream.indirect.gather [hbm4b:s2+s9], $0x80, s31, s9, $0xb8;
	[tilespmem:$0x1F800] =	vst v63  }
0x515: {  	_ =	swait.ge [sflag:s17], $0x3200  }
0x516: {  	[sflag:s17] =	ssyncset.done $0x0  }
0x517: {  	s31 =	simm.s32 $0x15700;
	[sflag:s17] =	ssyncadd.s32 $0xFFFFCE00  }
0x518: {  	[spmem:s3] =	stream.indirect.scatter.add.f32 [tilespmem:s12], [sflag:$0x4], $0x80, s31, s9, $0xb8;
	[tilespmem:$0x1F800] =	vst v63  }
0x519: {  	_ =	swait.ge [sflag:s6], $0x3200  }
0x51a: {  	[sflag:s6] =	ssyncset.done $0x0  }
0x51b: {  	[sflag:s6] =	ssyncadd.s32 $0xFFFFCE00  }
0x51c: {  	_ =	swait.ge [sflag:s20], $0x3200  }
0x51d: {  	[sflag:s20] =	ssyncset.done $0x0  }
0x51e: {  	s31 =	simm.s32 $0x15780;
	[sflag:s20] =	ssyncadd.s32 $0xFFFFCE00  }
0x51f: {  	[spmem:s3] =	stream.indirect.scatter.add.f32 [tilespmem:s14], [sflag:$0x4], $0x80, s31, s9, $0xb8;
	[tilespmem:$0x1F800] =	vst v63  }
0x520: {  	_ =	swait.ge [sflag:s6], $0x3200  }
0x521: {  	[sflag:s6] =	ssyncset.done $0x0  }
0x522: {  	[sflag:s6] =	ssyncadd.s32 $0xFFFFCE00  }
0x523: {  	_ =	swait.ge [sflag:s15], $0x3200  }
0x524: {  	[sflag:s15] =	ssyncset.done $0x0  }
0x525: {  	s31 =	simm.s32 $0x15800;
	[sflag:s15] =	ssyncadd.s32 $0xFFFFCE00  }
0x526: {  	[spmem:s3] =	stream.indirect.scatter.add.f32 [tilespmem:s10], [sflag:$0x4], $0x80, s31, s9, $0xb8;
	[tilespmem:$0x1F800] =	vst v63  }
0x527: {  	_ =	swait.ge [sflag:s6], $0x3200  }
0x528: {  	[sflag:s6] =	ssyncset.done $0x0  }
0x529: {  	s31 =	rddreg [dreg:$0xa];
	[sflag:s6] =	ssyncadd.s32 $0xFFFFCE00  }
0x52a: {  	[tilespmem:s8], [sflag:$0x4] =	stream.linear.gather [hbm4b:s31+s7], $0xC80, $0x38;
	[tilespmem:$0x1F800] =	vst v63  }
0x52b: {  	_ =	swait.ge [sflag:s6], $0xC80  }
0x52c: {  	[sflag:s6] =	ssyncset.done $0x0  }
0x52d: {  	s31 =	rddreg [dreg:$0xb];
	[sflag:s6] =	ssyncadd.s32 $0xFFFFF380  }
0x52e: {  	[tilespmem:s0], [sflag:$0x4] =	stream.linear.gather [hbm4b:s31+s7], $0xC80, $0x38;
	[tilespmem:$0x1F800] =	vst v63  }
0x52f: {  	_ =	swait.ge [sflag:s6], $0xC80  }
0x530: {  	[sflag:s6] =	ssyncset.done $0x0  }
0x531: {  	[sflag:s6] =	ssyncadd.s32 $0xFFFFF380  }
0x532: {  	[tilespmem:s10], [sflag:$0x1] =	stream.indirect.gather [hbm4b:s2+s9], $0x80, s8, s9, $0xb8;
	[tilespmem:$0x1F800] =	vst v63  }
0x533: {  	_ = 	snop  }
0x534: {  	[tilespmem:s12], [sflag:$0x2] =	stream.indirect.gather [hbm4b:s2+s9], $0x80, s4, s9, $0xb8;
	[tilespmem:$0x1F800] =	vst v63  }
0x535: {  	_ = 	snop  }
0x536: {  	[tilespmem:s14], [sflag:$0x3] =	stream.indirect.gather [hbm4b:s2+s9], $0x80, s5, s9, $0xb8;
	[tilespmem:$0x1F800] =	vst v63  }
0x537: {  	_ =	swait.ge [sflag:s15], $0x3200  }
0x538: {  	[sflag:s15] =	ssyncset.done $0x0  }
0x539: {  	[sflag:s15] =	ssyncadd.s32 $0xFFFFCE00  }
0x53a: {  	[spmem:s3] =	stream.indirect.scatter.add.f32 [tilespmem:s10], [sflag:$0x4], $0x80, s0, s9, $0xb8;
	[tilespmem:$0x1F800] =	vst v63  }
0x53b: {  	_ =	swait.ge [sflag:s6], $0x3200  }
0x53c: {  	[sflag:s6] =	ssyncset.done $0x0  }
0x53d: {  	[sflag:s6] =	ssyncadd.s32 $0xFFFFCE00  }
0x53e: {  	[tilespmem:s10], [sflag:$0x1] =	stream.indirect.gather [hbm4b:s2+s9], $0x80, s13, s9, $0xb8;
	[tilespmem:$0x1F800] =	vst v63  }
0x53f: {  	_ =	swait.ge [sflag:s17], $0x3200  }
0x540: {  	[sflag:s17] =	ssyncset.done $0x0  }
0x541: {  	[sflag:s17] =	ssyncadd.s32 $0xFFFFCE00  }
0x542: {  	[spmem:s3] =	stream.indirect.scatter.add.f32 [tilespmem:s12], [sflag:$0x4], $0x80, s16, s9, $0xb8;
	[tilespmem:$0x1F800] =	vst v63  }
0x543: {  	_ =	swait.ge [sflag:s6], $0x3200  }
0x544: {  	[sflag:s6] =	ssyncset.done $0x0  }
0x545: {  	[sflag:s6] =	ssyncadd.s32 $0xFFFFCE00  }
0x546: {  	[tilespmem:s12], [sflag:$0x2] =	stream.indirect.gather [hbm4b:s2+s9], $0x80, s18, s9, $0xb8;
	[tilespmem:$0x1F800] =	vst v63  }
0x547: {  	_ =	swait.ge [sflag:s20], $0x3200  }
0x548: {  	[sflag:s20] =	ssyncset.done $0x0  }
0x549: {  	[sflag:s20] =	ssyncadd.s32 $0xFFFFCE00  }
0x54a: {  	[spmem:s3] =	stream.indirect.scatter.add.f32 [tilespmem:s14], [sflag:$0x4], $0x80, s19, s9, $0xb8;
	[tilespmem:$0x1F800] =	vst v63  }
0x54b: {  	_ =	swait.ge [sflag:s6], $0x3200  }
0x54c: {  	[sflag:s6] =	ssyncset.done $0x0  }
0x54d: {  	[sflag:s6] =	ssyncadd.s32 $0xFFFFCE00  }
0x54e: {  	[tilespmem:s14], [sflag:$0x3] =	stream.indirect.gather [hbm4b:s2+s9], $0x80, s21, s9, $0xb8;
	[tilespmem:$0x1F800] =	vst v63  }
0x54f: {  	_ =	swait.ge [sflag:s15], $0x3200  }
0x550: {  	[sflag:s15] =	ssyncset.done $0x0  }
0x551: {  	[sflag:s15] =	ssyncadd.s32 $0xFFFFCE00  }
0x552: {  	[spmem:s3] =	stream.indirect.scatter.add.f32 [tilespmem:s10], [sflag:$0x4], $0x80, s22, s9, $0xb8;
	[tilespmem:$0x1F800] =	vst v63  }
0x553: {  	_ =	swait.ge [sflag:s6], $0x3200  }
0x554: {  	[sflag:s6] =	ssyncset.done $0x0  }
0x555: {  	[sflag:s6] =	ssyncadd.s32 $0xFFFFCE00  }
0x556: {  	[tilespmem:s10], [sflag:$0x1] =	stream.indirect.gather [hbm4b:s2+s9], $0x80, s23, s9, $0xb8;
	[tilespmem:$0x1F800] =	vst v63  }
0x557: {  	_ =	swait.ge [sflag:s17], $0x3200  }
0x558: {  	[sflag:s17] =	ssyncset.done $0x0  }
0x559: {  	[sflag:s17] =	ssyncadd.s32 $0xFFFFCE00  }
0x55a: {  	[spmem:s3] =	stream.indirect.scatter.add.f32 [tilespmem:s12], [sflag:$0x4], $0x80, s24, s9, $0xb8;
	[tilespmem:$0x1F800] =	vst v63  }
0x55b: {  	_ =	swait.ge [sflag:s6], $0x3200  }
0x55c: {  	[sflag:s6] =	ssyncset.done $0x0  }
0x55d: {  	[sflag:s6] =	ssyncadd.s32 $0xFFFFCE00  }
0x55e: {  	[tilespmem:s12], [sflag:$0x2] =	stream.indirect.gather [hbm4b:s2+s9], $0x80, s25, s9, $0xb8;
	[tilespmem:$0x1F800] =	vst v63  }
0x55f: {  	_ =	swait.ge [sflag:s20], $0x3200  }
0x560: {  	[sflag:s20] =	ssyncset.done $0x0  }
0x561: {  	[sflag:s20] =	ssyncadd.s32 $0xFFFFCE00  }
0x562: {  	[spmem:s3] =	stream.indirect.scatter.add.f32 [tilespmem:s14], [sflag:$0x4], $0x80, s26, s9, $0xb8;
	[tilespmem:$0x1F800] =	vst v63  }
0x563: {  	_ =	swait.ge [sflag:s6], $0x3200  }
0x564: {  	[sflag:s6] =	ssyncset.done $0x0  }
0x565: {  	[sflag:s6] =	ssyncadd.s32 $0xFFFFCE00  }
0x566: {  	[tilespmem:s14], [sflag:$0x3] =	stream.indirect.gather [hbm4b:s2+s9], $0x80, s28, s9, $0xb8;
	[tilespmem:$0x1F800] =	vst v63  }
0x567: {  	_ =	swait.ge [sflag:s15], $0x3200  }
0x568: {  	[sflag:s15] =	ssyncset.done $0x0  }
0x569: {  	[sflag:s15] =	ssyncadd.s32 $0xFFFFCE00  }
0x56a: {  	[spmem:s3] =	stream.indirect.scatter.add.f32 [tilespmem:s10], [sflag:$0x4], $0x80, s29, s9, $0xb8;
	[tilespmem:$0x1F800] =	vst v63  }
0x56b: {  	_ =	swait.ge [sflag:s6], $0x3200  }
0x56c: {  	[sflag:s6] =	ssyncset.done $0x0  }
0x56d: {  	s31 =	simm.s32 $0x14080;
	[sflag:s6] =	ssyncadd.s32 $0xFFFFCE00  }
0x56e: {  	[tilespmem:s10], [sflag:$0x1] =	stream.indirect.gather [hbm4b:s2+s9], $0x80, s31, s9, $0xb8;
	[tilespmem:$0x1F800] =	vst v63  }
0x56f: {  	_ =	swait.ge [sflag:s17], $0x3200  }
0x570: {  	[sflag:s17] =	ssyncset.done $0x0  }
0x571: {  	s11 =	simm.s32 $0x14F80;
	[sflag:s17] =	ssyncadd.s32 $0xFFFFCE00  }
0x572: {  	[spmem:s3] =	stream.indirect.scatter.add.f32 [tilespmem:s12], [sflag:$0x4], $0x80, s11, s9, $0xb8;
	[tilespmem:$0x1F800] =	vst v63  }
0x573: {  	_ =	swait.ge [sflag:s6], $0x3200  }
0x574: {  	[sflag:s6] =	ssyncset.done $0x0  }
0x575: {  	s11 =	simm.s32 $0x14100;
	[sflag:s6] =	ssyncadd.s32 $0xFFFFCE00  }
0x576: {  	[tilespmem:s12], [sflag:$0x2] =	stream.indirect.gather [hbm4b:s2+s9], $0x80, s11, s9, $0xb8;
	[tilespmem:$0x1F800] =	vst v63  }
0x577: {  	_ =	swait.ge [sflag:s20], $0x3200  }
0x578: {  	[sflag:s20] =	ssyncset.done $0x0  }
0x579: {  	s11 =	simm.s32 $0x15000;
	[sflag:s20] =	ssyncadd.s32 $0xFFFFCE00  }
0x57a: {  	[spmem:s3] =	stream.indirect.scatter.add.f32 [tilespmem:s14], [sflag:$0x4], $0x80, s11, s9, $0xb8;
	[tilespmem:$0x1F800] =	vst v63  }
0x57b: {  	_ =	swait.ge [sflag:s6], $0x3200  }
0x57c: {  	[sflag:s6] =	ssyncset.done $0x0  }
0x57d: {  	s11 =	simm.s32 $0x14180;
	[sflag:s6] =	ssyncadd.s32 $0xFFFFCE00  }
0x57e: {  	[tilespmem:s14], [sflag:$0x3] =	stream.indirect.gather [hbm4b:s2+s9], $0x80, s11, s9, $0xb8;
	[tilespmem:$0x1F800] =	vst v63  }
0x57f: {  	_ =	swait.ge [sflag:s15], $0x3200  }
0x580: {  	[sflag:s15] =	ssyncset.done $0x0  }
0x581: {  	s11 =	simm.s32 $0x15080;
	[sflag:s15] =	ssyncadd.s32 $0xFFFFCE00  }
0x582: {  	[spmem:s3] =	stream.indirect.scatter.add.f32 [tilespmem:s10], [sflag:$0x4], $0x80, s11, s9, $0xb8;
	[tilespmem:$0x1F800] =	vst v63  }
0x583: {  	_ =	swait.ge [sflag:s6], $0x3200  }
0x584: {  	[sflag:s6] =	ssyncset.done $0x0  }
0x585: {  	s11 =	simm.s32 $0x14200;
	[sflag:s6] =	ssyncadd.s32 $0xFFFFCE00  }
0x586: {  	[tilespmem:s10], [sflag:$0x1] =	stream.indirect.gather [hbm4b:s2+s9], $0x80, s11, s9, $0xb8;
	[tilespmem:$0x1F800] =	vst v63  }
0x587: {  	_ =	swait.ge [sflag:s17], $0x3200  }
0x588: {  	[sflag:s17] =	ssyncset.done $0x0  }
0x589: {  	s11 =	simm.s32 $0x15100;
	[sflag:s17] =	ssyncadd.s32 $0xFFFFCE00  }
0x58a: {  	[spmem:s3] =	stream.indirect.scatter.add.f32 [tilespmem:s12], [sflag:$0x4], $0x80, s11, s9, $0xb8;
	[tilespmem:$0x1F800] =	vst v63  }
0x58b: {  	_ =	swait.ge [sflag:s6], $0x3200  }
0x58c: {  	[sflag:s6] =	ssyncset.done $0x0  }
0x58d: {  	s11 =	simm.s32 $0x14280;
	[sflag:s6] =	ssyncadd.s32 $0xFFFFCE00  }
0x58e: {  	[tilespmem:s12], [sflag:$0x2] =	stream.indirect.gather [hbm4b:s2+s9], $0x80, s11, s9, $0xb8;
	[tilespmem:$0x1F800] =	vst v63  }
0x58f: {  	_ =	swait.ge [sflag:s20], $0x3200  }
0x590: {  	[sflag:s20] =	ssyncset.done $0x0  }
0x591: {  	s11 =	simm.s32 $0x15180;
	[sflag:s20] =	ssyncadd.s32 $0xFFFFCE00  }
0x592: {  	[spmem:s3] =	stream.indirect.scatter.add.f32 [tilespmem:s14], [sflag:$0x4], $0x80, s11, s9, $0xb8;
	[tilespmem:$0x1F800] =	vst v63  }
0x593: {  	_ =	swait.ge [sflag:s6], $0x3200  }
0x594: {  	[sflag:s6] =	ssyncset.done $0x0  }
0x595: {  	s11 =	simm.s32 $0x14300;
	[sflag:s6] =	ssyncadd.s32 $0xFFFFCE00  }
0x596: {  	[tilespmem:s14], [sflag:$0x3] =	stream.indirect.gather [hbm4b:s2+s9], $0x80, s11, s9, $0xb8;
	[tilespmem:$0x1F800] =	vst v63  }
0x597: {  	_ =	swait.ge [sflag:s15], $0x3200  }
0x598: {  	[sflag:s15] =	ssyncset.done $0x0  }
0x599: {  	s11 =	simm.s32 $0x15200;
	[sflag:s15] =	ssyncadd.s32 $0xFFFFCE00  }
0x59a: {  	[spmem:s3] =	stream.indirect.scatter.add.f32 [tilespmem:s10], [sflag:$0x4], $0x80, s11, s9, $0xb8;
	[tilespmem:$0x1F800] =	vst v63  }
0x59b: {  	_ =	swait.ge [sflag:s6], $0x3200  }
0x59c: {  	[sflag:s6] =	ssyncset.done $0x0  }
0x59d: {  	s11 =	simm.s32 $0x14380;
	[sflag:s6] =	ssyncadd.s32 $0xFFFFCE00  }
0x59e: {  	[tilespmem:s10], [sflag:$0x1] =	stream.indirect.gather [hbm4b:s2+s9], $0x80, s11, s9, $0xb8;
	[tilespmem:$0x1F800] =	vst v63  }
0x59f: {  	_ =	swait.ge [sflag:s17], $0x3200  }
0x5a0: {  	[sflag:s17] =	ssyncset.done $0x0  }
0x5a1: {  	s11 =	simm.s32 $0x15280;
	[sflag:s17] =	ssyncadd.s32 $0xFFFFCE00  }
0x5a2: {  	[spmem:s3] =	stream.indirect.scatter.add.f32 [tilespmem:s12], [sflag:$0x4], $0x80, s11, s9, $0xb8;
	[tilespmem:$0x1F800] =	vst v63  }
0x5a3: {  	_ =	swait.ge [sflag:s6], $0x3200  }
0x5a4: {  	[sflag:s6] =	ssyncset.done $0x0  }
0x5a5: {  	s11 =	simm.s32 $0x14400;
	[sflag:s6] =	ssyncadd.s32 $0xFFFFCE00  }
0x5a6: {  	[tilespmem:s12], [sflag:$0x2] =	stream.indirect.gather [hbm4b:s2+s9], $0x80, s11, s9, $0xb8;
	[tilespmem:$0x1F800] =	vst v63  }
0x5a7: {  	_ =	swait.ge [sflag:s20], $0x3200  }
0x5a8: {  	[sflag:s20] =	ssyncset.done $0x0  }
0x5a9: {  	s11 =	simm.s32 $0x15300;
	[sflag:s20] =	ssyncadd.s32 $0xFFFFCE00  }
0x5aa: {  	[spmem:s3] =	stream.indirect.scatter.add.f32 [tilespmem:s14], [sflag:$0x4], $0x80, s11, s9, $0xb8;
	[tilespmem:$0x1F800] =	vst v63  }
0x5ab: {  	_ =	swait.ge [sflag:s6], $0x3200  }
0x5ac: {  	[sflag:s6] =	ssyncset.done $0x0  }
0x5ad: {  	s11 =	simm.s32 $0x14480;
	[sflag:s6] =	ssyncadd.s32 $0xFFFFCE00  }
0x5ae: {  	[tilespmem:s14], [sflag:$0x3] =	stream.indirect.gather [hbm4b:s2+s9], $0x80, s11, s9, $0xb8;
	[tilespmem:$0x1F800] =	vst v63  }
0x5af: {  	_ =	swait.ge [sflag:s15], $0x3200  }
0x5b0: {  	[sflag:s15] =	ssyncset.done $0x0  }
0x5b1: {  	s11 =	simm.s32 $0x15380;
	[sflag:s15] =	ssyncadd.s32 $0xFFFFCE00  }
0x5b2: {  	[spmem:s3] =	stream.indirect.scatter.add.f32 [tilespmem:s10], [sflag:$0x4], $0x80, s11, s9, $0xb8;
	[tilespmem:$0x1F800] =	vst v63  }
0x5b3: {  	_ =	swait.ge [sflag:s6], $0x3200  }
0x5b4: {  	[sflag:s6] =	ssyncset.done $0x0  }
0x5b5: {  	s11 =	simm.s32 $0x14500;
	[sflag:s6] =	ssyncadd.s32 $0xFFFFCE00  }
0x5b6: {  	[tilespmem:s10], [sflag:$0x1] =	stream.indirect.gather [hbm4b:s2+s9], $0x80, s11, s9, $0xb8;
	[tilespmem:$0x1F800] =	vst v63  }
0x5b7: {  	_ =	swait.ge [sflag:s17], $0x3200  }
0x5b8: {  	[sflag:s17] =	ssyncset.done $0x0  }
0x5b9: {  	s11 =	simm.s32 $0x15400;
	[sflag:s17] =	ssyncadd.s32 $0xFFFFCE00  }
0x5ba: {  	[spmem:s3] =	stream.indirect.scatter.add.f32 [tilespmem:s12], [sflag:$0x4], $0x80, s11, s9, $0xb8;
	[tilespmem:$0x1F800] =	vst v63  }
0x5bb: {  	_ =	swait.ge [sflag:s6], $0x3200  }
0x5bc: {  	[sflag:s6] =	ssyncset.done $0x0  }
0x5bd: {  	s11 =	simm.s32 $0x14580;
	[sflag:s6] =	ssyncadd.s32 $0xFFFFCE00  }
0x5be: {  	[tilespmem:s12], [sflag:$0x2] =	stream.indirect.gather [hbm4b:s2+s9], $0x80, s11, s9, $0xb8;
	[tilespmem:$0x1F800] =	vst v63  }
0x5bf: {  	_ =	swait.ge [sflag:s20], $0x3200  }
0x5c0: {  	[sflag:s20] =	ssyncset.done $0x0  }
0x5c1: {  	s11 =	simm.s32 $0x15480;
	[sflag:s20] =	ssyncadd.s32 $0xFFFFCE00  }
0x5c2: {  	[spmem:s3] =	stream.indirect.scatter.add.f32 [tilespmem:s14], [sflag:$0x4], $0x80, s11, s9, $0xb8;
	[tilespmem:$0x1F800] =	vst v63  }
0x5c3: {  	_ =	swait.ge [sflag:s6], $0x3200  }
0x5c4: {  	[sflag:s6] =	ssyncset.done $0x0  }
0x5c5: {  	s11 =	simm.s32 $0x14600;
	[sflag:s6] =	ssyncadd.s32 $0xFFFFCE00  }
0x5c6: {  	[tilespmem:s14], [sflag:$0x3] =	stream.indirect.gather [hbm4b:s2+s9], $0x80, s11, s9, $0xb8;
	[tilespmem:$0x1F800] =	vst v63  }
0x5c7: {  	_ =	swait.ge [sflag:s15], $0x3200  }
0x5c8: {  	[sflag:s15] =	ssyncset.done $0x0  }
0x5c9: {  	s11 =	simm.s32 $0x15500;
	[sflag:s15] =	ssyncadd.s32 $0xFFFFCE00  }
0x5ca: {  	[spmem:s3] =	stream.indirect.scatter.add.f32 [tilespmem:s10], [sflag:$0x4], $0x80, s11, s9, $0xb8;
	[tilespmem:$0x1F800] =	vst v63  }
0x5cb: {  	_ =	swait.ge [sflag:s6], $0x3200  }
0x5cc: {  	[sflag:s6] =	ssyncset.done $0x0  }
0x5cd: {  	s11 =	simm.s32 $0x14680;
	[sflag:s6] =	ssyncadd.s32 $0xFFFFCE00  }
0x5ce: {  	[tilespmem:s10], [sflag:$0x1] =	stream.indirect.gather [hbm4b:s2+s9], $0x80, s11, s9, $0xb8;
	[tilespmem:$0x1F800] =	vst v63  }
0x5cf: {  	_ =	swait.ge [sflag:s17], $0x3200  }
0x5d0: {  	[sflag:s17] =	ssyncset.done $0x0  }
0x5d1: {  	s11 =	simm.s32 $0x15580;
	[sflag:s17] =	ssyncadd.s32 $0xFFFFCE00  }
0x5d2: {  	[spmem:s3] =	stream.indirect.scatter.add.f32 [tilespmem:s12], [sflag:$0x4], $0x80, s11, s9, $0xb8;
	[tilespmem:$0x1F800] =	vst v63  }
0x5d3: {  	_ =	swait.ge [sflag:s6], $0x3200  }
0x5d4: {  	[sflag:s6] =	ssyncset.done $0x0  }
0x5d5: {  	s11 =	simm.s32 $0x14700;
	[sflag:s6] =	ssyncadd.s32 $0xFFFFCE00  }
0x5d6: {  	[tilespmem:s12], [sflag:$0x2] =	stream.indirect.gather [hbm4b:s2+s9], $0x80, s11, s9, $0xb8;
	[tilespmem:$0x1F800] =	vst v63  }
0x5d7: {  	_ =	swait.ge [sflag:s20], $0x3200  }
0x5d8: {  	[sflag:s20] =	ssyncset.done $0x0  }
0x5d9: {  	s11 =	simm.s32 $0x15600;
	[sflag:s20] =	ssyncadd.s32 $0xFFFFCE00  }
0x5da: {  	[spmem:s3] =	stream.indirect.scatter.add.f32 [tilespmem:s14], [sflag:$0x4], $0x80, s11, s9, $0xb8;
	[tilespmem:$0x1F800] =	vst v63  }
0x5db: {  	_ =	swait.ge [sflag:s6], $0x3200  }
0x5dc: {  	[sflag:s6] =	ssyncset.done $0x0  }
0x5dd: {  	s11 =	simm.s32 $0x14780;
	[sflag:s6] =	ssyncadd.s32 $0xFFFFCE00  }
0x5de: {  	[tilespmem:s14], [sflag:$0x3] =	stream.indirect.gather [hbm4b:s2+s9], $0x80, s11, s9, $0xb8;
	[tilespmem:$0x1F800] =	vst v63  }
0x5df: {  	_ =	swait.ge [sflag:s15], $0x3200  }
0x5e0: {  	[sflag:s15] =	ssyncset.done $0x0  }
0x5e1: {  	s11 =	simm.s32 $0x15680;
	[sflag:s15] =	ssyncadd.s32 $0xFFFFCE00  }
0x5e2: {  	[spmem:s3] =	stream.indirect.scatter.add.f32 [tilespmem:s10], [sflag:$0x4], $0x80, s11, s9, $0xb8;
	[tilespmem:$0x1F800] =	vst v63  }
0x5e3: {  	_ =	swait.ge [sflag:s6], $0x3200  }
0x5e4: {  	[sflag:s6] =	ssyncset.done $0x0  }
0x5e5: {  	s11 =	simm.s32 $0x14800;
	[sflag:s6] =	ssyncadd.s32 $0xFFFFCE00  }
0x5e6: {  	[tilespmem:s10], [sflag:$0x1] =	stream.indirect.gather [hbm4b:s2+s9], $0x80, s11, s9, $0xb8;
	[tilespmem:$0x1F800] =	vst v63  }
0x5e7: {  	_ =	swait.ge [sflag:s17], $0x3200  }
0x5e8: {  	[sflag:s17] =	ssyncset.done $0x0  }
0x5e9: {  	s11 =	simm.s32 $0x15700;
	[sflag:s17] =	ssyncadd.s32 $0xFFFFCE00  }
0x5ea: {  	[spmem:s3] =	stream.indirect.scatter.add.f32 [tilespmem:s12], [sflag:$0x4], $0x80, s11, s9, $0xb8;
	[tilespmem:$0x1F800] =	vst v63  }
0x5eb: {  	_ =	swait.ge [sflag:s6], $0x3200  }
0x5ec: {  	[sflag:s6] =	ssyncset.done $0x0  }
0x5ed: {  	[sflag:s6] =	ssyncadd.s32 $0xFFFFCE00  }
0x5ee: {  	_ =	swait.ge [sflag:s20], $0x3200  }
0x5ef: {  	[sflag:s20] =	ssyncset.done $0x0  }
0x5f0: {  	s11 =	simm.s32 $0x15780;
	[sflag:s20] =	ssyncadd.s32 $0xFFFFCE00  }
0x5f1: {  	[spmem:s3] =	stream.indirect.scatter.add.f32 [tilespmem:s14], [sflag:$0x4], $0x80, s11, s9, $0xb8;
	[tilespmem:$0x1F800] =	vst v63  }
0x5f2: {  	_ =	swait.ge [sflag:s6], $0x3200  }
0x5f3: {  	[sflag:s6] =	ssyncset.done $0x0  }
0x5f4: {  	[sflag:s6] =	ssyncadd.s32 $0xFFFFCE00  }
0x5f5: {  	_ =	swait.ge [sflag:s15], $0x3200  }
0x5f6: {  	[sflag:s15] =	ssyncset.done $0x0  }
0x5f7: {  	s11 =	simm.s32 $0x15800;
	[sflag:s15] =	ssyncadd.s32 $0xFFFFCE00  }
0x5f8: {  	[spmem:s3] =	stream.indirect.scatter.add.f32 [tilespmem:s10], [sflag:$0x4], $0x80, s11, s9, $0xb8;
	[tilespmem:$0x1F800] =	vst v63  }
0x5f9: {  	_ =	swait.ge [sflag:s6], $0x3200  }
0x5fa: {  	[sflag:s6] =	ssyncset.done $0x0  }
0x5fb: {  	s11 =	rddreg [dreg:$0xc];
	[sflag:s6] =	ssyncadd.s32 $0xFFFFCE00  }
0x5fc: {  	[tilespmem:s8], [sflag:$0x4] =	stream.linear.gather [hbm4b:s11+s7], $0xC80, $0x38;
	[tilespmem:$0x1F800] =	vst v63  }
0x5fd: {  	_ =	swait.ge [sflag:s6], $0xC80  }
0x5fe: {  	[sflag:s6] =	ssyncset.done $0x0  }
0x5ff: {  	s11 =	rddreg [dreg:$0xd];
	[sflag:s6] =	ssyncadd.s32 $0xFFFFF380  }
0x600: {  	[tilespmem:s0], [sflag:$0x4] =	stream.linear.gather [hbm4b:s11+s7], $0xC80, $0x38;
	[tilespmem:$0x1F800] =	vst v63  }
0x601: {  	_ =	swait.ge [sflag:s6], $0xC80  }
0x602: {  	[sflag:s6] =	ssyncset.done $0x0  }
0x603: {  	[sflag:s6] =	ssyncadd.s32 $0xFFFFF380  }
0x604: {  	[tilespmem:s10], [sflag:$0x1] =	stream.indirect.gather [hbm4b:s2+s9], $0x80, s8, s9, $0xb8;
	[tilespmem:$0x1F800] =	vst v63  }
0x605: {  	s4 =	simm.s32 $0x13C80  }
0x606: {  	[tilespmem:s12], [sflag:$0x2] =	stream.indirect.gather [hbm4b:s2+s9], $0x80, s4, s9, $0xb8;
	[tilespmem:$0x1F800] =	vst v63  }
0x607: {  	s5 =	simm.s32 $0x13D00  }
0x608: {  	[tilespmem:s14], [sflag:$0x3] =	stream.indirect.gather [hbm4b:s2+s9], $0x80, s5, s9, $0xb8;
	[tilespmem:$0x1F800] =	vst v63  }
0x609: {  	_ =	swait.ge [sflag:s15], $0x3200  }
0x60a: {  	[sflag:s15] =	ssyncset.done $0x0  }
0x60b: {  	[sflag:s15] =	ssyncadd.s32 $0xFFFFCE00  }
0x60c: {  	[spmem:s3] =	stream.indirect.scatter.add.f32 [tilespmem:s10], [sflag:$0x4], $0x80, s0, s9, $0xb8;
	[tilespmem:$0x1F800] =	vst v63  }
0x60d: {  	_ =	swait.ge [sflag:s6], $0x3200  }
0x60e: {  	[sflag:s6] =	ssyncset.done $0x0  }
0x60f: {  	s13 =	simm.s32 $0x13D80;
	[sflag:s6] =	ssyncadd.s32 $0xFFFFCE00  }
0x610: {  	[tilespmem:s10], [sflag:$0x1] =	stream.indirect.gather [hbm4b:s2+s9], $0x80, s13, s9, $0xb8;
	[tilespmem:$0x1F800] =	vst v63  }
0x611: {  	_ =	swait.ge [sflag:s17], $0x3200  }
0x612: {  	[sflag:s17] =	ssyncset.done $0x0  }
0x613: {  	s16 =	simm.s32 $0x14C80;
	[sflag:s17] =	ssyncadd.s32 $0xFFFFCE00  }
0x614: {  	[spmem:s3] =	stream.indirect.scatter.add.f32 [tilespmem:s12], [sflag:$0x4], $0x80, s16, s9, $0xb8;
	[tilespmem:$0x1F800] =	vst v63  }
0x615: {  	_ =	swait.ge [sflag:s6], $0x3200  }
0x616: {  	[sflag:s6] =	ssyncset.done $0x0  }
0x617: {  	s18 =	simm.s32 $0x13E00;
	[sflag:s6] =	ssyncadd.s32 $0xFFFFCE00  }
0x618: {  	[tilespmem:s12], [sflag:$0x2] =	stream.indirect.gather [hbm4b:s2+s9], $0x80, s18, s9, $0xb8;
	[tilespmem:$0x1F800] =	vst v63  }
0x619: {  	_ =	swait.ge [sflag:s20], $0x3200  }
0x61a: {  	[sflag:s20] =	ssyncset.done $0x0  }
0x61b: {  	s19 =	simm.s32 $0x14D00;
	[sflag:s20] =	ssyncadd.s32 $0xFFFFCE00  }
0x61c: {  	[spmem:s3] =	stream.indirect.scatter.add.f32 [tilespmem:s14], [sflag:$0x4], $0x80, s19, s9, $0xb8;
	[tilespmem:$0x1F800] =	vst v63  }
0x61d: {  	_ =	swait.ge [sflag:s6], $0x3200  }
0x61e: {  	[sflag:s6] =	ssyncset.done $0x0  }
0x61f: {  	s21 =	simm.s32 $0x13E80;
	[sflag:s6] =	ssyncadd.s32 $0xFFFFCE00  }
0x620: {  	[tilespmem:s14], [sflag:$0x3] =	stream.indirect.gather [hbm4b:s2+s9], $0x80, s21, s9, $0xb8;
	[tilespmem:$0x1F800] =	vst v63  }
0x621: {  	_ =	swait.ge [sflag:s15], $0x3200  }
0x622: {  	[sflag:s15] =	ssyncset.done $0x0  }
0x623: {  	s22 =	simm.s32 $0x14D80;
	[sflag:s15] =	ssyncadd.s32 $0xFFFFCE00  }
0x624: {  	[spmem:s3] =	stream.indirect.scatter.add.f32 [tilespmem:s10], [sflag:$0x4], $0x80, s22, s9, $0xb8;
	[tilespmem:$0x1F800] =	vst v63  }
0x625: {  	_ =	swait.ge [sflag:s6], $0x3200  }
0x626: {  	[sflag:s6] =	ssyncset.done $0x0  }
0x627: {  	s23 =	simm.s32 $0x13F00;
	[sflag:s6] =	ssyncadd.s32 $0xFFFFCE00  }
0x628: {  	[tilespmem:s10], [sflag:$0x1] =	stream.indirect.gather [hbm4b:s2+s9], $0x80, s23, s9, $0xb8;
	[tilespmem:$0x1F800] =	vst v63  }
0x629: {  	_ =	swait.ge [sflag:s17], $0x3200  }
0x62a: {  	[sflag:s17] =	ssyncset.done $0x0  }
0x62b: {  	s24 =	simm.s32 $0x14E00;
	[sflag:s17] =	ssyncadd.s32 $0xFFFFCE00  }
0x62c: {  	[spmem:s3] =	stream.indirect.scatter.add.f32 [tilespmem:s12], [sflag:$0x4], $0x80, s24, s9, $0xb8;
	[tilespmem:$0x1F800] =	vst v63  }
0x62d: {  	_ =	swait.ge [sflag:s6], $0x3200  }
0x62e: {  	[sflag:s6] =	ssyncset.done $0x0  }
0x62f: {  	s25 =	simm.s32 $0x13F80;
	[sflag:s6] =	ssyncadd.s32 $0xFFFFCE00  }
0x630: {  	[tilespmem:s12], [sflag:$0x2] =	stream.indirect.gather [hbm4b:s2+s9], $0x80, s25, s9, $0xb8;
	[tilespmem:$0x1F800] =	vst v63  }
0x631: {  	_ =	swait.ge [sflag:s20], $0x3200  }
0x632: {  	[sflag:s20] =	ssyncset.done $0x0  }
0x633: {  	s26 =	simm.s32 $0x14E80;
	[sflag:s20] =	ssyncadd.s32 $0xFFFFCE00  }
0x634: {  	[spmem:s3] =	stream.indirect.scatter.add.f32 [tilespmem:s14], [sflag:$0x4], $0x80, s26, s9, $0xb8;
	[tilespmem:$0x1F800] =	vst v63  }
0x635: {  	_ =	swait.ge [sflag:s6], $0x3200  }
0x636: {  	[sflag:s6] =	ssyncset.done $0x0  }
0x637: {  	s28 =	simm.s32 $0x14000;
	[sflag:s6] =	ssyncadd.s32 $0xFFFFCE00  }
0x638: {  	[tilespmem:s14], [sflag:$0x3] =	stream.indirect.gather [hbm4b:s2+s9], $0x80, s28, s9, $0xb8;
	[tilespmem:$0x1F800] =	vst v63  }
0x639: {  	_ =	swait.ge [sflag:s15], $0x3200  }
0x63a: {  	[sflag:s15] =	ssyncset.done $0x0  }
0x63b: {  	s29 =	simm.s32 $0x14F00;
	[sflag:s15] =	ssyncadd.s32 $0xFFFFCE00  }
0x63c: {  	[spmem:s3] =	stream.indirect.scatter.add.f32 [tilespmem:s10], [sflag:$0x4], $0x80, s29, s9, $0xb8;
	[tilespmem:$0x1F800] =	vst v63  }
0x63d: {  	_ =	swait.ge [sflag:s6], $0x3200  }
0x63e: {  	[sflag:s6] =	ssyncset.done $0x0  }
0x63f: {  	s31 =	simm.s32 $0x14080;
	[sflag:s6] =	ssyncadd.s32 $0xFFFFCE00  }
0x640: {  	[tilespmem:s10], [sflag:$0x1] =	stream.indirect.gather [hbm4b:s2+s9], $0x80, s31, s9, $0xb8;
	[tilespmem:$0x1F800] =	vst v63  }
0x641: {  	_ =	swait.ge [sflag:s17], $0x3200  }
0x642: {  	[sflag:s17] =	ssyncset.done $0x0  }
0x643: {  	s31 =	simm.s32 $0x14F80;
	[sflag:s17] =	ssyncadd.s32 $0xFFFFCE00  }
0x644: {  	[spmem:s3] =	stream.indirect.scatter.add.f32 [tilespmem:s12], [sflag:$0x4], $0x80, s31, s9, $0xb8;
	[tilespmem:$0x1F800] =	vst v63  }
0x645: {  	_ =	swait.ge [sflag:s6], $0x3200  }
0x646: {  	[sflag:s6] =	ssyncset.done $0x0  }
0x647: {  	s4 =	simm.s32 $0x14100;
	[sflag:s6] =	ssyncadd.s32 $0xFFFFCE00  }
0x648: {  	[tilespmem:s12], [sflag:$0x2] =	stream.indirect.gather [hbm4b:s2+s9], $0x80, s4, s9, $0xb8;
	[tilespmem:$0x1F800] =	vst v63  }
0x649: {  	_ =	swait.ge [sflag:s20], $0x3200  }
0x64a: {  	[sflag:s20] =	ssyncset.done $0x0  }
0x64b: {  	s5 =	simm.s32 $0x15000;
	[sflag:s20] =	ssyncadd.s32 $0xFFFFCE00  }
0x64c: {  	[spmem:s3] =	stream.indirect.scatter.add.f32 [tilespmem:s14], [sflag:$0x4], $0x80, s5, s9, $0xb8;
	[tilespmem:$0x1F800] =	vst v63  }
0x64d: {  	_ =	swait.ge [sflag:s6], $0x3200  }
0x64e: {  	[sflag:s6] =	ssyncset.done $0x0  }
0x64f: {  	s11 =	simm.s32 $0x14180;
	[sflag:s6] =	ssyncadd.s32 $0xFFFFCE00  }
0x650: {  	[tilespmem:s14], [sflag:$0x3] =	stream.indirect.gather [hbm4b:s2+s9], $0x80, s11, s9, $0xb8;
	[tilespmem:$0x1F800] =	vst v63  }
0x651: {  	_ =	swait.ge [sflag:s15], $0x3200  }
0x652: {  	[sflag:s15] =	ssyncset.done $0x0  }
0x653: {  	s13 =	simm.s32 $0x15080;
	[sflag:s15] =	ssyncadd.s32 $0xFFFFCE00  }
0x654: {  	[spmem:s3] =	stream.indirect.scatter.add.f32 [tilespmem:s10], [sflag:$0x4], $0x80, s13, s9, $0xb8;
	[tilespmem:$0x1F800] =	vst v63  }
0x655: {  	_ =	swait.ge [sflag:s6], $0x3200  }
0x656: {  	[sflag:s6] =	ssyncset.done $0x0  }
0x657: {  	s16 =	simm.s32 $0x14200;
	[sflag:s6] =	ssyncadd.s32 $0xFFFFCE00  }
0x658: {  	[tilespmem:s10], [sflag:$0x1] =	stream.indirect.gather [hbm4b:s2+s9], $0x80, s16, s9, $0xb8;
	[tilespmem:$0x1F800] =	vst v63  }
0x659: {  	_ =	swait.ge [sflag:s17], $0x3200  }
0x65a: {  	[sflag:s17] =	ssyncset.done $0x0  }
0x65b: {  	s18 =	simm.s32 $0x15100;
	[sflag:s17] =	ssyncadd.s32 $0xFFFFCE00  }
0x65c: {  	[spmem:s3] =	stream.indirect.scatter.add.f32 [tilespmem:s12], [sflag:$0x4], $0x80, s18, s9, $0xb8;
	[tilespmem:$0x1F800] =	vst v63  }
0x65d: {  	_ =	swait.ge [sflag:s6], $0x3200  }
0x65e: {  	[sflag:s6] =	ssyncset.done $0x0  }
0x65f: {  	s19 =	simm.s32 $0x14280;
	[sflag:s6] =	ssyncadd.s32 $0xFFFFCE00  }
0x660: {  	[tilespmem:s12], [sflag:$0x2] =	stream.indirect.gather [hbm4b:s2+s9], $0x80, s19, s9, $0xb8;
	[tilespmem:$0x1F800] =	vst v63  }
0x661: {  	_ =	swait.ge [sflag:s20], $0x3200  }
0x662: {  	[sflag:s20] =	ssyncset.done $0x0  }
0x663: {  	s21 =	simm.s32 $0x15180;
	[sflag:s20] =	ssyncadd.s32 $0xFFFFCE00  }
0x664: {  	[spmem:s3] =	stream.indirect.scatter.add.f32 [tilespmem:s14], [sflag:$0x4], $0x80, s21, s9, $0xb8;
	[tilespmem:$0x1F800] =	vst v63  }
0x665: {  	_ =	swait.ge [sflag:s6], $0x3200  }
0x666: {  	[sflag:s6] =	ssyncset.done $0x0  }
0x667: {  	s22 =	simm.s32 $0x14300;
	[sflag:s6] =	ssyncadd.s32 $0xFFFFCE00  }
0x668: {  	[tilespmem:s14], [sflag:$0x3] =	stream.indirect.gather [hbm4b:s2+s9], $0x80, s22, s9, $0xb8;
	[tilespmem:$0x1F800] =	vst v63  }
0x669: {  	_ =	swait.ge [sflag:s15], $0x3200  }
0x66a: {  	[sflag:s15] =	ssyncset.done $0x0  }
0x66b: {  	s23 =	simm.s32 $0x15200;
	[sflag:s15] =	ssyncadd.s32 $0xFFFFCE00  }
0x66c: {  	[spmem:s3] =	stream.indirect.scatter.add.f32 [tilespmem:s10], [sflag:$0x4], $0x80, s23, s9, $0xb8;
	[tilespmem:$0x1F800] =	vst v63  }
0x66d: {  	_ =	swait.ge [sflag:s6], $0x3200  }
0x66e: {  	[sflag:s6] =	ssyncset.done $0x0  }
0x66f: {  	s24 =	simm.s32 $0x14380;
	[sflag:s6] =	ssyncadd.s32 $0xFFFFCE00  }
0x670: {  	[tilespmem:s10], [sflag:$0x1] =	stream.indirect.gather [hbm4b:s2+s9], $0x80, s24, s9, $0xb8;
	[tilespmem:$0x1F800] =	vst v63  }
0x671: {  	_ =	swait.ge [sflag:s17], $0x3200  }
0x672: {  	[sflag:s17] =	ssyncset.done $0x0  }
0x673: {  	s25 =	simm.s32 $0x15280;
	[sflag:s17] =	ssyncadd.s32 $0xFFFFCE00  }
0x674: {  	[spmem:s3] =	stream.indirect.scatter.add.f32 [tilespmem:s12], [sflag:$0x4], $0x80, s25, s9, $0xb8;
	[tilespmem:$0x1F800] =	vst v63  }
0x675: {  	_ =	swait.ge [sflag:s6], $0x3200  }
0x676: {  	[sflag:s6] =	ssyncset.done $0x0  }
0x677: {  	s26 =	simm.s32 $0x14400;
	[sflag:s6] =	ssyncadd.s32 $0xFFFFCE00  }
0x678: {  	[tilespmem:s12], [sflag:$0x2] =	stream.indirect.gather [hbm4b:s2+s9], $0x80, s26, s9, $0xb8;
	[tilespmem:$0x1F800] =	vst v63  }
0x679: {  	_ =	swait.ge [sflag:s20], $0x3200  }
0x67a: {  	[sflag:s20] =	ssyncset.done $0x0  }
0x67b: {  	s28 =	simm.s32 $0x15300;
	[sflag:s20] =	ssyncadd.s32 $0xFFFFCE00  }
0x67c: {  	[spmem:s3] =	stream.indirect.scatter.add.f32 [tilespmem:s14], [sflag:$0x4], $0x80, s28, s9, $0xb8;
	[tilespmem:$0x1F800] =	vst v63  }
0x67d: {  	_ =	swait.ge [sflag:s6], $0x3200  }
0x67e: {  	[sflag:s6] =	ssyncset.done $0x0  }
0x67f: {  	s29 =	simm.s32 $0x14480;
	[sflag:s6] =	ssyncadd.s32 $0xFFFFCE00  }
0x680: {  	[tilespmem:s14], [sflag:$0x3] =	stream.indirect.gather [hbm4b:s2+s9], $0x80, s29, s9, $0xb8;
	[tilespmem:$0x1F800] =	vst v63  }
0x681: {  	_ =	swait.ge [sflag:s15], $0x3200  }
0x682: {  	[sflag:s15] =	ssyncset.done $0x0  }
0x683: {  	s31 =	simm.s32 $0x15380;
	[sflag:s15] =	ssyncadd.s32 $0xFFFFCE00  }
0x684: {  	[spmem:s3] =	stream.indirect.scatter.add.f32 [tilespmem:s10], [sflag:$0x4], $0x80, s31, s9, $0xb8;
	[tilespmem:$0x1F800] =	vst v63  }
0x685: {  	_ =	swait.ge [sflag:s6], $0x3200  }
0x686: {  	[sflag:s6] =	ssyncset.done $0x0  }
0x687: {  	s4 =	simm.s32 $0x14500;
	[sflag:s6] =	ssyncadd.s32 $0xFFFFCE00  }
0x688: {  	[tilespmem:s10], [sflag:$0x1] =	stream.indirect.gather [hbm4b:s2+s9], $0x80, s4, s9, $0xb8;
	[tilespmem:$0x1F800] =	vst v63  }
0x689: {  	_ =	swait.ge [sflag:s17], $0x3200  }
0x68a: {  	[sflag:s17] =	ssyncset.done $0x0  }
0x68b: {  	s5 =	simm.s32 $0x15400;
	[sflag:s17] =	ssyncadd.s32 $0xFFFFCE00  }
0x68c: {  	[spmem:s3] =	stream.indirect.scatter.add.f32 [tilespmem:s12], [sflag:$0x4], $0x80, s5, s9, $0xb8;
	[tilespmem:$0x1F800] =	vst v63  }
0x68d: {  	_ =	swait.ge [sflag:s6], $0x3200  }
0x68e: {  	[sflag:s6] =	ssyncset.done $0x0  }
0x68f: {  	s11 =	simm.s32 $0x14580;
	[sflag:s6] =	ssyncadd.s32 $0xFFFFCE00  }
0x690: {  	[tilespmem:s12], [sflag:$0x2] =	stream.indirect.gather [hbm4b:s2+s9], $0x80, s11, s9, $0xb8;
	[tilespmem:$0x1F800] =	vst v63  }
0x691: {  	_ =	swait.ge [sflag:s20], $0x3200  }
0x692: {  	[sflag:s20] =	ssyncset.done $0x0  }
0x693: {  	s13 =	simm.s32 $0x15480;
	[sflag:s20] =	ssyncadd.s32 $0xFFFFCE00  }
0x694: {  	[spmem:s3] =	stream.indirect.scatter.add.f32 [tilespmem:s14], [sflag:$0x4], $0x80, s13, s9, $0xb8;
	[tilespmem:$0x1F800] =	vst v63  }
0x695: {  	_ =	swait.ge [sflag:s6], $0x3200  }
0x696: {  	[sflag:s6] =	ssyncset.done $0x0  }
0x697: {  	s16 =	simm.s32 $0x14600;
	[sflag:s6] =	ssyncadd.s32 $0xFFFFCE00  }
0x698: {  	[tilespmem:s14], [sflag:$0x3] =	stream.indirect.gather [hbm4b:s2+s9], $0x80, s16, s9, $0xb8;
	[tilespmem:$0x1F800] =	vst v63  }
0x699: {  	_ =	swait.ge [sflag:s15], $0x3200  }
0x69a: {  	[sflag:s15] =	ssyncset.done $0x0  }
0x69b: {  	s18 =	simm.s32 $0x15500;
	[sflag:s15] =	ssyncadd.s32 $0xFFFFCE00  }
0x69c: {  	[spmem:s3] =	stream.indirect.scatter.add.f32 [tilespmem:s10], [sflag:$0x4], $0x80, s18, s9, $0xb8;
	[tilespmem:$0x1F800] =	vst v63  }
0x69d: {  	_ =	swait.ge [sflag:s6], $0x3200  }
0x69e: {  	[sflag:s6] =	ssyncset.done $0x0  }
0x69f: {  	s19 =	simm.s32 $0x14680;
	[sflag:s6] =	ssyncadd.s32 $0xFFFFCE00  }
0x6a0: {  	[tilespmem:s10], [sflag:$0x1] =	stream.indirect.gather [hbm4b:s2+s9], $0x80, s19, s9, $0xb8;
	[tilespmem:$0x1F800] =	vst v63  }
0x6a1: {  	_ =	swait.ge [sflag:s17], $0x3200  }
0x6a2: {  	[sflag:s17] =	ssyncset.done $0x0  }
0x6a3: {  	s21 =	simm.s32 $0x15580;
	[sflag:s17] =	ssyncadd.s32 $0xFFFFCE00  }
0x6a4: {  	[spmem:s3] =	stream.indirect.scatter.add.f32 [tilespmem:s12], [sflag:$0x4], $0x80, s21, s9, $0xb8;
	[tilespmem:$0x1F800] =	vst v63  }
0x6a5: {  	_ =	swait.ge [sflag:s6], $0x3200  }
0x6a6: {  	[sflag:s6] =	ssyncset.done $0x0  }
0x6a7: {  	s22 =	simm.s32 $0x14700;
	[sflag:s6] =	ssyncadd.s32 $0xFFFFCE00  }
0x6a8: {  	[tilespmem:s12], [sflag:$0x2] =	stream.indirect.gather [hbm4b:s2+s9], $0x80, s22, s9, $0xb8;
	[tilespmem:$0x1F800] =	vst v63  }
0x6a9: {  	_ =	swait.ge [sflag:s20], $0x3200  }
0x6aa: {  	[sflag:s20] =	ssyncset.done $0x0  }
0x6ab: {  	s23 =	simm.s32 $0x15600;
	[sflag:s20] =	ssyncadd.s32 $0xFFFFCE00  }
0x6ac: {  	[spmem:s3] =	stream.indirect.scatter.add.f32 [tilespmem:s14], [sflag:$0x4], $0x80, s23, s9, $0xb8;
	[tilespmem:$0x1F800] =	vst v63  }
0x6ad: {  	_ =	swait.ge [sflag:s6], $0x3200  }
0x6ae: {  	[sflag:s6] =	ssyncset.done $0x0  }
0x6af: {  	s24 =	simm.s32 $0x14780;
	[sflag:s6] =	ssyncadd.s32 $0xFFFFCE00  }
0x6b0: {  	[tilespmem:s14], [sflag:$0x3] =	stream.indirect.gather [hbm4b:s2+s9], $0x80, s24, s9, $0xb8;
	[tilespmem:$0x1F800] =	vst v63  }
0x6b1: {  	_ =	swait.ge [sflag:s15], $0x3200  }
0x6b2: {  	[sflag:s15] =	ssyncset.done $0x0  }
0x6b3: {  	s25 =	simm.s32 $0x15680;
	[sflag:s15] =	ssyncadd.s32 $0xFFFFCE00  }
0x6b4: {  	[spmem:s3] =	stream.indirect.scatter.add.f32 [tilespmem:s10], [sflag:$0x4], $0x80, s25, s9, $0xb8;
	[tilespmem:$0x1F800] =	vst v63  }
0x6b5: {  	_ =	swait.ge [sflag:s6], $0x3200  }
0x6b6: {  	[sflag:s6] =	ssyncset.done $0x0  }
0x6b7: {  	s26 =	simm.s32 $0x14800;
	[sflag:s6] =	ssyncadd.s32 $0xFFFFCE00  }
0x6b8: {  	[tilespmem:s10], [sflag:$0x1] =	stream.indirect.gather [hbm4b:s2+s9], $0x80, s26, s9, $0xb8;
	[tilespmem:$0x1F800] =	vst v63  }
0x6b9: {  	_ =	swait.ge [sflag:s17], $0x3200  }
0x6ba: {  	[sflag:s17] =	ssyncset.done $0x0  }
0x6bb: {  	s28 =	simm.s32 $0x15700;
	[sflag:s17] =	ssyncadd.s32 $0xFFFFCE00  }
0x6bc: {  	[spmem:s3] =	stream.indirect.scatter.add.f32 [tilespmem:s12], [sflag:$0x4], $0x80, s28, s9, $0xb8;
	[tilespmem:$0x1F800] =	vst v63  }
0x6bd: {  	_ =	swait.ge [sflag:s6], $0x3200  }
0x6be: {  	[sflag:s6] =	ssyncset.done $0x0  }
0x6bf: {  	[sflag:s6] =	ssyncadd.s32 $0xFFFFCE00  }
0x6c0: {  	_ =	swait.ge [sflag:s20], $0x3200  }
0x6c1: {  	[sflag:s20] =	ssyncset.done $0x0  }
0x6c2: {  	s29 =	simm.s32 $0x15780;
	[sflag:s20] =	ssyncadd.s32 $0xFFFFCE00  }
0x6c3: {  	[spmem:s3] =	stream.indirect.scatter.add.f32 [tilespmem:s14], [sflag:$0x4], $0x80, s29, s9, $0xb8;
	[tilespmem:$0x1F800] =	vst v63  }
0x6c4: {  	_ =	swait.ge [sflag:s6], $0x3200  }
0x6c5: {  	[sflag:s6] =	ssyncset.done $0x0  }
0x6c6: {  	[sflag:s6] =	ssyncadd.s32 $0xFFFFCE00  }
0x6c7: {  	_ =	swait.ge [sflag:s15], $0x3200  }
0x6c8: {  	[sflag:s15] =	ssyncset.done $0x0  }
0x6c9: {  	s31 =	simm.s32 $0x15800;
	[sflag:s15] =	ssyncadd.s32 $0xFFFFCE00  }
0x6ca: {  	[spmem:s3] =	stream.indirect.scatter.add.f32 [tilespmem:s10], [sflag:$0x4], $0x80, s31, s9, $0xb8;
	[tilespmem:$0x1F800] =	vst v63  }
0x6cb: {  	_ =	swait.ge [sflag:s6], $0x3200  }
0x6cc: {  	[sflag:s6] =	ssyncset.done $0x0  }
0x6cd: {  	[sflag:s6] =	ssyncadd.s32 $0xFFFFCE00  }
0x6ce: {  	[bflag:$0x0] =	sbarrier.arrive $0xFFFF  }
0x6cf: {  	s11 =	rddreg [dreg:$0xf]  }
0x6d0: {  	s1 =	sadd.s32 $0xFFFFFFFF, s1;
	s0 =	rddreg [dreg:$0x12]  }
0x6d1: {  	[hbm:s11], [sflag:s30] =	dma.local @p0 [spmem:s0], $0x2080  }
0x6d2: {  	p1 =	sne.s32 s1, $0x0;
	s0 =	simm.s32 @p0 $0x4  }
.Ltmp1:
0x6d3: {  	_ =	swait.ge @p0 [sflag:s0], $0x2080;
	(pc) =	sbr.rel @p1 .LBB2_2-.Ltmp1, $4  }
0x6d4: {  	[sflag:s0] =	ssyncset.done @p0 $0x0;
	s11 =	rddreg [dreg:$0xe]  }
0x6d5: {  	s5 =	rddreg [dreg:$0x13];
	[sflag:s0] =	ssyncadd.s32 @p0 $0xFFFFDF80;
	s0 =	simm.s32 @!p0 $0x4  }
0x6d6: {  	[hbm:s11], [sflag:s30] =	dma.local @!p0 [spmem:s5], $0x2780  }
0x6d7: {  	_ =	swait.ge @!p0 [sflag:s0], $0x2780  }
.LBB2_3:
0x6d8: {  	[sflag:s0] =	ssyncset.done @!p0 $0x0  }
0x6d9: {  	[sflag:s0] =	ssyncadd.s32 @!p0 $0xFFFFD880  }
0x6da: {  	_ =	sfence.sel $0x180000  }
0x6db: {  	[bflag:$0x0] =	sbarrier.arrive $0xFFFF  }
0x6dc: {  	_ =	strace $0x90000047  }
0x6dd: {  	s31 =	stileid.u32;
	[bflag:$0x2] =	sbarrier.arrive $0xFFFF  }
0x6de: {  	p0 =	sne.s32 s31, $0x0;
	s0 =	rddreg [dreg:$0x4]  }
0x6df: {  	s0 =	sadd.s32 @!p0 $0x100000, s0  }
0x6e0: {  	[sflag:s0] =	ssyncadd.tile.s32 @!p0 $0x1;
	_ =	shalt  }
.Lfunc_end2:
_tile_overlayer_lowered:
.L_overlay_start_2:
0x6e1: {  	(tag) =	ssettag $0x2  }
0x6e2: {  	s0 =	rddreg [dreg:$0x0];
	s2 =	stileid.u32  }
0x6e3: {  	s1 =	rddreg [dreg:$0x1];
	p0 =	sne.s32 s2, $0x0  }
0x6e4: {  	s3 =	rddreg [dreg:$0x2];
	[bflag:$0x3] =	sbarrier.arrive $0xFFFF;
	s2 =	simm.s32 @!p0 $0x1C04  }
0x6e5: {  	[timem:s3], [sflag:s2] =	dma.local @!p0 [hbm:s0], s1  }
0x6e6: {  	s0 =	simm.s32 @!p0 $0x4  }
0x6e7: {  	_ =	swait.ge @!p0 [sflag:s0], s1  }
0x6e8: {  	s1 =	ssub.s32 @!p0 $0x0, s1;
	[sflag:s0] =	ssyncset.done @!p0 $0x0  }
0x6e9: {  	[sflag:s0] =	ssyncadd.s32 @!p0 s1  }
0x6ea: {  	[bflag:$0x3] =	sbarrier.arrive $0xFFFF  }
0x6eb: {  	_ =	shalt  }

</sc_bundles>
